<compile_context>
chip_gen: v7x
topology: tpu7x:2x2x1
jax: 0.10.2.dev20260603
libtpu: 0.0.44.dev20260713+nightly
codegen_flags: <defaults>
</compile_context>

<pallas_src>
import jax
import jax.numpy as jnp
from jax import lax
from jax.experimental import pallas as pl
from jax.experimental.pallas import tpu as pltpu
from jax.experimental.pallas import tpu_sc as plsc

BS = 16384
L = 32
P = 8
KSZ = 4
NUM_CH = 64
EMB_SIZE = 512
Z_DIM = 256
NUM_CODES = 128
COMMIT = 0.25

BLK = 2048

NC = 2
NS = 16
LANES = 16

HALF_B = BS // 2
N_BLK_H = HALF_B // BLK


def _main_body(fn_ref, valid_ref, wc_ref, cb_tiled_ref, codebook_ref, cbt_ref,
               bones_ref, ones_row_ref,
               eidx_ref, hist_out_ref, ds_ref, vs_ref,
               hist_ref, acc_ref):
    i = pl.program_id(0)

    @pl.when(i == 0)
    def _init():
        hist_ref[...] = jnp.zeros_like(hist_ref)
        acc_ref[0] = 0.0
        acc_ref[1] = 0.0

    fn = fn_ref[...]
    valid = valid_ref[...]
    zbig = jnp.maximum(
        jnp.dot(fn, wc_ref[...], preferred_element_type=jnp.float32)
        + cb_tiled_ref[...], 0.0)

    codebook = codebook_ref[...]
    cbn2 = jnp.sum(codebook * codebook, axis=1)[None, :]
    cbtm2 = cbt_ref[...] * -2.0
    iotaf = jax.lax.broadcasted_iota(
        jnp.int32, (BLK, NUM_CODES), 1).astype(jnp.float32)

    zn2_all = jnp.dot(zbig * zbig, bones_ref[...],
                      preferred_element_type=jnp.float32)
    zn2_row = jnp.sum(zn2_all, axis=1, keepdims=True)

    oh_sum = jnp.zeros((BLK, NUM_CODES), jnp.float32)
    dvec = jnp.zeros((BLK, 1), jnp.float32)
    cols = []
    for p in range(P):
        z_p = zbig[:, p * NUM_CH:(p + 1) * NUM_CH]
        dist = jnp.dot(z_p, cbtm2, preferred_element_type=jnp.float32) + cbn2
        dmin = jnp.min(dist, axis=1, keepdims=True)
        idx = jnp.argmin(dist, axis=1).reshape(BLK, 1)
        oh_sum = oh_sum + (iotaf == idx.astype(jnp.float32))
        dvec = dvec + dmin
        cols.append(idx + p * NUM_CODES)
    eidx_ref[...] = jnp.concatenate(cols, axis=1)

    hist_ref[...] += jnp.dot(ones_row_ref[...], oh_sum,
                             preferred_element_type=jnp.float32)
    acc_ref[0] += jnp.sum((dvec + zn2_row) * valid)
    acc_ref[1] += jnp.sum(valid)

    @pl.when(i == N_BLK_H - 1)
    def _fini():
        hist_out_ref[...] = hist_ref[...]
        ds_ref[...] = jnp.full((1, 1), acc_ref[0], jnp.float32)
        vs_ref[...] = jnp.full((1, 1), acc_ref[1], jnp.float32)


def _scalars_body(h0_ref, h1_ref, d0_ref, d1_ref, v0_ref, v1_ref,
                  cmt_ref, perp_ref):
    dsum = d0_ref[0, 0] + d1_ref[0, 0]
    vsum = v0_ref[0, 0] + v1_ref[0, 0]
    denom = jnp.maximum(vsum * (P * NUM_CH), 1.0)
    cmt_ref[...] = jnp.full((1, 1), COMMIT * dsum / denom, jnp.float32)
    avgp = (h0_ref[...] + h1_ref[...]) / float(BS * P)
    perp_ref[...] = jnp.full(
        (1, 1), jnp.exp(-jnp.sum(avgp * jnp.log(avgp + 1e-10))), jnp.float32)


def _mall_body(cb_ref, fc_wpt_ref, mu_wt_ref, fc_b_ref, mu_b_ref, mall_ref):
    t = jnp.dot(cb_ref[...], fc_wpt_ref[0], preferred_element_type=jnp.float32)
    m = jnp.dot(t, mu_wt_ref[...], preferred_element_type=jnp.float32)
    bias = (jnp.dot(fc_b_ref[...], mu_wt_ref[...],
                    preferred_element_type=jnp.float32)
            + mu_b_ref[...]) * (1.0 / P)
    mall_ref[...] = m + bias


PER_CORE = HALF_B // NC
CCH = 2048
N_CCH = PER_CORE // CCH
COLS = Z_DIM // NS


def _sc_gather_body(eidx_hbm, mall_hbm, out_hbm, table_v, eidx_v, out_v):
    core = lax.axis_index("c")
    tile = lax.axis_index("s")
    sample_base = core * PER_CORE

    pltpu.sync_copy(
        mall_hbm.at[pl.ds(tile * (P * NUM_CODES * COLS), P * NUM_CODES * COLS)],
        table_v)

    def chunk(k, carry):
        s0 = sample_base + k * CCH
        pltpu.sync_copy(eidx_hbm.at[:, pl.ds(s0, CCH)], eidx_v)

        @plsc.parallel_loop(0, CCH // LANES, 1)
        def _group(g):
            ev = [eidx_v[p, pl.ds(g * LANES, LANES)] for p in range(P)]
            for c in range(COLS):
                cbase = c * (P * NUM_CODES)
                acc = plsc.load_gather(table_v, [ev[0] + cbase])
                for p in range(1, P):
                    acc = acc + plsc.load_gather(table_v, [ev[p] + cbase])
                out_v[c, pl.ds(g * LANES, LANES)] = acc

        pltpu.sync_copy(out_v, out_hbm.at[tile, :, pl.ds(s0, CCH)])
        return carry

    lax.fori_loop(0, N_CCH, chunk, 0)


@jax.jit
def kernel(fn, track_pad_mask, conv_w, conv_b, fc_w, fc_b, mu_w, mu_b, codebook):
    valid = 1.0 - track_pad_mask.astype(jnp.float32)
    w_kc = conv_w[:, 0, :].T
    wc = jnp.kron(jnp.eye(P, dtype=jnp.float32), w_kc)
    cb_tiled = jnp.tile(conv_b, P)[None, :]
    fc_wpt = fc_w.reshape(EMB_SIZE, NUM_CH, P).transpose(2, 1, 0)
    mu_wt = mu_w.T

    bones = jnp.kron(jnp.eye(P, dtype=jnp.float32),
                     jnp.ones((NUM_CH, 1), jnp.float32))
    ones_row = jnp.ones((1, BLK), jnp.float32)

    main_call = pl.pallas_call(
        _main_body,
        grid=(N_BLK_H,),
        in_specs=[
            pl.BlockSpec((BLK, L), lambda i: (i, 0)),
            pl.BlockSpec((BLK, 1), lambda i: (i, 0)),
            pl.BlockSpec((L, EMB_SIZE), lambda i: (0, 0)),
            pl.BlockSpec((1, EMB_SIZE), lambda i: (0, 0)),
            pl.BlockSpec((NUM_CODES, NUM_CH), lambda i: (0, 0)),
            pl.BlockSpec((NUM_CH, NUM_CODES), lambda i: (0, 0)),
            pl.BlockSpec((EMB_SIZE, P), lambda i: (0, 0)),
            pl.BlockSpec((1, BLK), lambda i: (0, 0)),
        ],
        out_specs=[
            pl.BlockSpec((BLK, P), lambda i: (i, 0)),
            pl.BlockSpec((1, NUM_CODES), lambda i: (0, 0)),
            pl.BlockSpec((1, 1), lambda i: (0, 0)),
            pl.BlockSpec((1, 1), lambda i: (0, 0)),
        ],
        out_shape=[
            jax.ShapeDtypeStruct((HALF_B, P), jnp.int32),
            jax.ShapeDtypeStruct((1, NUM_CODES), jnp.float32),
            jax.ShapeDtypeStruct((1, 1), jnp.float32),
            jax.ShapeDtypeStruct((1, 1), jnp.float32),
        ],
        scratch_shapes=[
            pltpu.VMEM((1, NUM_CODES), jnp.float32),
            pltpu.SMEM((2,), jnp.float32),
        ],
        compiler_params=pltpu.CompilerParams(
            dimension_semantics=("arbitrary",)),
    )

    eidx0, hist0, d0, v0 = main_call(
        fn[:HALF_B], valid[:HALF_B], wc, cb_tiled, codebook, codebook.T,
        bones, ones_row)
    eidx1, hist1, d1, v1 = main_call(
        fn[HALF_B:], valid[HALF_B:], wc, cb_tiled, codebook, codebook.T,
        bones, ones_row)

    cmt, perp = pl.pallas_call(
        _scalars_body,
        in_specs=[pl.BlockSpec((1, NUM_CODES), lambda: (0, 0)),
                  pl.BlockSpec((1, NUM_CODES), lambda: (0, 0)),
                  pl.BlockSpec((1, 1), lambda: (0, 0)),
                  pl.BlockSpec((1, 1), lambda: (0, 0)),
                  pl.BlockSpec((1, 1), lambda: (0, 0)),
                  pl.BlockSpec((1, 1), lambda: (0, 0))],
        out_specs=[pl.BlockSpec((1, 1), lambda: (0, 0)),
                   pl.BlockSpec((1, 1), lambda: (0, 0))],
        out_shape=[jax.ShapeDtypeStruct((1, 1), jnp.float32),
                   jax.ShapeDtypeStruct((1, 1), jnp.float32)],
    )(hist0, hist1, d0, d1, v0, v1)

    mall = pl.pallas_call(
        _mall_body,
        grid=(P,),
        in_specs=[
            pl.BlockSpec((NUM_CODES, NUM_CH), lambda p: (0, 0)),
            pl.BlockSpec((1, NUM_CH, EMB_SIZE), lambda p: (p, 0, 0)),
            pl.BlockSpec((EMB_SIZE, Z_DIM), lambda p: (0, 0)),
            pl.BlockSpec((1, EMB_SIZE), lambda p: (0, 0)),
            pl.BlockSpec((1, Z_DIM), lambda p: (0, 0)),
        ],
        out_specs=pl.BlockSpec((NUM_CODES, Z_DIM), lambda p: (p, 0)),
        out_shape=jax.ShapeDtypeStruct((P * NUM_CODES, Z_DIM), jnp.float32),
        compiler_params=pltpu.CompilerParams(
            dimension_semantics=("arbitrary",)),
    )(codebook, fc_wpt, mu_wt, fc_b[None, :], mu_b[None, :])

    mall_cs = mall.reshape(P * NUM_CODES, NS, COLS).transpose(1, 2, 0).reshape(-1)

    sc_gather = pl.kernel(
        _sc_gather_body,
        out_type=jax.ShapeDtypeStruct((NS, COLS, HALF_B), jnp.float32),
        mesh=plsc.VectorSubcoreMesh(core_axis_name="c", subcore_axis_name="s"),
        scratch_types=[
            pltpu.VMEM((P * NUM_CODES * COLS,), jnp.float32),
            pltpu.VMEM((P, CCH), jnp.int32),
            pltpu.VMEM((COLS, CCH), jnp.float32),
        ],
        compiler_params=pltpu.CompilerParams(needs_layout_passes=False),
    )
    out3_0 = sc_gather(eidx0.T, mall_cs)
    out3_1 = sc_gather(eidx1.T, mall_cs)
    mu = jnp.concatenate(
        [out3_0.transpose(2, 0, 1).reshape(HALF_B, Z_DIM),
         out3_1.transpose(2, 0, 1).reshape(HALF_B, Z_DIM)], axis=0)

    return mu, cmt.reshape(()), perp.reshape(())

# --- scband reference (transcript-rebuilt; emitter-appended) ---
"""Pipeline reference for scband-function-encoder-72344429134414 (READ-ONLY COPY).

The authoritative reference and input builder live on the scoring server;
editing this copy changes nothing except your own understanding.
"""

import jax, jax.numpy as jnp
import numpy as np

BS = 16384
L = 32
P = 8
KSZ = 4
NUM_CH = 64
EMB_SIZE = 512
Z_DIM = 256
NUM_CODES = 128
COMMIT = 0.25


def setup_inputs(seed: int = 0) -> dict:
    key = jax.random.key(seed)
    ks = jax.random.split(key, 8)
    fn = jax.random.normal(ks[0], (BS, L), dtype=jnp.float32)
    track_pad_mask = jnp.zeros((BS, 1), dtype=bool)
    conv_w = jax.random.normal(ks[1], (NUM_CH, 1, KSZ), dtype=jnp.float32) * 0.5
    conv_b = jnp.zeros((NUM_CH,), dtype=jnp.float32)
    fc_w = jax.random.normal(ks[2], (EMB_SIZE, NUM_CH * P), dtype=jnp.float32) * (1.0 / np.sqrt(NUM_CH * P))
    fc_b = jnp.zeros((EMB_SIZE,), dtype=jnp.float32)
    mu_w = jax.random.normal(ks[3], (Z_DIM, EMB_SIZE), dtype=jnp.float32) * (1.0 / np.sqrt(EMB_SIZE))
    mu_b = jnp.zeros((Z_DIM,), dtype=jnp.float32)
    codebook = jax.random.normal(ks[4], (NUM_CODES, NUM_CH), dtype=jnp.float32)
    return {"fn": fn, "track_pad_mask": track_pad_mask, "conv_w": conv_w, "conv_b": conv_b,
            "fc_w": fc_w, "fc_b": fc_b, "mu_w": mu_w, "mu_b": mu_b, "codebook": codebook}


def _forward(fn, conv_w, conv_b, fc_w, fc_b, mu_w, mu_b, codebook, track_pad_mask):
    bs = fn.shape[0]
    # Conv1d(1, C, k=4, s=4) on [bs, 1, 32] == per-patch linear on non-overlapping length-4 patches
    patches = fn.reshape(bs, P, KSZ)
    z = jax.nn.relu(jnp.einsum('bpk,ck->bpc', patches, conv_w[:, 0, :]) + conv_b)  # [bs, P, C] (cnn out permuted 0,2,1)
    # mask: track_pad_mask.unsqueeze(1).repeat(1, 8, 1) -> [bs, 8, 1]
    mask = jnp.repeat(track_pad_mask[:, None, :], P, axis=1)
    # --- VectorQuantizerEMA forward (inference path: quantize + commitment loss + perplexity) ---
    flat = z.reshape(-1, NUM_CH)
    d = (jnp.sum(flat ** 2, axis=1, keepdims=True)
         + jnp.sum(codebook ** 2, axis=1)[None, :]
         - 2.0 * flat @ codebook.T)
    idx = jnp.argmin(d, axis=1)
    quantized = jnp.take(codebook, idx, axis=0).reshape(z.shape)
    valid = (~mask).astype(jnp.float32)  # padded positions excluded from commitment loss
    diff2 = (jax.lax.stop_gradient(quantized) - z) ** 2 * valid
    denom = jnp.maximum(jnp.sum(valid) * NUM_CH, 1.0)
    e_latent_loss = jnp.sum(diff2) / denom
    cmt_loss = COMMIT * e_latent_loss
    q_st = z + jax.lax.stop_gradient(quantized - z)  # straight-through
    enc = jax.nn.one_hot(idx, NUM_CODES, dtype=jnp.float32)
    avg_probs = jnp.mean(enc, axis=0)
    perplexity = jnp.exp(-jnp.sum(avg_probs * jnp.log(avg_probs + 1e-10)))
    # z.reshape(bs, 8, C).permute(0, 2, 1).reshape(bs, -1)
    zf = jnp.transpose(q_st, (0, 2, 1)).reshape(bs, -1)
    h = zf @ fc_w.T + fc_b
    mu = h @ mu_w.T + mu_b
    return mu, cmt_loss, perplexity


def reference(fn, track_pad_mask, conv_w, conv_b, fc_w, fc_b, mu_w, mu_b, codebook):
    return _forward(fn, conv_w, conv_b, fc_w, fc_b, mu_w, mu_b, codebook, track_pad_mask)

if __name__ == "__main__":
    import jax
    _d = setup_inputs()
    print(jax.jit(kernel)(*tuple(_d.values())))

</pallas_src>

<mosaic_0001>
#map = affine_map<(d0, d1) -> (0, 0)>
#map1 = affine_map<(d0, d1) -> (0)>
#map2 = affine_map<(d0, d1) -> (0, 0, 0)>
module attributes {stable_mosaic.version = 14 : i64} {
  func.func @_sc_gather_body(%arg0: i32, %arg1: i32, %arg2: memref<8x8192xi32, #tpu.memory_space<hbm>>, %arg3: memref<262144xf32, #tpu.memory_space<hbm>>, %arg4: memref<16x16x8192xf32, #tpu.memory_space<hbm>>, %arg5: memref<16384xf32, #tpu.memory_space<vmem>>, %arg6: memref<8x2048xi32, #tpu.memory_space<vmem>>, %arg7: memref<16x2048xf32, #tpu.memory_space<vmem>>) attributes {dimension_semantics = [#tpu.dimension_semantics<core_parallel>, #tpu.dimension_semantics<subcore_parallel>], iteration_bounds = array<i64: 2, 16>, scalar_prefetch = 0 : i64, scratch_operands = 3 : i64, tpu.core_type = #tpu.core_type<sc_vector_subcore>, window_params = [{transform_indices = #map}, {transform_indices = #map1}, {transform_indices = #map2}]} {
    %mul3A = arith.constant 4096 : i32
    %mul3A_0 = arith.muli %arg0, %mul3A : i32
    %mul3A_1 = arith.constant 16384 : i32
    %mul3A_2 = arith.muli %arg1, %mul3A_1 : i32
    "tpu.region"() ({
      %run_scoped3A = tpu.sem_alloc : memref<!tpu.dma_semaphore, #tpu.memory_space<semaphore_mem>>
      %dma_start3A = tpu.memref_slice %arg3[%mul3A_2] : memref<262144xf32, #tpu.memory_space<hbm>> -> memref<16384xf32, #tpu.memory_space<hbm>>
      %dma_start3A_8 = tpu.memref_slice %arg3[%mul3A_2] : memref<262144xf32, #tpu.memory_space<hbm>> -> memref<16384xf32, #tpu.memory_space<hbm>>
      tpu.enqueue_dma source(%dma_start3A_8 : memref<16384xf32, #tpu.memory_space<hbm>>) target(%arg5 : memref<16384xf32, #tpu.memory_space<vmem>>) target_semaphore(%run_scoped3A : memref<!tpu.dma_semaphore, #tpu.memory_space<semaphore_mem>>)
      %dma_wait3A = tpu.memref_slice %arg3[%mul3A_2] : memref<262144xf32, #tpu.memory_space<hbm>> -> memref<16384xf32, #tpu.memory_space<hbm>>
      %dma_wait3A_9 = tpu.memref_slice %arg3[%mul3A_2] : memref<262144xf32, #tpu.memory_space<hbm>> -> memref<16384xf32, #tpu.memory_space<hbm>>
      tpu.wait_dma2 semaphore(%run_scoped3A : memref<!tpu.dma_semaphore, #tpu.memory_space<semaphore_mem>>) src(%dma_wait3A_9 : memref<16384xf32, #tpu.memory_space<hbm>>) dst(%arg5 : memref<16384xf32, #tpu.memory_space<vmem>>)
      tpu.yield
    }) : () -> ()
    %scan3A = arith.constant 0 : i32
    %scan3A_3 = arith.constant 0 : i32
    %scan3A_4 = arith.constant 2 : i32
    %scan3A_5 = arith.addi %scan3A_3, %scan3A_4 : i32
    %scan3A_6 = arith.constant 1 : i32
    scf.for %scan3A_8 = %scan3A_3 to %scan3A_5 step %scan3A_6  : i32 {
      %mul3A_9 = arith.constant 2048 : i32
      %mul3A_10 = arith.muli %scan3A_8, %mul3A_9 : i32
      %add3A = arith.addi %mul3A_0, %mul3A_10 : i32
      "tpu.region"() ({
        %run_scoped3A = tpu.sem_alloc : memref<!tpu.dma_semaphore, #tpu.memory_space<semaphore_mem>>
        %dma_start3A = arith.constant 0 : i32
        %dma_start3A_13 = tpu.memref_slice %arg2[%dma_start3A, %add3A] : memref<8x8192xi32, #tpu.memory_space<hbm>> -> memref<8x2048xi32, #tpu.memory_space<hbm>>
        %dma_start3A_14 = arith.constant 0 : i32
        %dma_start3A_15 = tpu.memref_slice %arg2[%dma_start3A_14, %add3A] : memref<8x8192xi32, #tpu.memory_space<hbm>> -> memref<8x2048xi32, #tpu.memory_space<hbm>>
        tpu.enqueue_dma source(%dma_start3A_15 : memref<8x2048xi32, #tpu.memory_space<hbm>>) target(%arg6 : memref<8x2048xi32, #tpu.memory_space<vmem>>) target_semaphore(%run_scoped3A : memref<!tpu.dma_semaphore, #tpu.memory_space<semaphore_mem>>)
        %dma_wait3A = arith.constant 0 : i32
        %dma_wait3A_16 = tpu.memref_slice %arg2[%dma_wait3A, %add3A] : memref<8x8192xi32, #tpu.memory_space<hbm>> -> memref<8x2048xi32, #tpu.memory_space<hbm>>
        %dma_wait3A_17 = arith.constant 0 : i32
        %dma_wait3A_18 = tpu.memref_slice %arg2[%dma_wait3A_17, %add3A] : memref<8x8192xi32, #tpu.memory_space<hbm>> -> memref<8x2048xi32, #tpu.memory_space<hbm>>
        tpu.wait_dma2 semaphore(%run_scoped3A : memref<!tpu.dma_semaphore, #tpu.memory_space<semaphore_mem>>) src(%dma_wait3A_18 : memref<8x2048xi32, #tpu.memory_space<hbm>>) dst(%arg6 : memref<8x2048xi32, #tpu.memory_space<vmem>>)
        tpu.yield
      }) : () -> ()
      %parallel_loop3A = arith.constant 0 : i32
      %parallel_loop3A_11 = arith.constant 128 : i32
      %parallel_loop3A_12 = arith.constant 1 : i32
      scf.for %parallel_loop3A_13 = %parallel_loop3A to %parallel_loop3A_11 step %parallel_loop3A_12  : i32 {
        %parallel_loop3A_14 = arith.constant 16 : i32
        %parallel_loop3A_15 = arith.muli %parallel_loop3A_13, %parallel_loop3A_14 : i32
        %parallel_loop3A_16 = arith.constant 0 : i32
        %parallel_loop3A_17 = arith.index_cast %parallel_loop3A_16 : i32 to index
        %parallel_loop3A_18 = arith.index_cast %parallel_loop3A_15 : i32 to index
        %parallel_loop3A_19 = tpu.vector_load %arg6[%parallel_loop3A_17, %parallel_loop3A_18] {strides = array<i32>} : memref<8x2048xi32, #tpu.memory_space<vmem>>, vector<16xi32>,
        %parallel_loop3A_20 = arith.constant 16 : i32
        %parallel_loop3A_21 = arith.muli %parallel_loop3A_13, %parallel_loop3A_20 : i32
        %parallel_loop3A_22 = arith.constant 1 : i32
        %parallel_loop3A_23 = arith.index_cast %parallel_loop3A_22 : i32 to index
        %parallel_loop3A_24 = arith.index_cast %parallel_loop3A_21 : i32 to index
        %parallel_loop3A_25 = tpu.vector_load %arg6[%parallel_loop3A_23, %parallel_loop3A_24] {strides = array<i32>} : memref<8x2048xi32, #tpu.memory_space<vmem>>, vector<16xi32>,
        %parallel_loop3A_26 = arith.constant 16 : i32
        %parallel_loop3A_27 = arith.muli %parallel_loop3A_13, %parallel_loop3A_26 : i32
        %parallel_loop3A_28 = arith.constant 2 : i32
        %parallel_loop3A_29 = arith.index_cast %parallel_loop3A_28 : i32 to index
        %parallel_loop3A_30 = arith.index_cast %parallel_loop3A_27 : i32 to index
        %parallel_loop3A_31 = tpu.vector_load %arg6[%parallel_loop3A_29, %parallel_loop3A_30] {strides = array<i32>} : memref<8x2048xi32, #tpu.memory_space<vmem>>, vector<16xi32>,
        %parallel_loop3A_32 = arith.constant 16 : i32
        %parallel_loop3A_33 = arith.muli %parallel_loop3A_13, %parallel_loop3A_32 : i32
        %parallel_loop3A_34 = arith.constant 3 : i32
        %parallel_loop3A_35 = arith.index_cast %parallel_loop3A_34 : i32 to index
        %parallel_loop3A_36 = arith.index_cast %parallel_loop3A_33 : i32 to index
        %parallel_loop3A_37 = tpu.vector_load %arg6[%parallel_loop3A_35, %parallel_loop3A_36] {strides = array<i32>} : memref<8x2048xi32, #tpu.memory_space<vmem>>, vector<16xi32>,
        %parallel_loop3A_38 = arith.constant 16 : i32
        %parallel_loop3A_39 = arith.muli %parallel_loop3A_13, %parallel_loop3A_38 : i32
        %parallel_loop3A_40 = arith.constant 4 : i32
        %parallel_loop3A_41 = arith.index_cast %parallel_loop3A_40 : i32 to index
        %parallel_loop3A_42 = arith.index_cast %parallel_loop3A_39 : i32 to index
        %parallel_loop3A_43 = tpu.vector_load %arg6[%parallel_loop3A_41, %parallel_loop3A_42] {strides = array<i32>} : memref<8x2048xi32, #tpu.memory_space<vmem>>, vector<16xi32>,
        %parallel_loop3A_44 = arith.constant 16 : i32
        %parallel_loop3A_45 = arith.muli %parallel_loop3A_13, %parallel_loop3A_44 : i32
        %parallel_loop3A_46 = arith.constant 5 : i32
        %parallel_loop3A_47 = arith.index_cast %parallel_loop3A_46 : i32 to index
        %parallel_loop3A_48 = arith.index_cast %parallel_loop3A_45 : i32 to index
        %parallel_loop3A_49 = tpu.vector_load %arg6[%parallel_loop3A_47, %parallel_loop3A_48] {strides = array<i32>} : memref<8x2048xi32, #tpu.memory_space<vmem>>, vector<16xi32>,
        %parallel_loop3A_50 = arith.constant 16 : i32
        %parallel_loop3A_51 = arith.muli %parallel_loop3A_13, %parallel_loop3A_50 : i32
        %parallel_loop3A_52 = arith.constant 6 : i32
        %parallel_loop3A_53 = arith.index_cast %parallel_loop3A_52 : i32 to index
        %parallel_loop3A_54 = arith.index_cast %parallel_loop3A_51 : i32 to index
        %parallel_loop3A_55 = tpu.vector_load %arg6[%parallel_loop3A_53, %parallel_loop3A_54] {strides = array<i32>} : memref<8x2048xi32, #tpu.memory_space<vmem>>, vector<16xi32>,
        %parallel_loop3A_56 = arith.constant 16 : i32
        %parallel_loop3A_57 = arith.muli %parallel_loop3A_13, %parallel_loop3A_56 : i32
        %parallel_loop3A_58 = arith.constant 7 : i32
        %parallel_loop3A_59 = arith.index_cast %parallel_loop3A_58 : i32 to index
        %parallel_loop3A_60 = arith.index_cast %parallel_loop3A_57 : i32 to index
        %parallel_loop3A_61 = tpu.vector_load %arg6[%parallel_loop3A_59, %parallel_loop3A_60] {strides = array<i32>} : memref<8x2048xi32, #tpu.memory_space<vmem>>, vector<16xi32>,
        %parallel_loop3A_62 = arith.constant 0 : i32
        %parallel_loop3A_63 = vector.broadcast %parallel_loop3A_62 : i32 to vector<16xi32>
        %parallel_loop3A_64 = arith.addi %parallel_loop3A_19, %parallel_loop3A_63 : vector<16xi32>
        %parallel_loop3A_65 = tpu.vector_load_idx %arg5[%parallel_loop3A_64] : memref<16384xf32, #tpu.memory_space<vmem>>[vector<16xi32>], vector<16xf32>,
        %parallel_loop3A_66 = arith.constant 0 : i32
        %parallel_loop3A_67 = vector.broadcast %parallel_loop3A_66 : i32 to vector<16xi32>
        %parallel_loop3A_68 = arith.addi %parallel_loop3A_25, %parallel_loop3A_67 : vector<16xi32>
        %parallel_loop3A_69 = tpu.vector_load_idx %arg5[%parallel_loop3A_68] : memref<16384xf32, #tpu.memory_space<vmem>>[vector<16xi32>], vector<16xf32>,
        %parallel_loop3A_70 = arith.addf %parallel_loop3A_65, %parallel_loop3A_69 : vector<16xf32>
        %parallel_loop3A_71 = arith.constant 0 : i32
        %parallel_loop3A_72 = vector.broadcast %parallel_loop3A_71 : i32 to vector<16xi32>
        %parallel_loop3A_73 = arith.addi %parallel_loop3A_31, %parallel_loop3A_72 : vector<16xi32>
        %parallel_loop3A_74 = tpu.vector_load_idx %arg5[%parallel_loop3A_73] : memref<16384xf32, #tpu.memory_space<vmem>>[vector<16xi32>], vector<16xf32>,
        %parallel_loop3A_75 = arith.addf %parallel_loop3A_70, %parallel_loop3A_74 : vector<16xf32>
        %parallel_loop3A_76 = arith.constant 0 : i32
        %parallel_loop3A_77 = vector.broadcast %parallel_loop3A_76 : i32 to vector<16xi32>
        %parallel_loop3A_78 = arith.addi %parallel_loop3A_37, %parallel_loop3A_77 : vector<16xi32>
        %parallel_loop3A_79 = tpu.vector_load_idx %arg5[%parallel_loop3A_78] : memref<16384xf32, #tpu.memory_space<vmem>>[vector<16xi32>], vector<16xf32>,
        %parallel_loop3A_80 = arith.addf %parallel_loop3A_75, %parallel_loop3A_79 : vector<16xf32>
        %parallel_loop3A_81 = arith.constant 0 : i32
        %parallel_loop3A_82 = vector.broadcast %parallel_loop3A_81 : i32 to vector<16xi32>
        %parallel_loop3A_83 = arith.addi %parallel_loop3A_43, %parallel_loop3A_82 : vector<16xi32>
        %parallel_loop3A_84 = tpu.vector_load_idx %arg5[%parallel_loop3A_83] : memref<16384xf32, #tpu.memory_space<vmem>>[vector<16xi32>], vector<16xf32>,
        %parallel_loop3A_85 = arith.addf %parallel_loop3A_80, %parallel_loop3A_84 : vector<16xf32>
        %parallel_loop3A_86 = arith.constant 0 : i32
        %parallel_loop3A_87 = vector.broadcast %parallel_loop3A_86 : i32 to vector<16xi32>
        %parallel_loop3A_88 = arith.addi %parallel_loop3A_49, %parallel_loop3A_87 : vector<16xi32>
        %parallel_loop3A_89 = tpu.vector_load_idx %arg5[%parallel_loop3A_88] : memref<16384xf32, #tpu.memory_space<vmem>>[vector<16xi32>], vector<16xf32>,
        %parallel_loop3A_90 = arith.addf %parallel_loop3A_85, %parallel_loop3A_89 : vector<16xf32>
        %parallel_loop3A_91 = arith.constant 0 : i32
        %parallel_loop3A_92 = vector.broadcast %parallel_loop3A_91 : i32 to vector<16xi32>
        %parallel_loop3A_93 = arith.addi %parallel_loop3A_55, %parallel_loop3A_92 : vector<16xi32>
        %parallel_loop3A_94 = tpu.vector_load_idx %arg5[%parallel_loop3A_93] : memref<16384xf32, #tpu.memory_space<vmem>>[vector<16xi32>], vector<16xf32>,
        %parallel_loop3A_95 = arith.addf %parallel_loop3A_90, %parallel_loop3A_94 : vector<16xf32>
        %parallel_loop3A_96 = arith.constant 0 : i32
        %parallel_loop3A_97 = vector.broadcast %parallel_loop3A_96 : i32 to vector<16xi32>
        %parallel_loop3A_98 = arith.addi %parallel_loop3A_61, %parallel_loop3A_97 : vector<16xi32>
        %parallel_loop3A_99 = tpu.vector_load_idx %arg5[%parallel_loop3A_98] : memref<16384xf32, #tpu.memory_space<vmem>>[vector<16xi32>], vector<16xf32>,
        %parallel_loop3A_100 = arith.addf %parallel_loop3A_95, %parallel_loop3A_99 : vector<16xf32>
        %parallel_loop3A_101 = arith.constant 16 : i32
        %parallel_loop3A_102 = arith.muli %parallel_loop3A_13, %parallel_loop3A_101 : i32
        %parallel_loop3A_103 = arith.constant 0 : i32
        %parallel_loop3A_104 = arith.index_cast %parallel_loop3A_103 : i32 to index
        %parallel_loop3A_105 = arith.index_cast %parallel_loop3A_102 : i32 to index
        %parallel_loop3A_106 = tpu.vector_load %arg7[%parallel_loop3A_104, %parallel_loop3A_105] {strides = array<i32>} : memref<16x2048xf32, #tpu.memory_space<vmem>>, vector<16xf32>,
        tpu.vector_store %arg7[%parallel_loop3A_104, %parallel_loop3A_105], %parallel_loop3A_100 {strides = array<i32>} : memref<16x2048xf32, #tpu.memory_space<vmem>>, vector<16xf32>,
        %parallel_loop3A_107 = arith.constant 1024 : i32
        %parallel_loop3A_108 = vector.broadcast %parallel_loop3A_107 : i32 to vector<16xi32>
        %parallel_loop3A_109 = arith.addi %parallel_loop3A_19, %parallel_loop3A_108 : vector<16xi32>
        %parallel_loop3A_110 = tpu.vector_load_idx %arg5[%parallel_loop3A_109] : memref<16384xf32, #tpu.memory_space<vmem>>[vector<16xi32>], vector<16xf32>,
        %parallel_loop3A_111 = arith.constant 1024 : i32
        %parallel_loop3A_112 = vector.broadcast %parallel_loop3A_111 : i32 to vector<16xi32>
        %parallel_loop3A_113 = arith.addi %parallel_loop3A_25, %parallel_loop3A_112 : vector<16xi32>
        %parallel_loop3A_114 = tpu.vector_load_idx %arg5[%parallel_loop3A_113] : memref<16384xf32, #tpu.memory_space<vmem>>[vector<16xi32>], vector<16xf32>,
        %parallel_loop3A_115 = arith.addf %parallel_loop3A_110, %parallel_loop3A_114 : vector<16xf32>
        %parallel_loop3A_116 = arith.constant 1024 : i32
        %parallel_loop3A_117 = vector.broadcast %parallel_loop3A_116 : i32 to vector<16xi32>
        %parallel_loop3A_118 = arith.addi %parallel_loop3A_31, %parallel_loop3A_117 : vector<16xi32>
        %parallel_loop3A_119 = tpu.vector_load_idx %arg5[%parallel_loop3A_118] : memref<16384xf32, #tpu.memory_space<vmem>>[vector<16xi32>], vector<16xf32>,
        %parallel_loop3A_120 = arith.addf %parallel_loop3A_115, %parallel_loop3A_119 : vector<16xf32>
        %parallel_loop3A_121 = arith.constant 1024 : i32
        %parallel_loop3A_122 = vector.broadcast %parallel_loop3A_121 : i32 to vector<16xi32>
        %parallel_loop3A_123 = arith.addi %parallel_loop3A_37, %parallel_loop3A_122 : vector<16xi32>
        %parallel_loop3A_124 = tpu.vector_load_idx %arg5[%parallel_loop3A_123] : memref<16384xf32, #tpu.memory_space<vmem>>[vector<16xi32>], vector<16xf32>,
        %parallel_loop3A_125 = arith.addf %parallel_loop3A_120, %parallel_loop3A_124 : vector<16xf32>
        %parallel_loop3A_126 = arith.constant 1024 : i32
        %parallel_loop3A_127 = vector.broadcast %parallel_loop3A_126 : i32 to vector<16xi32>
        %parallel_loop3A_128 = arith.addi %parallel_loop3A_43, %parallel_loop3A_127 : vector<16xi32>
        %parallel_loop3A_129 = tpu.vector_load_idx %arg5[%parallel_loop3A_128] : memref<16384xf32, #tpu.memory_space<vmem>>[vector<16xi32>], vector<16xf32>,
        %parallel_loop3A_130 = arith.addf %parallel_loop3A_125, %parallel_loop3A_129 : vector<16xf32>
        %parallel_loop3A_131 = arith.constant 1024 : i32
        %parallel_loop3A_132 = vector.broadcast %parallel_loop3A_131 : i32 to vector<16xi32>
        %parallel_loop3A_133 = arith.addi %parallel_loop3A_49, %parallel_loop3A_132 : vector<16xi32>
        %parallel_loop3A_134 = tpu.vector_load_idx %arg5[%parallel_loop3A_133] : memref<16384xf32, #tpu.memory_space<vmem>>[vector<16xi32>], vector<16xf32>,
        %parallel_loop3A_135 = arith.addf %parallel_loop3A_130, %parallel_loop3A_134 : vector<16xf32>
        %parallel_loop3A_136 = arith.constant 1024 : i32
        %parallel_loop3A_137 = vector.broadcast %parallel_loop3A_136 : i32 to vector<16xi32>
        %parallel_loop3A_138 = arith.addi %parallel_loop3A_55, %parallel_loop3A_137 : vector<16xi32>
        %parallel_loop3A_139 = tpu.vector_load_idx %arg5[%parallel_loop3A_138] : memref<16384xf32, #tpu.memory_space<vmem>>[vector<16xi32>], vector<16xf32>,
        %parallel_loop3A_140 = arith.addf %parallel_loop3A_135, %parallel_loop3A_139 : vector<16xf32>
        %parallel_loop3A_141 = arith.constant 1024 : i32
        %parallel_loop3A_142 = vector.broadcast %parallel_loop3A_141 : i32 to vector<16xi32>
        %parallel_loop3A_143 = arith.addi %parallel_loop3A_61, %parallel_loop3A_142 : vector<16xi32>
        %parallel_loop3A_144 = tpu.vector_load_idx %arg5[%parallel_loop3A_143] : memref<16384xf32, #tpu.memory_space<vmem>>[vector<16xi32>], vector<16xf32>,
        %parallel_loop3A_145 = arith.addf %parallel_loop3A_140, %parallel_loop3A_144 : vector<16xf32>
        %parallel_loop3A_146 = arith.constant 16 : i32
        %parallel_loop3A_147 = arith.muli %parallel_loop3A_13, %parallel_loop3A_146 : i32
        %parallel_loop3A_148 = arith.constant 1 : i32
        %parallel_loop3A_149 = arith.index_cast %parallel_loop3A_148 : i32 to index
        %parallel_loop3A_150 = arith.index_cast %parallel_loop3A_147 : i32 to index
        %parallel_loop3A_151 = tpu.vector_load %arg7[%parallel_loop3A_149, %parallel_loop3A_150] {strides = array<i32>} : memref<16x2048xf32, #tpu.memory_space<vmem>>, vector<16xf32>,
        tpu.vector_store %arg7[%parallel_loop3A_149, %parallel_loop3A_150], %parallel_loop3A_145 {strides = array<i32>} : memref<16x2048xf32, #tpu.memory_space<vmem>>, vector<16xf32>,
        %parallel_loop3A_152 = arith.constant 2048 : i32
        %parallel_loop3A_153 = vector.broadcast %parallel_loop3A_152 : i32 to vector<16xi32>
        %parallel_loop3A_154 = arith.addi %parallel_loop3A_19, %parallel_loop3A_153 : vector<16xi32>
        %parallel_loop3A_155 = tpu.vector_load_idx %arg5[%parallel_loop3A_154] : memref<16384xf32, #tpu.memory_space<vmem>>[vector<16xi32>], vector<16xf32>,
        %parallel_loop3A_156 = arith.constant 2048 : i32
        %parallel_loop3A_157 = vector.broadcast %parallel_loop3A_156 : i32 to vector<16xi32>
        %parallel_loop3A_158 = arith.addi %parallel_loop3A_25, %parallel_loop3A_157 : vector<16xi32>
        %parallel_loop3A_159 = tpu.vector_load_idx %arg5[%parallel_loop3A_158] : memref<16384xf32, #tpu.memory_space<vmem>>[vector<16xi32>], vector<16xf32>,
        %parallel_loop3A_160 = arith.addf %parallel_loop3A_155, %parallel_loop3A_159 : vector<16xf32>
        %parallel_loop3A_161 = arith.constant 2048 : i32
        %parallel_loop3A_162 = vector.broadcast %parallel_loop3A_161 : i32 to vector<16xi32>
        %parallel_loop3A_163 = arith.addi %parallel_loop3A_31, %parallel_loop3A_162 : vector<16xi32>
        %parallel_loop3A_164 = tpu.vector_load_idx %arg5[%parallel_loop3A_163] : memref<16384xf32, #tpu.memory_space<vmem>>[vector<16xi32>], vector<16xf32>,
        %parallel_loop3A_165 = arith.addf %parallel_loop3A_160, %parallel_loop3A_164 : vector<16xf32>
        %parallel_loop3A_166 = arith.constant 2048 : i32
        %parallel_loop3A_167 = vector.broadcast %parallel_loop3A_166 : i32 to vector<16xi32>
        %parallel_loop3A_168 = arith.addi %parallel_loop3A_37, %parallel_loop3A_167 : vector<16xi32>
        %parallel_loop3A_169 = tpu.vector_load_idx %arg5[%parallel_loop3A_168] : memref<16384xf32, #tpu.memory_space<vmem>>[vector<16xi32>], vector<16xf32>,
        %parallel_loop3A_170 = arith.addf %parallel_loop3A_165, %parallel_loop3A_169 : vector<16xf32>
        %parallel_loop3A_171 = arith.constant 2048 : i32
        %parallel_loop3A_172 = vector.broadcast %parallel_loop3A_171 : i32 to vector<16xi32>
        %parallel_loop3A_173 = arith.addi %parallel_loop3A_43, %parallel_loop3A_172 : vector<16xi32>
        %parallel_loop3A_174 = tpu.vector_load_idx %arg5[%parallel_loop3A_173] : memref<16384xf32, #tpu.memory_space<vmem>>[vector<16xi32>], vector<16xf32>,
        %parallel_loop3A_175 = arith.addf %parallel_loop3A_170, %parallel_loop3A_174 : vector<16xf32>
        %parallel_loop3A_176 = arith.constant 2048 : i32
        %parallel_loop3A_177 = vector.broadcast %parallel_loop3A_176 : i32 to vector<16xi32>
        %parallel_loop3A_178 = arith.addi %parallel_loop3A_49, %parallel_loop3A_177 : vector<16xi32>
        %parallel_loop3A_179 = tpu.vector_load_idx %arg5[%parallel_loop3A_178] : memref<16384xf32, #tpu.memory_space<vmem>>[vector<16xi32>], vector<16xf32>,
        %parallel_loop3A_180 = arith.addf %parallel_loop3A_175, %parallel_loop3A_179 : vector<16xf32>
        %parallel_loop3A_181 = arith.constant 2048 : i32
        %parallel_loop3A_182 = vector.broadcast %parallel_loop3A_181 : i32 to vector<16xi32>
        %parallel_loop3A_183 = arith.addi %parallel_loop3A_55, %parallel_loop3A_182 : vector<16xi32>
        %parallel_loop3A_184 = tpu.vector_load_idx %arg5[%parallel_loop3A_183] : memref<16384xf32, #tpu.memory_space<vmem>>[vector<16xi32>], vector<16xf32>,
        %parallel_loop3A_185 = arith.addf %parallel_loop3A_180, %parallel_loop3A_184 : vector<16xf32>
        %parallel_loop3A_186 = arith.constant 2048 : i32
        %parallel_loop3A_187 = vector.broadcast %parallel_loop3A_186 : i32 to vector<16xi32>
        %parallel_loop3A_188 = arith.addi %parallel_loop3A_61, %parallel_loop3A_187 : vector<16xi32>
        %parallel_loop3A_189 = tpu.vector_load_idx %arg5[%parallel_loop3A_188] : memref<16384xf32, #tpu.memory_space<vmem>>[vector<16xi32>], vector<16xf32>,
        %parallel_loop3A_190 = arith.addf %parallel_loop3A_185, %parallel_loop3A_189 : vector<16xf32>
        %parallel_loop3A_191 = arith.constant 16 : i32
        %parallel_loop3A_192 = arith.muli %parallel_loop3A_13, %parallel_loop3A_191 : i32
        %parallel_loop3A_193 = arith.constant 2 : i32
        %parallel_loop3A_194 = arith.index_cast %parallel_loop3A_193 : i32 to index
        %parallel_loop3A_195 = arith.index_cast %parallel_loop3A_192 : i32 to index
        %parallel_loop3A_196 = tpu.vector_load %arg7[%parallel_loop3A_194, %parallel_loop3A_195] {strides = array<i32>} : memref<16x2048xf32, #tpu.memory_space<vmem>>, vector<16xf32>,
        tpu.vector_store %arg7[%parallel_loop3A_194, %parallel_loop3A_195], %parallel_loop3A_190 {strides = array<i32>} : memref<16x2048xf32, #tpu.memory_space<vmem>>, vector<16xf32>,
        %parallel_loop3A_197 = arith.constant 3072 : i32
        %parallel_loop3A_198 = vector.broadcast %parallel_loop3A_197 : i32 to vector<16xi32>
        %parallel_loop3A_199 = arith.addi %parallel_loop3A_19, %parallel_loop3A_198 : vector<16xi32>
        %parallel_loop3A_200 = tpu.vector_load_idx %arg5[%parallel_loop3A_199] : memref<16384xf32, #tpu.memory_space<vmem>>[vector<16xi32>], vector<16xf32>,
        %parallel_loop3A_201 = arith.constant 3072 : i32
        %parallel_loop3A_202 = vector.broadcast %parallel_loop3A_201 : i32 to vector<16xi32>
        %parallel_loop3A_203 = arith.addi %parallel_loop3A_25, %parallel_loop3A_202 : vector<16xi32>
        %parallel_loop3A_204 = tpu.vector_load_idx %arg5[%parallel_loop3A_203] : memref<16384xf32, #tpu.memory_space<vmem>>[vector<16xi32>], vector<16xf32>,
        %parallel_loop3A_205 = arith.addf %parallel_loop3A_200, %parallel_loop3A_204 : vector<16xf32>
        %parallel_loop3A_206 = arith.constant 3072 : i32
        %parallel_loop3A_207 = vector.broadcast %parallel_loop3A_206 : i32 to vector<16xi32>
        %parallel_loop3A_208 = arith.addi %parallel_loop3A_31, %parallel_loop3A_207 : vector<16xi32>
        %parallel_loop3A_209 = tpu.vector_load_idx %arg5[%parallel_loop3A_208] : memref<16384xf32, #tpu.memory_space<vmem>>[vector<16xi32>], vector<16xf32>,
        %parallel_loop3A_210 = arith.addf %parallel_loop3A_205, %parallel_loop3A_209 : vector<16xf32>
        %parallel_loop3A_211 = arith.constant 3072 : i32
        %parallel_loop3A_212 = vector.broadcast %parallel_loop3A_211 : i32 to vector<16xi32>
        %parallel_loop3A_213 = arith.addi %parallel_loop3A_37, %parallel_loop3A_212 : vector<16xi32>
        %parallel_loop3A_214 = tpu.vector_load_idx %arg5[%parallel_loop3A_213] : memref<16384xf32, #tpu.memory_space<vmem>>[vector<16xi32>], vector<16xf32>,
        %parallel_loop3A_215 = arith.addf %parallel_loop3A_210, %parallel_loop3A_214 : vector<16xf32>
        %parallel_loop3A_216 = arith.constant 3072 : i32
        %parallel_loop3A_217 = vector.broadcast %parallel_loop3A_216 : i32 to vector<16xi32>
        %parallel_loop3A_218 = arith.addi %parallel_loop3A_43, %parallel_loop3A_217 : vector<16xi32>
        %parallel_loop3A_219 = tpu.vector_load_idx %arg5[%parallel_loop3A_218] : memref<16384xf32, #tpu.memory_space<vmem>>[vector<16xi32>], vector<16xf32>,
        %parallel_loop3A_220 = arith.addf %parallel_loop3A_215, %parallel_loop3A_219 : vector<16xf32>
        %parallel_loop3A_221 = arith.constant 3072 : i32
        %parallel_loop3A_222 = vector.broadcast %parallel_loop3A_221 : i32 to vector<16xi32>
        %parallel_loop3A_223 = arith.addi %parallel_loop3A_49, %parallel_loop3A_222 : vector<16xi32>
        %parallel_loop3A_224 = tpu.vector_load_idx %arg5[%parallel_loop3A_223] : memref<16384xf32, #tpu.memory_space<vmem>>[vector<16xi32>], vector<16xf32>,
        %parallel_loop3A_225 = arith.addf %parallel_loop3A_220, %parallel_loop3A_224 : vector<16xf32>
        %parallel_loop3A_226 = arith.constant 3072 : i32
        %parallel_loop3A_227 = vector.broadcast %parallel_loop3A_226 : i32 to vector<16xi32>
        %parallel_loop3A_228 = arith.addi %parallel_loop3A_55, %parallel_loop3A_227 : vector<16xi32>
        %parallel_loop3A_229 = tpu.vector_load_idx %arg5[%parallel_loop3A_228] : memref<16384xf32, #tpu.memory_space<vmem>>[vector<16xi32>], vector<16xf32>,
        %parallel_loop3A_230 = arith.addf %parallel_loop3A_225, %parallel_loop3A_229 : vector<16xf32>
        %parallel_loop3A_231 = arith.constant 3072 : i32
        %parallel_loop3A_232 = vector.broadcast %parallel_loop3A_231 : i32 to vector<16xi32>
        %parallel_loop3A_233 = arith.addi %parallel_loop3A_61, %parallel_loop3A_232 : vector<16xi32>
        %parallel_loop3A_234 = tpu.vector_load_idx %arg5[%parallel_loop3A_233] : memref<16384xf32, #tpu.memory_space<vmem>>[vector<16xi32>], vector<16xf32>,
        %parallel_loop3A_235 = arith.addf %parallel_loop3A_230, %parallel_loop3A_234 : vector<16xf32>
        %parallel_loop3A_236 = arith.constant 16 : i32
        %parallel_loop3A_237 = arith.muli %parallel_loop3A_13, %parallel_loop3A_236 : i32
        %parallel_loop3A_238 = arith.constant 3 : i32
        %parallel_loop3A_239 = arith.index_cast %parallel_loop3A_238 : i32 to index
        %parallel_loop3A_240 = arith.index_cast %parallel_loop3A_237 : i32 to index
        %parallel_loop3A_241 = tpu.vector_load %arg7[%parallel_loop3A_239, %parallel_loop3A_240] {strides = array<i32>} : memref<16x2048xf32, #tpu.memory_space<vmem>>, vector<16xf32>,
        tpu.vector_store %arg7[%parallel_loop3A_239, %parallel_loop3A_240], %parallel_loop3A_235 {strides = array<i32>} : memref<16x2048xf32, #tpu.memory_space<vmem>>, vector<16xf32>,
        %parallel_loop3A_242 = arith.constant 4096 : i32
        %parallel_loop3A_243 = vector.broadcast %parallel_loop3A_242 : i32 to vector<16xi32>
        %parallel_loop3A_244 = arith.addi %parallel_loop3A_19, %parallel_loop3A_243 : vector<16xi32>
        %parallel_loop3A_245 = tpu.vector_load_idx %arg5[%parallel_loop3A_244] : memref<16384xf32, #tpu.memory_space<vmem>>[vector<16xi32>], vector<16xf32>,
        %parallel_loop3A_246 = arith.constant 4096 : i32
        %parallel_loop3A_247 = vector.broadcast %parallel_loop3A_246 : i32 to vector<16xi32>
        %parallel_loop3A_248 = arith.addi %parallel_loop3A_25, %parallel_loop3A_247 : vector<16xi32>
        %parallel_loop3A_249 = tpu.vector_load_idx %arg5[%parallel_loop3A_248] : memref<16384xf32, #tpu.memory_space<vmem>>[vector<16xi32>], vector<16xf32>,
        %parallel_loop3A_250 = arith.addf %parallel_loop3A_245, %parallel_loop3A_249 : vector<16xf32>
        %parallel_loop3A_251 = arith.constant 4096 : i32
        %parallel_loop3A_252 = vector.broadcast %parallel_loop3A_251 : i32 to vector<16xi32>
        %parallel_loop3A_253 = arith.addi %parallel_loop3A_31, %parallel_loop3A_252 : vector<16xi32>
        %parallel_loop3A_254 = tpu.vector_load_idx %arg5[%parallel_loop3A_253] : memref<16384xf32, #tpu.memory_space<vmem>>[vector<16xi32>], vector<16xf32>,
        %parallel_loop3A_255 = arith.addf %parallel_loop3A_250, %parallel_loop3A_254 : vector<16xf32>
        %parallel_loop3A_256 = arith.constant 4096 : i32
        %parallel_loop3A_257 = vector.broadcast %parallel_loop3A_256 : i32 to vector<16xi32>
        %parallel_loop3A_258 = arith.addi %parallel_loop3A_37, %parallel_loop3A_257 : vector<16xi32>
        %parallel_loop3A_259 = tpu.vector_load_idx %arg5[%parallel_loop3A_258] : memref<16384xf32, #tpu.memory_space<vmem>>[vector<16xi32>], vector<16xf32>,
        %parallel_loop3A_260 = arith.addf %parallel_loop3A_255, %parallel_loop3A_259 : vector<16xf32>
        %parallel_loop3A_261 = arith.constant 4096 : i32
        %parallel_loop3A_262 = vector.broadcast %parallel_loop3A_261 : i32 to vector<16xi32>
        %parallel_loop3A_263 = arith.addi %parallel_loop3A_43, %parallel_loop3A_262 : vector<16xi32>
        %parallel_loop3A_264 = tpu.vector_load_idx %arg5[%parallel_loop3A_263] : memref<16384xf32, #tpu.memory_space<vmem>>[vector<16xi32>], vector<16xf32>,
        %parallel_loop3A_265 = arith.addf %parallel_loop3A_260, %parallel_loop3A_264 : vector<16xf32>
        %parallel_loop3A_266 = arith.constant 4096 : i32
        %parallel_loop3A_267 = vector.broadcast %parallel_loop3A_266 : i32 to vector<16xi32>
        %parallel_loop3A_268 = arith.addi %parallel_loop3A_49, %parallel_loop3A_267 : vector<16xi32>
        %parallel_loop3A_269 = tpu.vector_load_idx %arg5[%parallel_loop3A_268] : memref<16384xf32, #tpu.memory_space<vmem>>[vector<16xi32>], vector<16xf32>,
        %parallel_loop3A_270 = arith.addf %parallel_loop3A_265, %parallel_loop3A_269 : vector<16xf32>
        %parallel_loop3A_271 = arith.constant 4096 : i32
        %parallel_loop3A_272 = vector.broadcast %parallel_loop3A_271 : i32 to vector<16xi32>
        %parallel_loop3A_273 = arith.addi %parallel_loop3A_55, %parallel_loop3A_272 : vector<16xi32>
        %parallel_loop3A_274 = tpu.vector_load_idx %arg5[%parallel_loop3A_273] : memref<16384xf32, #tpu.memory_space<vmem>>[vector<16xi32>], vector<16xf32>,
        %parallel_loop3A_275 = arith.addf %parallel_loop3A_270, %parallel_loop3A_274 : vector<16xf32>
        %parallel_loop3A_276 = arith.constant 4096 : i32
        %parallel_loop3A_277 = vector.broadcast %parallel_loop3A_276 : i32 to vector<16xi32>
        %parallel_loop3A_278 = arith.addi %parallel_loop3A_61, %parallel_loop3A_277 : vector<16xi32>
        %parallel_loop3A_279 = tpu.vector_load_idx %arg5[%parallel_loop3A_278] : memref<16384xf32, #tpu.memory_space<vmem>>[vector<16xi32>], vector<16xf32>,
        %parallel_loop3A_280 = arith.addf %parallel_loop3A_275, %parallel_loop3A_279 : vector<16xf32>
        %parallel_loop3A_281 = arith.constant 16 : i32
        %parallel_loop3A_282 = arith.muli %parallel_loop3A_13, %parallel_loop3A_281 : i32
        %parallel_loop3A_283 = arith.constant 4 : i32
        %parallel_loop3A_284 = arith.index_cast %parallel_loop3A_283 : i32 to index
        %parallel_loop3A_285 = arith.index_cast %parallel_loop3A_282 : i32 to index
        %parallel_loop3A_286 = tpu.vector_load %arg7[%parallel_loop3A_284, %parallel_loop3A_285] {strides = array<i32>} : memref<16x2048xf32, #tpu.memory_space<vmem>>, vector<16xf32>,
        tpu.vector_store %arg7[%parallel_loop3A_284, %parallel_loop3A_285], %parallel_loop3A_280 {strides = array<i32>} : memref<16x2048xf32, #tpu.memory_space<vmem>>, vector<16xf32>,
        %parallel_loop3A_287 = arith.constant 5120 : i32
        %parallel_loop3A_288 = vector.broadcast %parallel_loop3A_287 : i32 to vector<16xi32>
        %parallel_loop3A_289 = arith.addi %parallel_loop3A_19, %parallel_loop3A_288 : vector<16xi32>
        %parallel_loop3A_290 = tpu.vector_load_idx %arg5[%parallel_loop3A_289] : memref<16384xf32, #tpu.memory_space<vmem>>[vector<16xi32>], vector<16xf32>,
        %parallel_loop3A_291 = arith.constant 5120 : i32
        %parallel_loop3A_292 = vector.broadcast %parallel_loop3A_291 : i32 to vector<16xi32>
        %parallel_loop3A_293 = arith.addi %parallel_loop3A_25, %parallel_loop3A_292 : vector<16xi32>
        %parallel_loop3A_294 = tpu.vector_load_idx %arg5[%parallel_loop3A_293] : memref<16384xf32, #tpu.memory_space<vmem>>[vector<16xi32>], vector<16xf32>,
        %parallel_loop3A_295 = arith.addf %parallel_loop3A_290, %parallel_loop3A_294 : vector<16xf32>
        %parallel_loop3A_296 = arith.constant 5120 : i32
        %parallel_loop3A_297 = vector.broadcast %parallel_loop3A_296 : i32 to vector<16xi32>
        %parallel_loop3A_298 = arith.addi %parallel_loop3A_31, %parallel_loop3A_297 : vector<16xi32>
        %parallel_loop3A_299 = tpu.vector_load_idx %arg5[%parallel_loop3A_298] : memref<16384xf32, #tpu.memory_space<vmem>>[vector<16xi32>], vector<16xf32>,
        %parallel_loop3A_300 = arith.addf %parallel_loop3A_295, %parallel_loop3A_299 : vector<16xf32>
        %parallel_loop3A_301 = arith.constant 5120 : i32
        %parallel_loop3A_302 = vector.broadcast %parallel_loop3A_301 : i32 to vector<16xi32>
        %parallel_loop3A_303 = arith.addi %parallel_loop3A_37, %parallel_loop3A_302 : vector<16xi32>
        %parallel_loop3A_304 = tpu.vector_load_idx %arg5[%parallel_loop3A_303] : memref<16384xf32, #tpu.memory_space<vmem>>[vector<16xi32>], vector<16xf32>,
        %parallel_loop3A_305 = arith.addf %parallel_loop3A_300, %parallel_loop3A_304 : vector<16xf32>
        %parallel_loop3A_306 = arith.constant 5120 : i32
        %parallel_loop3A_307 = vector.broadcast %parallel_loop3A_306 : i32 to vector<16xi32>
        %parallel_loop3A_308 = arith.addi %parallel_loop3A_43, %parallel_loop3A_307 : vector<16xi32>
        %parallel_loop3A_309 = tpu.vector_load_idx %arg5[%parallel_loop3A_308] : memref<16384xf32, #tpu.memory_space<vmem>>[vector<16xi32>], vector<16xf32>,
        %parallel_loop3A_310 = arith.addf %parallel_loop3A_305, %parallel_loop3A_309 : vector<16xf32>
        %parallel_loop3A_311 = arith.constant 5120 : i32
        %parallel_loop3A_312 = vector.broadcast %parallel_loop3A_311 : i32 to vector<16xi32>
        %parallel_loop3A_313 = arith.addi %parallel_loop3A_49, %parallel_loop3A_312 : vector<16xi32>
        %parallel_loop3A_314 = tpu.vector_load_idx %arg5[%parallel_loop3A_313] : memref<16384xf32, #tpu.memory_space<vmem>>[vector<16xi32>], vector<16xf32>,
        %parallel_loop3A_315 = arith.addf %parallel_loop3A_310, %parallel_loop3A_314 : vector<16xf32>
        %parallel_loop3A_316 = arith.constant 5120 : i32
        %parallel_loop3A_317 = vector.broadcast %parallel_loop3A_316 : i32 to vector<16xi32>
        %parallel_loop3A_318 = arith.addi %parallel_loop3A_55, %parallel_loop3A_317 : vector<16xi32>
        %parallel_loop3A_319 = tpu.vector_load_idx %arg5[%parallel_loop3A_318] : memref<16384xf32, #tpu.memory_space<vmem>>[vector<16xi32>], vector<16xf32>,
        %parallel_loop3A_320 = arith.addf %parallel_loop3A_315, %parallel_loop3A_319 : vector<16xf32>
        %parallel_loop3A_321 = arith.constant 5120 : i32
        %parallel_loop3A_322 = vector.broadcast %parallel_loop3A_321 : i32 to vector<16xi32>
        %parallel_loop3A_323 = arith.addi %parallel_loop3A_61, %parallel_loop3A_322 : vector<16xi32>
        %parallel_loop3A_324 = tpu.vector_load_idx %arg5[%parallel_loop3A_323] : memref<16384xf32, #tpu.memory_space<vmem>>[vector<16xi32>], vector<16xf32>,
        %parallel_loop3A_325 = arith.addf %parallel_loop3A_320, %parallel_loop3A_324 : vector<16xf32>
        %parallel_loop3A_326 = arith.constant 16 : i32
        %parallel_loop3A_327 = arith.muli %parallel_loop3A_13, %parallel_loop3A_326 : i32
        %parallel_loop3A_328 = arith.constant 5 : i32
        %parallel_loop3A_329 = arith.index_cast %parallel_loop3A_328 : i32 to index
        %parallel_loop3A_330 = arith.index_cast %parallel_loop3A_327 : i32 to index
        %parallel_loop3A_331 = tpu.vector_load %arg7[%parallel_loop3A_329, %parallel_loop3A_330] {strides = array<i32>} : memref<16x2048xf32, #tpu.memory_space<vmem>>, vector<16xf32>,
        tpu.vector_store %arg7[%parallel_loop3A_329, %parallel_loop3A_330], %parallel_loop3A_325 {strides = array<i32>} : memref<16x2048xf32, #tpu.memory_space<vmem>>, vector<16xf32>,
        %parallel_loop3A_332 = arith.constant 6144 : i32
        %parallel_loop3A_333 = vector.broadcast %parallel_loop3A_332 : i32 to vector<16xi32>
        %parallel_loop3A_334 = arith.addi %parallel_loop3A_19, %parallel_loop3A_333 : vector<16xi32>
        %parallel_loop3A_335 = tpu.vector_load_idx %arg5[%parallel_loop3A_334] : memref<16384xf32, #tpu.memory_space<vmem>>[vector<16xi32>], vector<16xf32>,
        %parallel_loop3A_336 = arith.constant 6144 : i32
        %parallel_loop3A_337 = vector.broadcast %parallel_loop3A_336 : i32 to vector<16xi32>
        %parallel_loop3A_338 = arith.addi %parallel_loop3A_25, %parallel_loop3A_337 : vector<16xi32>
        %parallel_loop3A_339 = tpu.vector_load_idx %arg5[%parallel_loop3A_338] : memref<16384xf32, #tpu.memory_space<vmem>>[vector<16xi32>], vector<16xf32>,
        %parallel_loop3A_340 = arith.addf %parallel_loop3A_335, %parallel_loop3A_339 : vector<16xf32>
        %parallel_loop3A_341 = arith.constant 6144 : i32
        %parallel_loop3A_342 = vector.broadcast %parallel_loop3A_341 : i32 to vector<16xi32>
        %parallel_loop3A_343 = arith.addi %parallel_loop3A_31, %parallel_loop3A_342 : vector<16xi32>
        %parallel_loop3A_344 = tpu.vector_load_idx %arg5[%parallel_loop3A_343] : memref<16384xf32, #tpu.memory_space<vmem>>[vector<16xi32>], vector<16xf32>,
        %parallel_loop3A_345 = arith.addf %parallel_loop3A_340, %parallel_loop3A_344 : vector<16xf32>
        %parallel_loop3A_346 = arith.constant 6144 : i32
        %parallel_loop3A_347 = vector.broadcast %parallel_loop3A_346 : i32 to vector<16xi32>
        %parallel_loop3A_348 = arith.addi %parallel_loop3A_37, %parallel_loop3A_347 : vector<16xi32>
        %parallel_loop3A_349 = tpu.vector_load_idx %arg5[%parallel_loop3A_348] : memref<16384xf32, #tpu.memory_space<vmem>>[vector<16xi32>], vector<16xf32>,
        %parallel_loop3A_350 = arith.addf %parallel_loop3A_345, %parallel_loop3A_349 : vector<16xf32>
        %parallel_loop3A_351 = arith.constant 6144 : i32
        %parallel_loop3A_352 = vector.broadcast %parallel_loop3A_351 : i32 to vector<16xi32>
        %parallel_loop3A_353 = arith.addi %parallel_loop3A_43, %parallel_loop3A_352 : vector<16xi32>
        %parallel_loop3A_354 = tpu.vector_load_idx %arg5[%parallel_loop3A_353] : memref<16384xf32, #tpu.memory_space<vmem>>[vector<16xi32>], vector<16xf32>,
        %parallel_loop3A_355 = arith.addf %parallel_loop3A_350, %parallel_loop3A_354 : vector<16xf32>
        %parallel_loop3A_356 = arith.constant 6144 : i32
        %parallel_loop3A_357 = vector.broadcast %parallel_loop3A_356 : i32 to vector<16xi32>
        %parallel_loop3A_358 = arith.addi %parallel_loop3A_49, %parallel_loop3A_357 : vector<16xi32>
        %parallel_loop3A_359 = tpu.vector_load_idx %arg5[%parallel_loop3A_358] : memref<16384xf32, #tpu.memory_space<vmem>>[vector<16xi32>], vector<16xf32>,
        %parallel_loop3A_360 = arith.addf %parallel_loop3A_355, %parallel_loop3A_359 : vector<16xf32>
        %parallel_loop3A_361 = arith.constant 6144 : i32
        %parallel_loop3A_362 = vector.broadcast %parallel_loop3A_361 : i32 to vector<16xi32>
        %parallel_loop3A_363 = arith.addi %parallel_loop3A_55, %parallel_loop3A_362 : vector<16xi32>
        %parallel_loop3A_364 = tpu.vector_load_idx %arg5[%parallel_loop3A_363] : memref<16384xf32, #tpu.memory_space<vmem>>[vector<16xi32>], vector<16xf32>,
        %parallel_loop3A_365 = arith.addf %parallel_loop3A_360, %parallel_loop3A_364 : vector<16xf32>
        %parallel_loop3A_366 = arith.constant 6144 : i32
        %parallel_loop3A_367 = vector.broadcast %parallel_loop3A_366 : i32 to vector<16xi32>
        %parallel_loop3A_368 = arith.addi %parallel_loop3A_61, %parallel_loop3A_367 : vector<16xi32>
        %parallel_loop3A_369 = tpu.vector_load_idx %arg5[%parallel_loop3A_368] : memref<16384xf32, #tpu.memory_space<vmem>>[vector<16xi32>], vector<16xf32>,
        %parallel_loop3A_370 = arith.addf %parallel_loop3A_365, %parallel_loop3A_369 : vector<16xf32>
        %parallel_loop3A_371 = arith.constant 16 : i32
        %parallel_loop3A_372 = arith.muli %parallel_loop3A_13, %parallel_loop3A_371 : i32
        %parallel_loop3A_373 = arith.constant 6 : i32
        %parallel_loop3A_374 = arith.index_cast %parallel_loop3A_373 : i32 to index
        %parallel_loop3A_375 = arith.index_cast %parallel_loop3A_372 : i32 to index
        %parallel_loop3A_376 = tpu.vector_load %arg7[%parallel_loop3A_374, %parallel_loop3A_375] {strides = array<i32>} : memref<16x2048xf32, #tpu.memory_space<vmem>>, vector<16xf32>,
        tpu.vector_store %arg7[%parallel_loop3A_374, %parallel_loop3A_375], %parallel_loop3A_370 {strides = array<i32>} : memref<16x2048xf32, #tpu.memory_space<vmem>>, vector<16xf32>,
        %parallel_loop3A_377 = arith.constant 7168 : i32
        %parallel_loop3A_378 = vector.broadcast %parallel_loop3A_377 : i32 to vector<16xi32>
        %parallel_loop3A_379 = arith.addi %parallel_loop3A_19, %parallel_loop3A_378 : vector<16xi32>
        %parallel_loop3A_380 = tpu.vector_load_idx %arg5[%parallel_loop3A_379] : memref<16384xf32, #tpu.memory_space<vmem>>[vector<16xi32>], vector<16xf32>,
        %parallel_loop3A_381 = arith.constant 7168 : i32
        %parallel_loop3A_382 = vector.broadcast %parallel_loop3A_381 : i32 to vector<16xi32>
        %parallel_loop3A_383 = arith.addi %parallel_loop3A_25, %parallel_loop3A_382 : vector<16xi32>
        %parallel_loop3A_384 = tpu.vector_load_idx %arg5[%parallel_loop3A_383] : memref<16384xf32, #tpu.memory_space<vmem>>[vector<16xi32>], vector<16xf32>,
        %parallel_loop3A_385 = arith.addf %parallel_loop3A_380, %parallel_loop3A_384 : vector<16xf32>
        %parallel_loop3A_386 = arith.constant 7168 : i32
        %parallel_loop3A_387 = vector.broadcast %parallel_loop3A_386 : i32 to vector<16xi32>
        %parallel_loop3A_388 = arith.addi %parallel_loop3A_31, %parallel_loop3A_387 : vector<16xi32>
        %parallel_loop3A_389 = tpu.vector_load_idx %arg5[%parallel_loop3A_388] : memref<16384xf32, #tpu.memory_space<vmem>>[vector<16xi32>], vector<16xf32>,
        %parallel_loop3A_390 = arith.addf %parallel_loop3A_385, %parallel_loop3A_389 : vector<16xf32>
        %parallel_loop3A_391 = arith.constant 7168 : i32
        %parallel_loop3A_392 = vector.broadcast %parallel_loop3A_391 : i32 to vector<16xi32>
        %parallel_loop3A_393 = arith.addi %parallel_loop3A_37, %parallel_loop3A_392 : vector<16xi32>
        %parallel_loop3A_394 = tpu.vector_load_idx %arg5[%parallel_loop3A_393] : memref<16384xf32, #tpu.memory_space<vmem>>[vector<16xi32>], vector<16xf32>,
        %parallel_loop3A_395 = arith.addf %parallel_loop3A_390, %parallel_loop3A_394 : vector<16xf32>
        %parallel_loop3A_396 = arith.constant 7168 : i32
        %parallel_loop3A_397 = vector.broadcast %parallel_loop3A_396 : i32 to vector<16xi32>
        %parallel_loop3A_398 = arith.addi %parallel_loop3A_43, %parallel_loop3A_397 : vector<16xi32>
        %parallel_loop3A_399 = tpu.vector_load_idx %arg5[%parallel_loop3A_398] : memref<16384xf32, #tpu.memory_space<vmem>>[vector<16xi32>], vector<16xf32>,
        %parallel_loop3A_400 = arith.addf %parallel_loop3A_395, %parallel_loop3A_399 : vector<16xf32>
        %parallel_loop3A_401 = arith.constant 7168 : i32
        %parallel_loop3A_402 = vector.broadcast %parallel_loop3A_401 : i32 to vector<16xi32>
        %parallel_loop3A_403 = arith.addi %parallel_loop3A_49, %parallel_loop3A_402 : vector<16xi32>
        %parallel_loop3A_404 = tpu.vector_load_idx %arg5[%parallel_loop3A_403] : memref<16384xf32, #tpu.memory_space<vmem>>[vector<16xi32>], vector<16xf32>,
        %parallel_loop3A_405 = arith.addf %parallel_loop3A_400, %parallel_loop3A_404 : vector<16xf32>
        %parallel_loop3A_406 = arith.constant 7168 : i32
        %parallel_loop3A_407 = vector.broadcast %parallel_loop3A_406 : i32 to vector<16xi32>
        %parallel_loop3A_408 = arith.addi %parallel_loop3A_55, %parallel_loop3A_407 : vector<16xi32>
        %parallel_loop3A_409 = tpu.vector_load_idx %arg5[%parallel_loop3A_408] : memref<16384xf32, #tpu.memory_space<vmem>>[vector<16xi32>], vector<16xf32>,
        %parallel_loop3A_410 = arith.addf %parallel_loop3A_405, %parallel_loop3A_409 : vector<16xf32>
        %parallel_loop3A_411 = arith.constant 7168 : i32
        %parallel_loop3A_412 = vector.broadcast %parallel_loop3A_411 : i32 to vector<16xi32>
        %parallel_loop3A_413 = arith.addi %parallel_loop3A_61, %parallel_loop3A_412 : vector<16xi32>
        %parallel_loop3A_414 = tpu.vector_load_idx %arg5[%parallel_loop3A_413] : memref<16384xf32, #tpu.memory_space<vmem>>[vector<16xi32>], vector<16xf32>,
        %parallel_loop3A_415 = arith.addf %parallel_loop3A_410, %parallel_loop3A_414 : vector<16xf32>
        %parallel_loop3A_416 = arith.constant 16 : i32
        %parallel_loop3A_417 = arith.muli %parallel_loop3A_13, %parallel_loop3A_416 : i32
        %parallel_loop3A_418 = arith.constant 7 : i32
        %parallel_loop3A_419 = arith.index_cast %parallel_loop3A_418 : i32 to index
        %parallel_loop3A_420 = arith.index_cast %parallel_loop3A_417 : i32 to index
        %parallel_loop3A_421 = tpu.vector_load %arg7[%parallel_loop3A_419, %parallel_loop3A_420] {strides = array<i32>} : memref<16x2048xf32, #tpu.memory_space<vmem>>, vector<16xf32>,
        tpu.vector_store %arg7[%parallel_loop3A_419, %parallel_loop3A_420], %parallel_loop3A_415 {strides = array<i32>} : memref<16x2048xf32, #tpu.memory_space<vmem>>, vector<16xf32>,
        %parallel_loop3A_422 = arith.constant 8192 : i32
        %parallel_loop3A_423 = vector.broadcast %parallel_loop3A_422 : i32 to vector<16xi32>
        %parallel_loop3A_424 = arith.addi %parallel_loop3A_19, %parallel_loop3A_423 : vector<16xi32>
        %parallel_loop3A_425 = tpu.vector_load_idx %arg5[%parallel_loop3A_424] : memref<16384xf32, #tpu.memory_space<vmem>>[vector<16xi32>], vector<16xf32>,
        %parallel_loop3A_426 = arith.constant 8192 : i32
        %parallel_loop3A_427 = vector.broadcast %parallel_loop3A_426 : i32 to vector<16xi32>
        %parallel_loop3A_428 = arith.addi %parallel_loop3A_25, %parallel_loop3A_427 : vector<16xi32>
        %parallel_loop3A_429 = tpu.vector_load_idx %arg5[%parallel_loop3A_428] : memref<16384xf32, #tpu.memory_space<vmem>>[vector<16xi32>], vector<16xf32>,
        %parallel_loop3A_430 = arith.addf %parallel_loop3A_425, %parallel_loop3A_429 : vector<16xf32>
        %parallel_loop3A_431 = arith.constant 8192 : i32
        %parallel_loop3A_432 = vector.broadcast %parallel_loop3A_431 : i32 to vector<16xi32>
        %parallel_loop3A_433 = arith.addi %parallel_loop3A_31, %parallel_loop3A_432 : vector<16xi32>
        %parallel_loop3A_434 = tpu.vector_load_idx %arg5[%parallel_loop3A_433] : memref<16384xf32, #tpu.memory_space<vmem>>[vector<16xi32>], vector<16xf32>,
        %parallel_loop3A_435 = arith.addf %parallel_loop3A_430, %parallel_loop3A_434 : vector<16xf32>
        %parallel_loop3A_436 = arith.constant 8192 : i32
        %parallel_loop3A_437 = vector.broadcast %parallel_loop3A_436 : i32 to vector<16xi32>
        %parallel_loop3A_438 = arith.addi %parallel_loop3A_37, %parallel_loop3A_437 : vector<16xi32>
        %parallel_loop3A_439 = tpu.vector_load_idx %arg5[%parallel_loop3A_438] : memref<16384xf32, #tpu.memory_space<vmem>>[vector<16xi32>], vector<16xf32>,
        %parallel_loop3A_440 = arith.addf %parallel_loop3A_435, %parallel_loop3A_439 : vector<16xf32>
        %parallel_loop3A_441 = arith.constant 8192 : i32
        %parallel_loop3A_442 = vector.broadcast %parallel_loop3A_441 : i32 to vector<16xi32>
        %parallel_loop3A_443 = arith.addi %parallel_loop3A_43, %parallel_loop3A_442 : vector<16xi32>
        %parallel_loop3A_444 = tpu.vector_load_idx %arg5[%parallel_loop3A_443] : memref<16384xf32, #tpu.memory_space<vmem>>[vector<16xi32>], vector<16xf32>,
        %parallel_loop3A_445 = arith.addf %parallel_loop3A_440, %parallel_loop3A_444 : vector<16xf32>
        %parallel_loop3A_446 = arith.constant 8192 : i32
        %parallel_loop3A_447 = vector.broadcast %parallel_loop3A_446 : i32 to vector<16xi32>
        %parallel_loop3A_448 = arith.addi %parallel_loop3A_49, %parallel_loop3A_447 : vector<16xi32>
        %parallel_loop3A_449 = tpu.vector_load_idx %arg5[%parallel_loop3A_448] : memref<16384xf32, #tpu.memory_space<vmem>>[vector<16xi32>], vector<16xf32>,
        %parallel_loop3A_450 = arith.addf %parallel_loop3A_445, %parallel_loop3A_449 : vector<16xf32>
        %parallel_loop3A_451 = arith.constant 8192 : i32
        %parallel_loop3A_452 = vector.broadcast %parallel_loop3A_451 : i32 to vector<16xi32>
        %parallel_loop3A_453 = arith.addi %parallel_loop3A_55, %parallel_loop3A_452 : vector<16xi32>
        %parallel_loop3A_454 = tpu.vector_load_idx %arg5[%parallel_loop3A_453] : memref<16384xf32, #tpu.memory_space<vmem>>[vector<16xi32>], vector<16xf32>,
        %parallel_loop3A_455 = arith.addf %parallel_loop3A_450, %parallel_loop3A_454 : vector<16xf32>
        %parallel_loop3A_456 = arith.constant 8192 : i32
        %parallel_loop3A_457 = vector.broadcast %parallel_loop3A_456 : i32 to vector<16xi32>
        %parallel_loop3A_458 = arith.addi %parallel_loop3A_61, %parallel_loop3A_457 : vector<16xi32>
        %parallel_loop3A_459 = tpu.vector_load_idx %arg5[%parallel_loop3A_458] : memref<16384xf32, #tpu.memory_space<vmem>>[vector<16xi32>], vector<16xf32>,
        %parallel_loop3A_460 = arith.addf %parallel_loop3A_455, %parallel_loop3A_459 : vector<16xf32>
        %parallel_loop3A_461 = arith.constant 16 : i32
        %parallel_loop3A_462 = arith.muli %parallel_loop3A_13, %parallel_loop3A_461 : i32
        %parallel_loop3A_463 = arith.constant 8 : i32
        %parallel_loop3A_464 = arith.index_cast %parallel_loop3A_463 : i32 to index
        %parallel_loop3A_465 = arith.index_cast %parallel_loop3A_462 : i32 to index
        %parallel_loop3A_466 = tpu.vector_load %arg7[%parallel_loop3A_464, %parallel_loop3A_465] {strides = array<i32>} : memref<16x2048xf32, #tpu.memory_space<vmem>>, vector<16xf32>,
        tpu.vector_store %arg7[%parallel_loop3A_464, %parallel_loop3A_465], %parallel_loop3A_460 {strides = array<i32>} : memref<16x2048xf32, #tpu.memory_space<vmem>>, vector<16xf32>,
        %parallel_loop3A_467 = arith.constant 9216 : i32
        %parallel_loop3A_468 = vector.broadcast %parallel_loop3A_467 : i32 to vector<16xi32>
        %parallel_loop3A_469 = arith.addi %parallel_loop3A_19, %parallel_loop3A_468 : vector<16xi32>
        %parallel_loop3A_470 = tpu.vector_load_idx %arg5[%parallel_loop3A_469] : memref<16384xf32, #tpu.memory_space<vmem>>[vector<16xi32>], vector<16xf32>,
        %parallel_loop3A_471 = arith.constant 9216 : i32
        %parallel_loop3A_472 = vector.broadcast %parallel_loop3A_471 : i32 to vector<16xi32>
        %parallel_loop3A_473 = arith.addi %parallel_loop3A_25, %parallel_loop3A_472 : vector<16xi32>
        %parallel_loop3A_474 = tpu.vector_load_idx %arg5[%parallel_loop3A_473] : memref<16384xf32, #tpu.memory_space<vmem>>[vector<16xi32>], vector<16xf32>,
        %parallel_loop3A_475 = arith.addf %parallel_loop3A_470, %parallel_loop3A_474 : vector<16xf32>
        %parallel_loop3A_476 = arith.constant 9216 : i32
        %parallel_loop3A_477 = vector.broadcast %parallel_loop3A_476 : i32 to vector<16xi32>
        %parallel_loop3A_478 = arith.addi %parallel_loop3A_31, %parallel_loop3A_477 : vector<16xi32>
        %parallel_loop3A_479 = tpu.vector_load_idx %arg5[%parallel_loop3A_478] : memref<16384xf32, #tpu.memory_space<vmem>>[vector<16xi32>], vector<16xf32>,
        %parallel_loop3A_480 = arith.addf %parallel_loop3A_475, %parallel_loop3A_479 : vector<16xf32>
        %parallel_loop3A_481 = arith.constant 9216 : i32
        %parallel_loop3A_482 = vector.broadcast %parallel_loop3A_481 : i32 to vector<16xi32>
        %parallel_loop3A_483 = arith.addi %parallel_loop3A_37, %parallel_loop3A_482 : vector<16xi32>
        %parallel_loop3A_484 = tpu.vector_load_idx %arg5[%parallel_loop3A_483] : memref<16384xf32, #tpu.memory_space<vmem>>[vector<16xi32>], vector<16xf32>,
        %parallel_loop3A_485 = arith.addf %parallel_loop3A_480, %parallel_loop3A_484 : vector<16xf32>
        %parallel_loop3A_486 = arith.constant 9216 : i32
        %parallel_loop3A_487 = vector.broadcast %parallel_loop3A_486 : i32 to vector<16xi32>
        %parallel_loop3A_488 = arith.addi %parallel_loop3A_43, %parallel_loop3A_487 : vector<16xi32>
        %parallel_loop3A_489 = tpu.vector_load_idx %arg5[%parallel_loop3A_488] : memref<16384xf32, #tpu.memory_space<vmem>>[vector<16xi32>], vector<16xf32>,
        %parallel_loop3A_490 = arith.addf %parallel_loop3A_485, %parallel_loop3A_489 : vector<16xf32>
        %parallel_loop3A_491 = arith.constant 9216 : i32
        %parallel_loop3A_492 = vector.broadcast %parallel_loop3A_491 : i32 to vector<16xi32>
        %parallel_loop3A_493 = arith.addi %parallel_loop3A_49, %parallel_loop3A_492 : vector<16xi32>
        %parallel_loop3A_494 = tpu.vector_load_idx %arg5[%parallel_loop3A_493] : memref<16384xf32, #tpu.memory_space<vmem>>[vector<16xi32>], vector<16xf32>,
        %parallel_loop3A_495 = arith.addf %parallel_loop3A_490, %parallel_loop3A_494 : vector<16xf32>
        %parallel_loop3A_496 = arith.constant 9216 : i32
        %parallel_loop3A_497 = vector.broadcast %parallel_loop3A_496 : i32 to vector<16xi32>
        %parallel_loop3A_498 = arith.addi %parallel_loop3A_55, %parallel_loop3A_497 : vector<16xi32>
        %parallel_loop3A_499 = tpu.vector_load_idx %arg5[%parallel_loop3A_498] : memref<16384xf32, #tpu.memory_space<vmem>>[vector<16xi32>], vector<16xf32>,
        %parallel_loop3A_500 = arith.addf %parallel_loop3A_495, %parallel_loop3A_499 : vector<16xf32>
        %parallel_loop3A_501 = arith.constant 9216 : i32
        %parallel_loop3A_502 = vector.broadcast %parallel_loop3A_501 : i32 to vector<16xi32>
        %parallel_loop3A_503 = arith.addi %parallel_loop3A_61, %parallel_loop3A_502 : vector<16xi32>
        %parallel_loop3A_504 = tpu.vector_load_idx %arg5[%parallel_loop3A_503] : memref<16384xf32, #tpu.memory_space<vmem>>[vector<16xi32>], vector<16xf32>,
        %parallel_loop3A_505 = arith.addf %parallel_loop3A_500, %parallel_loop3A_504 : vector<16xf32>
        %parallel_loop3A_506 = arith.constant 16 : i32
        %parallel_loop3A_507 = arith.muli %parallel_loop3A_13, %parallel_loop3A_506 : i32
        %parallel_loop3A_508 = arith.constant 9 : i32
        %parallel_loop3A_509 = arith.index_cast %parallel_loop3A_508 : i32 to index
        %parallel_loop3A_510 = arith.index_cast %parallel_loop3A_507 : i32 to index
        %parallel_loop3A_511 = tpu.vector_load %arg7[%parallel_loop3A_509, %parallel_loop3A_510] {strides = array<i32>} : memref<16x2048xf32, #tpu.memory_space<vmem>>, vector<16xf32>,
        tpu.vector_store %arg7[%parallel_loop3A_509, %parallel_loop3A_510], %parallel_loop3A_505 {strides = array<i32>} : memref<16x2048xf32, #tpu.memory_space<vmem>>, vector<16xf32>,
        %parallel_loop3A_512 = arith.constant 10240 : i32
        %parallel_loop3A_513 = vector.broadcast %parallel_loop3A_512 : i32 to vector<16xi32>
        %parallel_loop3A_514 = arith.addi %parallel_loop3A_19, %parallel_loop3A_513 : vector<16xi32>
        %parallel_loop3A_515 = tpu.vector_load_idx %arg5[%parallel_loop3A_514] : memref<16384xf32, #tpu.memory_space<vmem>>[vector<16xi32>], vector<16xf32>,
        %parallel_loop3A_516 = arith.constant 10240 : i32
        %parallel_loop3A_517 = vector.broadcast %parallel_loop3A_516 : i32 to vector<16xi32>
        %parallel_loop3A_518 = arith.addi %parallel_loop3A_25, %parallel_loop3A_517 : vector<16xi32>
        %parallel_loop3A_519 = tpu.vector_load_idx %arg5[%parallel_loop3A_518] : memref<16384xf32, #tpu.memory_space<vmem>>[vector<16xi32>], vector<16xf32>,
        %parallel_loop3A_520 = arith.addf %parallel_loop3A_515, %parallel_loop3A_519 : vector<16xf32>
        %parallel_loop3A_521 = arith.constant 10240 : i32
        %parallel_loop3A_522 = vector.broadcast %parallel_loop3A_521 : i32 to vector<16xi32>
        %parallel_loop3A_523 = arith.addi %parallel_loop3A_31, %parallel_loop3A_522 : vector<16xi32>
        %parallel_loop3A_524 = tpu.vector_load_idx %arg5[%parallel_loop3A_523] : memref<16384xf32, #tpu.memory_space<vmem>>[vector<16xi32>], vector<16xf32>,
        %parallel_loop3A_525 = arith.addf %parallel_loop3A_520, %parallel_loop3A_524 : vector<16xf32>
        %parallel_loop3A_526 = arith.constant 10240 : i32
        %parallel_loop3A_527 = vector.broadcast %parallel_loop3A_526 : i32 to vector<16xi32>
        %parallel_loop3A_528 = arith.addi %parallel_loop3A_37, %parallel_loop3A_527 : vector<16xi32>
        %parallel_loop3A_529 = tpu.vector_load_idx %arg5[%parallel_loop3A_528] : memref<16384xf32, #tpu.memory_space<vmem>>[vector<16xi32>], vector<16xf32>,
        %parallel_loop3A_530 = arith.addf %parallel_loop3A_525, %parallel_loop3A_529 : vector<16xf32>
        %parallel_loop3A_531 = arith.constant 10240 : i32
        %parallel_loop3A_532 = vector.broadcast %parallel_loop3A_531 : i32 to vector<16xi32>
        %parallel_loop3A_533 = arith.addi %parallel_loop3A_43, %parallel_loop3A_532 : vector<16xi32>
        %parallel_loop3A_534 = tpu.vector_load_idx %arg5[%parallel_loop3A_533] : memref<16384xf32, #tpu.memory_space<vmem>>[vector<16xi32>], vector<16xf32>,
        %parallel_loop3A_535 = arith.addf %parallel_loop3A_530, %parallel_loop3A_534 : vector<16xf32>
        %parallel_loop3A_536 = arith.constant 10240 : i32
        %parallel_loop3A_537 = vector.broadcast %parallel_loop3A_536 : i32 to vector<16xi32>
        %parallel_loop3A_538 = arith.addi %parallel_loop3A_49, %parallel_loop3A_537 : vector<16xi32>
        %parallel_loop3A_539 = tpu.vector_load_idx %arg5[%parallel_loop3A_538] : memref<16384xf32, #tpu.memory_space<vmem>>[vector<16xi32>], vector<16xf32>,
        %parallel_loop3A_540 = arith.addf %parallel_loop3A_535, %parallel_loop3A_539 : vector<16xf32>
        %parallel_loop3A_541 = arith.constant 10240 : i32
        %parallel_loop3A_542 = vector.broadcast %parallel_loop3A_541 : i32 to vector<16xi32>
        %parallel_loop3A_543 = arith.addi %parallel_loop3A_55, %parallel_loop3A_542 : vector<16xi32>
        %parallel_loop3A_544 = tpu.vector_load_idx %arg5[%parallel_loop3A_543] : memref<16384xf32, #tpu.memory_space<vmem>>[vector<16xi32>], vector<16xf32>,
        %parallel_loop3A_545 = arith.addf %parallel_loop3A_540, %parallel_loop3A_544 : vector<16xf32>
        %parallel_loop3A_546 = arith.constant 10240 : i32
        %parallel_loop3A_547 = vector.broadcast %parallel_loop3A_546 : i32 to vector<16xi32>
        %parallel_loop3A_548 = arith.addi %parallel_loop3A_61, %parallel_loop3A_547 : vector<16xi32>
        %parallel_loop3A_549 = tpu.vector_load_idx %arg5[%parallel_loop3A_548] : memref<16384xf32, #tpu.memory_space<vmem>>[vector<16xi32>], vector<16xf32>,
        %parallel_loop3A_550 = arith.addf %parallel_loop3A_545, %parallel_loop3A_549 : vector<16xf32>
        %parallel_loop3A_551 = arith.constant 16 : i32
        %parallel_loop3A_552 = arith.muli %parallel_loop3A_13, %parallel_loop3A_551 : i32
        %parallel_loop3A_553 = arith.constant 10 : i32
        %parallel_loop3A_554 = arith.index_cast %parallel_loop3A_553 : i32 to index
        %parallel_loop3A_555 = arith.index_cast %parallel_loop3A_552 : i32 to index
        %parallel_loop3A_556 = tpu.vector_load %arg7[%parallel_loop3A_554, %parallel_loop3A_555] {strides = array<i32>} : memref<16x2048xf32, #tpu.memory_space<vmem>>, vector<16xf32>,
        tpu.vector_store %arg7[%parallel_loop3A_554, %parallel_loop3A_555], %parallel_loop3A_550 {strides = array<i32>} : memref<16x2048xf32, #tpu.memory_space<vmem>>, vector<16xf32>,
        %parallel_loop3A_557 = arith.constant 11264 : i32
        %parallel_loop3A_558 = vector.broadcast %parallel_loop3A_557 : i32 to vector<16xi32>
        %parallel_loop3A_559 = arith.addi %parallel_loop3A_19, %parallel_loop3A_558 : vector<16xi32>
        %parallel_loop3A_560 = tpu.vector_load_idx %arg5[%parallel_loop3A_559] : memref<16384xf32, #tpu.memory_space<vmem>>[vector<16xi32>], vector<16xf32>,
        %parallel_loop3A_561 = arith.constant 11264 : i32
        %parallel_loop3A_562 = vector.broadcast %parallel_loop3A_561 : i32 to vector<16xi32>
        %parallel_loop3A_563 = arith.addi %parallel_loop3A_25, %parallel_loop3A_562 : vector<16xi32>
        %parallel_loop3A_564 = tpu.vector_load_idx %arg5[%parallel_loop3A_563] : memref<16384xf32, #tpu.memory_space<vmem>>[vector<16xi32>], vector<16xf32>,
        %parallel_loop3A_565 = arith.addf %parallel_loop3A_560, %parallel_loop3A_564 : vector<16xf32>
        %parallel_loop3A_566 = arith.constant 11264 : i32
        %parallel_loop3A_567 = vector.broadcast %parallel_loop3A_566 : i32 to vector<16xi32>
        %parallel_loop3A_568 = arith.addi %parallel_loop3A_31, %parallel_loop3A_567 : vector<16xi32>
        %parallel_loop3A_569 = tpu.vector_load_idx %arg5[%parallel_loop3A_568] : memref<16384xf32, #tpu.memory_space<vmem>>[vector<16xi32>], vector<16xf32>,
        %parallel_loop3A_570 = arith.addf %parallel_loop3A_565, %parallel_loop3A_569 : vector<16xf32>
        %parallel_loop3A_571 = arith.constant 11264 : i32
        %parallel_loop3A_572 = vector.broadcast %parallel_loop3A_571 : i32 to vector<16xi32>
        %parallel_loop3A_573 = arith.addi %parallel_loop3A_37, %parallel_loop3A_572 : vector<16xi32>
        %parallel_loop3A_574 = tpu.vector_load_idx %arg5[%parallel_loop3A_573] : memref<16384xf32, #tpu.memory_space<vmem>>[vector<16xi32>], vector<16xf32>,
        %parallel_loop3A_575 = arith.addf %parallel_loop3A_570, %parallel_loop3A_574 : vector<16xf32>
        %parallel_loop3A_576 = arith.constant 11264 : i32
        %parallel_loop3A_577 = vector.broadcast %parallel_loop3A_576 : i32 to vector<16xi32>
        %parallel_loop3A_578 = arith.addi %parallel_loop3A_43, %parallel_loop3A_577 : vector<16xi32>
        %parallel_loop3A_579 = tpu.vector_load_idx %arg5[%parallel_loop3A_578] : memref<16384xf32, #tpu.memory_space<vmem>>[vector<16xi32>], vector<16xf32>,
        %parallel_loop3A_580 = arith.addf %parallel_loop3A_575, %parallel_loop3A_579 : vector<16xf32>
        %parallel_loop3A_581 = arith.constant 11264 : i32
        %parallel_loop3A_582 = vector.broadcast %parallel_loop3A_581 : i32 to vector<16xi32>
        %parallel_loop3A_583 = arith.addi %parallel_loop3A_49, %parallel_loop3A_582 : vector<16xi32>
        %parallel_loop3A_584 = tpu.vector_load_idx %arg5[%parallel_loop3A_583] : memref<16384xf32, #tpu.memory_space<vmem>>[vector<16xi32>], vector<16xf32>,
        %parallel_loop3A_585 = arith.addf %parallel_loop3A_580, %parallel_loop3A_584 : vector<16xf32>
        %parallel_loop3A_586 = arith.constant 11264 : i32
        %parallel_loop3A_587 = vector.broadcast %parallel_loop3A_586 : i32 to vector<16xi32>
        %parallel_loop3A_588 = arith.addi %parallel_loop3A_55, %parallel_loop3A_587 : vector<16xi32>
        %parallel_loop3A_589 = tpu.vector_load_idx %arg5[%parallel_loop3A_588] : memref<16384xf32, #tpu.memory_space<vmem>>[vector<16xi32>], vector<16xf32>,
        %parallel_loop3A_590 = arith.addf %parallel_loop3A_585, %parallel_loop3A_589 : vector<16xf32>
        %parallel_loop3A_591 = arith.constant 11264 : i32
        %parallel_loop3A_592 = vector.broadcast %parallel_loop3A_591 : i32 to vector<16xi32>
        %parallel_loop3A_593 = arith.addi %parallel_loop3A_61, %parallel_loop3A_592 : vector<16xi32>
        %parallel_loop3A_594 = tpu.vector_load_idx %arg5[%parallel_loop3A_593] : memref<16384xf32, #tpu.memory_space<vmem>>[vector<16xi32>], vector<16xf32>,
        %parallel_loop3A_595 = arith.addf %parallel_loop3A_590, %parallel_loop3A_594 : vector<16xf32>
        %parallel_loop3A_596 = arith.constant 16 : i32
        %parallel_loop3A_597 = arith.muli %parallel_loop3A_13, %parallel_loop3A_596 : i32
        %parallel_loop3A_598 = arith.constant 11 : i32
        %parallel_loop3A_599 = arith.index_cast %parallel_loop3A_598 : i32 to index
        %parallel_loop3A_600 = arith.index_cast %parallel_loop3A_597 : i32 to index
        %parallel_loop3A_601 = tpu.vector_load %arg7[%parallel_loop3A_599, %parallel_loop3A_600] {strides = array<i32>} : memref<16x2048xf32, #tpu.memory_space<vmem>>, vector<16xf32>,
        tpu.vector_store %arg7[%parallel_loop3A_599, %parallel_loop3A_600], %parallel_loop3A_595 {strides = array<i32>} : memref<16x2048xf32, #tpu.memory_space<vmem>>, vector<16xf32>,
        %parallel_loop3A_602 = arith.constant 12288 : i32
        %parallel_loop3A_603 = vector.broadcast %parallel_loop3A_602 : i32 to vector<16xi32>
        %parallel_loop3A_604 = arith.addi %parallel_loop3A_19, %parallel_loop3A_603 : vector<16xi32>
        %parallel_loop3A_605 = tpu.vector_load_idx %arg5[%parallel_loop3A_604] : memref<16384xf32, #tpu.memory_space<vmem>>[vector<16xi32>], vector<16xf32>,
        %parallel_loop3A_606 = arith.constant 12288 : i32
        %parallel_loop3A_607 = vector.broadcast %parallel_loop3A_606 : i32 to vector<16xi32>
        %parallel_loop3A_608 = arith.addi %parallel_loop3A_25, %parallel_loop3A_607 : vector<16xi32>
        %parallel_loop3A_609 = tpu.vector_load_idx %arg5[%parallel_loop3A_608] : memref<16384xf32, #tpu.memory_space<vmem>>[vector<16xi32>], vector<16xf32>,
        %parallel_loop3A_610 = arith.addf %parallel_loop3A_605, %parallel_loop3A_609 : vector<16xf32>
        %parallel_loop3A_611 = arith.constant 12288 : i32
        %parallel_loop3A_612 = vector.broadcast %parallel_loop3A_611 : i32 to vector<16xi32>
        %parallel_loop3A_613 = arith.addi %parallel_loop3A_31, %parallel_loop3A_612 : vector<16xi32>
        %parallel_loop3A_614 = tpu.vector_load_idx %arg5[%parallel_loop3A_613] : memref<16384xf32, #tpu.memory_space<vmem>>[vector<16xi32>], vector<16xf32>,
        %parallel_loop3A_615 = arith.addf %parallel_loop3A_610, %parallel_loop3A_614 : vector<16xf32>
        %parallel_loop3A_616 = arith.constant 12288 : i32
        %parallel_loop3A_617 = vector.broadcast %parallel_loop3A_616 : i32 to vector<16xi32>
        %parallel_loop3A_618 = arith.addi %parallel_loop3A_37, %parallel_loop3A_617 : vector<16xi32>
        %parallel_loop3A_619 = tpu.vector_load_idx %arg5[%parallel_loop3A_618] : memref<16384xf32, #tpu.memory_space<vmem>>[vector<16xi32>], vector<16xf32>,
        %parallel_loop3A_620 = arith.addf %parallel_loop3A_615, %parallel_loop3A_619 : vector<16xf32>
        %parallel_loop3A_621 = arith.constant 12288 : i32
        %parallel_loop3A_622 = vector.broadcast %parallel_loop3A_621 : i32 to vector<16xi32>
        %parallel_loop3A_623 = arith.addi %parallel_loop3A_43, %parallel_loop3A_622 : vector<16xi32>
        %parallel_loop3A_624 = tpu.vector_load_idx %arg5[%parallel_loop3A_623] : memref<16384xf32, #tpu.memory_space<vmem>>[vector<16xi32>], vector<16xf32>,
        %parallel_loop3A_625 = arith.addf %parallel_loop3A_620, %parallel_loop3A_624 : vector<16xf32>
        %parallel_loop3A_626 = arith.constant 12288 : i32
        %parallel_loop3A_627 = vector.broadcast %parallel_loop3A_626 : i32 to vector<16xi32>
        %parallel_loop3A_628 = arith.addi %parallel_loop3A_49, %parallel_loop3A_627 : vector<16xi32>
        %parallel_loop3A_629 = tpu.vector_load_idx %arg5[%parallel_loop3A_628] : memref<16384xf32, #tpu.memory_space<vmem>>[vector<16xi32>], vector<16xf32>,
        %parallel_loop3A_630 = arith.addf %parallel_loop3A_625, %parallel_loop3A_629 : vector<16xf32>
        %parallel_loop3A_631 = arith.constant 12288 : i32
        %parallel_loop3A_632 = vector.broadcast %parallel_loop3A_631 : i32 to vector<16xi32>
        %parallel_loop3A_633 = arith.addi %parallel_loop3A_55, %parallel_loop3A_632 : vector<16xi32>
        %parallel_loop3A_634 = tpu.vector_load_idx %arg5[%parallel_loop3A_633] : memref<16384xf32, #tpu.memory_space<vmem>>[vector<16xi32>], vector<16xf32>,
        %parallel_loop3A_635 = arith.addf %parallel_loop3A_630, %parallel_loop3A_634 : vector<16xf32>
        %parallel_loop3A_636 = arith.constant 12288 : i32
        %parallel_loop3A_637 = vector.broadcast %parallel_loop3A_636 : i32 to vector<16xi32>
        %parallel_loop3A_638 = arith.addi %parallel_loop3A_61, %parallel_loop3A_637 : vector<16xi32>
        %parallel_loop3A_639 = tpu.vector_load_idx %arg5[%parallel_loop3A_638] : memref<16384xf32, #tpu.memory_space<vmem>>[vector<16xi32>], vector<16xf32>,
        %parallel_loop3A_640 = arith.addf %parallel_loop3A_635, %parallel_loop3A_639 : vector<16xf32>
        %parallel_loop3A_641 = arith.constant 16 : i32
        %parallel_loop3A_642 = arith.muli %parallel_loop3A_13, %parallel_loop3A_641 : i32
        %parallel_loop3A_643 = arith.constant 12 : i32
        %parallel_loop3A_644 = arith.index_cast %parallel_loop3A_643 : i32 to index
        %parallel_loop3A_645 = arith.index_cast %parallel_loop3A_642 : i32 to index
        %parallel_loop3A_646 = tpu.vector_load %arg7[%parallel_loop3A_644, %parallel_loop3A_645] {strides = array<i32>} : memref<16x2048xf32, #tpu.memory_space<vmem>>, vector<16xf32>,
        tpu.vector_store %arg7[%parallel_loop3A_644, %parallel_loop3A_645], %parallel_loop3A_640 {strides = array<i32>} : memref<16x2048xf32, #tpu.memory_space<vmem>>, vector<16xf32>,
        %parallel_loop3A_647 = arith.constant 13312 : i32
        %parallel_loop3A_648 = vector.broadcast %parallel_loop3A_647 : i32 to vector<16xi32>
        %parallel_loop3A_649 = arith.addi %parallel_loop3A_19, %parallel_loop3A_648 : vector<16xi32>
        %parallel_loop3A_650 = tpu.vector_load_idx %arg5[%parallel_loop3A_649] : memref<16384xf32, #tpu.memory_space<vmem>>[vector<16xi32>], vector<16xf32>,
        %parallel_loop3A_651 = arith.constant 13312 : i32
        %parallel_loop3A_652 = vector.broadcast %parallel_loop3A_651 : i32 to vector<16xi32>
        %parallel_loop3A_653 = arith.addi %parallel_loop3A_25, %parallel_loop3A_652 : vector<16xi32>
        %parallel_loop3A_654 = tpu.vector_load_idx %arg5[%parallel_loop3A_653] : memref<16384xf32, #tpu.memory_space<vmem>>[vector<16xi32>], vector<16xf32>,
        %parallel_loop3A_655 = arith.addf %parallel_loop3A_650, %parallel_loop3A_654 : vector<16xf32>
        %parallel_loop3A_656 = arith.constant 13312 : i32
        %parallel_loop3A_657 = vector.broadcast %parallel_loop3A_656 : i32 to vector<16xi32>
        %parallel_loop3A_658 = arith.addi %parallel_loop3A_31, %parallel_loop3A_657 : vector<16xi32>
        %parallel_loop3A_659 = tpu.vector_load_idx %arg5[%parallel_loop3A_658] : memref<16384xf32, #tpu.memory_space<vmem>>[vector<16xi32>], vector<16xf32>,
        %parallel_loop3A_660 = arith.addf %parallel_loop3A_655, %parallel_loop3A_659 : vector<16xf32>
        %parallel_loop3A_661 = arith.constant 13312 : i32
        %parallel_loop3A_662 = vector.broadcast %parallel_loop3A_661 : i32 to vector<16xi32>
        %parallel_loop3A_663 = arith.addi %parallel_loop3A_37, %parallel_loop3A_662 : vector<16xi32>
        %parallel_loop3A_664 = tpu.vector_load_idx %arg5[%parallel_loop3A_663] : memref<16384xf32, #tpu.memory_space<vmem>>[vector<16xi32>], vector<16xf32>,
        %parallel_loop3A_665 = arith.addf %parallel_loop3A_660, %parallel_loop3A_664 : vector<16xf32>
        %parallel_loop3A_666 = arith.constant 13312 : i32
        %parallel_loop3A_667 = vector.broadcast %parallel_loop3A_666 : i32 to vector<16xi32>
        %parallel_loop3A_668 = arith.addi %parallel_loop3A_43, %parallel_loop3A_667 : vector<16xi32>
        %parallel_loop3A_669 = tpu.vector_load_idx %arg5[%parallel_loop3A_668] : memref<16384xf32, #tpu.memory_space<vmem>>[vector<16xi32>], vector<16xf32>,
        %parallel_loop3A_670 = arith.addf %parallel_loop3A_665, %parallel_loop3A_669 : vector<16xf32>
        %parallel_loop3A_671 = arith.constant 13312 : i32
        %parallel_loop3A_672 = vector.broadcast %parallel_loop3A_671 : i32 to vector<16xi32>
        %parallel_loop3A_673 = arith.addi %parallel_loop3A_49, %parallel_loop3A_672 : vector<16xi32>
        %parallel_loop3A_674 = tpu.vector_load_idx %arg5[%parallel_loop3A_673] : memref<16384xf32, #tpu.memory_space<vmem>>[vector<16xi32>], vector<16xf32>,
        %parallel_loop3A_675 = arith.addf %parallel_loop3A_670, %parallel_loop3A_674 : vector<16xf32>
        %parallel_loop3A_676 = arith.constant 13312 : i32
        %parallel_loop3A_677 = vector.broadcast %parallel_loop3A_676 : i32 to vector<16xi32>
        %parallel_loop3A_678 = arith.addi %parallel_loop3A_55, %parallel_loop3A_677 : vector<16xi32>
        %parallel_loop3A_679 = tpu.vector_load_idx %arg5[%parallel_loop3A_678] : memref<16384xf32, #tpu.memory_space<vmem>>[vector<16xi32>], vector<16xf32>,
        %parallel_loop3A_680 = arith.addf %parallel_loop3A_675, %parallel_loop3A_679 : vector<16xf32>
        %parallel_loop3A_681 = arith.constant 13312 : i32
        %parallel_loop3A_682 = vector.broadcast %parallel_loop3A_681 : i32 to vector<16xi32>
        %parallel_loop3A_683 = arith.addi %parallel_loop3A_61, %parallel_loop3A_682 : vector<16xi32>
        %parallel_loop3A_684 = tpu.vector_load_idx %arg5[%parallel_loop3A_683] : memref<16384xf32, #tpu.memory_space<vmem>>[vector<16xi32>], vector<16xf32>,
        %parallel_loop3A_685 = arith.addf %parallel_loop3A_680, %parallel_loop3A_684 : vector<16xf32>
        %parallel_loop3A_686 = arith.constant 16 : i32
        %parallel_loop3A_687 = arith.muli %parallel_loop3A_13, %parallel_loop3A_686 : i32
        %parallel_loop3A_688 = arith.constant 13 : i32
        %parallel_loop3A_689 = arith.index_cast %parallel_loop3A_688 : i32 to index
        %parallel_loop3A_690 = arith.index_cast %parallel_loop3A_687 : i32 to index
        %parallel_loop3A_691 = tpu.vector_load %arg7[%parallel_loop3A_689, %parallel_loop3A_690] {strides = array<i32>} : memref<16x2048xf32, #tpu.memory_space<vmem>>, vector<16xf32>,
        tpu.vector_store %arg7[%parallel_loop3A_689, %parallel_loop3A_690], %parallel_loop3A_685 {strides = array<i32>} : memref<16x2048xf32, #tpu.memory_space<vmem>>, vector<16xf32>,
        %parallel_loop3A_692 = arith.constant 14336 : i32
        %parallel_loop3A_693 = vector.broadcast %parallel_loop3A_692 : i32 to vector<16xi32>
        %parallel_loop3A_694 = arith.addi %parallel_loop3A_19, %parallel_loop3A_693 : vector<16xi32>
        %parallel_loop3A_695 = tpu.vector_load_idx %arg5[%parallel_loop3A_694] : memref<16384xf32, #tpu.memory_space<vmem>>[vector<16xi32>], vector<16xf32>,
        %parallel_loop3A_696 = arith.constant 14336 : i32
        %parallel_loop3A_697 = vector.broadcast %parallel_loop3A_696 : i32 to vector<16xi32>
        %parallel_loop3A_698 = arith.addi %parallel_loop3A_25, %parallel_loop3A_697 : vector<16xi32>
        %parallel_loop3A_699 = tpu.vector_load_idx %arg5[%parallel_loop3A_698] : memref<16384xf32, #tpu.memory_space<vmem>>[vector<16xi32>], vector<16xf32>,
        %parallel_loop3A_700 = arith.addf %parallel_loop3A_695, %parallel_loop3A_699 : vector<16xf32>
        %parallel_loop3A_701 = arith.constant 14336 : i32
        %parallel_loop3A_702 = vector.broadcast %parallel_loop3A_701 : i32 to vector<16xi32>
        %parallel_loop3A_703 = arith.addi %parallel_loop3A_31, %parallel_loop3A_702 : vector<16xi32>
        %parallel_loop3A_704 = tpu.vector_load_idx %arg5[%parallel_loop3A_703] : memref<16384xf32, #tpu.memory_space<vmem>>[vector<16xi32>], vector<16xf32>,
        %parallel_loop3A_705 = arith.addf %parallel_loop3A_700, %parallel_loop3A_704 : vector<16xf32>
        %parallel_loop3A_706 = arith.constant 14336 : i32
        %parallel_loop3A_707 = vector.broadcast %parallel_loop3A_706 : i32 to vector<16xi32>
        %parallel_loop3A_708 = arith.addi %parallel_loop3A_37, %parallel_loop3A_707 : vector<16xi32>
        %parallel_loop3A_709 = tpu.vector_load_idx %arg5[%parallel_loop3A_708] : memref<16384xf32, #tpu.memory_space<vmem>>[vector<16xi32>], vector<16xf32>,
        %parallel_loop3A_710 = arith.addf %parallel_loop3A_705, %parallel_loop3A_709 : vector<16xf32>
        %parallel_loop3A_711 = arith.constant 14336 : i32
        %parallel_loop3A_712 = vector.broadcast %parallel_loop3A_711 : i32 to vector<16xi32>
        %parallel_loop3A_713 = arith.addi %parallel_loop3A_43, %parallel_loop3A_712 : vector<16xi32>
        %parallel_loop3A_714 = tpu.vector_load_idx %arg5[%parallel_loop3A_713] : memref<16384xf32, #tpu.memory_space<vmem>>[vector<16xi32>], vector<16xf32>,
        %parallel_loop3A_715 = arith.addf %parallel_loop3A_710, %parallel_loop3A_714 : vector<16xf32>
        %parallel_loop3A_716 = arith.constant 14336 : i32
        %parallel_loop3A_717 = vector.broadcast %parallel_loop3A_716 : i32 to vector<16xi32>
        %parallel_loop3A_718 = arith.addi %parallel_loop3A_49, %parallel_loop3A_717 : vector<16xi32>
        %parallel_loop3A_719 = tpu.vector_load_idx %arg5[%parallel_loop3A_718] : memref<16384xf32, #tpu.memory_space<vmem>>[vector<16xi32>], vector<16xf32>,
        %parallel_loop3A_720 = arith.addf %parallel_loop3A_715, %parallel_loop3A_719 : vector<16xf32>
        %parallel_loop3A_721 = arith.constant 14336 : i32
        %parallel_loop3A_722 = vector.broadcast %parallel_loop3A_721 : i32 to vector<16xi32>
        %parallel_loop3A_723 = arith.addi %parallel_loop3A_55, %parallel_loop3A_722 : vector<16xi32>
        %parallel_loop3A_724 = tpu.vector_load_idx %arg5[%parallel_loop3A_723] : memref<16384xf32, #tpu.memory_space<vmem>>[vector<16xi32>], vector<16xf32>,
        %parallel_loop3A_725 = arith.addf %parallel_loop3A_720, %parallel_loop3A_724 : vector<16xf32>
        %parallel_loop3A_726 = arith.constant 14336 : i32
        %parallel_loop3A_727 = vector.broadcast %parallel_loop3A_726 : i32 to vector<16xi32>
        %parallel_loop3A_728 = arith.addi %parallel_loop3A_61, %parallel_loop3A_727 : vector<16xi32>
        %parallel_loop3A_729 = tpu.vector_load_idx %arg5[%parallel_loop3A_728] : memref<16384xf32, #tpu.memory_space<vmem>>[vector<16xi32>], vector<16xf32>,
        %parallel_loop3A_730 = arith.addf %parallel_loop3A_725, %parallel_loop3A_729 : vector<16xf32>
        %parallel_loop3A_731 = arith.constant 16 : i32
        %parallel_loop3A_732 = arith.muli %parallel_loop3A_13, %parallel_loop3A_731 : i32
        %parallel_loop3A_733 = arith.constant 14 : i32
        %parallel_loop3A_734 = arith.index_cast %parallel_loop3A_733 : i32 to index
        %parallel_loop3A_735 = arith.index_cast %parallel_loop3A_732 : i32 to index
        %parallel_loop3A_736 = tpu.vector_load %arg7[%parallel_loop3A_734, %parallel_loop3A_735] {strides = array<i32>} : memref<16x2048xf32, #tpu.memory_space<vmem>>, vector<16xf32>,
        tpu.vector_store %arg7[%parallel_loop3A_734, %parallel_loop3A_735], %parallel_loop3A_730 {strides = array<i32>} : memref<16x2048xf32, #tpu.memory_space<vmem>>, vector<16xf32>,
        %parallel_loop3A_737 = arith.constant 15360 : i32
        %parallel_loop3A_738 = vector.broadcast %parallel_loop3A_737 : i32 to vector<16xi32>
        %parallel_loop3A_739 = arith.addi %parallel_loop3A_19, %parallel_loop3A_738 : vector<16xi32>
        %parallel_loop3A_740 = tpu.vector_load_idx %arg5[%parallel_loop3A_739] : memref<16384xf32, #tpu.memory_space<vmem>>[vector<16xi32>], vector<16xf32>,
        %parallel_loop3A_741 = arith.constant 15360 : i32
        %parallel_loop3A_742 = vector.broadcast %parallel_loop3A_741 : i32 to vector<16xi32>
        %parallel_loop3A_743 = arith.addi %parallel_loop3A_25, %parallel_loop3A_742 : vector<16xi32>
        %parallel_loop3A_744 = tpu.vector_load_idx %arg5[%parallel_loop3A_743] : memref<16384xf32, #tpu.memory_space<vmem>>[vector<16xi32>], vector<16xf32>,
        %parallel_loop3A_745 = arith.addf %parallel_loop3A_740, %parallel_loop3A_744 : vector<16xf32>
        %parallel_loop3A_746 = arith.constant 15360 : i32
        %parallel_loop3A_747 = vector.broadcast %parallel_loop3A_746 : i32 to vector<16xi32>
        %parallel_loop3A_748 = arith.addi %parallel_loop3A_31, %parallel_loop3A_747 : vector<16xi32>
        %parallel_loop3A_749 = tpu.vector_load_idx %arg5[%parallel_loop3A_748] : memref<16384xf32, #tpu.memory_space<vmem>>[vector<16xi32>], vector<16xf32>,
        %parallel_loop3A_750 = arith.addf %parallel_loop3A_745, %parallel_loop3A_749 : vector<16xf32>
        %parallel_loop3A_751 = arith.constant 15360 : i32
        %parallel_loop3A_752 = vector.broadcast %parallel_loop3A_751 : i32 to vector<16xi32>
        %parallel_loop3A_753 = arith.addi %parallel_loop3A_37, %parallel_loop3A_752 : vector<16xi32>
        %parallel_loop3A_754 = tpu.vector_load_idx %arg5[%parallel_loop3A_753] : memref<16384xf32, #tpu.memory_space<vmem>>[vector<16xi32>], vector<16xf32>,
        %parallel_loop3A_755 = arith.addf %parallel_loop3A_750, %parallel_loop3A_754 : vector<16xf32>
        %parallel_loop3A_756 = arith.constant 15360 : i32
        %parallel_loop3A_757 = vector.broadcast %parallel_loop3A_756 : i32 to vector<16xi32>
        %parallel_loop3A_758 = arith.addi %parallel_loop3A_43, %parallel_loop3A_757 : vector<16xi32>
        %parallel_loop3A_759 = tpu.vector_load_idx %arg5[%parallel_loop3A_758] : memref<16384xf32, #tpu.memory_space<vmem>>[vector<16xi32>], vector<16xf32>,
        %parallel_loop3A_760 = arith.addf %parallel_loop3A_755, %parallel_loop3A_759 : vector<16xf32>
        %parallel_loop3A_761 = arith.constant 15360 : i32
        %parallel_loop3A_762 = vector.broadcast %parallel_loop3A_761 : i32 to vector<16xi32>
        %parallel_loop3A_763 = arith.addi %parallel_loop3A_49, %parallel_loop3A_762 : vector<16xi32>
        %parallel_loop3A_764 = tpu.vector_load_idx %arg5[%parallel_loop3A_763] : memref<16384xf32, #tpu.memory_space<vmem>>[vector<16xi32>], vector<16xf32>,
        %parallel_loop3A_765 = arith.addf %parallel_loop3A_760, %parallel_loop3A_764 : vector<16xf32>
        %parallel_loop3A_766 = arith.constant 15360 : i32
        %parallel_loop3A_767 = vector.broadcast %parallel_loop3A_766 : i32 to vector<16xi32>
        %parallel_loop3A_768 = arith.addi %parallel_loop3A_55, %parallel_loop3A_767 : vector<16xi32>
        %parallel_loop3A_769 = tpu.vector_load_idx %arg5[%parallel_loop3A_768] : memref<16384xf32, #tpu.memory_space<vmem>>[vector<16xi32>], vector<16xf32>,
        %parallel_loop3A_770 = arith.addf %parallel_loop3A_765, %parallel_loop3A_769 : vector<16xf32>
        %parallel_loop3A_771 = arith.constant 15360 : i32
        %parallel_loop3A_772 = vector.broadcast %parallel_loop3A_771 : i32 to vector<16xi32>
        %parallel_loop3A_773 = arith.addi %parallel_loop3A_61, %parallel_loop3A_772 : vector<16xi32>
        %parallel_loop3A_774 = tpu.vector_load_idx %arg5[%parallel_loop3A_773] : memref<16384xf32, #tpu.memory_space<vmem>>[vector<16xi32>], vector<16xf32>,
        %parallel_loop3A_775 = arith.addf %parallel_loop3A_770, %parallel_loop3A_774 : vector<16xf32>
        %parallel_loop3A_776 = arith.constant 16 : i32
        %parallel_loop3A_777 = arith.muli %parallel_loop3A_13, %parallel_loop3A_776 : i32
        %parallel_loop3A_778 = arith.constant 15 : i32
        %parallel_loop3A_779 = arith.index_cast %parallel_loop3A_778 : i32 to index
        %parallel_loop3A_780 = arith.index_cast %parallel_loop3A_777 : i32 to index
        %parallel_loop3A_781 = tpu.vector_load %arg7[%parallel_loop3A_779, %parallel_loop3A_780] {strides = array<i32>} : memref<16x2048xf32, #tpu.memory_space<vmem>>, vector<16xf32>,
        tpu.vector_store %arg7[%parallel_loop3A_779, %parallel_loop3A_780], %parallel_loop3A_775 {strides = array<i32>} : memref<16x2048xf32, #tpu.memory_space<vmem>>, vector<16xf32>,
      } {sc.loop_unroll_factor = 1 : i64, sc.parallel_access}
      "tpu.region"() ({
        %run_scoped3A = tpu.sem_alloc : memref<!tpu.dma_semaphore, #tpu.memory_space<semaphore_mem>>
        %dma_start3A = arith.constant 0 : i32
        %dma_start3A_13 = tpu.memref_slice %arg4[%arg1, %dma_start3A, %add3A] : memref<16x16x8192xf32, #tpu.memory_space<hbm>> -> memref<1x16x2048xf32, #tpu.memory_space<hbm>>
        %dma_start3A_14 = tpu.memref_squeeze %dma_start3A_13 : memref<1x16x2048xf32, #tpu.memory_space<hbm>> -> memref<16x2048xf32, #tpu.memory_space<hbm>>
        %dma_start3A_15 = arith.constant 0 : i32
        %dma_start3A_16 = tpu.memref_slice %arg4[%arg1, %dma_start3A_15, %add3A] : memref<16x16x8192xf32, #tpu.memory_space<hbm>> -> memref<1x16x2048xf32, #tpu.memory_space<hbm>>
        %dma_start3A_17 = tpu.memref_squeeze %dma_start3A_16 : memref<1x16x2048xf32, #tpu.memory_space<hbm>> -> memref<16x2048xf32, #tpu.memory_space<hbm>>
        tpu.enqueue_dma source(%arg7 : memref<16x2048xf32, #tpu.memory_space<vmem>>) target(%dma_start3A_17 : memref<16x2048xf32, #tpu.memory_space<hbm>>) target_semaphore(%run_scoped3A : memref<!tpu.dma_semaphore, #tpu.memory_space<semaphore_mem>>)
        %dma_wait3A = arith.constant 0 : i32
        %dma_wait3A_18 = tpu.memref_slice %arg4[%arg1, %dma_wait3A, %add3A] : memref<16x16x8192xf32, #tpu.memory_space<hbm>> -> memref<1x16x2048xf32, #tpu.memory_space<hbm>>
        %dma_wait3A_19 = tpu.memref_squeeze %dma_wait3A_18 : memref<1x16x2048xf32, #tpu.memory_space<hbm>> -> memref<16x2048xf32, #tpu.memory_space<hbm>>
        %dma_wait3A_20 = arith.constant 0 : i32
        %dma_wait3A_21 = tpu.memref_slice %arg4[%arg1, %dma_wait3A_20, %add3A] : memref<16x16x8192xf32, #tpu.memory_space<hbm>> -> memref<1x16x2048xf32, #tpu.memory_space<hbm>>
        %dma_wait3A_22 = tpu.memref_squeeze %dma_wait3A_21 : memref<1x16x2048xf32, #tpu.memory_space<hbm>> -> memref<16x2048xf32, #tpu.memory_space<hbm>>
        tpu.wait_dma2 semaphore(%run_scoped3A : memref<!tpu.dma_semaphore, #tpu.memory_space<semaphore_mem>>) src(%arg7 : memref<16x2048xf32, #tpu.memory_space<vmem>>) dst(%dma_wait3A_22 : memref<16x2048xf32, #tpu.memory_space<hbm>>)
        tpu.yield
      }) : () -> ()
    }
    %scan3A_7 = arith.constant 2 : i32
    return
  }
}

#map = affine_map<(d0, d1) -> (0, 0)>
#map1 = affine_map<(d0, d1) -> (0)>
#map2 = affine_map<(d0, d1) -> (0, 0, 0)>
module attributes {stable_mosaic.version = 14 : i64} {
  func.func @_sc_gather_body(%arg0: i32, %arg1: i32, %arg2: memref<8x8192xi32, #tpu.memory_space<hbm>>, %arg3: memref<262144xf32, #tpu.memory_space<hbm>>, %arg4: memref<16x16x8192xf32, #tpu.memory_space<hbm>>, %arg5: memref<16384xf32, #tpu.memory_space<vmem>>, %arg6: memref<8x2048xi32, #tpu.memory_space<vmem>>, %arg7: memref<16x2048xf32, #tpu.memory_space<vmem>>) attributes {dimension_semantics = [#tpu.dimension_semantics<core_parallel>, #tpu.dimension_semantics<subcore_parallel>], iteration_bounds = array<i64: 2, 16>, scalar_prefetch = 0 : i64, scratch_operands = 3 : i64, tpu.core_type = #tpu.core_type<sc_vector_subcore>, window_params = [{transform_indices = #map}, {transform_indices = #map1}, {transform_indices = #map2}]} {
    %mul3A = arith.constant 4096 : i32
    %mul3A_0 = arith.muli %arg0, %mul3A : i32
    %mul3A_1 = arith.constant 16384 : i32
    %mul3A_2 = arith.muli %arg1, %mul3A_1 : i32
    "tpu.region"() ({
      %run_scoped3A = tpu.sem_alloc : memref<!tpu.dma_semaphore, #tpu.memory_space<semaphore_mem>>
      %dma_start3A = tpu.memref_slice %arg3[%mul3A_2] : memref<262144xf32, #tpu.memory_space<hbm>> -> memref<16384xf32, #tpu.memory_space<hbm>>
      %dma_start3A_8 = tpu.memref_slice %arg3[%mul3A_2] : memref<262144xf32, #tpu.memory_space<hbm>> -> memref<16384xf32, #tpu.memory_space<hbm>>
      tpu.enqueue_dma source(%dma_start3A_8 : memref<16384xf32, #tpu.memory_space<hbm>>) target(%arg5 : memref<16384xf32, #tpu.memory_space<vmem>>) target_semaphore(%run_scoped3A : memref<!tpu.dma_semaphore, #tpu.memory_space<semaphore_mem>>)
      %dma_wait3A = tpu.memref_slice %arg3[%mul3A_2] : memref<262144xf32, #tpu.memory_space<hbm>> -> memref<16384xf32, #tpu.memory_space<hbm>>
      %dma_wait3A_9 = tpu.memref_slice %arg3[%mul3A_2] : memref<262144xf32, #tpu.memory_space<hbm>> -> memref<16384xf32, #tpu.memory_space<hbm>>
      tpu.wait_dma2 semaphore(%run_scoped3A : memref<!tpu.dma_semaphore, #tpu.memory_space<semaphore_mem>>) src(%dma_wait3A_9 : memref<16384xf32, #tpu.memory_space<hbm>>) dst(%arg5 : memref<16384xf32, #tpu.memory_space<vmem>>)
      tpu.yield
    }) : () -> ()
    %scan3A = arith.constant 0 : i32
    %scan3A_3 = arith.constant 0 : i32
    %scan3A_4 = arith.constant 2 : i32
    %scan3A_5 = arith.addi %scan3A_3, %scan3A_4 : i32
    %scan3A_6 = arith.constant 1 : i32
    scf.for %scan3A_8 = %scan3A_3 to %scan3A_5 step %scan3A_6  : i32 {
      %mul3A_9 = arith.constant 2048 : i32
      %mul3A_10 = arith.muli %scan3A_8, %mul3A_9 : i32
      %add3A = arith.addi %mul3A_0, %mul3A_10 : i32
      "tpu.region"() ({
        %run_scoped3A = tpu.sem_alloc : memref<!tpu.dma_semaphore, #tpu.memory_space<semaphore_mem>>
        %dma_start3A = arith.constant 0 : i32
        %dma_start3A_13 = tpu.memref_slice %arg2[%dma_start3A, %add3A] : memref<8x8192xi32, #tpu.memory_space<hbm>> -> memref<8x2048xi32, #tpu.memory_space<hbm>>
        %dma_start3A_14 = arith.constant 0 : i32
        %dma_start3A_15 = tpu.memref_slice %arg2[%dma_start3A_14, %add3A] : memref<8x8192xi32, #tpu.memory_space<hbm>> -> memref<8x2048xi32, #tpu.memory_space<hbm>>
        tpu.enqueue_dma source(%dma_start3A_15 : memref<8x2048xi32, #tpu.memory_space<hbm>>) target(%arg6 : memref<8x2048xi32, #tpu.memory_space<vmem>>) target_semaphore(%run_scoped3A : memref<!tpu.dma_semaphore, #tpu.memory_space<semaphore_mem>>)
        %dma_wait3A = arith.constant 0 : i32
        %dma_wait3A_16 = tpu.memref_slice %arg2[%dma_wait3A, %add3A] : memref<8x8192xi32, #tpu.memory_space<hbm>> -> memref<8x2048xi32, #tpu.memory_space<hbm>>
        %dma_wait3A_17 = arith.constant 0 : i32
        %dma_wait3A_18 = tpu.memref_slice %arg2[%dma_wait3A_17, %add3A] : memref<8x8192xi32, #tpu.memory_space<hbm>> -> memref<8x2048xi32, #tpu.memory_space<hbm>>
        tpu.wait_dma2 semaphore(%run_scoped3A : memref<!tpu.dma_semaphore, #tpu.memory_space<semaphore_mem>>) src(%dma_wait3A_18 : memref<8x2048xi32, #tpu.memory_space<hbm>>) dst(%arg6 : memref<8x2048xi32, #tpu.memory_space<vmem>>)
        tpu.yield
      }) : () -> ()
      %parallel_loop3A = arith.constant 0 : i32
      %parallel_loop3A_11 = arith.constant 128 : i32
      %parallel_loop3A_12 = arith.constant 1 : i32
      scf.for %parallel_loop3A_13 = %parallel_loop3A to %parallel_loop3A_11 step %parallel_loop3A_12  : i32 {
        %parallel_loop3A_14 = arith.constant 16 : i32
        %parallel_loop3A_15 = arith.muli %parallel_loop3A_13, %parallel_loop3A_14 : i32
        %parallel_loop3A_16 = arith.constant 0 : i32
        %parallel_loop3A_17 = arith.index_cast %parallel_loop3A_16 : i32 to index
        %parallel_loop3A_18 = arith.index_cast %parallel_loop3A_15 : i32 to index
        %parallel_loop3A_19 = tpu.vector_load %arg6[%parallel_loop3A_17, %parallel_loop3A_18] {strides = array<i32>} : memref<8x2048xi32, #tpu.memory_space<vmem>>, vector<16xi32>,
        %parallel_loop3A_20 = arith.constant 16 : i32
        %parallel_loop3A_21 = arith.muli %parallel_loop3A_13, %parallel_loop3A_20 : i32
        %parallel_loop3A_22 = arith.constant 1 : i32
        %parallel_loop3A_23 = arith.index_cast %parallel_loop3A_22 : i32 to index
        %parallel_loop3A_24 = arith.index_cast %parallel_loop3A_21 : i32 to index
        %parallel_loop3A_25 = tpu.vector_load %arg6[%parallel_loop3A_23, %parallel_loop3A_24] {strides = array<i32>} : memref<8x2048xi32, #tpu.memory_space<vmem>>, vector<16xi32>,
        %parallel_loop3A_26 = arith.constant 16 : i32
        %parallel_loop3A_27 = arith.muli %parallel_loop3A_13, %parallel_loop3A_26 : i32
        %parallel_loop3A_28 = arith.constant 2 : i32
        %parallel_loop3A_29 = arith.index_cast %parallel_loop3A_28 : i32 to index
        %parallel_loop3A_30 = arith.index_cast %parallel_loop3A_27 : i32 to index
        %parallel_loop3A_31 = tpu.vector_load %arg6[%parallel_loop3A_29, %parallel_loop3A_30] {strides = array<i32>} : memref<8x2048xi32, #tpu.memory_space<vmem>>, vector<16xi32>,
        %parallel_loop3A_32 = arith.constant 16 : i32
        %parallel_loop3A_33 = arith.muli %parallel_loop3A_13, %parallel_loop3A_32 : i32
        %parallel_loop3A_34 = arith.constant 3 : i32
        %parallel_loop3A_35 = arith.index_cast %parallel_loop3A_34 : i32 to index
        %parallel_loop3A_36 = arith.index_cast %parallel_loop3A_33 : i32 to index
        %parallel_loop3A_37 = tpu.vector_load %arg6[%parallel_loop3A_35, %parallel_loop3A_36] {strides = array<i32>} : memref<8x2048xi32, #tpu.memory_space<vmem>>, vector<16xi32>,
        %parallel_loop3A_38 = arith.constant 16 : i32
        %parallel_loop3A_39 = arith.muli %parallel_loop3A_13, %parallel_loop3A_38 : i32
        %parallel_loop3A_40 = arith.constant 4 : i32
        %parallel_loop3A_41 = arith.index_cast %parallel_loop3A_40 : i32 to index
        %parallel_loop3A_42 = arith.index_cast %parallel_loop3A_39 : i32 to index
        %parallel_loop3A_43 = tpu.vector_load %arg6[%parallel_loop3A_41, %parallel_loop3A_42] {strides = array<i32>} : memref<8x2048xi32, #tpu.memory_space<vmem>>, vector<16xi32>,
        %parallel_loop3A_44 = arith.constant 16 : i32
        %parallel_loop3A_45 = arith.muli %parallel_loop3A_13, %parallel_loop3A_44 : i32
        %parallel_loop3A_46 = arith.constant 5 : i32
        %parallel_loop3A_47 = arith.index_cast %parallel_loop3A_46 : i32 to index
        %parallel_loop3A_48 = arith.index_cast %parallel_loop3A_45 : i32 to index
        %parallel_loop3A_49 = tpu.vector_load %arg6[%parallel_loop3A_47, %parallel_loop3A_48] {strides = array<i32>} : memref<8x2048xi32, #tpu.memory_space<vmem>>, vector<16xi32>,
        %parallel_loop3A_50 = arith.constant 16 : i32
        %parallel_loop3A_51 = arith.muli %parallel_loop3A_13, %parallel_loop3A_50 : i32
        %parallel_loop3A_52 = arith.constant 6 : i32
        %parallel_loop3A_53 = arith.index_cast %parallel_loop3A_52 : i32 to index
        %parallel_loop3A_54 = arith.index_cast %parallel_loop3A_51 : i32 to index
        %parallel_loop3A_55 = tpu.vector_load %arg6[%parallel_loop3A_53, %parallel_loop3A_54] {strides = array<i32>} : memref<8x2048xi32, #tpu.memory_space<vmem>>, vector<16xi32>,
        %parallel_loop3A_56 = arith.constant 16 : i32
        %parallel_loop3A_57 = arith.muli %parallel_loop3A_13, %parallel_loop3A_56 : i32
        %parallel_loop3A_58 = arith.constant 7 : i32
        %parallel_loop3A_59 = arith.index_cast %parallel_loop3A_58 : i32 to index
        %parallel_loop3A_60 = arith.index_cast %parallel_loop3A_57 : i32 to index
        %parallel_loop3A_61 = tpu.vector_load %arg6[%parallel_loop3A_59, %parallel_loop3A_60] {strides = array<i32>} : memref<8x2048xi32, #tpu.memory_space<vmem>>, vector<16xi32>,
        %parallel_loop3A_62 = arith.constant 0 : i32
        %parallel_loop3A_63 = vector.broadcast %parallel_loop3A_62 : i32 to vector<16xi32>
        %parallel_loop3A_64 = arith.addi %parallel_loop3A_19, %parallel_loop3A_63 : vector<16xi32>
        %parallel_loop3A_65 = tpu.vector_load_idx %arg5[%parallel_loop3A_64] : memref<16384xf32, #tpu.memory_space<vmem>>[vector<16xi32>], vector<16xf32>,
        %parallel_loop3A_66 = arith.constant 0 : i32
        %parallel_loop3A_67 = vector.broadcast %parallel_loop3A_66 : i32 to vector<16xi32>
        %parallel_loop3A_68 = arith.addi %parallel_loop3A_25, %parallel_loop3A_67 : vector<16xi32>
        %parallel_loop3A_69 = tpu.vector_load_idx %arg5[%parallel_loop3A_68] : memref<16384xf32, #tpu.memory_space<vmem>>[vector<16xi32>], vector<16xf32>,
        %parallel_loop3A_70 = arith.addf %parallel_loop3A_65, %parallel_loop3A_69 : vector<16xf32>
        %parallel_loop3A_71 = arith.constant 0 : i32
        %parallel_loop3A_72 = vector.broadcast %parallel_loop3A_71 : i32 to vector<16xi32>
        %parallel_loop3A_73 = arith.addi %parallel_loop3A_31, %parallel_loop3A_72 : vector<16xi32>
        %parallel_loop3A_74 = tpu.vector_load_idx %arg5[%parallel_loop3A_73] : memref<16384xf32, #tpu.memory_space<vmem>>[vector<16xi32>], vector<16xf32>,
        %parallel_loop3A_75 = arith.addf %parallel_loop3A_70, %parallel_loop3A_74 : vector<16xf32>
        %parallel_loop3A_76 = arith.constant 0 : i32
        %parallel_loop3A_77 = vector.broadcast %parallel_loop3A_76 : i32 to vector<16xi32>
        %parallel_loop3A_78 = arith.addi %parallel_loop3A_37, %parallel_loop3A_77 : vector<16xi32>
        %parallel_loop3A_79 = tpu.vector_load_idx %arg5[%parallel_loop3A_78] : memref<16384xf32, #tpu.memory_space<vmem>>[vector<16xi32>], vector<16xf32>,
        %parallel_loop3A_80 = arith.addf %parallel_loop3A_75, %parallel_loop3A_79 : vector<16xf32>
        %parallel_loop3A_81 = arith.constant 0 : i32
        %parallel_loop3A_82 = vector.broadcast %parallel_loop3A_81 : i32 to vector<16xi32>
        %parallel_loop3A_83 = arith.addi %parallel_loop3A_43, %parallel_loop3A_82 : vector<16xi32>
        %parallel_loop3A_84 = tpu.vector_load_idx %arg5[%parallel_loop3A_83] : memref<16384xf32, #tpu.memory_space<vmem>>[vector<16xi32>], vector<16xf32>,
        %parallel_loop3A_85 = arith.addf %parallel_loop3A_80, %parallel_loop3A_84 : vector<16xf32>
        %parallel_loop3A_86 = arith.constant 0 : i32
        %parallel_loop3A_87 = vector.broadcast %parallel_loop3A_86 : i32 to vector<16xi32>
        %parallel_loop3A_88 = arith.addi %parallel_loop3A_49, %parallel_loop3A_87 : vector<16xi32>
        %parallel_loop3A_89 = tpu.vector_load_idx %arg5[%parallel_loop3A_88] : memref<16384xf32, #tpu.memory_space<vmem>>[vector<16xi32>], vector<16xf32>,
        %parallel_loop3A_90 = arith.addf %parallel_loop3A_85, %parallel_loop3A_89 : vector<16xf32>
        %parallel_loop3A_91 = arith.constant 0 : i32
        %parallel_loop3A_92 = vector.broadcast %parallel_loop3A_91 : i32 to vector<16xi32>
        %parallel_loop3A_93 = arith.addi %parallel_loop3A_55, %parallel_loop3A_92 : vector<16xi32>
        %parallel_loop3A_94 = tpu.vector_load_idx %arg5[%parallel_loop3A_93] : memref<16384xf32, #tpu.memory_space<vmem>>[vector<16xi32>], vector<16xf32>,
        %parallel_loop3A_95 = arith.addf %parallel_loop3A_90, %parallel_loop3A_94 : vector<16xf32>
        %parallel_loop3A_96 = arith.constant 0 : i32
        %parallel_loop3A_97 = vector.broadcast %parallel_loop3A_96 : i32 to vector<16xi32>
        %parallel_loop3A_98 = arith.addi %parallel_loop3A_61, %parallel_loop3A_97 : vector<16xi32>
        %parallel_loop3A_99 = tpu.vector_load_idx %arg5[%parallel_loop3A_98] : memref<16384xf32, #tpu.memory_space<vmem>>[vector<16xi32>], vector<16xf32>,
        %parallel_loop3A_100 = arith.addf %parallel_loop3A_95, %parallel_loop3A_99 : vector<16xf32>
        %parallel_loop3A_101 = arith.constant 16 : i32
        %parallel_loop3A_102 = arith.muli %parallel_loop3A_13, %parallel_loop3A_101 : i32
        %parallel_loop3A_103 = arith.constant 0 : i32
        %parallel_loop3A_104 = arith.index_cast %parallel_loop3A_103 : i32 to index
        %parallel_loop3A_105 = arith.index_cast %parallel_loop3A_102 : i32 to index
        %parallel_loop3A_106 = tpu.vector_load %arg7[%parallel_loop3A_104, %parallel_loop3A_105] {strides = array<i32>} : memref<16x2048xf32, #tpu.memory_space<vmem>>, vector<16xf32>,
        tpu.vector_store %arg7[%parallel_loop3A_104, %parallel_loop3A_105], %parallel_loop3A_100 {strides = array<i32>} : memref<16x2048xf32, #tpu.memory_space<vmem>>, vector<16xf32>,
        %parallel_loop3A_107 = arith.constant 1024 : i32
        %parallel_loop3A_108 = vector.broadcast %parallel_loop3A_107 : i32 to vector<16xi32>
        %parallel_loop3A_109 = arith.addi %parallel_loop3A_19, %parallel_loop3A_108 : vector<16xi32>
        %parallel_loop3A_110 = tpu.vector_load_idx %arg5[%parallel_loop3A_109] : memref<16384xf32, #tpu.memory_space<vmem>>[vector<16xi32>], vector<16xf32>,
        %parallel_loop3A_111 = arith.constant 1024 : i32
        %parallel_loop3A_112 = vector.broadcast %parallel_loop3A_111 : i32 to vector<16xi32>
        %parallel_loop3A_113 = arith.addi %parallel_loop3A_25, %parallel_loop3A_112 : vector<16xi32>
        %parallel_loop3A_114 = tpu.vector_load_idx %arg5[%parallel_loop3A_113] : memref<16384xf32, #tpu.memory_space<vmem>>[vector<16xi32>], vector<16xf32>,
        %parallel_loop3A_115 = arith.addf %parallel_loop3A_110, %parallel_loop3A_114 : vector<16xf32>
        %parallel_loop3A_116 = arith.constant 1024 : i32
        %parallel_loop3A_117 = vector.broadcast %parallel_loop3A_116 : i32 to vector<16xi32>
        %parallel_loop3A_118 = arith.addi %parallel_loop3A_31, %parallel_loop3A_117 : vector<16xi32>
        %parallel_loop3A_119 = tpu.vector_load_idx %arg5[%parallel_loop3A_118] : memref<16384xf32, #tpu.memory_space<vmem>>[vector<16xi32>], vector<16xf32>,
        %parallel_loop3A_120 = arith.addf %parallel_loop3A_115, %parallel_loop3A_119 : vector<16xf32>
        %parallel_loop3A_121 = arith.constant 1024 : i32
        %parallel_loop3A_122 = vector.broadcast %parallel_loop3A_121 : i32 to vector<16xi32>
        %parallel_loop3A_123 = arith.addi %parallel_loop3A_37, %parallel_loop3A_122 : vector<16xi32>
        %parallel_loop3A_124 = tpu.vector_load_idx %arg5[%parallel_loop3A_123] : memref<16384xf32, #tpu.memory_space<vmem>>[vector<16xi32>], vector<16xf32>,
        %parallel_loop3A_125 = arith.addf %parallel_loop3A_120, %parallel_loop3A_124 : vector<16xf32>
        %parallel_loop3A_126 = arith.constant 1024 : i32
        %parallel_loop3A_127 = vector.broadcast %parallel_loop3A_126 : i32 to vector<16xi32>
        %parallel_loop3A_128 = arith.addi %parallel_loop3A_43, %parallel_loop3A_127 : vector<16xi32>
        %parallel_loop3A_129 = tpu.vector_load_idx %arg5[%parallel_loop3A_128] : memref<16384xf32, #tpu.memory_space<vmem>>[vector<16xi32>], vector<16xf32>,
        %parallel_loop3A_130 = arith.addf %parallel_loop3A_125, %parallel_loop3A_129 : vector<16xf32>
        %parallel_loop3A_131 = arith.constant 1024 : i32
        %parallel_loop3A_132 = vector.broadcast %parallel_loop3A_131 : i32 to vector<16xi32>
        %parallel_loop3A_133 = arith.addi %parallel_loop3A_49, %parallel_loop3A_132 : vector<16xi32>
        %parallel_loop3A_134 = tpu.vector_load_idx %arg5[%parallel_loop3A_133] : memref<16384xf32, #tpu.memory_space<vmem>>[vector<16xi32>], vector<16xf32>,
        %parallel_loop3A_135 = arith.addf %parallel_loop3A_130, %parallel_loop3A_134 : vector<16xf32>
        %parallel_loop3A_136 = arith.constant 1024 : i32
        %parallel_loop3A_137 = vector.broadcast %parallel_loop3A_136 : i32 to vector<16xi32>
        %parallel_loop3A_138 = arith.addi %parallel_loop3A_55, %parallel_loop3A_137 : vector<16xi32>
        %parallel_loop3A_139 = tpu.vector_load_idx %arg5[%parallel_loop3A_138] : memref<16384xf32, #tpu.memory_space<vmem>>[vector<16xi32>], vector<16xf32>,
        %parallel_loop3A_140 = arith.addf %parallel_loop3A_135, %parallel_loop3A_139 : vector<16xf32>
        %parallel_loop3A_141 = arith.constant 1024 : i32
        %parallel_loop3A_142 = vector.broadcast %parallel_loop3A_141 : i32 to vector<16xi32>
        %parallel_loop3A_143 = arith.addi %parallel_loop3A_61, %parallel_loop3A_142 : vector<16xi32>
        %parallel_loop3A_144 = tpu.vector_load_idx %arg5[%parallel_loop3A_143] : memref<16384xf32, #tpu.memory_space<vmem>>[vector<16xi32>], vector<16xf32>,
        %parallel_loop3A_145 = arith.addf %parallel_loop3A_140, %parallel_loop3A_144 : vector<16xf32>
        %parallel_loop3A_146 = arith.constant 16 : i32
        %parallel_loop3A_147 = arith.muli %parallel_loop3A_13, %parallel_loop3A_146 : i32
        %parallel_loop3A_148 = arith.constant 1 : i32
        %parallel_loop3A_149 = arith.index_cast %parallel_loop3A_148 : i32 to index
        %parallel_loop3A_150 = arith.index_cast %parallel_loop3A_147 : i32 to index
        %parallel_loop3A_151 = tpu.vector_load %arg7[%parallel_loop3A_149, %parallel_loop3A_150] {strides = array<i32>} : memref<16x2048xf32, #tpu.memory_space<vmem>>, vector<16xf32>,
        tpu.vector_store %arg7[%parallel_loop3A_149, %parallel_loop3A_150], %parallel_loop3A_145 {strides = array<i32>} : memref<16x2048xf32, #tpu.memory_space<vmem>>, vector<16xf32>,
        %parallel_loop3A_152 = arith.constant 2048 : i32
        %parallel_loop3A_153 = vector.broadcast %parallel_loop3A_152 : i32 to vector<16xi32>
        %parallel_loop3A_154 = arith.addi %parallel_loop3A_19, %parallel_loop3A_153 : vector<16xi32>
        %parallel_loop3A_155 = tpu.vector_load_idx %arg5[%parallel_loop3A_154] : memref<16384xf32, #tpu.memory_space<vmem>>[vector<16xi32>], vector<16xf32>,
        %parallel_loop3A_156 = arith.constant 2048 : i32
        %parallel_loop3A_157 = vector.broadcast %parallel_loop3A_156 : i32 to vector<16xi32>
        %parallel_loop3A_158 = arith.addi %parallel_loop3A_25, %parallel_loop3A_157 : vector<16xi32>
        %parallel_loop3A_159 = tpu.vector_load_idx %arg5[%parallel_loop3A_158] : memref<16384xf32, #tpu.memory_space<vmem>>[vector<16xi32>], vector<16xf32>,
        %parallel_loop3A_160 = arith.addf %parallel_loop3A_155, %parallel_loop3A_159 : vector<16xf32>
        %parallel_loop3A_161 = arith.constant 2048 : i32
        %parallel_loop3A_162 = vector.broadcast %parallel_loop3A_161 : i32 to vector<16xi32>
        %parallel_loop3A_163 = arith.addi %parallel_loop3A_31, %parallel_loop3A_162 : vector<16xi32>
        %parallel_loop3A_164 = tpu.vector_load_idx %arg5[%parallel_loop3A_163] : memref<16384xf32, #tpu.memory_space<vmem>>[vector<16xi32>], vector<16xf32>,
        %parallel_loop3A_165 = arith.addf %parallel_loop3A_160, %parallel_loop3A_164 : vector<16xf32>
        %parallel_loop3A_166 = arith.constant 2048 : i32
        %parallel_loop3A_167 = vector.broadcast %parallel_loop3A_166 : i32 to vector<16xi32>
        %parallel_loop3A_168 = arith.addi %parallel_loop3A_37, %parallel_loop3A_167 : vector<16xi32>
        %parallel_loop3A_169 = tpu.vector_load_idx %arg5[%parallel_loop3A_168] : memref<16384xf32, #tpu.memory_space<vmem>>[vector<16xi32>], vector<16xf32>,
        %parallel_loop3A_170 = arith.addf %parallel_loop3A_165, %parallel_loop3A_169 : vector<16xf32>
        %parallel_loop3A_171 = arith.constant 2048 : i32
        %parallel_loop3A_172 = vector.broadcast %parallel_loop3A_171 : i32 to vector<16xi32>
        %parallel_loop3A_173 = arith.addi %parallel_loop3A_43, %parallel_loop3A_172 : vector<16xi32>
        %parallel_loop3A_174 = tpu.vector_load_idx %arg5[%parallel_loop3A_173] : memref<16384xf32, #tpu.memory_space<vmem>>[vector<16xi32>], vector<16xf32>,
        %parallel_loop3A_175 = arith.addf %parallel_loop3A_170, %parallel_loop3A_174 : vector<16xf32>
        %parallel_loop3A_176 = arith.constant 2048 : i32
        %parallel_loop3A_177 = vector.broadcast %parallel_loop3A_176 : i32 to vector<16xi32>
        %parallel_loop3A_178 = arith.addi %parallel_loop3A_49, %parallel_loop3A_177 : vector<16xi32>
        %parallel_loop3A_179 = tpu.vector_load_idx %arg5[%parallel_loop3A_178] : memref<16384xf32, #tpu.memory_space<vmem>>[vector<16xi32>], vector<16xf32>,
        %parallel_loop3A_180 = arith.addf %parallel_loop3A_175, %parallel_loop3A_179 : vector<16xf32>
        %parallel_loop3A_181 = arith.constant 2048 : i32
        %parallel_loop3A_182 = vector.broadcast %parallel_loop3A_181 : i32 to vector<16xi32>
        %parallel_loop3A_183 = arith.addi %parallel_loop3A_55, %parallel_loop3A_182 : vector<16xi32>
        %parallel_loop3A_184 = tpu.vector_load_idx %arg5[%parallel_loop3A_183] : memref<16384xf32, #tpu.memory_space<vmem>>[vector<16xi32>], vector<16xf32>,
        %parallel_loop3A_185 = arith.addf %parallel_loop3A_180, %parallel_loop3A_184 : vector<16xf32>
        %parallel_loop3A_186 = arith.constant 2048 : i32
        %parallel_loop3A_187 = vector.broadcast %parallel_loop3A_186 : i32 to vector<16xi32>
        %parallel_loop3A_188 = arith.addi %parallel_loop3A_61, %parallel_loop3A_187 : vector<16xi32>
        %parallel_loop3A_189 = tpu.vector_load_idx %arg5[%parallel_loop3A_188] : memref<16384xf32, #tpu.memory_space<vmem>>[vector<16xi32>], vector<16xf32>,
        %parallel_loop3A_190 = arith.addf %parallel_loop3A_185, %parallel_loop3A_189 : vector<16xf32>
        %parallel_loop3A_191 = arith.constant 16 : i32
        %parallel_loop3A_192 = arith.muli %parallel_loop3A_13, %parallel_loop3A_191 : i32
        %parallel_loop3A_193 = arith.constant 2 : i32
        %parallel_loop3A_194 = arith.index_cast %parallel_loop3A_193 : i32 to index
        %parallel_loop3A_195 = arith.index_cast %parallel_loop3A_192 : i32 to index
        %parallel_loop3A_196 = tpu.vector_load %arg7[%parallel_loop3A_194, %parallel_loop3A_195] {strides = array<i32>} : memref<16x2048xf32, #tpu.memory_space<vmem>>, vector<16xf32>,
        tpu.vector_store %arg7[%parallel_loop3A_194, %parallel_loop3A_195], %parallel_loop3A_190 {strides = array<i32>} : memref<16x2048xf32, #tpu.memory_space<vmem>>, vector<16xf32>,
        %parallel_loop3A_197 = arith.constant 3072 : i32
        %parallel_loop3A_198 = vector.broadcast %parallel_loop3A_197 : i32 to vector<16xi32>
        %parallel_loop3A_199 = arith.addi %parallel_loop3A_19, %parallel_loop3A_198 : vector<16xi32>
        %parallel_loop3A_200 = tpu.vector_load_idx %arg5[%parallel_loop3A_199] : memref<16384xf32, #tpu.memory_space<vmem>>[vector<16xi32>], vector<16xf32>,
        %parallel_loop3A_201 = arith.constant 3072 : i32
        %parallel_loop3A_202 = vector.broadcast %parallel_loop3A_201 : i32 to vector<16xi32>
        %parallel_loop3A_203 = arith.addi %parallel_loop3A_25, %parallel_loop3A_202 : vector<16xi32>
        %parallel_loop3A_204 = tpu.vector_load_idx %arg5[%parallel_loop3A_203] : memref<16384xf32, #tpu.memory_space<vmem>>[vector<16xi32>], vector<16xf32>,
        %parallel_loop3A_205 = arith.addf %parallel_loop3A_200, %parallel_loop3A_204 : vector<16xf32>
        %parallel_loop3A_206 = arith.constant 3072 : i32
        %parallel_loop3A_207 = vector.broadcast %parallel_loop3A_206 : i32 to vector<16xi32>
        %parallel_loop3A_208 = arith.addi %parallel_loop3A_31, %parallel_loop3A_207 : vector<16xi32>
        %parallel_loop3A_209 = tpu.vector_load_idx %arg5[%parallel_loop3A_208] : memref<16384xf32, #tpu.memory_space<vmem>>[vector<16xi32>], vector<16xf32>,
        %parallel_loop3A_210 = arith.addf %parallel_loop3A_205, %parallel_loop3A_209 : vector<16xf32>
        %parallel_loop3A_211 = arith.constant 3072 : i32
        %parallel_loop3A_212 = vector.broadcast %parallel_loop3A_211 : i32 to vector<16xi32>
        %parallel_loop3A_213 = arith.addi %parallel_loop3A_37, %parallel_loop3A_212 : vector<16xi32>
        %parallel_loop3A_214 = tpu.vector_load_idx %arg5[%parallel_loop3A_213] : memref<16384xf32, #tpu.memory_space<vmem>>[vector<16xi32>], vector<16xf32>,
        %parallel_loop3A_215 = arith.addf %parallel_loop3A_210, %parallel_loop3A_214 : vector<16xf32>
        %parallel_loop3A_216 = arith.constant 3072 : i32
        %parallel_loop3A_217 = vector.broadcast %parallel_loop3A_216 : i32 to vector<16xi32>
        %parallel_loop3A_218 = arith.addi %parallel_loop3A_43, %parallel_loop3A_217 : vector<16xi32>
        %parallel_loop3A_219 = tpu.vector_load_idx %arg5[%parallel_loop3A_218] : memref<16384xf32, #tpu.memory_space<vmem>>[vector<16xi32>], vector<16xf32>,
        %parallel_loop3A_220 = arith.addf %parallel_loop3A_215, %parallel_loop3A_219 : vector<16xf32>
        %parallel_loop3A_221 = arith.constant 3072 : i32
        %parallel_loop3A_222 = vector.broadcast %parallel_loop3A_221 : i32 to vector<16xi32>
        %parallel_loop3A_223 = arith.addi %parallel_loop3A_49, %parallel_loop3A_222 : vector<16xi32>
        %parallel_loop3A_224 = tpu.vector_load_idx %arg5[%parallel_loop3A_223] : memref<16384xf32, #tpu.memory_space<vmem>>[vector<16xi32>], vector<16xf32>,
        %parallel_loop3A_225 = arith.addf %parallel_loop3A_220, %parallel_loop3A_224 : vector<16xf32>
        %parallel_loop3A_226 = arith.constant 3072 : i32
        %parallel_loop3A_227 = vector.broadcast %parallel_loop3A_226 : i32 to vector<16xi32>
        %parallel_loop3A_228 = arith.addi %parallel_loop3A_55, %parallel_loop3A_227 : vector<16xi32>
        %parallel_loop3A_229 = tpu.vector_load_idx %arg5[%parallel_loop3A_228] : memref<16384xf32, #tpu.memory_space<vmem>>[vector<16xi32>], vector<16xf32>,
        %parallel_loop3A_230 = arith.addf %parallel_loop3A_225, %parallel_loop3A_229 : vector<16xf32>
        %parallel_loop3A_231 = arith.constant 3072 : i32
        %parallel_loop3A_232 = vector.broadcast %parallel_loop3A_231 : i32 to vector<16xi32>
        %parallel_loop3A_233 = arith.addi %parallel_loop3A_61, %parallel_loop3A_232 : vector<16xi32>
        %parallel_loop3A_234 = tpu.vector_load_idx %arg5[%parallel_loop3A_233] : memref<16384xf32, #tpu.memory_space<vmem>>[vector<16xi32>], vector<16xf32>,
        %parallel_loop3A_235 = arith.addf %parallel_loop3A_230, %parallel_loop3A_234 : vector<16xf32>
        %parallel_loop3A_236 = arith.constant 16 : i32
        %parallel_loop3A_237 = arith.muli %parallel_loop3A_13, %parallel_loop3A_236 : i32
        %parallel_loop3A_238 = arith.constant 3 : i32
        %parallel_loop3A_239 = arith.index_cast %parallel_loop3A_238 : i32 to index
        %parallel_loop3A_240 = arith.index_cast %parallel_loop3A_237 : i32 to index
        %parallel_loop3A_241 = tpu.vector_load %arg7[%parallel_loop3A_239, %parallel_loop3A_240] {strides = array<i32>} : memref<16x2048xf32, #tpu.memory_space<vmem>>, vector<16xf32>,
        tpu.vector_store %arg7[%parallel_loop3A_239, %parallel_loop3A_240], %parallel_loop3A_235 {strides = array<i32>} : memref<16x2048xf32, #tpu.memory_space<vmem>>, vector<16xf32>,
        %parallel_loop3A_242 = arith.constant 4096 : i32
        %parallel_loop3A_243 = vector.broadcast %parallel_loop3A_242 : i32 to vector<16xi32>
        %parallel_loop3A_244 = arith.addi %parallel_loop3A_19, %parallel_loop3A_243 : vector<16xi32>
        %parallel_loop3A_245 = tpu.vector_load_idx %arg5[%parallel_loop3A_244] : memref<16384xf32, #tpu.memory_space<vmem>>[vector<16xi32>], vector<16xf32>,
        %parallel_loop3A_246 = arith.constant 4096 : i32
        %parallel_loop3A_247 = vector.broadcast %parallel_loop3A_246 : i32 to vector<16xi32>
        %parallel_loop3A_248 = arith.addi %parallel_loop3A_25, %parallel_loop3A_247 : vector<16xi32>
        %parallel_loop3A_249 = tpu.vector_load_idx %arg5[%parallel_loop3A_248] : memref<16384xf32, #tpu.memory_space<vmem>>[vector<16xi32>], vector<16xf32>,
        %parallel_loop3A_250 = arith.addf %parallel_loop3A_245, %parallel_loop3A_249 : vector<16xf32>
        %parallel_loop3A_251 = arith.constant 4096 : i32
        %parallel_loop3A_252 = vector.broadcast %parallel_loop3A_251 : i32 to vector<16xi32>
        %parallel_loop3A_253 = arith.addi %parallel_loop3A_31, %parallel_loop3A_252 : vector<16xi32>
        %parallel_loop3A_254 = tpu.vector_load_idx %arg5[%parallel_loop3A_253] : memref<16384xf32, #tpu.memory_space<vmem>>[vector<16xi32>], vector<16xf32>,
        %parallel_loop3A_255 = arith.addf %parallel_loop3A_250, %parallel_loop3A_254 : vector<16xf32>
        %parallel_loop3A_256 = arith.constant 4096 : i32
        %parallel_loop3A_257 = vector.broadcast %parallel_loop3A_256 : i32 to vector<16xi32>
        %parallel_loop3A_258 = arith.addi %parallel_loop3A_37, %parallel_loop3A_257 : vector<16xi32>
        %parallel_loop3A_259 = tpu.vector_load_idx %arg5[%parallel_loop3A_258] : memref<16384xf32, #tpu.memory_space<vmem>>[vector<16xi32>], vector<16xf32>,
        %parallel_loop3A_260 = arith.addf %parallel_loop3A_255, %parallel_loop3A_259 : vector<16xf32>
        %parallel_loop3A_261 = arith.constant 4096 : i32
        %parallel_loop3A_262 = vector.broadcast %parallel_loop3A_261 : i32 to vector<16xi32>
        %parallel_loop3A_263 = arith.addi %parallel_loop3A_43, %parallel_loop3A_262 : vector<16xi32>
        %parallel_loop3A_264 = tpu.vector_load_idx %arg5[%parallel_loop3A_263] : memref<16384xf32, #tpu.memory_space<vmem>>[vector<16xi32>], vector<16xf32>,
        %parallel_loop3A_265 = arith.addf %parallel_loop3A_260, %parallel_loop3A_264 : vector<16xf32>
        %parallel_loop3A_266 = arith.constant 4096 : i32
        %parallel_loop3A_267 = vector.broadcast %parallel_loop3A_266 : i32 to vector<16xi32>
        %parallel_loop3A_268 = arith.addi %parallel_loop3A_49, %parallel_loop3A_267 : vector<16xi32>
        %parallel_loop3A_269 = tpu.vector_load_idx %arg5[%parallel_loop3A_268] : memref<16384xf32, #tpu.memory_space<vmem>>[vector<16xi32>], vector<16xf32>,
        %parallel_loop3A_270 = arith.addf %parallel_loop3A_265, %parallel_loop3A_269 : vector<16xf32>
        %parallel_loop3A_271 = arith.constant 4096 : i32
        %parallel_loop3A_272 = vector.broadcast %parallel_loop3A_271 : i32 to vector<16xi32>
        %parallel_loop3A_273 = arith.addi %parallel_loop3A_55, %parallel_loop3A_272 : vector<16xi32>
        %parallel_loop3A_274 = tpu.vector_load_idx %arg5[%parallel_loop3A_273] : memref<16384xf32, #tpu.memory_space<vmem>>[vector<16xi32>], vector<16xf32>,
        %parallel_loop3A_275 = arith.addf %parallel_loop3A_270, %parallel_loop3A_274 : vector<16xf32>
        %parallel_loop3A_276 = arith.constant 4096 : i32
        %parallel_loop3A_277 = vector.broadcast %parallel_loop3A_276 : i32 to vector<16xi32>
        %parallel_loop3A_278 = arith.addi %parallel_loop3A_61, %parallel_loop3A_277 : vector<16xi32>
        %parallel_loop3A_279 = tpu.vector_load_idx %arg5[%parallel_loop3A_278] : memref<16384xf32, #tpu.memory_space<vmem>>[vector<16xi32>], vector<16xf32>,
        %parallel_loop3A_280 = arith.addf %parallel_loop3A_275, %parallel_loop3A_279 : vector<16xf32>
        %parallel_loop3A_281 = arith.constant 16 : i32
        %parallel_loop3A_282 = arith.muli %parallel_loop3A_13, %parallel_loop3A_281 : i32
        %parallel_loop3A_283 = arith.constant 4 : i32
        %parallel_loop3A_284 = arith.index_cast %parallel_loop3A_283 : i32 to index
        %parallel_loop3A_285 = arith.index_cast %parallel_loop3A_282 : i32 to index
        %parallel_loop3A_286 = tpu.vector_load %arg7[%parallel_loop3A_284, %parallel_loop3A_285] {strides = array<i32>} : memref<16x2048xf32, #tpu.memory_space<vmem>>, vector<16xf32>,
        tpu.vector_store %arg7[%parallel_loop3A_284, %parallel_loop3A_285], %parallel_loop3A_280 {strides = array<i32>} : memref<16x2048xf32, #tpu.memory_space<vmem>>, vector<16xf32>,
        %parallel_loop3A_287 = arith.constant 5120 : i32
        %parallel_loop3A_288 = vector.broadcast %parallel_loop3A_287 : i32 to vector<16xi32>
        %parallel_loop3A_289 = arith.addi %parallel_loop3A_19, %parallel_loop3A_288 : vector<16xi32>
        %parallel_loop3A_290 = tpu.vector_load_idx %arg5[%parallel_loop3A_289] : memref<16384xf32, #tpu.memory_space<vmem>>[vector<16xi32>], vector<16xf32>,
        %parallel_loop3A_291 = arith.constant 5120 : i32
        %parallel_loop3A_292 = vector.broadcast %parallel_loop3A_291 : i32 to vector<16xi32>
        %parallel_loop3A_293 = arith.addi %parallel_loop3A_25, %parallel_loop3A_292 : vector<16xi32>
        %parallel_loop3A_294 = tpu.vector_load_idx %arg5[%parallel_loop3A_293] : memref<16384xf32, #tpu.memory_space<vmem>>[vector<16xi32>], vector<16xf32>,
        %parallel_loop3A_295 = arith.addf %parallel_loop3A_290, %parallel_loop3A_294 : vector<16xf32>
        %parallel_loop3A_296 = arith.constant 5120 : i32
        %parallel_loop3A_297 = vector.broadcast %parallel_loop3A_296 : i32 to vector<16xi32>
        %parallel_loop3A_298 = arith.addi %parallel_loop3A_31, %parallel_loop3A_297 : vector<16xi32>
        %parallel_loop3A_299 = tpu.vector_load_idx %arg5[%parallel_loop3A_298] : memref<16384xf32, #tpu.memory_space<vmem>>[vector<16xi32>], vector<16xf32>,
        %parallel_loop3A_300 = arith.addf %parallel_loop3A_295, %parallel_loop3A_299 : vector<16xf32>
        %parallel_loop3A_301 = arith.constant 5120 : i32
        %parallel_loop3A_302 = vector.broadcast %parallel_loop3A_301 : i32 to vector<16xi32>
        %parallel_loop3A_303 = arith.addi %parallel_loop3A_37, %parallel_loop3A_302 : vector<16xi32>
        %parallel_loop3A_304 = tpu.vector_load_idx %arg5[%parallel_loop3A_303] : memref<16384xf32, #tpu.memory_space<vmem>>[vector<16xi32>], vector<16xf32>,
        %parallel_loop3A_305 = arith.addf %parallel_loop3A_300, %parallel_loop3A_304 : vector<16xf32>
        %parallel_loop3A_306 = arith.constant 5120 : i32
        %parallel_loop3A_307 = vector.broadcast %parallel_loop3A_306 : i32 to vector<16xi32>
        %parallel_loop3A_308 = arith.addi %parallel_loop3A_43, %parallel_loop3A_307 : vector<16xi32>
        %parallel_loop3A_309 = tpu.vector_load_idx %arg5[%parallel_loop3A_308] : memref<16384xf32, #tpu.memory_space<vmem>>[vector<16xi32>], vector<16xf32>,
        %parallel_loop3A_310 = arith.addf %parallel_loop3A_305, %parallel_loop3A_309 : vector<16xf32>
        %parallel_loop3A_311 = arith.constant 5120 : i32
        %parallel_loop3A_312 = vector.broadcast %parallel_loop3A_311 : i32 to vector<16xi32>
        %parallel_loop3A_313 = arith.addi %parallel_loop3A_49, %parallel_loop3A_312 : vector<16xi32>
        %parallel_loop3A_314 = tpu.vector_load_idx %arg5[%parallel_loop3A_313] : memref<16384xf32, #tpu.memory_space<vmem>>[vector<16xi32>], vector<16xf32>,
        %parallel_loop3A_315 = arith.addf %parallel_loop3A_310, %parallel_loop3A_314 : vector<16xf32>
        %parallel_loop3A_316 = arith.constant 5120 : i32
        %parallel_loop3A_317 = vector.broadcast %parallel_loop3A_316 : i32 to vector<16xi32>
        %parallel_loop3A_318 = arith.addi %parallel_loop3A_55, %parallel_loop3A_317 : vector<16xi32>
        %parallel_loop3A_319 = tpu.vector_load_idx %arg5[%parallel_loop3A_318] : memref<16384xf32, #tpu.memory_space<vmem>>[vector<16xi32>], vector<16xf32>,
        %parallel_loop3A_320 = arith.addf %parallel_loop3A_315, %parallel_loop3A_319 : vector<16xf32>
        %parallel_loop3A_321 = arith.constant 5120 : i32
        %parallel_loop3A_322 = vector.broadcast %parallel_loop3A_321 : i32 to vector<16xi32>
        %parallel_loop3A_323 = arith.addi %parallel_loop3A_61, %parallel_loop3A_322 : vector<16xi32>
        %parallel_loop3A_324 = tpu.vector_load_idx %arg5[%parallel_loop3A_323] : memref<16384xf32, #tpu.memory_space<vmem>>[vector<16xi32>], vector<16xf32>,
        %parallel_loop3A_325 = arith.addf %parallel_loop3A_320, %parallel_loop3A_324 : vector<16xf32>
        %parallel_loop3A_326 = arith.constant 16 : i32
        %parallel_loop3A_327 = arith.muli %parallel_loop3A_13, %parallel_loop3A_326 : i32
        %parallel_loop3A_328 = arith.constant 5 : i32
        %parallel_loop3A_329 = arith.index_cast %parallel_loop3A_328 : i32 to index
        %parallel_loop3A_330 = arith.index_cast %parallel_loop3A_327 : i32 to index
        %parallel_loop3A_331 = tpu.vector_load %arg7[%parallel_loop3A_329, %parallel_loop3A_330] {strides = array<i32>} : memref<16x2048xf32, #tpu.memory_space<vmem>>, vector<16xf32>,
        tpu.vector_store %arg7[%parallel_loop3A_329, %parallel_loop3A_330], %parallel_loop3A_325 {strides = array<i32>} : memref<16x2048xf32, #tpu.memory_space<vmem>>, vector<16xf32>,
        %parallel_loop3A_332 = arith.constant 6144 : i32
        %parallel_loop3A_333 = vector.broadcast %parallel_loop3A_332 : i32 to vector<16xi32>
        %parallel_loop3A_334 = arith.addi %parallel_loop3A_19, %parallel_loop3A_333 : vector<16xi32>
        %parallel_loop3A_335 = tpu.vector_load_idx %arg5[%parallel_loop3A_334] : memref<16384xf32, #tpu.memory_space<vmem>>[vector<16xi32>], vector<16xf32>,
        %parallel_loop3A_336 = arith.constant 6144 : i32
        %parallel_loop3A_337 = vector.broadcast %parallel_loop3A_336 : i32 to vector<16xi32>
        %parallel_loop3A_338 = arith.addi %parallel_loop3A_25, %parallel_loop3A_337 : vector<16xi32>
        %parallel_loop3A_339 = tpu.vector_load_idx %arg5[%parallel_loop3A_338] : memref<16384xf32, #tpu.memory_space<vmem>>[vector<16xi32>], vector<16xf32>,
        %parallel_loop3A_340 = arith.addf %parallel_loop3A_335, %parallel_loop3A_339 : vector<16xf32>
        %parallel_loop3A_341 = arith.constant 6144 : i32
        %parallel_loop3A_342 = vector.broadcast %parallel_loop3A_341 : i32 to vector<16xi32>
        %parallel_loop3A_343 = arith.addi %parallel_loop3A_31, %parallel_loop3A_342 : vector<16xi32>
        %parallel_loop3A_344 = tpu.vector_load_idx %arg5[%parallel_loop3A_343] : memref<16384xf32, #tpu.memory_space<vmem>>[vector<16xi32>], vector<16xf32>,
        %parallel_loop3A_345 = arith.addf %parallel_loop3A_340, %parallel_loop3A_344 : vector<16xf32>
        %parallel_loop3A_346 = arith.constant 6144 : i32
        %parallel_loop3A_347 = vector.broadcast %parallel_loop3A_346 : i32 to vector<16xi32>
        %parallel_loop3A_348 = arith.addi %parallel_loop3A_37, %parallel_loop3A_347 : vector<16xi32>
        %parallel_loop3A_349 = tpu.vector_load_idx %arg5[%parallel_loop3A_348] : memref<16384xf32, #tpu.memory_space<vmem>>[vector<16xi32>], vector<16xf32>,
        %parallel_loop3A_350 = arith.addf %parallel_loop3A_345, %parallel_loop3A_349 : vector<16xf32>
        %parallel_loop3A_351 = arith.constant 6144 : i32
        %parallel_loop3A_352 = vector.broadcast %parallel_loop3A_351 : i32 to vector<16xi32>
        %parallel_loop3A_353 = arith.addi %parallel_loop3A_43, %parallel_loop3A_352 : vector<16xi32>
        %parallel_loop3A_354 = tpu.vector_load_idx %arg5[%parallel_loop3A_353] : memref<16384xf32, #tpu.memory_space<vmem>>[vector<16xi32>], vector<16xf32>,
        %parallel_loop3A_355 = arith.addf %parallel_loop3A_350, %parallel_loop3A_354 : vector<16xf32>
        %parallel_loop3A_356 = arith.constant 6144 : i32
        %parallel_loop3A_357 = vector.broadcast %parallel_loop3A_356 : i32 to vector<16xi32>
        %parallel_loop3A_358 = arith.addi %parallel_loop3A_49, %parallel_loop3A_357 : vector<16xi32>
        %parallel_loop3A_359 = tpu.vector_load_idx %arg5[%parallel_loop3A_358] : memref<16384xf32, #tpu.memory_space<vmem>>[vector<16xi32>], vector<16xf32>,
        %parallel_loop3A_360 = arith.addf %parallel_loop3A_355, %parallel_loop3A_359 : vector<16xf32>
        %parallel_loop3A_361 = arith.constant 6144 : i32
        %parallel_loop3A_362 = vector.broadcast %parallel_loop3A_361 : i32 to vector<16xi32>
        %parallel_loop3A_363 = arith.addi %parallel_loop3A_55, %parallel_loop3A_362 : vector<16xi32>
        %parallel_loop3A_364 = tpu.vector_load_idx %arg5[%parallel_loop3A_363] : memref<16384xf32, #tpu.memory_space<vmem>>[vector<16xi32>], vector<16xf32>,
        %parallel_loop3A_365 = arith.addf %parallel_loop3A_360, %parallel_loop3A_364 : vector<16xf32>
        %parallel_loop3A_366 = arith.constant 6144 : i32
        %parallel_loop3A_367 = vector.broadcast %parallel_loop3A_366 : i32 to vector<16xi32>
        %parallel_loop3A_368 = arith.addi %parallel_loop3A_61, %parallel_loop3A_367 : vector<16xi32>
        %parallel_loop3A_369 = tpu.vector_load_idx %arg5[%parallel_loop3A_368] : memref<16384xf32, #tpu.memory_space<vmem>>[vector<16xi32>], vector<16xf32>,
        %parallel_loop3A_370 = arith.addf %parallel_loop3A_365, %parallel_loop3A_369 : vector<16xf32>
        %parallel_loop3A_371 = arith.constant 16 : i32
        %parallel_loop3A_372 = arith.muli %parallel_loop3A_13, %parallel_loop3A_371 : i32
        %parallel_loop3A_373 = arith.constant 6 : i32
        %parallel_loop3A_374 = arith.index_cast %parallel_loop3A_373 : i32 to index
        %parallel_loop3A_375 = arith.index_cast %parallel_loop3A_372 : i32 to index
        %parallel_loop3A_376 = tpu.vector_load %arg7[%parallel_loop3A_374, %parallel_loop3A_375] {strides = array<i32>} : memref<16x2048xf32, #tpu.memory_space<vmem>>, vector<16xf32>,
        tpu.vector_store %arg7[%parallel_loop3A_374, %parallel_loop3A_375], %parallel_loop3A_370 {strides = array<i32>} : memref<16x2048xf32, #tpu.memory_space<vmem>>, vector<16xf32>,
        %parallel_loop3A_377 = arith.constant 7168 : i32
        %parallel_loop3A_378 = vector.broadcast %parallel_loop3A_377 : i32 to vector<16xi32>
        %parallel_loop3A_379 = arith.addi %parallel_loop3A_19, %parallel_loop3A_378 : vector<16xi32>
        %parallel_loop3A_380 = tpu.vector_load_idx %arg5[%parallel_loop3A_379] : memref<16384xf32, #tpu.memory_space<vmem>>[vector<16xi32>], vector<16xf32>,
        %parallel_loop3A_381 = arith.constant 7168 : i32
        %parallel_loop3A_382 = vector.broadcast %parallel_loop3A_381 : i32 to vector<16xi32>
        %parallel_loop3A_383 = arith.addi %parallel_loop3A_25, %parallel_loop3A_382 : vector<16xi32>
        %parallel_loop3A_384 = tpu.vector_load_idx %arg5[%parallel_loop3A_383] : memref<16384xf32, #tpu.memory_space<vmem>>[vector<16xi32>], vector<16xf32>,
        %parallel_loop3A_385 = arith.addf %parallel_loop3A_380, %parallel_loop3A_384 : vector<16xf32>
        %parallel_loop3A_386 = arith.constant 7168 : i32
        %parallel_loop3A_387 = vector.broadcast %parallel_loop3A_386 : i32 to vector<16xi32>
        %parallel_loop3A_388 = arith.addi %parallel_loop3A_31, %parallel_loop3A_387 : vector<16xi32>
        %parallel_loop3A_389 = tpu.vector_load_idx %arg5[%parallel_loop3A_388] : memref<16384xf32, #tpu.memory_space<vmem>>[vector<16xi32>], vector<16xf32>,
        %parallel_loop3A_390 = arith.addf %parallel_loop3A_385, %parallel_loop3A_389 : vector<16xf32>
        %parallel_loop3A_391 = arith.constant 7168 : i32
        %parallel_loop3A_392 = vector.broadcast %parallel_loop3A_391 : i32 to vector<16xi32>
        %parallel_loop3A_393 = arith.addi %parallel_loop3A_37, %parallel_loop3A_392 : vector<16xi32>
        %parallel_loop3A_394 = tpu.vector_load_idx %arg5[%parallel_loop3A_393] : memref<16384xf32, #tpu.memory_space<vmem>>[vector<16xi32>], vector<16xf32>,
        %parallel_loop3A_395 = arith.addf %parallel_loop3A_390, %parallel_loop3A_394 : vector<16xf32>
        %parallel_loop3A_396 = arith.constant 7168 : i32
        %parallel_loop3A_397 = vector.broadcast %parallel_loop3A_396 : i32 to vector<16xi32>
        %parallel_loop3A_398 = arith.addi %parallel_loop3A_43, %parallel_loop3A_397 : vector<16xi32>
        %parallel_loop3A_399 = tpu.vector_load_idx %arg5[%parallel_loop3A_398] : memref<16384xf32, #tpu.memory_space<vmem>>[vector<16xi32>], vector<16xf32>,
        %parallel_loop3A_400 = arith.addf %parallel_loop3A_395, %parallel_loop3A_399 : vector<16xf32>
        %parallel_loop3A_401 = arith.constant 7168 : i32
        %parallel_loop3A_402 = vector.broadcast %parallel_loop3A_401 : i32 to vector<16xi32>
        %parallel_loop3A_403 = arith.addi %parallel_loop3A_49, %parallel_loop3A_402 : vector<16xi32>
        %parallel_loop3A_404 = tpu.vector_load_idx %arg5[%parallel_loop3A_403] : memref<16384xf32, #tpu.memory_space<vmem>>[vector<16xi32>], vector<16xf32>,
        %parallel_loop3A_405 = arith.addf %parallel_loop3A_400, %parallel_loop3A_404 : vector<16xf32>
        %parallel_loop3A_406 = arith.constant 7168 : i32
        %parallel_loop3A_407 = vector.broadcast %parallel_loop3A_406 : i32 to vector<16xi32>
        %parallel_loop3A_408 = arith.addi %parallel_loop3A_55, %parallel_loop3A_407 : vector<16xi32>
        %parallel_loop3A_409 = tpu.vector_load_idx %arg5[%parallel_loop3A_408] : memref<16384xf32, #tpu.memory_space<vmem>>[vector<16xi32>], vector<16xf32>,
        %parallel_loop3A_410 = arith.addf %parallel_loop3A_405, %parallel_loop3A_409 : vector<16xf32>
        %parallel_loop3A_411 = arith.constant 7168 : i32
        %parallel_loop3A_412 = vector.broadcast %parallel_loop3A_411 : i32 to vector<16xi32>
        %parallel_loop3A_413 = arith.addi %parallel_loop3A_61, %parallel_loop3A_412 : vector<16xi32>
        %parallel_loop3A_414 = tpu.vector_load_idx %arg5[%parallel_loop3A_413] : memref<16384xf32, #tpu.memory_space<vmem>>[vector<16xi32>], vector<16xf32>,
        %parallel_loop3A_415 = arith.addf %parallel_loop3A_410, %parallel_loop3A_414 : vector<16xf32>
        %parallel_loop3A_416 = arith.constant 16 : i32
        %parallel_loop3A_417 = arith.muli %parallel_loop3A_13, %parallel_loop3A_416 : i32
        %parallel_loop3A_418 = arith.constant 7 : i32
        %parallel_loop3A_419 = arith.index_cast %parallel_loop3A_418 : i32 to index
        %parallel_loop3A_420 = arith.index_cast %parallel_loop3A_417 : i32 to index
        %parallel_loop3A_421 = tpu.vector_load %arg7[%parallel_loop3A_419, %parallel_loop3A_420] {strides = array<i32>} : memref<16x2048xf32, #tpu.memory_space<vmem>>, vector<16xf32>,
        tpu.vector_store %arg7[%parallel_loop3A_419, %parallel_loop3A_420], %parallel_loop3A_415 {strides = array<i32>} : memref<16x2048xf32, #tpu.memory_space<vmem>>, vector<16xf32>,
        %parallel_loop3A_422 = arith.constant 8192 : i32
        %parallel_loop3A_423 = vector.broadcast %parallel_loop3A_422 : i32 to vector<16xi32>
        %parallel_loop3A_424 = arith.addi %parallel_loop3A_19, %parallel_loop3A_423 : vector<16xi32>
        %parallel_loop3A_425 = tpu.vector_load_idx %arg5[%parallel_loop3A_424] : memref<16384xf32, #tpu.memory_space<vmem>>[vector<16xi32>], vector<16xf32>,
        %parallel_loop3A_426 = arith.constant 8192 : i32
        %parallel_loop3A_427 = vector.broadcast %parallel_loop3A_426 : i32 to vector<16xi32>
        %parallel_loop3A_428 = arith.addi %parallel_loop3A_25, %parallel_loop3A_427 : vector<16xi32>
        %parallel_loop3A_429 = tpu.vector_load_idx %arg5[%parallel_loop3A_428] : memref<16384xf32, #tpu.memory_space<vmem>>[vector<16xi32>], vector<16xf32>,
        %parallel_loop3A_430 = arith.addf %parallel_loop3A_425, %parallel_loop3A_429 : vector<16xf32>
        %parallel_loop3A_431 = arith.constant 8192 : i32
        %parallel_loop3A_432 = vector.broadcast %parallel_loop3A_431 : i32 to vector<16xi32>
        %parallel_loop3A_433 = arith.addi %parallel_loop3A_31, %parallel_loop3A_432 : vector<16xi32>
        %parallel_loop3A_434 = tpu.vector_load_idx %arg5[%parallel_loop3A_433] : memref<16384xf32, #tpu.memory_space<vmem>>[vector<16xi32>], vector<16xf32>,
        %parallel_loop3A_435 = arith.addf %parallel_loop3A_430, %parallel_loop3A_434 : vector<16xf32>
        %parallel_loop3A_436 = arith.constant 8192 : i32
        %parallel_loop3A_437 = vector.broadcast %parallel_loop3A_436 : i32 to vector<16xi32>
        %parallel_loop3A_438 = arith.addi %parallel_loop3A_37, %parallel_loop3A_437 : vector<16xi32>
        %parallel_loop3A_439 = tpu.vector_load_idx %arg5[%parallel_loop3A_438] : memref<16384xf32, #tpu.memory_space<vmem>>[vector<16xi32>], vector<16xf32>,
        %parallel_loop3A_440 = arith.addf %parallel_loop3A_435, %parallel_loop3A_439 : vector<16xf32>
        %parallel_loop3A_441 = arith.constant 8192 : i32
        %parallel_loop3A_442 = vector.broadcast %parallel_loop3A_441 : i32 to vector<16xi32>
        %parallel_loop3A_443 = arith.addi %parallel_loop3A_43, %parallel_loop3A_442 : vector<16xi32>
        %parallel_loop3A_444 = tpu.vector_load_idx %arg5[%parallel_loop3A_443] : memref<16384xf32, #tpu.memory_space<vmem>>[vector<16xi32>], vector<16xf32>,
        %parallel_loop3A_445 = arith.addf %parallel_loop3A_440, %parallel_loop3A_444 : vector<16xf32>
        %parallel_loop3A_446 = arith.constant 8192 : i32
        %parallel_loop3A_447 = vector.broadcast %parallel_loop3A_446 : i32 to vector<16xi32>
        %parallel_loop3A_448 = arith.addi %parallel_loop3A_49, %parallel_loop3A_447 : vector<16xi32>
        %parallel_loop3A_449 = tpu.vector_load_idx %arg5[%parallel_loop3A_448] : memref<16384xf32, #tpu.memory_space<vmem>>[vector<16xi32>], vector<16xf32>,
        %parallel_loop3A_450 = arith.addf %parallel_loop3A_445, %parallel_loop3A_449 : vector<16xf32>
        %parallel_loop3A_451 = arith.constant 8192 : i32
        %parallel_loop3A_452 = vector.broadcast %parallel_loop3A_451 : i32 to vector<16xi32>
        %parallel_loop3A_453 = arith.addi %parallel_loop3A_55, %parallel_loop3A_452 : vector<16xi32>
        %parallel_loop3A_454 = tpu.vector_load_idx %arg5[%parallel_loop3A_453] : memref<16384xf32, #tpu.memory_space<vmem>>[vector<16xi32>], vector<16xf32>,
        %parallel_loop3A_455 = arith.addf %parallel_loop3A_450, %parallel_loop3A_454 : vector<16xf32>
        %parallel_loop3A_456 = arith.constant 8192 : i32
        %parallel_loop3A_457 = vector.broadcast %parallel_loop3A_456 : i32 to vector<16xi32>
        %parallel_loop3A_458 = arith.addi %parallel_loop3A_61, %parallel_loop3A_457 : vector<16xi32>
        %parallel_loop3A_459 = tpu.vector_load_idx %arg5[%parallel_loop3A_458] : memref<16384xf32, #tpu.memory_space<vmem>>[vector<16xi32>], vector<16xf32>,
        %parallel_loop3A_460 = arith.addf %parallel_loop3A_455, %parallel_loop3A_459 : vector<16xf32>
        %parallel_loop3A_461 = arith.constant 16 : i32
        %parallel_loop3A_462 = arith.muli %parallel_loop3A_13, %parallel_loop3A_461 : i32
        %parallel_loop3A_463 = arith.constant 8 : i32
        %parallel_loop3A_464 = arith.index_cast %parallel_loop3A_463 : i32 to index
        %parallel_loop3A_465 = arith.index_cast %parallel_loop3A_462 : i32 to index
        %parallel_loop3A_466 = tpu.vector_load %arg7[%parallel_loop3A_464, %parallel_loop3A_465] {strides = array<i32>} : memref<16x2048xf32, #tpu.memory_space<vmem>>, vector<16xf32>,
        tpu.vector_store %arg7[%parallel_loop3A_464, %parallel_loop3A_465], %parallel_loop3A_460 {strides = array<i32>} : memref<16x2048xf32, #tpu.memory_space<vmem>>, vector<16xf32>,
        %parallel_loop3A_467 = arith.constant 9216 : i32
        %parallel_loop3A_468 = vector.broadcast %parallel_loop3A_467 : i32 to vector<16xi32>
        %parallel_loop3A_469 = arith.addi %parallel_loop3A_19, %parallel_loop3A_468 : vector<16xi32>
        %parallel_loop3A_470 = tpu.vector_load_idx %arg5[%parallel_loop3A_469] : memref<16384xf32, #tpu.memory_space<vmem>>[vector<16xi32>], vector<16xf32>,
        %parallel_loop3A_471 = arith.constant 9216 : i32
        %parallel_loop3A_472 = vector.broadcast %parallel_loop3A_471 : i32 to vector<16xi32>
        %parallel_loop3A_473 = arith.addi %parallel_loop3A_25, %parallel_loop3A_472 : vector<16xi32>
        %parallel_loop3A_474 = tpu.vector_load_idx %arg5[%parallel_loop3A_473] : memref<16384xf32, #tpu.memory_space<vmem>>[vector<16xi32>], vector<16xf32>,
        %parallel_loop3A_475 = arith.addf %parallel_loop3A_470, %parallel_loop3A_474 : vector<16xf32>
        %parallel_loop3A_476 = arith.constant 9216 : i32
        %parallel_loop3A_477 = vector.broadcast %parallel_loop3A_476 : i32 to vector<16xi32>
        %parallel_loop3A_478 = arith.addi %parallel_loop3A_31, %parallel_loop3A_477 : vector<16xi32>
        %parallel_loop3A_479 = tpu.vector_load_idx %arg5[%parallel_loop3A_478] : memref<16384xf32, #tpu.memory_space<vmem>>[vector<16xi32>], vector<16xf32>,
        %parallel_loop3A_480 = arith.addf %parallel_loop3A_475, %parallel_loop3A_479 : vector<16xf32>
        %parallel_loop3A_481 = arith.constant 9216 : i32
        %parallel_loop3A_482 = vector.broadcast %parallel_loop3A_481 : i32 to vector<16xi32>
        %parallel_loop3A_483 = arith.addi %parallel_loop3A_37, %parallel_loop3A_482 : vector<16xi32>
        %parallel_loop3A_484 = tpu.vector_load_idx %arg5[%parallel_loop3A_483] : memref<16384xf32, #tpu.memory_space<vmem>>[vector<16xi32>], vector<16xf32>,
        %parallel_loop3A_485 = arith.addf %parallel_loop3A_480, %parallel_loop3A_484 : vector<16xf32>
        %parallel_loop3A_486 = arith.constant 9216 : i32
        %parallel_loop3A_487 = vector.broadcast %parallel_loop3A_486 : i32 to vector<16xi32>
        %parallel_loop3A_488 = arith.addi %parallel_loop3A_43, %parallel_loop3A_487 : vector<16xi32>
        %parallel_loop3A_489 = tpu.vector_load_idx %arg5[%parallel_loop3A_488] : memref<16384xf32, #tpu.memory_space<vmem>>[vector<16xi32>], vector<16xf32>,
        %parallel_loop3A_490 = arith.addf %parallel_loop3A_485, %parallel_loop3A_489 : vector<16xf32>
        %parallel_loop3A_491 = arith.constant 9216 : i32
        %parallel_loop3A_492 = vector.broadcast %parallel_loop3A_491 : i32 to vector<16xi32>
        %parallel_loop3A_493 = arith.addi %parallel_loop3A_49, %parallel_loop3A_492 : vector<16xi32>
        %parallel_loop3A_494 = tpu.vector_load_idx %arg5[%parallel_loop3A_493] : memref<16384xf32, #tpu.memory_space<vmem>>[vector<16xi32>], vector<16xf32>,
        %parallel_loop3A_495 = arith.addf %parallel_loop3A_490, %parallel_loop3A_494 : vector<16xf32>
        %parallel_loop3A_496 = arith.constant 9216 : i32
        %parallel_loop3A_497 = vector.broadcast %parallel_loop3A_496 : i32 to vector<16xi32>
        %parallel_loop3A_498 = arith.addi %parallel_loop3A_55, %parallel_loop3A_497 : vector<16xi32>
        %parallel_loop3A_499 = tpu.vector_load_idx %arg5[%parallel_loop3A_498] : memref<16384xf32, #tpu.memory_space<vmem>>[vector<16xi32>], vector<16xf32>,
        %parallel_loop3A_500 = arith.addf %parallel_loop3A_495, %parallel_loop3A_499 : vector<16xf32>
        %parallel_loop3A_501 = arith.constant 9216 : i32
        %parallel_loop3A_502 = vector.broadcast %parallel_loop3A_501 : i32 to vector<16xi32>
        %parallel_loop3A_503 = arith.addi %parallel_loop3A_61, %parallel_loop3A_502 : vector<16xi32>
        %parallel_loop3A_504 = tpu.vector_load_idx %arg5[%parallel_loop3A_503] : memref<16384xf32, #tpu.memory_space<vmem>>[vector<16xi32>], vector<16xf32>,
        %parallel_loop3A_505 = arith.addf %parallel_loop3A_500, %parallel_loop3A_504 : vector<16xf32>
        %parallel_loop3A_506 = arith.constant 16 : i32
        %parallel_loop3A_507 = arith.muli %parallel_loop3A_13, %parallel_loop3A_506 : i32
        %parallel_loop3A_508 = arith.constant 9 : i32
        %parallel_loop3A_509 = arith.index_cast %parallel_loop3A_508 : i32 to index
        %parallel_loop3A_510 = arith.index_cast %parallel_loop3A_507 : i32 to index
        %parallel_loop3A_511 = tpu.vector_load %arg7[%parallel_loop3A_509, %parallel_loop3A_510] {strides = array<i32>} : memref<16x2048xf32, #tpu.memory_space<vmem>>, vector<16xf32>,
        tpu.vector_store %arg7[%parallel_loop3A_509, %parallel_loop3A_510], %parallel_loop3A_505 {strides = array<i32>} : memref<16x2048xf32, #tpu.memory_space<vmem>>, vector<16xf32>,
        %parallel_loop3A_512 = arith.constant 10240 : i32
        %parallel_loop3A_513 = vector.broadcast %parallel_loop3A_512 : i32 to vector<16xi32>
        %parallel_loop3A_514 = arith.addi %parallel_loop3A_19, %parallel_loop3A_513 : vector<16xi32>
        %parallel_loop3A_515 = tpu.vector_load_idx %arg5[%parallel_loop3A_514] : memref<16384xf32, #tpu.memory_space<vmem>>[vector<16xi32>], vector<16xf32>,
        %parallel_loop3A_516 = arith.constant 10240 : i32
        %parallel_loop3A_517 = vector.broadcast %parallel_loop3A_516 : i32 to vector<16xi32>
        %parallel_loop3A_518 = arith.addi %parallel_loop3A_25, %parallel_loop3A_517 : vector<16xi32>
        %parallel_loop3A_519 = tpu.vector_load_idx %arg5[%parallel_loop3A_518] : memref<16384xf32, #tpu.memory_space<vmem>>[vector<16xi32>], vector<16xf32>,
        %parallel_loop3A_520 = arith.addf %parallel_loop3A_515, %parallel_loop3A_519 : vector<16xf32>
        %parallel_loop3A_521 = arith.constant 10240 : i32
        %parallel_loop3A_522 = vector.broadcast %parallel_loop3A_521 : i32 to vector<16xi32>
        %parallel_loop3A_523 = arith.addi %parallel_loop3A_31, %parallel_loop3A_522 : vector<16xi32>
        %parallel_loop3A_524 = tpu.vector_load_idx %arg5[%parallel_loop3A_523] : memref<16384xf32, #tpu.memory_space<vmem>>[vector<16xi32>], vector<16xf32>,
        %parallel_loop3A_525 = arith.addf %parallel_loop3A_520, %parallel_loop3A_524 : vector<16xf32>
        %parallel_loop3A_526 = arith.constant 10240 : i32
        %parallel_loop3A_527 = vector.broadcast %parallel_loop3A_526 : i32 to vector<16xi32>
        %parallel_loop3A_528 = arith.addi %parallel_loop3A_37, %parallel_loop3A_527 : vector<16xi32>
        %parallel_loop3A_529 = tpu.vector_load_idx %arg5[%parallel_loop3A_528] : memref<16384xf32, #tpu.memory_space<vmem>>[vector<16xi32>], vector<16xf32>,
        %parallel_loop3A_530 = arith.addf %parallel_loop3A_525, %parallel_loop3A_529 : vector<16xf32>
        %parallel_loop3A_531 = arith.constant 10240 : i32
        %parallel_loop3A_532 = vector.broadcast %parallel_loop3A_531 : i32 to vector<16xi32>
        %parallel_loop3A_533 = arith.addi %parallel_loop3A_43, %parallel_loop3A_532 : vector<16xi32>
        %parallel_loop3A_534 = tpu.vector_load_idx %arg5[%parallel_loop3A_533] : memref<16384xf32, #tpu.memory_space<vmem>>[vector<16xi32>], vector<16xf32>,
        %parallel_loop3A_535 = arith.addf %parallel_loop3A_530, %parallel_loop3A_534 : vector<16xf32>
        %parallel_loop3A_536 = arith.constant 10240 : i32
        %parallel_loop3A_537 = vector.broadcast %parallel_loop3A_536 : i32 to vector<16xi32>
        %parallel_loop3A_538 = arith.addi %parallel_loop3A_49, %parallel_loop3A_537 : vector<16xi32>
        %parallel_loop3A_539 = tpu.vector_load_idx %arg5[%parallel_loop3A_538] : memref<16384xf32, #tpu.memory_space<vmem>>[vector<16xi32>], vector<16xf32>,
        %parallel_loop3A_540 = arith.addf %parallel_loop3A_535, %parallel_loop3A_539 : vector<16xf32>
        %parallel_loop3A_541 = arith.constant 10240 : i32
        %parallel_loop3A_542 = vector.broadcast %parallel_loop3A_541 : i32 to vector<16xi32>
        %parallel_loop3A_543 = arith.addi %parallel_loop3A_55, %parallel_loop3A_542 : vector<16xi32>
        %parallel_loop3A_544 = tpu.vector_load_idx %arg5[%parallel_loop3A_543] : memref<16384xf32, #tpu.memory_space<vmem>>[vector<16xi32>], vector<16xf32>,
        %parallel_loop3A_545 = arith.addf %parallel_loop3A_540, %parallel_loop3A_544 : vector<16xf32>
        %parallel_loop3A_546 = arith.constant 10240 : i32
        %parallel_loop3A_547 = vector.broadcast %parallel_loop3A_546 : i32 to vector<16xi32>
        %parallel_loop3A_548 = arith.addi %parallel_loop3A_61, %parallel_loop3A_547 : vector<16xi32>
        %parallel_loop3A_549 = tpu.vector_load_idx %arg5[%parallel_loop3A_548] : memref<16384xf32, #tpu.memory_space<vmem>>[vector<16xi32>], vector<16xf32>,
        %parallel_loop3A_550 = arith.addf %parallel_loop3A_545, %parallel_loop3A_549 : vector<16xf32>
        %parallel_loop3A_551 = arith.constant 16 : i32
        %parallel_loop3A_552 = arith.muli %parallel_loop3A_13, %parallel_loop3A_551 : i32
        %parallel_loop3A_553 = arith.constant 10 : i32
        %parallel_loop3A_554 = arith.index_cast %parallel_loop3A_553 : i32 to index
        %parallel_loop3A_555 = arith.index_cast %parallel_loop3A_552 : i32 to index
        %parallel_loop3A_556 = tpu.vector_load %arg7[%parallel_loop3A_554, %parallel_loop3A_555] {strides = array<i32>} : memref<16x2048xf32, #tpu.memory_space<vmem>>, vector<16xf32>,
        tpu.vector_store %arg7[%parallel_loop3A_554, %parallel_loop3A_555], %parallel_loop3A_550 {strides = array<i32>} : memref<16x2048xf32, #tpu.memory_space<vmem>>, vector<16xf32>,
        %parallel_loop3A_557 = arith.constant 11264 : i32
        %parallel_loop3A_558 = vector.broadcast %parallel_loop3A_557 : i32 to vector<16xi32>
        %parallel_loop3A_559 = arith.addi %parallel_loop3A_19, %parallel_loop3A_558 : vector<16xi32>
        %parallel_loop3A_560 = tpu.vector_load_idx %arg5[%parallel_loop3A_559] : memref<16384xf32, #tpu.memory_space<vmem>>[vector<16xi32>], vector<16xf32>,
        %parallel_loop3A_561 = arith.constant 11264 : i32
        %parallel_loop3A_562 = vector.broadcast %parallel_loop3A_561 : i32 to vector<16xi32>
        %parallel_loop3A_563 = arith.addi %parallel_loop3A_25, %parallel_loop3A_562 : vector<16xi32>
        %parallel_loop3A_564 = tpu.vector_load_idx %arg5[%parallel_loop3A_563] : memref<16384xf32, #tpu.memory_space<vmem>>[vector<16xi32>], vector<16xf32>,
        %parallel_loop3A_565 = arith.addf %parallel_loop3A_560, %parallel_loop3A_564 : vector<16xf32>
        %parallel_loop3A_566 = arith.constant 11264 : i32
        %parallel_loop3A_567 = vector.broadcast %parallel_loop3A_566 : i32 to vector<16xi32>
        %parallel_loop3A_568 = arith.addi %parallel_loop3A_31, %parallel_loop3A_567 : vector<16xi32>
        %parallel_loop3A_569 = tpu.vector_load_idx %arg5[%parallel_loop3A_568] : memref<16384xf32, #tpu.memory_space<vmem>>[vector<16xi32>], vector<16xf32>,
        %parallel_loop3A_570 = arith.addf %parallel_loop3A_565, %parallel_loop3A_569 : vector<16xf32>
        %parallel_loop3A_571 = arith.constant 11264 : i32
        %parallel_loop3A_572 = vector.broadcast %parallel_loop3A_571 : i32 to vector<16xi32>
        %parallel_loop3A_573 = arith.addi %parallel_loop3A_37, %parallel_loop3A_572 : vector<16xi32>
        %parallel_loop3A_574 = tpu.vector_load_idx %arg5[%parallel_loop3A_573] : memref<16384xf32, #tpu.memory_space<vmem>>[vector<16xi32>], vector<16xf32>,
        %parallel_loop3A_575 = arith.addf %parallel_loop3A_570, %parallel_loop3A_574 : vector<16xf32>
        %parallel_loop3A_576 = arith.constant 11264 : i32
        %parallel_loop3A_577 = vector.broadcast %parallel_loop3A_576 : i32 to vector<16xi32>
        %parallel_loop3A_578 = arith.addi %parallel_loop3A_43, %parallel_loop3A_577 : vector<16xi32>
        %parallel_loop3A_579 = tpu.vector_load_idx %arg5[%parallel_loop3A_578] : memref<16384xf32, #tpu.memory_space<vmem>>[vector<16xi32>], vector<16xf32>,
        %parallel_loop3A_580 = arith.addf %parallel_loop3A_575, %parallel_loop3A_579 : vector<16xf32>
        %parallel_loop3A_581 = arith.constant 11264 : i32
        %parallel_loop3A_582 = vector.broadcast %parallel_loop3A_581 : i32 to vector<16xi32>
        %parallel_loop3A_583 = arith.addi %parallel_loop3A_49, %parallel_loop3A_582 : vector<16xi32>
        %parallel_loop3A_584 = tpu.vector_load_idx %arg5[%parallel_loop3A_583] : memref<16384xf32, #tpu.memory_space<vmem>>[vector<16xi32>], vector<16xf32>,
        %parallel_loop3A_585 = arith.addf %parallel_loop3A_580, %parallel_loop3A_584 : vector<16xf32>
        %parallel_loop3A_586 = arith.constant 11264 : i32
        %parallel_loop3A_587 = vector.broadcast %parallel_loop3A_586 : i32 to vector<16xi32>
        %parallel_loop3A_588 = arith.addi %parallel_loop3A_55, %parallel_loop3A_587 : vector<16xi32>
        %parallel_loop3A_589 = tpu.vector_load_idx %arg5[%parallel_loop3A_588] : memref<16384xf32, #tpu.memory_space<vmem>>[vector<16xi32>], vector<16xf32>,
        %parallel_loop3A_590 = arith.addf %parallel_loop3A_585, %parallel_loop3A_589 : vector<16xf32>
        %parallel_loop3A_591 = arith.constant 11264 : i32
        %parallel_loop3A_592 = vector.broadcast %parallel_loop3A_591 : i32 to vector<16xi32>
        %parallel_loop3A_593 = arith.addi %parallel_loop3A_61, %parallel_loop3A_592 : vector<16xi32>
        %parallel_loop3A_594 = tpu.vector_load_idx %arg5[%parallel_loop3A_593] : memref<16384xf32, #tpu.memory_space<vmem>>[vector<16xi32>], vector<16xf32>,
        %parallel_loop3A_595 = arith.addf %parallel_loop3A_590, %parallel_loop3A_594 : vector<16xf32>
        %parallel_loop3A_596 = arith.constant 16 : i32
        %parallel_loop3A_597 = arith.muli %parallel_loop3A_13, %parallel_loop3A_596 : i32
        %parallel_loop3A_598 = arith.constant 11 : i32
        %parallel_loop3A_599 = arith.index_cast %parallel_loop3A_598 : i32 to index
        %parallel_loop3A_600 = arith.index_cast %parallel_loop3A_597 : i32 to index
        %parallel_loop3A_601 = tpu.vector_load %arg7[%parallel_loop3A_599, %parallel_loop3A_600] {strides = array<i32>} : memref<16x2048xf32, #tpu.memory_space<vmem>>, vector<16xf32>,
        tpu.vector_store %arg7[%parallel_loop3A_599, %parallel_loop3A_600], %parallel_loop3A_595 {strides = array<i32>} : memref<16x2048xf32, #tpu.memory_space<vmem>>, vector<16xf32>,
        %parallel_loop3A_602 = arith.constant 12288 : i32
        %parallel_loop3A_603 = vector.broadcast %parallel_loop3A_602 : i32 to vector<16xi32>
        %parallel_loop3A_604 = arith.addi %parallel_loop3A_19, %parallel_loop3A_603 : vector<16xi32>
        %parallel_loop3A_605 = tpu.vector_load_idx %arg5[%parallel_loop3A_604] : memref<16384xf32, #tpu.memory_space<vmem>>[vector<16xi32>], vector<16xf32>,
        %parallel_loop3A_606 = arith.constant 12288 : i32
        %parallel_loop3A_607 = vector.broadcast %parallel_loop3A_606 : i32 to vector<16xi32>
        %parallel_loop3A_608 = arith.addi %parallel_loop3A_25, %parallel_loop3A_607 : vector<16xi32>
        %parallel_loop3A_609 = tpu.vector_load_idx %arg5[%parallel_loop3A_608] : memref<16384xf32, #tpu.memory_space<vmem>>[vector<16xi32>], vector<16xf32>,
        %parallel_loop3A_610 = arith.addf %parallel_loop3A_605, %parallel_loop3A_609 : vector<16xf32>
        %parallel_loop3A_611 = arith.constant 12288 : i32
        %parallel_loop3A_612 = vector.broadcast %parallel_loop3A_611 : i32 to vector<16xi32>
        %parallel_loop3A_613 = arith.addi %parallel_loop3A_31, %parallel_loop3A_612 : vector<16xi32>
        %parallel_loop3A_614 = tpu.vector_load_idx %arg5[%parallel_loop3A_613] : memref<16384xf32, #tpu.memory_space<vmem>>[vector<16xi32>], vector<16xf32>,
        %parallel_loop3A_615 = arith.addf %parallel_loop3A_610, %parallel_loop3A_614 : vector<16xf32>
        %parallel_loop3A_616 = arith.constant 12288 : i32
        %parallel_loop3A_617 = vector.broadcast %parallel_loop3A_616 : i32 to vector<16xi32>
        %parallel_loop3A_618 = arith.addi %parallel_loop3A_37, %parallel_loop3A_617 : vector<16xi32>
        %parallel_loop3A_619 = tpu.vector_load_idx %arg5[%parallel_loop3A_618] : memref<16384xf32, #tpu.memory_space<vmem>>[vector<16xi32>], vector<16xf32>,
        %parallel_loop3A_620 = arith.addf %parallel_loop3A_615, %parallel_loop3A_619 : vector<16xf32>
        %parallel_loop3A_621 = arith.constant 12288 : i32
        %parallel_loop3A_622 = vector.broadcast %parallel_loop3A_621 : i32 to vector<16xi32>
        %parallel_loop3A_623 = arith.addi %parallel_loop3A_43, %parallel_loop3A_622 : vector<16xi32>
        %parallel_loop3A_624 = tpu.vector_load_idx %arg5[%parallel_loop3A_623] : memref<16384xf32, #tpu.memory_space<vmem>>[vector<16xi32>], vector<16xf32>,
        %parallel_loop3A_625 = arith.addf %parallel_loop3A_620, %parallel_loop3A_624 : vector<16xf32>
        %parallel_loop3A_626 = arith.constant 12288 : i32
        %parallel_loop3A_627 = vector.broadcast %parallel_loop3A_626 : i32 to vector<16xi32>
        %parallel_loop3A_628 = arith.addi %parallel_loop3A_49, %parallel_loop3A_627 : vector<16xi32>
        %parallel_loop3A_629 = tpu.vector_load_idx %arg5[%parallel_loop3A_628] : memref<16384xf32, #tpu.memory_space<vmem>>[vector<16xi32>], vector<16xf32>,
        %parallel_loop3A_630 = arith.addf %parallel_loop3A_625, %parallel_loop3A_629 : vector<16xf32>
        %parallel_loop3A_631 = arith.constant 12288 : i32
        %parallel_loop3A_632 = vector.broadcast %parallel_loop3A_631 : i32 to vector<16xi32>
        %parallel_loop3A_633 = arith.addi %parallel_loop3A_55, %parallel_loop3A_632 : vector<16xi32>
        %parallel_loop3A_634 = tpu.vector_load_idx %arg5[%parallel_loop3A_633] : memref<16384xf32, #tpu.memory_space<vmem>>[vector<16xi32>], vector<16xf32>,
        %parallel_loop3A_635 = arith.addf %parallel_loop3A_630, %parallel_loop3A_634 : vector<16xf32>
        %parallel_loop3A_636 = arith.constant 12288 : i32
        %parallel_loop3A_637 = vector.broadcast %parallel_loop3A_636 : i32 to vector<16xi32>
        %parallel_loop3A_638 = arith.addi %parallel_loop3A_61, %parallel_loop3A_637 : vector<16xi32>
        %parallel_loop3A_639 = tpu.vector_load_idx %arg5[%parallel_loop3A_638] : memref<16384xf32, #tpu.memory_space<vmem>>[vector<16xi32>], vector<16xf32>,
        %parallel_loop3A_640 = arith.addf %parallel_loop3A_635, %parallel_loop3A_639 : vector<16xf32>
        %parallel_loop3A_641 = arith.constant 16 : i32
        %parallel_loop3A_642 = arith.muli %parallel_loop3A_13, %parallel_loop3A_641 : i32
        %parallel_loop3A_643 = arith.constant 12 : i32
        %parallel_loop3A_644 = arith.index_cast %parallel_loop3A_643 : i32 to index
        %parallel_loop3A_645 = arith.index_cast %parallel_loop3A_642 : i32 to index
        %parallel_loop3A_646 = tpu.vector_load %arg7[%parallel_loop3A_644, %parallel_loop3A_645] {strides = array<i32>} : memref<16x2048xf32, #tpu.memory_space<vmem>>, vector<16xf32>,
        tpu.vector_store %arg7[%parallel_loop3A_644, %parallel_loop3A_645], %parallel_loop3A_640 {strides = array<i32>} : memref<16x2048xf32, #tpu.memory_space<vmem>>, vector<16xf32>,
        %parallel_loop3A_647 = arith.constant 13312 : i32
        %parallel_loop3A_648 = vector.broadcast %parallel_loop3A_647 : i32 to vector<16xi32>
        %parallel_loop3A_649 = arith.addi %parallel_loop3A_19, %parallel_loop3A_648 : vector<16xi32>
        %parallel_loop3A_650 = tpu.vector_load_idx %arg5[%parallel_loop3A_649] : memref<16384xf32, #tpu.memory_space<vmem>>[vector<16xi32>], vector<16xf32>,
        %parallel_loop3A_651 = arith.constant 13312 : i32
        %parallel_loop3A_652 = vector.broadcast %parallel_loop3A_651 : i32 to vector<16xi32>
        %parallel_loop3A_653 = arith.addi %parallel_loop3A_25, %parallel_loop3A_652 : vector<16xi32>
        %parallel_loop3A_654 = tpu.vector_load_idx %arg5[%parallel_loop3A_653] : memref<16384xf32, #tpu.memory_space<vmem>>[vector<16xi32>], vector<16xf32>,
        %parallel_loop3A_655 = arith.addf %parallel_loop3A_650, %parallel_loop3A_654 : vector<16xf32>
        %parallel_loop3A_656 = arith.constant 13312 : i32
        %parallel_loop3A_657 = vector.broadcast %parallel_loop3A_656 : i32 to vector<16xi32>
        %parallel_loop3A_658 = arith.addi %parallel_loop3A_31, %parallel_loop3A_657 : vector<16xi32>
        %parallel_loop3A_659 = tpu.vector_load_idx %arg5[%parallel_loop3A_658] : memref<16384xf32, #tpu.memory_space<vmem>>[vector<16xi32>], vector<16xf32>,
        %parallel_loop3A_660 = arith.addf %parallel_loop3A_655, %parallel_loop3A_659 : vector<16xf32>
        %parallel_loop3A_661 = arith.constant 13312 : i32
        %parallel_loop3A_662 = vector.broadcast %parallel_loop3A_661 : i32 to vector<16xi32>
        %parallel_loop3A_663 = arith.addi %parallel_loop3A_37, %parallel_loop3A_662 : vector<16xi32>
        %parallel_loop3A_664 = tpu.vector_load_idx %arg5[%parallel_loop3A_663] : memref<16384xf32, #tpu.memory_space<vmem>>[vector<16xi32>], vector<16xf32>,
        %parallel_loop3A_665 = arith.addf %parallel_loop3A_660, %parallel_loop3A_664 : vector<16xf32>
        %parallel_loop3A_666 = arith.constant 13312 : i32
        %parallel_loop3A_667 = vector.broadcast %parallel_loop3A_666 : i32 to vector<16xi32>
        %parallel_loop3A_668 = arith.addi %parallel_loop3A_43, %parallel_loop3A_667 : vector<16xi32>
        %parallel_loop3A_669 = tpu.vector_load_idx %arg5[%parallel_loop3A_668] : memref<16384xf32, #tpu.memory_space<vmem>>[vector<16xi32>], vector<16xf32>,
        %parallel_loop3A_670 = arith.addf %parallel_loop3A_665, %parallel_loop3A_669 : vector<16xf32>
        %parallel_loop3A_671 = arith.constant 13312 : i32
        %parallel_loop3A_672 = vector.broadcast %parallel_loop3A_671 : i32 to vector<16xi32>
        %parallel_loop3A_673 = arith.addi %parallel_loop3A_49, %parallel_loop3A_672 : vector<16xi32>
        %parallel_loop3A_674 = tpu.vector_load_idx %arg5[%parallel_loop3A_673] : memref<16384xf32, #tpu.memory_space<vmem>>[vector<16xi32>], vector<16xf32>,
        %parallel_loop3A_675 = arith.addf %parallel_loop3A_670, %parallel_loop3A_674 : vector<16xf32>
        %parallel_loop3A_676 = arith.constant 13312 : i32
        %parallel_loop3A_677 = vector.broadcast %parallel_loop3A_676 : i32 to vector<16xi32>
        %parallel_loop3A_678 = arith.addi %parallel_loop3A_55, %parallel_loop3A_677 : vector<16xi32>
        %parallel_loop3A_679 = tpu.vector_load_idx %arg5[%parallel_loop3A_678] : memref<16384xf32, #tpu.memory_space<vmem>>[vector<16xi32>], vector<16xf32>,
        %parallel_loop3A_680 = arith.addf %parallel_loop3A_675, %parallel_loop3A_679 : vector<16xf32>
        %parallel_loop3A_681 = arith.constant 13312 : i32
        %parallel_loop3A_682 = vector.broadcast %parallel_loop3A_681 : i32 to vector<16xi32>
        %parallel_loop3A_683 = arith.addi %parallel_loop3A_61, %parallel_loop3A_682 : vector<16xi32>
        %parallel_loop3A_684 = tpu.vector_load_idx %arg5[%parallel_loop3A_683] : memref<16384xf32, #tpu.memory_space<vmem>>[vector<16xi32>], vector<16xf32>,
        %parallel_loop3A_685 = arith.addf %parallel_loop3A_680, %parallel_loop3A_684 : vector<16xf32>
        %parallel_loop3A_686 = arith.constant 16 : i32
        %parallel_loop3A_687 = arith.muli %parallel_loop3A_13, %parallel_loop3A_686 : i32
        %parallel_loop3A_688 = arith.constant 13 : i32
        %parallel_loop3A_689 = arith.index_cast %parallel_loop3A_688 : i32 to index
        %parallel_loop3A_690 = arith.index_cast %parallel_loop3A_687 : i32 to index
        %parallel_loop3A_691 = tpu.vector_load %arg7[%parallel_loop3A_689, %parallel_loop3A_690] {strides = array<i32>} : memref<16x2048xf32, #tpu.memory_space<vmem>>, vector<16xf32>,
        tpu.vector_store %arg7[%parallel_loop3A_689, %parallel_loop3A_690], %parallel_loop3A_685 {strides = array<i32>} : memref<16x2048xf32, #tpu.memory_space<vmem>>, vector<16xf32>,
        %parallel_loop3A_692 = arith.constant 14336 : i32
        %parallel_loop3A_693 = vector.broadcast %parallel_loop3A_692 : i32 to vector<16xi32>
        %parallel_loop3A_694 = arith.addi %parallel_loop3A_19, %parallel_loop3A_693 : vector<16xi32>
        %parallel_loop3A_695 = tpu.vector_load_idx %arg5[%parallel_loop3A_694] : memref<16384xf32, #tpu.memory_space<vmem>>[vector<16xi32>], vector<16xf32>,
        %parallel_loop3A_696 = arith.constant 14336 : i32
        %parallel_loop3A_697 = vector.broadcast %parallel_loop3A_696 : i32 to vector<16xi32>
        %parallel_loop3A_698 = arith.addi %parallel_loop3A_25, %parallel_loop3A_697 : vector<16xi32>
        %parallel_loop3A_699 = tpu.vector_load_idx %arg5[%parallel_loop3A_698] : memref<16384xf32, #tpu.memory_space<vmem>>[vector<16xi32>], vector<16xf32>,
        %parallel_loop3A_700 = arith.addf %parallel_loop3A_695, %parallel_loop3A_699 : vector<16xf32>
        %parallel_loop3A_701 = arith.constant 14336 : i32
        %parallel_loop3A_702 = vector.broadcast %parallel_loop3A_701 : i32 to vector<16xi32>
        %parallel_loop3A_703 = arith.addi %parallel_loop3A_31, %parallel_loop3A_702 : vector<16xi32>
        %parallel_loop3A_704 = tpu.vector_load_idx %arg5[%parallel_loop3A_703] : memref<16384xf32, #tpu.memory_space<vmem>>[vector<16xi32>], vector<16xf32>,
        %parallel_loop3A_705 = arith.addf %parallel_loop3A_700, %parallel_loop3A_704 : vector<16xf32>
        %parallel_loop3A_706 = arith.constant 14336 : i32
        %parallel_loop3A_707 = vector.broadcast %parallel_loop3A_706 : i32 to vector<16xi32>
        %parallel_loop3A_708 = arith.addi %parallel_loop3A_37, %parallel_loop3A_707 : vector<16xi32>
        %parallel_loop3A_709 = tpu.vector_load_idx %arg5[%parallel_loop3A_708] : memref<16384xf32, #tpu.memory_space<vmem>>[vector<16xi32>], vector<16xf32>,
        %parallel_loop3A_710 = arith.addf %parallel_loop3A_705, %parallel_loop3A_709 : vector<16xf32>
        %parallel_loop3A_711 = arith.constant 14336 : i32
        %parallel_loop3A_712 = vector.broadcast %parallel_loop3A_711 : i32 to vector<16xi32>
        %parallel_loop3A_713 = arith.addi %parallel_loop3A_43, %parallel_loop3A_712 : vector<16xi32>
        %parallel_loop3A_714 = tpu.vector_load_idx %arg5[%parallel_loop3A_713] : memref<16384xf32, #tpu.memory_space<vmem>>[vector<16xi32>], vector<16xf32>,
        %parallel_loop3A_715 = arith.addf %parallel_loop3A_710, %parallel_loop3A_714 : vector<16xf32>
        %parallel_loop3A_716 = arith.constant 14336 : i32
        %parallel_loop3A_717 = vector.broadcast %parallel_loop3A_716 : i32 to vector<16xi32>
        %parallel_loop3A_718 = arith.addi %parallel_loop3A_49, %parallel_loop3A_717 : vector<16xi32>
        %parallel_loop3A_719 = tpu.vector_load_idx %arg5[%parallel_loop3A_718] : memref<16384xf32, #tpu.memory_space<vmem>>[vector<16xi32>], vector<16xf32>,
        %parallel_loop3A_720 = arith.addf %parallel_loop3A_715, %parallel_loop3A_719 : vector<16xf32>
        %parallel_loop3A_721 = arith.constant 14336 : i32
        %parallel_loop3A_722 = vector.broadcast %parallel_loop3A_721 : i32 to vector<16xi32>
        %parallel_loop3A_723 = arith.addi %parallel_loop3A_55, %parallel_loop3A_722 : vector<16xi32>
        %parallel_loop3A_724 = tpu.vector_load_idx %arg5[%parallel_loop3A_723] : memref<16384xf32, #tpu.memory_space<vmem>>[vector<16xi32>], vector<16xf32>,
        %parallel_loop3A_725 = arith.addf %parallel_loop3A_720, %parallel_loop3A_724 : vector<16xf32>
        %parallel_loop3A_726 = arith.constant 14336 : i32
        %parallel_loop3A_727 = vector.broadcast %parallel_loop3A_726 : i32 to vector<16xi32>
        %parallel_loop3A_728 = arith.addi %parallel_loop3A_61, %parallel_loop3A_727 : vector<16xi32>
        %parallel_loop3A_729 = tpu.vector_load_idx %arg5[%parallel_loop3A_728] : memref<16384xf32, #tpu.memory_space<vmem>>[vector<16xi32>], vector<16xf32>,
        %parallel_loop3A_730 = arith.addf %parallel_loop3A_725, %parallel_loop3A_729 : vector<16xf32>
        %parallel_loop3A_731 = arith.constant 16 : i32
        %parallel_loop3A_732 = arith.muli %parallel_loop3A_13, %parallel_loop3A_731 : i32
        %parallel_loop3A_733 = arith.constant 14 : i32
        %parallel_loop3A_734 = arith.index_cast %parallel_loop3A_733 : i32 to index
        %parallel_loop3A_735 = arith.index_cast %parallel_loop3A_732 : i32 to index
        %parallel_loop3A_736 = tpu.vector_load %arg7[%parallel_loop3A_734, %parallel_loop3A_735] {strides = array<i32>} : memref<16x2048xf32, #tpu.memory_space<vmem>>, vector<16xf32>,
        tpu.vector_store %arg7[%parallel_loop3A_734, %parallel_loop3A_735], %parallel_loop3A_730 {strides = array<i32>} : memref<16x2048xf32, #tpu.memory_space<vmem>>, vector<16xf32>,
        %parallel_loop3A_737 = arith.constant 15360 : i32
        %parallel_loop3A_738 = vector.broadcast %parallel_loop3A_737 : i32 to vector<16xi32>
        %parallel_loop3A_739 = arith.addi %parallel_loop3A_19, %parallel_loop3A_738 : vector<16xi32>
        %parallel_loop3A_740 = tpu.vector_load_idx %arg5[%parallel_loop3A_739] : memref<16384xf32, #tpu.memory_space<vmem>>[vector<16xi32>], vector<16xf32>,
        %parallel_loop3A_741 = arith.constant 15360 : i32
        %parallel_loop3A_742 = vector.broadcast %parallel_loop3A_741 : i32 to vector<16xi32>
        %parallel_loop3A_743 = arith.addi %parallel_loop3A_25, %parallel_loop3A_742 : vector<16xi32>
        %parallel_loop3A_744 = tpu.vector_load_idx %arg5[%parallel_loop3A_743] : memref<16384xf32, #tpu.memory_space<vmem>>[vector<16xi32>], vector<16xf32>,
        %parallel_loop3A_745 = arith.addf %parallel_loop3A_740, %parallel_loop3A_744 : vector<16xf32>
        %parallel_loop3A_746 = arith.constant 15360 : i32
        %parallel_loop3A_747 = vector.broadcast %parallel_loop3A_746 : i32 to vector<16xi32>
        %parallel_loop3A_748 = arith.addi %parallel_loop3A_31, %parallel_loop3A_747 : vector<16xi32>
        %parallel_loop3A_749 = tpu.vector_load_idx %arg5[%parallel_loop3A_748] : memref<16384xf32, #tpu.memory_space<vmem>>[vector<16xi32>], vector<16xf32>,
        %parallel_loop3A_750 = arith.addf %parallel_loop3A_745, %parallel_loop3A_749 : vector<16xf32>
        %parallel_loop3A_751 = arith.constant 15360 : i32
        %parallel_loop3A_752 = vector.broadcast %parallel_loop3A_751 : i32 to vector<16xi32>
        %parallel_loop3A_753 = arith.addi %parallel_loop3A_37, %parallel_loop3A_752 : vector<16xi32>
        %parallel_loop3A_754 = tpu.vector_load_idx %arg5[%parallel_loop3A_753] : memref<16384xf32, #tpu.memory_space<vmem>>[vector<16xi32>], vector<16xf32>,
        %parallel_loop3A_755 = arith.addf %parallel_loop3A_750, %parallel_loop3A_754 : vector<16xf32>
        %parallel_loop3A_756 = arith.constant 15360 : i32
        %parallel_loop3A_757 = vector.broadcast %parallel_loop3A_756 : i32 to vector<16xi32>
        %parallel_loop3A_758 = arith.addi %parallel_loop3A_43, %parallel_loop3A_757 : vector<16xi32>
        %parallel_loop3A_759 = tpu.vector_load_idx %arg5[%parallel_loop3A_758] : memref<16384xf32, #tpu.memory_space<vmem>>[vector<16xi32>], vector<16xf32>,
        %parallel_loop3A_760 = arith.addf %parallel_loop3A_755, %parallel_loop3A_759 : vector<16xf32>
        %parallel_loop3A_761 = arith.constant 15360 : i32
        %parallel_loop3A_762 = vector.broadcast %parallel_loop3A_761 : i32 to vector<16xi32>
        %parallel_loop3A_763 = arith.addi %parallel_loop3A_49, %parallel_loop3A_762 : vector<16xi32>
        %parallel_loop3A_764 = tpu.vector_load_idx %arg5[%parallel_loop3A_763] : memref<16384xf32, #tpu.memory_space<vmem>>[vector<16xi32>], vector<16xf32>,
        %parallel_loop3A_765 = arith.addf %parallel_loop3A_760, %parallel_loop3A_764 : vector<16xf32>
        %parallel_loop3A_766 = arith.constant 15360 : i32
        %parallel_loop3A_767 = vector.broadcast %parallel_loop3A_766 : i32 to vector<16xi32>
        %parallel_loop3A_768 = arith.addi %parallel_loop3A_55, %parallel_loop3A_767 : vector<16xi32>
        %parallel_loop3A_769 = tpu.vector_load_idx %arg5[%parallel_loop3A_768] : memref<16384xf32, #tpu.memory_space<vmem>>[vector<16xi32>], vector<16xf32>,
        %parallel_loop3A_770 = arith.addf %parallel_loop3A_765, %parallel_loop3A_769 : vector<16xf32>
        %parallel_loop3A_771 = arith.constant 15360 : i32
        %parallel_loop3A_772 = vector.broadcast %parallel_loop3A_771 : i32 to vector<16xi32>
        %parallel_loop3A_773 = arith.addi %parallel_loop3A_61, %parallel_loop3A_772 : vector<16xi32>
        %parallel_loop3A_774 = tpu.vector_load_idx %arg5[%parallel_loop3A_773] : memref<16384xf32, #tpu.memory_space<vmem>>[vector<16xi32>], vector<16xf32>,
        %parallel_loop3A_775 = arith.addf %parallel_loop3A_770, %parallel_loop3A_774 : vector<16xf32>
        %parallel_loop3A_776 = arith.constant 16 : i32
        %parallel_loop3A_777 = arith.muli %parallel_loop3A_13, %parallel_loop3A_776 : i32
        %parallel_loop3A_778 = arith.constant 15 : i32
        %parallel_loop3A_779 = arith.index_cast %parallel_loop3A_778 : i32 to index
        %parallel_loop3A_780 = arith.index_cast %parallel_loop3A_777 : i32 to index
        %parallel_loop3A_781 = tpu.vector_load %arg7[%parallel_loop3A_779, %parallel_loop3A_780] {strides = array<i32>} : memref<16x2048xf32, #tpu.memory_space<vmem>>, vector<16xf32>,
        tpu.vector_store %arg7[%parallel_loop3A_779, %parallel_loop3A_780], %parallel_loop3A_775 {strides = array<i32>} : memref<16x2048xf32, #tpu.memory_space<vmem>>, vector<16xf32>,
      } {sc.loop_unroll_factor = 1 : i64, sc.parallel_access}
      "tpu.region"() ({
        %run_scoped3A = tpu.sem_alloc : memref<!tpu.dma_semaphore, #tpu.memory_space<semaphore_mem>>
        %dma_start3A = arith.constant 0 : i32
        %dma_start3A_13 = tpu.memref_slice %arg4[%arg1, %dma_start3A, %add3A] : memref<16x16x8192xf32, #tpu.memory_space<hbm>> -> memref<1x16x2048xf32, #tpu.memory_space<hbm>>
        %dma_start3A_14 = tpu.memref_squeeze %dma_start3A_13 : memref<1x16x2048xf32, #tpu.memory_space<hbm>> -> memref<16x2048xf32, #tpu.memory_space<hbm>>
        %dma_start3A_15 = arith.constant 0 : i32
        %dma_start3A_16 = tpu.memref_slice %arg4[%arg1, %dma_start3A_15, %add3A] : memref<16x16x8192xf32, #tpu.memory_space<hbm>> -> memref<1x16x2048xf32, #tpu.memory_space<hbm>>
        %dma_start3A_17 = tpu.memref_squeeze %dma_start3A_16 : memref<1x16x2048xf32, #tpu.memory_space<hbm>> -> memref<16x2048xf32, #tpu.memory_space<hbm>>
        tpu.enqueue_dma source(%arg7 : memref<16x2048xf32, #tpu.memory_space<vmem>>) target(%dma_start3A_17 : memref<16x2048xf32, #tpu.memory_space<hbm>>) target_semaphore(%run_scoped3A : memref<!tpu.dma_semaphore, #tpu.memory_space<semaphore_mem>>)
        %dma_wait3A = arith.constant 0 : i32
        %dma_wait3A_18 = tpu.memref_slice %arg4[%arg1, %dma_wait3A, %add3A] : memref<16x16x8192xf32, #tpu.memory_space<hbm>> -> memref<1x16x2048xf32, #tpu.memory_space<hbm>>
        %dma_wait3A_19 = tpu.memref_squeeze %dma_wait3A_18 : memref<1x16x2048xf32, #tpu.memory_space<hbm>> -> memref<16x2048xf32, #tpu.memory_space<hbm>>
        %dma_wait3A_20 = arith.constant 0 : i32
        %dma_wait3A_21 = tpu.memref_slice %arg4[%arg1, %dma_wait3A_20, %add3A] : memref<16x16x8192xf32, #tpu.memory_space<hbm>> -> memref<1x16x2048xf32, #tpu.memory_space<hbm>>
        %dma_wait3A_22 = tpu.memref_squeeze %dma_wait3A_21 : memref<1x16x2048xf32, #tpu.memory_space<hbm>> -> memref<16x2048xf32, #tpu.memory_space<hbm>>
        tpu.wait_dma2 semaphore(%run_scoped3A : memref<!tpu.dma_semaphore, #tpu.memory_space<semaphore_mem>>) src(%arg7 : memref<16x2048xf32, #tpu.memory_space<vmem>>) dst(%dma_wait3A_22 : memref<16x2048xf32, #tpu.memory_space<hbm>>)
        tpu.yield
      }) : () -> ()
    }
    %scan3A_7 = arith.constant 2 : i32
    return
  }
}

module attributes {stable_mosaic.version = 14 : i64} {
  func.func @_mall_body(%arg0: i32, %arg1: memref<128x64xf32, #tpu.memory_space<vmem>>, %arg2: memref<1x64x512xf32, #tpu.memory_space<vmem>>, %arg3: memref<512x256xf32, #tpu.memory_space<vmem>>, %arg4: memref<1x512xf32, #tpu.memory_space<vmem>>, %arg5: memref<1x256xf32, #tpu.memory_space<vmem>>, %arg6: memref<128x256xf32, #tpu.memory_space<vmem>>) attributes {dimension_semantics = [#tpu.dimension_semantics<arbitrary>], iteration_bounds = array<i64: 8>, scalar_prefetch = 0 : i64, scratch_operands = 0 : i64, tpu.core_type = #tpu.core_type<tc>, window_params = [{pipeline_mode = #tpu.pipeline_mode<synchronous>, transform_indices = @transform_0, window_bounds = array<i64: 128, 64>}, {transform_indices = @transform_1, window_bounds = array<i64: 1, 64, 512>}, {pipeline_mode = #tpu.pipeline_mode<synchronous>, transform_indices = @transform_2, window_bounds = array<i64: 512, 256>}, {pipeline_mode = #tpu.pipeline_mode<synchronous>, transform_indices = @transform_3, window_bounds = array<i64: 1, 512>}, {pipeline_mode = #tpu.pipeline_mode<synchronous>, transform_indices = @transform_4, window_bounds = array<i64: 1, 256>}, {transform_indices = @transform_5, window_bounds = array<i64: 128, 256>}]} {
    %get3A = arith.constant 0 : index
    %get3A_0 = arith.constant 0 : index
    %get3A_1 = vector.load %arg1[%get3A, %get3A_0] : memref<128x64xf32, #tpu.memory_space<vmem>>, vector<128x64xf32>
    %get3A_2 = arith.constant 0 : index
    %get3A_3 = arith.constant 0 : index
    %get3A_4 = arith.constant 0 : index
    %get3A_5 = vector.load %arg2[%get3A_2, %get3A_3, %get3A_4] : memref<1x64x512xf32, #tpu.memory_space<vmem>>, vector<1x64x512xf32>
    %get3A_6 = vector.shape_cast %get3A_5 : vector<1x64x512xf32> to vector<64x512xf32>
    %dot_general3A = arith.constant dense<0.000000e+00> : vector<128x512xf32>
    %dot_general3A_7 = tpu.matmul %get3A_1, %get3A_6, %dot_general3A {dimension_numbers = #tpu.dot_dimension_numbers<[1], [0], [0], [1], [0, 0, 1, 1], [], []>, transpose_lhs_hint = false} : vector<128x64xf32>, vector<64x512xf32>, vector<128x512xf32> -> vector<128x512xf32>
    %get3A_8 = arith.constant 0 : index
    %get3A_9 = arith.constant 0 : index
    %get3A_10 = vector.load %arg3[%get3A_8, %get3A_9] : memref<512x256xf32, #tpu.memory_space<vmem>>, vector<512x256xf32>
    %dot_general3A_11 = arith.constant dense<0.000000e+00> : vector<128x256xf32>
    %dot_general3A_12 = tpu.matmul %dot_general3A_7, %get3A_10, %dot_general3A_11 {dimension_numbers = #tpu.dot_dimension_numbers<[1], [0], [0], [1], [0, 0, 1, 1], [], []>, transpose_lhs_hint = false} : vector<128x512xf32>, vector<512x256xf32>, vector<128x256xf32> -> vector<128x256xf32>
    %get3A_13 = arith.constant 0 : index
    %get3A_14 = arith.constant 0 : index
    %get3A_15 = vector.load %arg4[%get3A_13, %get3A_14] : memref<1x512xf32, #tpu.memory_space<vmem>>, vector<1x512xf32>
    %get3A_16 = arith.constant 0 : index
    %get3A_17 = arith.constant 0 : index
    %get3A_18 = vector.load %arg3[%get3A_16, %get3A_17] : memref<512x256xf32, #tpu.memory_space<vmem>>, vector<512x256xf32>
    %dot_general3A_19 = arith.constant dense<0.000000e+00> : vector<1x256xf32>
    %dot_general3A_20 = tpu.matmul %get3A_15, %get3A_18, %dot_general3A_19 {dimension_numbers = #tpu.dot_dimension_numbers<[1], [0], [0], [1], [0, 0, 1, 1], [], []>, transpose_lhs_hint = false} : vector<1x512xf32>, vector<512x256xf32>, vector<1x256xf32> -> vector<1x256xf32>
    %get3A_21 = arith.constant 0 : index
    %get3A_22 = arith.constant 0 : index
    %get3A_23 = vector.load %arg5[%get3A_21, %get3A_22] : memref<1x256xf32, #tpu.memory_space<vmem>>, vector<1x256xf32>
    %add3A = arith.addf %dot_general3A_20, %get3A_23 : vector<1x256xf32>
    %mul3A = arith.constant 1.250000e-01 : f32
    %mul3A_24 = vector.broadcast %mul3A : f32 to vector<1x256xf32>
    %mul3A_25 = arith.mulf %add3A, %mul3A_24 : vector<1x256xf32>
    %add3A_26 = vector.broadcast %mul3A_25 : vector<1x256xf32> to vector<128x256xf32>
    %add3A_27 = arith.addf %dot_general3A_12, %add3A_26 : vector<128x256xf32>
    %swap3A = arith.constant 0 : index
    %swap3A_28 = arith.constant 0 : index
    %swap3A_29 = vector.load %arg6[%swap3A, %swap3A_28] : memref<128x256xf32, #tpu.memory_space<vmem>>, vector<128x256xf32>
    tpu.vector_store %arg6[%swap3A, %swap3A_28], %add3A_27 {strides = array<i32>} : memref<128x256xf32, #tpu.memory_space<vmem>>, vector<128x256xf32>,
    return
  }
  func.func @transform_0(%arg0: i32) -> (i32, i32) {
    %c0_i32 = arith.constant 0 : i32
    %c0_i32_0 = arith.constant 0 : i32
    %c0_i32_1 = arith.constant 0 : i32
    return %c0_i32, %c0_i32_0 : i32, i32
  }
  func.func @transform_1(%arg0: i32) -> (i32, i32, i32) {
    %c0_i32 = arith.constant 0 : i32
    %c0_i32_0 = arith.constant 0 : i32
    %c0_i32_1 = arith.constant 0 : i32
    return %arg0, %c0_i32, %c0_i32_0 : i32, i32, i32
  }
  func.func @transform_2(%arg0: i32) -> (i32, i32) {
    %c0_i32 = arith.constant 0 : i32
    %c0_i32_0 = arith.constant 0 : i32
    %c0_i32_1 = arith.constant 0 : i32
    return %c0_i32, %c0_i32_0 : i32, i32
  }
  func.func @transform_3(%arg0: i32) -> (i32, i32) {
    %c0_i32 = arith.constant 0 : i32
    %c0_i32_0 = arith.constant 0 : i32
    %c0_i32_1 = arith.constant 0 : i32
    return %c0_i32, %c0_i32_0 : i32, i32
  }
  func.func @transform_4(%arg0: i32) -> (i32, i32) {
    %c0_i32 = arith.constant 0 : i32
    %c0_i32_0 = arith.constant 0 : i32
    %c0_i32_1 = arith.constant 0 : i32
    return %c0_i32, %c0_i32_0 : i32, i32
  }
  func.func @transform_5(%arg0: i32) -> (i32, i32) {
    %c0_i32 = arith.constant 0 : i32
    %c0_i32_0 = arith.constant 0 : i32
    return %arg0, %c0_i32 : i32, i32
  }
}

module attributes {stable_mosaic.version = 14 : i64} {
  func.func @_main_body(%arg0: i32, %arg1: memref<2048x32xf32, #tpu.memory_space<vmem>>, %arg2: memref<2048x1xf32, #tpu.memory_space<vmem>>, %arg3: memref<32x512xf32, #tpu.memory_space<vmem>>, %arg4: memref<1x512xf32, #tpu.memory_space<vmem>>, %arg5: memref<128x64xf32, #tpu.memory_space<vmem>>, %arg6: memref<64x128xf32, #tpu.memory_space<vmem>>, %arg7: memref<512x8xf32, #tpu.memory_space<vmem>>, %arg8: memref<1x2048xf32, #tpu.memory_space<vmem>>, %arg9: memref<2048x8xi32, #tpu.memory_space<vmem>>, %arg10: memref<1x128xf32, #tpu.memory_space<vmem>>, %arg11: memref<1x1xf32, #tpu.memory_space<vmem>>, %arg12: memref<1x1xf32, #tpu.memory_space<vmem>>, %arg13: memref<1x128xf32, #tpu.memory_space<vmem>>, %arg14: memref<2xf32, #tpu.memory_space<smem>>) attributes {dimension_semantics = [#tpu.dimension_semantics<arbitrary>], iteration_bounds = array<i64: 4>, scalar_prefetch = 0 : i64, scratch_operands = 2 : i64, tpu.core_type = #tpu.core_type<tc>, window_params = [{transform_indices = @transform_0, window_bounds = array<i64: 2048, 32>}, {transform_indices = @transform_1, window_bounds = array<i64: 2048, 1>}, {pipeline_mode = #tpu.pipeline_mode<synchronous>, transform_indices = @transform_2, window_bounds = array<i64: 32, 512>}, {pipeline_mode = #tpu.pipeline_mode<synchronous>, transform_indices = @transform_3, window_bounds = array<i64: 1, 512>}, {pipeline_mode = #tpu.pipeline_mode<synchronous>, transform_indices = @transform_4, window_bounds = array<i64: 128, 64>}, {pipeline_mode = #tpu.pipeline_mode<synchronous>, transform_indices = @transform_5, window_bounds = array<i64: 64, 128>}, {pipeline_mode = #tpu.pipeline_mode<synchronous>, transform_indices = @transform_6, window_bounds = array<i64: 512, 8>}, {pipeline_mode = #tpu.pipeline_mode<synchronous>, transform_indices = @transform_7, window_bounds = array<i64: 1, 2048>}, {transform_indices = @transform_8, window_bounds = array<i64: 2048, 8>}, {pipeline_mode = #tpu.pipeline_mode<synchronous>, transform_indices = @transform_9, window_bounds = array<i64: 1, 128>}, {pipeline_mode = #tpu.pipeline_mode<synchronous>, transform_indices = @transform_10, window_bounds = array<i64: 1, 1>}, {pipeline_mode = #tpu.pipeline_mode<synchronous>, transform_indices = @transform_11, window_bounds = array<i64: 1, 1>}]} {
    %eq3A = arith.constant 0 : i32
    %eq3A_0 = arith.cmpi eq, %arg0, %eq3A : i32
    %convert_element_type3A = arith.extui %eq3A_0 : i1 to i32
    %cond3A = arith.constant 0 : i32
    %cond3A_1 = arith.cmpi ne, %convert_element_type3A, %cond3A : i32
    scf.if %cond3A_1 {
      %broadcast_in_dim3A_238 = arith.constant 0.000000e+00 : f32
      %broadcast_in_dim3A_239 = vector.broadcast %broadcast_in_dim3A_238 : f32 to vector<1x128xf32>
      %swap3A_240 = arith.constant 0 : index
      %swap3A_241 = arith.constant 0 : index
      %swap3A_242 = vector.load %arg13[%swap3A_240, %swap3A_241] : memref<1x128xf32, #tpu.memory_space<vmem>>, vector<1x128xf32>
      tpu.vector_store %arg13[%swap3A_240, %swap3A_241], %broadcast_in_dim3A_239 {strides = array<i32>} : memref<1x128xf32, #tpu.memory_space<vmem>>, vector<1x128xf32>,
      %swap3A_243 = arith.constant 0.000000e+00 : f32
      %swap3A_244 = arith.constant 0 : index
      %swap3A_245 = memref.load %arg14[%swap3A_244] : memref<2xf32, #tpu.memory_space<smem>>
      memref.store %swap3A_243, %arg14[%swap3A_244] : memref<2xf32, #tpu.memory_space<smem>>
      %swap3A_246 = arith.constant 0.000000e+00 : f32
      %swap3A_247 = arith.constant 1 : index
      %swap3A_248 = memref.load %arg14[%swap3A_247] : memref<2xf32, #tpu.memory_space<smem>>
      memref.store %swap3A_246, %arg14[%swap3A_247] : memref<2xf32, #tpu.memory_space<smem>>
    } else {
    }
    %get3A = arith.constant 0 : index
    %get3A_2 = arith.constant 0 : index
    %get3A_3 = vector.load %arg1[%get3A, %get3A_2] : memref<2048x32xf32, #tpu.memory_space<vmem>>, vector<2048x32xf32>
    %get3A_4 = arith.constant 0 : index
    %get3A_5 = arith.constant 0 : index
    %get3A_6 = vector.load %arg2[%get3A_4, %get3A_5] : memref<2048x1xf32, #tpu.memory_space<vmem>>, vector<2048x1xf32>
    %get3A_7 = arith.constant 0 : index
    %get3A_8 = arith.constant 0 : index
    %get3A_9 = vector.load %arg3[%get3A_7, %get3A_8] : memref<32x512xf32, #tpu.memory_space<vmem>>, vector<32x512xf32>
    %dot_general3A = arith.constant dense<0.000000e+00> : vector<2048x512xf32>
    %dot_general3A_10 = tpu.matmul %get3A_3, %get3A_9, %dot_general3A {dimension_numbers = #tpu.dot_dimension_numbers<[1], [0], [0], [1], [0, 0, 1, 1], [], []>, transpose_lhs_hint = false} : vector<2048x32xf32>, vector<32x512xf32>, vector<2048x512xf32> -> vector<2048x512xf32>
    %get3A_11 = arith.constant 0 : index
    %get3A_12 = arith.constant 0 : index
    %get3A_13 = vector.load %arg4[%get3A_11, %get3A_12] : memref<1x512xf32, #tpu.memory_space<vmem>>, vector<1x512xf32>
    %add3A = vector.broadcast %get3A_13 : vector<1x512xf32> to vector<2048x512xf32>
    %add3A_14 = arith.addf %dot_general3A_10, %add3A : vector<2048x512xf32>
    %max3A = arith.constant 0.000000e+00 : f32
    %max3A_15 = vector.broadcast %max3A : f32 to vector<2048x512xf32>
    %max3A_16 = arith.maximumf %add3A_14, %max3A_15 : vector<2048x512xf32>
    %get3A_17 = arith.constant 0 : index
    %get3A_18 = arith.constant 0 : index
    %get3A_19 = vector.load %arg5[%get3A_17, %get3A_18] : memref<128x64xf32, #tpu.memory_space<vmem>>, vector<128x64xf32>
    %mul3A = arith.mulf %get3A_19, %get3A_19 : vector<128x64xf32>
    %reduce_sum3A = arith.constant dense<0.000000e+00> : vector<128xf32>
    %reduce_sum3A_20 = vector.multi_reduction <add>, %mul3A, %reduce_sum3A [1] : vector<128x64xf32> to vector<128xf32>
    %broadcast_in_dim3A = vector.shape_cast %reduce_sum3A_20 : vector<128xf32> to vector<1x128xf32>
    %get3A_21 = arith.constant 0 : index
    %get3A_22 = arith.constant 0 : index
    %get3A_23 = vector.load %arg6[%get3A_21, %get3A_22] : memref<64x128xf32, #tpu.memory_space<vmem>>, vector<64x128xf32>
    %mul3A_24 = arith.constant -2.000000e+00 : f32
    %mul3A_25 = vector.broadcast %mul3A_24 : f32 to vector<64x128xf32>
    %mul3A_26 = arith.mulf %get3A_23, %mul3A_25 : vector<64x128xf32>
    %iota3A = tpu.iota {dimensions = array<i32: 1>} : vector<2048x128xi32>
    %convert_element_type3A_27 = arith.sitofp %iota3A : vector<2048x128xi32> to vector<2048x128xf32>
    %mul3A_28 = arith.mulf %max3A_16, %max3A_16 : vector<2048x512xf32>
    %get3A_29 = arith.constant 0 : index
    %get3A_30 = arith.constant 0 : index
    %get3A_31 = vector.load %arg7[%get3A_29, %get3A_30] : memref<512x8xf32, #tpu.memory_space<vmem>>, vector<512x8xf32>
    %dot_general3A_32 = arith.constant dense<0.000000e+00> : vector<2048x8xf32>
    %dot_general3A_33 = tpu.matmul %mul3A_28, %get3A_31, %dot_general3A_32 {dimension_numbers = #tpu.dot_dimension_numbers<[1], [0], [0], [1], [0, 0, 1, 1], [], []>, transpose_lhs_hint = false} : vector<2048x512xf32>, vector<512x8xf32>, vector<2048x8xf32> -> vector<2048x8xf32>
    %reduce_sum3A_34 = arith.constant dense<0.000000e+00> : vector<2048xf32>
    %reduce_sum3A_35 = vector.multi_reduction <add>, %dot_general3A_33, %reduce_sum3A_34 [1] : vector<2048x8xf32> to vector<2048xf32>
    %broadcast_in_dim3A_36 = vector.shape_cast %reduce_sum3A_35 : vector<2048xf32> to vector<2048x1xf32>
    %broadcast_in_dim3A_37 = arith.constant 0.000000e+00 : f32
    %broadcast_in_dim3A_38 = vector.broadcast %broadcast_in_dim3A_37 : f32 to vector<2048x128xf32>
    %broadcast_in_dim3A_39 = arith.constant 0.000000e+00 : f32
    %broadcast_in_dim3A_40 = vector.broadcast %broadcast_in_dim3A_39 : f32 to vector<2048x1xf32>
    %slice3A = vector.extract_strided_slice %max3A_16 {offsets = [0, 0], sizes = [2048, 64], strides = [1, 1]} : vector<2048x512xf32> to vector<2048x64xf32>
    %dot_general3A_41 = arith.constant dense<0.000000e+00> : vector<2048x128xf32>
    %dot_general3A_42 = tpu.matmul %slice3A, %mul3A_26, %dot_general3A_41 {dimension_numbers = #tpu.dot_dimension_numbers<[1], [0], [0], [1], [0, 0, 1, 1], [], []>, transpose_lhs_hint = false} : vector<2048x64xf32>, vector<64x128xf32>, vector<2048x128xf32> -> vector<2048x128xf32>
    %add3A_43 = vector.broadcast %broadcast_in_dim3A : vector<1x128xf32> to vector<2048x128xf32>
    %add3A_44 = arith.addf %dot_general3A_42, %add3A_43 : vector<2048x128xf32>
    %reduce_min3A = arith.constant dense<0x7F800000> : vector<2048xf32>
    %reduce_min3A_45 = vector.multi_reduction <minimumf>, %add3A_44, %reduce_min3A [1] : vector<2048x128xf32> to vector<2048xf32>
    %broadcast_in_dim3A_46 = vector.shape_cast %reduce_min3A_45 : vector<2048xf32> to vector<2048x1xf32>
    %argmin3A = tpu.reduce_index %add3A_44 {axis = 1 : i32, kind = #tpu.reduction_kind<arg_min>} : vector<2048x128xf32> -> vector<2048xi32>
    %reshape3A = vector.shape_cast %argmin3A : vector<2048xi32> to vector<2048x1xi32>
    %convert_element_type3A_47 = arith.sitofp %reshape3A : vector<2048x1xi32> to vector<2048x1xf32>
    %eq3A_48 = vector.broadcast %convert_element_type3A_47 : vector<2048x1xf32> to vector<2048x128xf32>
    %eq3A_49 = arith.cmpf oeq, %convert_element_type3A_27, %eq3A_48 : vector<2048x128xf32>
    %convert_element_type3A_50 = arith.extui %eq3A_49 : vector<2048x128xi1> to vector<2048x128xi32>
    %convert_element_type3A_51 = arith.sitofp %convert_element_type3A_50 : vector<2048x128xi32> to vector<2048x128xf32>
    %add3A_52 = arith.addf %broadcast_in_dim3A_38, %convert_element_type3A_51 : vector<2048x128xf32>
    %add3A_53 = arith.addf %broadcast_in_dim3A_40, %broadcast_in_dim3A_46 : vector<2048x1xf32>
    %add3A_54 = arith.constant 0 : i32
    %add3A_55 = vector.broadcast %add3A_54 : i32 to vector<2048x1xi32>
    %add3A_56 = arith.addi %reshape3A, %add3A_55 : vector<2048x1xi32>
    %slice3A_57 = vector.extract_strided_slice %max3A_16 {offsets = [0, 64], sizes = [2048, 64], strides = [1, 1]} : vector<2048x512xf32> to vector<2048x64xf32>
    %dot_general3A_58 = arith.constant dense<0.000000e+00> : vector<2048x128xf32>
    %dot_general3A_59 = tpu.matmul %slice3A_57, %mul3A_26, %dot_general3A_58 {dimension_numbers = #tpu.dot_dimension_numbers<[1], [0], [0], [1], [0, 0, 1, 1], [], []>, transpose_lhs_hint = false} : vector<2048x64xf32>, vector<64x128xf32>, vector<2048x128xf32> -> vector<2048x128xf32>
    %add3A_60 = vector.broadcast %broadcast_in_dim3A : vector<1x128xf32> to vector<2048x128xf32>
    %add3A_61 = arith.addf %dot_general3A_59, %add3A_60 : vector<2048x128xf32>
    %reduce_min3A_62 = arith.constant dense<0x7F800000> : vector<2048xf32>
    %reduce_min3A_63 = vector.multi_reduction <minimumf>, %add3A_61, %reduce_min3A_62 [1] : vector<2048x128xf32> to vector<2048xf32>
    %broadcast_in_dim3A_64 = vector.shape_cast %reduce_min3A_63 : vector<2048xf32> to vector<2048x1xf32>
    %argmin3A_65 = tpu.reduce_index %add3A_61 {axis = 1 : i32, kind = #tpu.reduction_kind<arg_min>} : vector<2048x128xf32> -> vector<2048xi32>
    %reshape3A_66 = vector.shape_cast %argmin3A_65 : vector<2048xi32> to vector<2048x1xi32>
    %convert_element_type3A_67 = arith.sitofp %reshape3A_66 : vector<2048x1xi32> to vector<2048x1xf32>
    %eq3A_68 = vector.broadcast %convert_element_type3A_67 : vector<2048x1xf32> to vector<2048x128xf32>
    %eq3A_69 = arith.cmpf oeq, %convert_element_type3A_27, %eq3A_68 : vector<2048x128xf32>
    %convert_element_type3A_70 = arith.extui %eq3A_69 : vector<2048x128xi1> to vector<2048x128xi32>
    %convert_element_type3A_71 = arith.sitofp %convert_element_type3A_70 : vector<2048x128xi32> to vector<2048x128xf32>
    %add3A_72 = arith.addf %add3A_52, %convert_element_type3A_71 : vector<2048x128xf32>
    %add3A_73 = arith.addf %add3A_53, %broadcast_in_dim3A_64 : vector<2048x1xf32>
    %add3A_74 = arith.constant 128 : i32
    %add3A_75 = vector.broadcast %add3A_74 : i32 to vector<2048x1xi32>
    %add3A_76 = arith.addi %reshape3A_66, %add3A_75 : vector<2048x1xi32>
    %slice3A_77 = vector.extract_strided_slice %max3A_16 {offsets = [0, 128], sizes = [2048, 64], strides = [1, 1]} : vector<2048x512xf32> to vector<2048x64xf32>
    %dot_general3A_78 = arith.constant dense<0.000000e+00> : vector<2048x128xf32>
    %dot_general3A_79 = tpu.matmul %slice3A_77, %mul3A_26, %dot_general3A_78 {dimension_numbers = #tpu.dot_dimension_numbers<[1], [0], [0], [1], [0, 0, 1, 1], [], []>, transpose_lhs_hint = false} : vector<2048x64xf32>, vector<64x128xf32>, vector<2048x128xf32> -> vector<2048x128xf32>
    %add3A_80 = vector.broadcast %broadcast_in_dim3A : vector<1x128xf32> to vector<2048x128xf32>
    %add3A_81 = arith.addf %dot_general3A_79, %add3A_80 : vector<2048x128xf32>
    %reduce_min3A_82 = arith.constant dense<0x7F800000> : vector<2048xf32>
    %reduce_min3A_83 = vector.multi_reduction <minimumf>, %add3A_81, %reduce_min3A_82 [1] : vector<2048x128xf32> to vector<2048xf32>
    %broadcast_in_dim3A_84 = vector.shape_cast %reduce_min3A_83 : vector<2048xf32> to vector<2048x1xf32>
    %argmin3A_85 = tpu.reduce_index %add3A_81 {axis = 1 : i32, kind = #tpu.reduction_kind<arg_min>} : vector<2048x128xf32> -> vector<2048xi32>
    %reshape3A_86 = vector.shape_cast %argmin3A_85 : vector<2048xi32> to vector<2048x1xi32>
    %convert_element_type3A_87 = arith.sitofp %reshape3A_86 : vector<2048x1xi32> to vector<2048x1xf32>
    %eq3A_88 = vector.broadcast %convert_element_type3A_87 : vector<2048x1xf32> to vector<2048x128xf32>
    %eq3A_89 = arith.cmpf oeq, %convert_element_type3A_27, %eq3A_88 : vector<2048x128xf32>
    %convert_element_type3A_90 = arith.extui %eq3A_89 : vector<2048x128xi1> to vector<2048x128xi32>
    %convert_element_type3A_91 = arith.sitofp %convert_element_type3A_90 : vector<2048x128xi32> to vector<2048x128xf32>
    %add3A_92 = arith.addf %add3A_72, %convert_element_type3A_91 : vector<2048x128xf32>
    %add3A_93 = arith.addf %add3A_73, %broadcast_in_dim3A_84 : vector<2048x1xf32>
    %add3A_94 = arith.constant 256 : i32
    %add3A_95 = vector.broadcast %add3A_94 : i32 to vector<2048x1xi32>
    %add3A_96 = arith.addi %reshape3A_86, %add3A_95 : vector<2048x1xi32>
    %slice3A_97 = vector.extract_strided_slice %max3A_16 {offsets = [0, 192], sizes = [2048, 64], strides = [1, 1]} : vector<2048x512xf32> to vector<2048x64xf32>
    %dot_general3A_98 = arith.constant dense<0.000000e+00> : vector<2048x128xf32>
    %dot_general3A_99 = tpu.matmul %slice3A_97, %mul3A_26, %dot_general3A_98 {dimension_numbers = #tpu.dot_dimension_numbers<[1], [0], [0], [1], [0, 0, 1, 1], [], []>, transpose_lhs_hint = false} : vector<2048x64xf32>, vector<64x128xf32>, vector<2048x128xf32> -> vector<2048x128xf32>
    %add3A_100 = vector.broadcast %broadcast_in_dim3A : vector<1x128xf32> to vector<2048x128xf32>
    %add3A_101 = arith.addf %dot_general3A_99, %add3A_100 : vector<2048x128xf32>
    %reduce_min3A_102 = arith.constant dense<0x7F800000> : vector<2048xf32>
    %reduce_min3A_103 = vector.multi_reduction <minimumf>, %add3A_101, %reduce_min3A_102 [1] : vector<2048x128xf32> to vector<2048xf32>
    %broadcast_in_dim3A_104 = vector.shape_cast %reduce_min3A_103 : vector<2048xf32> to vector<2048x1xf32>
    %argmin3A_105 = tpu.reduce_index %add3A_101 {axis = 1 : i32, kind = #tpu.reduction_kind<arg_min>} : vector<2048x128xf32> -> vector<2048xi32>
    %reshape3A_106 = vector.shape_cast %argmin3A_105 : vector<2048xi32> to vector<2048x1xi32>
    %convert_element_type3A_107 = arith.sitofp %reshape3A_106 : vector<2048x1xi32> to vector<2048x1xf32>
    %eq3A_108 = vector.broadcast %convert_element_type3A_107 : vector<2048x1xf32> to vector<2048x128xf32>
    %eq3A_109 = arith.cmpf oeq, %convert_element_type3A_27, %eq3A_108 : vector<2048x128xf32>
    %convert_element_type3A_110 = arith.extui %eq3A_109 : vector<2048x128xi1> to vector<2048x128xi32>
    %convert_element_type3A_111 = arith.sitofp %convert_element_type3A_110 : vector<2048x128xi32> to vector<2048x128xf32>
    %add3A_112 = arith.addf %add3A_92, %convert_element_type3A_111 : vector<2048x128xf32>
    %add3A_113 = arith.addf %add3A_93, %broadcast_in_dim3A_104 : vector<2048x1xf32>
    %add3A_114 = arith.constant 384 : i32
    %add3A_115 = vector.broadcast %add3A_114 : i32 to vector<2048x1xi32>
    %add3A_116 = arith.addi %reshape3A_106, %add3A_115 : vector<2048x1xi32>
    %slice3A_117 = vector.extract_strided_slice %max3A_16 {offsets = [0, 256], sizes = [2048, 64], strides = [1, 1]} : vector<2048x512xf32> to vector<2048x64xf32>
    %dot_general3A_118 = arith.constant dense<0.000000e+00> : vector<2048x128xf32>
    %dot_general3A_119 = tpu.matmul %slice3A_117, %mul3A_26, %dot_general3A_118 {dimension_numbers = #tpu.dot_dimension_numbers<[1], [0], [0], [1], [0, 0, 1, 1], [], []>, transpose_lhs_hint = false} : vector<2048x64xf32>, vector<64x128xf32>, vector<2048x128xf32> -> vector<2048x128xf32>
    %add3A_120 = vector.broadcast %broadcast_in_dim3A : vector<1x128xf32> to vector<2048x128xf32>
    %add3A_121 = arith.addf %dot_general3A_119, %add3A_120 : vector<2048x128xf32>
    %reduce_min3A_122 = arith.constant dense<0x7F800000> : vector<2048xf32>
    %reduce_min3A_123 = vector.multi_reduction <minimumf>, %add3A_121, %reduce_min3A_122 [1] : vector<2048x128xf32> to vector<2048xf32>
    %broadcast_in_dim3A_124 = vector.shape_cast %reduce_min3A_123 : vector<2048xf32> to vector<2048x1xf32>
    %argmin3A_125 = tpu.reduce_index %add3A_121 {axis = 1 : i32, kind = #tpu.reduction_kind<arg_min>} : vector<2048x128xf32> -> vector<2048xi32>
    %reshape3A_126 = vector.shape_cast %argmin3A_125 : vector<2048xi32> to vector<2048x1xi32>
    %convert_element_type3A_127 = arith.sitofp %reshape3A_126 : vector<2048x1xi32> to vector<2048x1xf32>
    %eq3A_128 = vector.broadcast %convert_element_type3A_127 : vector<2048x1xf32> to vector<2048x128xf32>
    %eq3A_129 = arith.cmpf oeq, %convert_element_type3A_27, %eq3A_128 : vector<2048x128xf32>
    %convert_element_type3A_130 = arith.extui %eq3A_129 : vector<2048x128xi1> to vector<2048x128xi32>
    %convert_element_type3A_131 = arith.sitofp %convert_element_type3A_130 : vector<2048x128xi32> to vector<2048x128xf32>
    %add3A_132 = arith.addf %add3A_112, %convert_element_type3A_131 : vector<2048x128xf32>
    %add3A_133 = arith.addf %add3A_113, %broadcast_in_dim3A_124 : vector<2048x1xf32>
    %add3A_134 = arith.constant 512 : i32
    %add3A_135 = vector.broadcast %add3A_134 : i32 to vector<2048x1xi32>
    %add3A_136 = arith.addi %reshape3A_126, %add3A_135 : vector<2048x1xi32>
    %slice3A_137 = vector.extract_strided_slice %max3A_16 {offsets = [0, 320], sizes = [2048, 64], strides = [1, 1]} : vector<2048x512xf32> to vector<2048x64xf32>
    %dot_general3A_138 = arith.constant dense<0.000000e+00> : vector<2048x128xf32>
    %dot_general3A_139 = tpu.matmul %slice3A_137, %mul3A_26, %dot_general3A_138 {dimension_numbers = #tpu.dot_dimension_numbers<[1], [0], [0], [1], [0, 0, 1, 1], [], []>, transpose_lhs_hint = false} : vector<2048x64xf32>, vector<64x128xf32>, vector<2048x128xf32> -> vector<2048x128xf32>
    %add3A_140 = vector.broadcast %broadcast_in_dim3A : vector<1x128xf32> to vector<2048x128xf32>
    %add3A_141 = arith.addf %dot_general3A_139, %add3A_140 : vector<2048x128xf32>
    %reduce_min3A_142 = arith.constant dense<0x7F800000> : vector<2048xf32>
    %reduce_min3A_143 = vector.multi_reduction <minimumf>, %add3A_141, %reduce_min3A_142 [1] : vector<2048x128xf32> to vector<2048xf32>
    %broadcast_in_dim3A_144 = vector.shape_cast %reduce_min3A_143 : vector<2048xf32> to vector<2048x1xf32>
    %argmin3A_145 = tpu.reduce_index %add3A_141 {axis = 1 : i32, kind = #tpu.reduction_kind<arg_min>} : vector<2048x128xf32> -> vector<2048xi32>
    %reshape3A_146 = vector.shape_cast %argmin3A_145 : vector<2048xi32> to vector<2048x1xi32>
    %convert_element_type3A_147 = arith.sitofp %reshape3A_146 : vector<2048x1xi32> to vector<2048x1xf32>
    %eq3A_148 = vector.broadcast %convert_element_type3A_147 : vector<2048x1xf32> to vector<2048x128xf32>
    %eq3A_149 = arith.cmpf oeq, %convert_element_type3A_27, %eq3A_148 : vector<2048x128xf32>
    %convert_element_type3A_150 = arith.extui %eq3A_149 : vector<2048x128xi1> to vector<2048x128xi32>
    %convert_element_type3A_151 = arith.sitofp %convert_element_type3A_150 : vector<2048x128xi32> to vector<2048x128xf32>
    %add3A_152 = arith.addf %add3A_132, %convert_element_type3A_151 : vector<2048x128xf32>
    %add3A_153 = arith.addf %add3A_133, %broadcast_in_dim3A_144 : vector<2048x1xf32>
    %add3A_154 = arith.constant 640 : i32
    %add3A_155 = vector.broadcast %add3A_154 : i32 to vector<2048x1xi32>
    %add3A_156 = arith.addi %reshape3A_146, %add3A_155 : vector<2048x1xi32>
    %slice3A_157 = vector.extract_strided_slice %max3A_16 {offsets = [0, 384], sizes = [2048, 64], strides = [1, 1]} : vector<2048x512xf32> to vector<2048x64xf32>
    %dot_general3A_158 = arith.constant dense<0.000000e+00> : vector<2048x128xf32>
    %dot_general3A_159 = tpu.matmul %slice3A_157, %mul3A_26, %dot_general3A_158 {dimension_numbers = #tpu.dot_dimension_numbers<[1], [0], [0], [1], [0, 0, 1, 1], [], []>, transpose_lhs_hint = false} : vector<2048x64xf32>, vector<64x128xf32>, vector<2048x128xf32> -> vector<2048x128xf32>
    %add3A_160 = vector.broadcast %broadcast_in_dim3A : vector<1x128xf32> to vector<2048x128xf32>
    %add3A_161 = arith.addf %dot_general3A_159, %add3A_160 : vector<2048x128xf32>
    %reduce_min3A_162 = arith.constant dense<0x7F800000> : vector<2048xf32>
    %reduce_min3A_163 = vector.multi_reduction <minimumf>, %add3A_161, %reduce_min3A_162 [1] : vector<2048x128xf32> to vector<2048xf32>
    %broadcast_in_dim3A_164 = vector.shape_cast %reduce_min3A_163 : vector<2048xf32> to vector<2048x1xf32>
    %argmin3A_165 = tpu.reduce_index %add3A_161 {axis = 1 : i32, kind = #tpu.reduction_kind<arg_min>} : vector<2048x128xf32> -> vector<2048xi32>
    %reshape3A_166 = vector.shape_cast %argmin3A_165 : vector<2048xi32> to vector<2048x1xi32>
    %convert_element_type3A_167 = arith.sitofp %reshape3A_166 : vector<2048x1xi32> to vector<2048x1xf32>
    %eq3A_168 = vector.broadcast %convert_element_type3A_167 : vector<2048x1xf32> to vector<2048x128xf32>
    %eq3A_169 = arith.cmpf oeq, %convert_element_type3A_27, %eq3A_168 : vector<2048x128xf32>
    %convert_element_type3A_170 = arith.extui %eq3A_169 : vector<2048x128xi1> to vector<2048x128xi32>
    %convert_element_type3A_171 = arith.sitofp %convert_element_type3A_170 : vector<2048x128xi32> to vector<2048x128xf32>
    %add3A_172 = arith.addf %add3A_152, %convert_element_type3A_171 : vector<2048x128xf32>
    %add3A_173 = arith.addf %add3A_153, %broadcast_in_dim3A_164 : vector<2048x1xf32>
    %add3A_174 = arith.constant 768 : i32
    %add3A_175 = vector.broadcast %add3A_174 : i32 to vector<2048x1xi32>
    %add3A_176 = arith.addi %reshape3A_166, %add3A_175 : vector<2048x1xi32>
    %slice3A_177 = vector.extract_strided_slice %max3A_16 {offsets = [0, 448], sizes = [2048, 64], strides = [1, 1]} : vector<2048x512xf32> to vector<2048x64xf32>
    %dot_general3A_178 = arith.constant dense<0.000000e+00> : vector<2048x128xf32>
    %dot_general3A_179 = tpu.matmul %slice3A_177, %mul3A_26, %dot_general3A_178 {dimension_numbers = #tpu.dot_dimension_numbers<[1], [0], [0], [1], [0, 0, 1, 1], [], []>, transpose_lhs_hint = false} : vector<2048x64xf32>, vector<64x128xf32>, vector<2048x128xf32> -> vector<2048x128xf32>
    %add3A_180 = vector.broadcast %broadcast_in_dim3A : vector<1x128xf32> to vector<2048x128xf32>
    %add3A_181 = arith.addf %dot_general3A_179, %add3A_180 : vector<2048x128xf32>
    %reduce_min3A_182 = arith.constant dense<0x7F800000> : vector<2048xf32>
    %reduce_min3A_183 = vector.multi_reduction <minimumf>, %add3A_181, %reduce_min3A_182 [1] : vector<2048x128xf32> to vector<2048xf32>
    %broadcast_in_dim3A_184 = vector.shape_cast %reduce_min3A_183 : vector<2048xf32> to vector<2048x1xf32>
    %argmin3A_185 = tpu.reduce_index %add3A_181 {axis = 1 : i32, kind = #tpu.reduction_kind<arg_min>} : vector<2048x128xf32> -> vector<2048xi32>
    %reshape3A_186 = vector.shape_cast %argmin3A_185 : vector<2048xi32> to vector<2048x1xi32>
    %convert_element_type3A_187 = arith.sitofp %reshape3A_186 : vector<2048x1xi32> to vector<2048x1xf32>
    %eq3A_188 = vector.broadcast %convert_element_type3A_187 : vector<2048x1xf32> to vector<2048x128xf32>
    %eq3A_189 = arith.cmpf oeq, %convert_element_type3A_27, %eq3A_188 : vector<2048x128xf32>
    %convert_element_type3A_190 = arith.extui %eq3A_189 : vector<2048x128xi1> to vector<2048x128xi32>
    %convert_element_type3A_191 = arith.sitofp %convert_element_type3A_190 : vector<2048x128xi32> to vector<2048x128xf32>
    %add3A_192 = arith.addf %add3A_172, %convert_element_type3A_191 : vector<2048x128xf32>
    %add3A_193 = arith.addf %add3A_173, %broadcast_in_dim3A_184 : vector<2048x1xf32>
    %add3A_194 = arith.constant 896 : i32
    %add3A_195 = vector.broadcast %add3A_194 : i32 to vector<2048x1xi32>
    %add3A_196 = arith.addi %reshape3A_186, %add3A_195 : vector<2048x1xi32>
    %concatenate3A = tpu.concatenate %add3A_56, %add3A_76, %add3A_96, %add3A_116, %add3A_136, %add3A_156, %add3A_176, %add3A_196 in 1 : vector<2048x1xi32>, vector<2048x1xi32>, vector<2048x1xi32>, vector<2048x1xi32>, vector<2048x1xi32>, vector<2048x1xi32>, vector<2048x1xi32>, vector<2048x1xi32> -> vector<2048x8xi32>
    %swap3A = arith.constant 0 : index
    %swap3A_197 = arith.constant 0 : index
    %swap3A_198 = vector.load %arg9[%swap3A, %swap3A_197] : memref<2048x8xi32, #tpu.memory_space<vmem>>, vector<2048x8xi32>
    tpu.vector_store %arg9[%swap3A, %swap3A_197], %concatenate3A {strides = array<i32>} : memref<2048x8xi32, #tpu.memory_space<vmem>>, vector<2048x8xi32>,
    %get3A_199 = arith.constant 0 : index
    %get3A_200 = arith.constant 0 : index
    %get3A_201 = vector.load %arg13[%get3A_199, %get3A_200] : memref<1x128xf32, #tpu.memory_space<vmem>>, vector<1x128xf32>
    %get3A_202 = arith.constant 0 : index
    %get3A_203 = arith.constant 0 : index
    %get3A_204 = vector.load %arg8[%get3A_202, %get3A_203] : memref<1x2048xf32, #tpu.memory_space<vmem>>, vector<1x2048xf32>
    %dot_general3A_205 = arith.constant dense<0.000000e+00> : vector<1x128xf32>
    %dot_general3A_206 = tpu.matmul %get3A_204, %add3A_192, %dot_general3A_205 {dimension_numbers = #tpu.dot_dimension_numbers<[1], [0], [0], [1], [0, 0, 1, 1], [], []>, transpose_lhs_hint = false} : vector<1x2048xf32>, vector<2048x128xf32>, vector<1x128xf32> -> vector<1x128xf32>
    %add3A_207 = arith.addf %get3A_201, %dot_general3A_206 : vector<1x128xf32>
    %swap3A_208 = arith.constant 0 : index
    %swap3A_209 = arith.constant 0 : index
    %swap3A_210 = vector.load %arg13[%swap3A_208, %swap3A_209] : memref<1x128xf32, #tpu.memory_space<vmem>>, vector<1x128xf32>
    tpu.vector_store %arg13[%swap3A_208, %swap3A_209], %add3A_207 {strides = array<i32>} : memref<1x128xf32, #tpu.memory_space<vmem>>, vector<1x128xf32>,
    %get3A_211 = arith.constant 0 : index
    %get3A_212 = memref.load %arg14[%get3A_211] : memref<2xf32, #tpu.memory_space<smem>>
    %add3A_213 = arith.addf %add3A_193, %broadcast_in_dim3A_36 : vector<2048x1xf32>
    %mul3A_214 = arith.mulf %add3A_213, %get3A_6 : vector<2048x1xf32>
    %reduce_sum3A_215 = vector.shape_cast %mul3A_214 : vector<2048x1xf32> to vector<1x2048x1xf32>
    %reduce_sum3A_216 = arith.constant dense<0.000000e+00> : vector<1xf32>
    %reduce_sum3A_217 = vector.multi_reduction <add>, %reduce_sum3A_215, %reduce_sum3A_216 [1, 2] : vector<1x2048x1xf32> to vector<1xf32>
    %reduce_sum3A_218 = vector.shape_cast %reduce_sum3A_217 : vector<1xf32> to vector<1x1x1xf32>
    %reduce_sum3A_219 = vector.extract %reduce_sum3A_218[0, 0, 0] : f32 from vector<1x1x1xf32>
    %add3A_220 = arith.addf %get3A_212, %reduce_sum3A_219 : f32
    %swap3A_221 = arith.constant 0 : index
    %swap3A_222 = memref.load %arg14[%swap3A_221] : memref<2xf32, #tpu.memory_space<smem>>
    memref.store %add3A_220, %arg14[%swap3A_221] : memref<2xf32, #tpu.memory_space<smem>>
    %get3A_223 = arith.constant 1 : index
    %get3A_224 = memref.load %arg14[%get3A_223] : memref<2xf32, #tpu.memory_space<smem>>
    %reduce_sum3A_225 = vector.shape_cast %get3A_6 : vector<2048x1xf32> to vector<1x2048x1xf32>
    %reduce_sum3A_226 = arith.constant dense<0.000000e+00> : vector<1xf32>
    %reduce_sum3A_227 = vector.multi_reduction <add>, %reduce_sum3A_225, %reduce_sum3A_226 [1, 2] : vector<1x2048x1xf32> to vector<1xf32>
    %reduce_sum3A_228 = vector.shape_cast %reduce_sum3A_227 : vector<1xf32> to vector<1x1x1xf32>
    %reduce_sum3A_229 = vector.extract %reduce_sum3A_228[0, 0, 0] : f32 from vector<1x1x1xf32>
    %add3A_230 = arith.addf %get3A_224, %reduce_sum3A_229 : f32
    %swap3A_231 = arith.constant 1 : index
    %swap3A_232 = memref.load %arg14[%swap3A_231] : memref<2xf32, #tpu.memory_space<smem>>
    memref.store %add3A_230, %arg14[%swap3A_231] : memref<2xf32, #tpu.memory_space<smem>>
    %eq3A_233 = arith.constant 3 : i32
    %eq3A_234 = arith.cmpi eq, %arg0, %eq3A_233 : i32
    %convert_element_type3A_235 = arith.extui %eq3A_234 : i1 to i32
    %cond3A_236 = arith.constant 0 : i32
    %cond3A_237 = arith.cmpi ne, %convert_element_type3A_235, %cond3A_236 : i32
    scf.if %cond3A_237 {
      %get3A_238 = arith.constant 0 : index
      %get3A_239 = arith.constant 0 : index
      %get3A_240 = vector.load %arg13[%get3A_238, %get3A_239] : memref<1x128xf32, #tpu.memory_space<vmem>>, vector<1x128xf32>
      %swap3A_241 = arith.constant 0 : index
      %swap3A_242 = arith.constant 0 : index
      %swap3A_243 = vector.load %arg10[%swap3A_241, %swap3A_242] : memref<1x128xf32, #tpu.memory_space<vmem>>, vector<1x128xf32>
      tpu.vector_store %arg10[%swap3A_241, %swap3A_242], %get3A_240 {strides = array<i32>} : memref<1x128xf32, #tpu.memory_space<vmem>>, vector<1x128xf32>,
      %get3A_244 = arith.constant 0 : index
      %get3A_245 = memref.load %arg14[%get3A_244] : memref<2xf32, #tpu.memory_space<smem>>
      %broadcast_in_dim3A_246 = vector.broadcast %get3A_245 : f32 to vector<1x1xf32>
      %swap3A_247 = arith.constant 0 : index
      %swap3A_248 = arith.constant 0 : index
      %swap3A_249 = vector.load %arg11[%swap3A_247, %swap3A_248] : memref<1x1xf32, #tpu.memory_space<vmem>>, vector<1x1xf32>
      tpu.vector_store %arg11[%swap3A_247, %swap3A_248], %broadcast_in_dim3A_246 {strides = array<i32>} : memref<1x1xf32, #tpu.memory_space<vmem>>, vector<1x1xf32>,
      %get3A_250 = arith.constant 1 : index
      %get3A_251 = memref.load %arg14[%get3A_250] : memref<2xf32, #tpu.memory_space<smem>>
      %broadcast_in_dim3A_252 = vector.broadcast %get3A_251 : f32 to vector<1x1xf32>
      %swap3A_253 = arith.constant 0 : index
      %swap3A_254 = arith.constant 0 : index
      %swap3A_255 = vector.load %arg12[%swap3A_253, %swap3A_254] : memref<1x1xf32, #tpu.memory_space<vmem>>, vector<1x1xf32>
      tpu.vector_store %arg12[%swap3A_253, %swap3A_254], %broadcast_in_dim3A_252 {strides = array<i32>} : memref<1x1xf32, #tpu.memory_space<vmem>>, vector<1x1xf32>,
    } else {
    }
    return
  }
  func.func @transform_0(%arg0: i32) -> (i32, i32) {
    %c0_i32 = arith.constant 0 : i32
    %c0_i32_0 = arith.constant 0 : i32
    return %arg0, %c0_i32 : i32, i32
  }
  func.func @transform_1(%arg0: i32) -> (i32, i32) {
    %c0_i32 = arith.constant 0 : i32
    %c0_i32_0 = arith.constant 0 : i32
    return %arg0, %c0_i32 : i32, i32
  }
  func.func @transform_2(%arg0: i32) -> (i32, i32) {
    %c0_i32 = arith.constant 0 : i32
    %c0_i32_0 = arith.constant 0 : i32
    %c0_i32_1 = arith.constant 0 : i32
    return %c0_i32, %c0_i32_0 : i32, i32
  }
  func.func @transform_3(%arg0: i32) -> (i32, i32) {
    %c0_i32 = arith.constant 0 : i32
    %c0_i32_0 = arith.constant 0 : i32
    %c0_i32_1 = arith.constant 0 : i32
    return %c0_i32, %c0_i32_0 : i32, i32
  }
  func.func @transform_4(%arg0: i32) -> (i32, i32) {
    %c0_i32 = arith.constant 0 : i32
    %c0_i32_0 = arith.constant 0 : i32
    %c0_i32_1 = arith.constant 0 : i32
    return %c0_i32, %c0_i32_0 : i32, i32
  }
  func.func @transform_5(%arg0: i32) -> (i32, i32) {
    %c0_i32 = arith.constant 0 : i32
    %c0_i32_0 = arith.constant 0 : i32
    %c0_i32_1 = arith.constant 0 : i32
    return %c0_i32, %c0_i32_0 : i32, i32
  }
  func.func @transform_6(%arg0: i32) -> (i32, i32) {
    %c0_i32 = arith.constant 0 : i32
    %c0_i32_0 = arith.constant 0 : i32
    %c0_i32_1 = arith.constant 0 : i32
    return %c0_i32, %c0_i32_0 : i32, i32
  }
  func.func @transform_7(%arg0: i32) -> (i32, i32) {
    %c0_i32 = arith.constant 0 : i32
    %c0_i32_0 = arith.constant 0 : i32
    %c0_i32_1 = arith.constant 0 : i32
    return %c0_i32, %c0_i32_0 : i32, i32
  }
  func.func @transform_8(%arg0: i32) -> (i32, i32) {
    %c0_i32 = arith.constant 0 : i32
    %c0_i32_0 = arith.constant 0 : i32
    return %arg0, %c0_i32 : i32, i32
  }
  func.func @transform_9(%arg0: i32) -> (i32, i32) {
    %c0_i32 = arith.constant 0 : i32
    %c0_i32_0 = arith.constant 0 : i32
    %c0_i32_1 = arith.constant 0 : i32
    return %c0_i32, %c0_i32_0 : i32, i32
  }
  func.func @transform_10(%arg0: i32) -> (i32, i32) {
    %c0_i32 = arith.constant 0 : i32
    %c0_i32_0 = arith.constant 0 : i32
    %c0_i32_1 = arith.constant 0 : i32
    return %c0_i32, %c0_i32_0 : i32, i32
  }
  func.func @transform_11(%arg0: i32) -> (i32, i32) {
    %c0_i32 = arith.constant 0 : i32
    %c0_i32_0 = arith.constant 0 : i32
    %c0_i32_1 = arith.constant 0 : i32
    return %c0_i32, %c0_i32_0 : i32, i32
  }
}

module attributes {stable_mosaic.version = 14 : i64} {
  func.func @_scalars_body(%arg0: memref<1x128xf32, #tpu.memory_space<vmem>>, %arg1: memref<1x128xf32, #tpu.memory_space<vmem>>, %arg2: memref<1x1xf32, #tpu.memory_space<vmem>>, %arg3: memref<1x1xf32, #tpu.memory_space<vmem>>, %arg4: memref<1x1xf32, #tpu.memory_space<vmem>>, %arg5: memref<1x1xf32, #tpu.memory_space<vmem>>, %arg6: memref<1x1xf32, #tpu.memory_space<vmem>>, %arg7: memref<1x1xf32, #tpu.memory_space<vmem>>) attributes {dimension_semantics = [], scalar_prefetch = 0 : i64, scratch_operands = 0 : i64, tpu.core_type = #tpu.core_type<tc>} {
    %get3A = arith.constant 0 : index
    %get3A_0 = arith.constant 0 : index
    %get3A_1 = vector.load %arg2[%get3A, %get3A_0] : memref<1x1xf32, #tpu.memory_space<vmem>>, vector<1x1xf32>
    %get3A_2 = vector.extract %get3A_1[0, 0] : f32 from vector<1x1xf32>
    %get3A_3 = arith.constant 0 : index
    %get3A_4 = arith.constant 0 : index
    %get3A_5 = vector.load %arg3[%get3A_3, %get3A_4] : memref<1x1xf32, #tpu.memory_space<vmem>>, vector<1x1xf32>
    %get3A_6 = vector.extract %get3A_5[0, 0] : f32 from vector<1x1xf32>
    %add3A = arith.addf %get3A_2, %get3A_6 : f32
    %get3A_7 = arith.constant 0 : index
    %get3A_8 = arith.constant 0 : index
    %get3A_9 = vector.load %arg4[%get3A_7, %get3A_8] : memref<1x1xf32, #tpu.memory_space<vmem>>, vector<1x1xf32>
    %get3A_10 = vector.extract %get3A_9[0, 0] : f32 from vector<1x1xf32>
    %get3A_11 = arith.constant 0 : index
    %get3A_12 = arith.constant 0 : index
    %get3A_13 = vector.load %arg5[%get3A_11, %get3A_12] : memref<1x1xf32, #tpu.memory_space<vmem>>, vector<1x1xf32>
    %get3A_14 = vector.extract %get3A_13[0, 0] : f32 from vector<1x1xf32>
    %add3A_15 = arith.addf %get3A_10, %get3A_14 : f32
    %mul3A = arith.constant 5.120000e+02 : f32
    %mul3A_16 = arith.mulf %add3A_15, %mul3A : f32
    %max3A = arith.constant 1.000000e+00 : f32
    %max3A_17 = arith.maximumf %mul3A_16, %max3A : f32
    %mul3A_18 = arith.constant 2.500000e-01 : f32
    %mul3A_19 = arith.mulf %mul3A_18, %add3A : f32
    %div3A = arith.divf %mul3A_19, %max3A_17 : f32
    %broadcast_in_dim3A = vector.broadcast %div3A : f32 to vector<1x1xf32>
    %swap3A = arith.constant 0 : index
    %swap3A_20 = arith.constant 0 : index
    %swap3A_21 = vector.load %arg6[%swap3A, %swap3A_20] : memref<1x1xf32, #tpu.memory_space<vmem>>, vector<1x1xf32>
    tpu.vector_store %arg6[%swap3A, %swap3A_20], %broadcast_in_dim3A {strides = array<i32>} : memref<1x1xf32, #tpu.memory_space<vmem>>, vector<1x1xf32>,
    %get3A_22 = arith.constant 0 : index
    %get3A_23 = arith.constant 0 : index
    %get3A_24 = vector.load %arg0[%get3A_22, %get3A_23] : memref<1x128xf32, #tpu.memory_space<vmem>>, vector<1x128xf32>
    %get3A_25 = arith.constant 0 : index
    %get3A_26 = arith.constant 0 : index
    %get3A_27 = vector.load %arg1[%get3A_25, %get3A_26] : memref<1x128xf32, #tpu.memory_space<vmem>>, vector<1x128xf32>
    %add3A_28 = arith.addf %get3A_24, %get3A_27 : vector<1x128xf32>
    %div3A_29 = arith.constant 1.310720e+05 : f32
    %div3A_30 = vector.broadcast %div3A_29 : f32 to vector<1x128xf32>
    %div3A_31 = arith.divf %add3A_28, %div3A_30 : vector<1x128xf32>
    %add3A_32 = arith.constant 1.000000e-10 : f32
    %add3A_33 = vector.broadcast %add3A_32 : f32 to vector<1x128xf32>
    %add3A_34 = arith.addf %div3A_31, %add3A_33 : vector<1x128xf32>
    %log3A = math.log %add3A_34 : vector<1x128xf32>
    %mul3A_35 = arith.mulf %div3A_31, %log3A : vector<1x128xf32>
    %reduce_sum3A = vector.shape_cast %mul3A_35 : vector<1x128xf32> to vector<1x1x128xf32>
    %reduce_sum3A_36 = arith.constant dense<0.000000e+00> : vector<1xf32>
    %reduce_sum3A_37 = vector.multi_reduction <add>, %reduce_sum3A, %reduce_sum3A_36 [1, 2] : vector<1x1x128xf32> to vector<1xf32>
    %reduce_sum3A_38 = vector.shape_cast %reduce_sum3A_37 : vector<1xf32> to vector<1x1x1xf32>
    %reduce_sum3A_39 = vector.extract %reduce_sum3A_38[0, 0, 0] : f32 from vector<1x1x1xf32>
    %neg3A = arith.constant 0.000000e+00 : f32
    %neg3A_40 = arith.subf %neg3A, %reduce_sum3A_39 : f32
    %exp3A = math.exp %neg3A_40 : f32
    %broadcast_in_dim3A_41 = vector.broadcast %exp3A : f32 to vector<1x1xf32>
    %swap3A_42 = arith.constant 0 : index
    %swap3A_43 = arith.constant 0 : index
    %swap3A_44 = vector.load %arg7[%swap3A_42, %swap3A_43] : memref<1x1xf32, #tpu.memory_space<vmem>>, vector<1x1xf32>
    tpu.vector_store %arg7[%swap3A_42, %swap3A_43], %broadcast_in_dim3A_41 {strides = array<i32>} : memref<1x1xf32, #tpu.memory_space<vmem>>, vector<1x1xf32>,
    return
  }
}

</mosaic_0001>

<sc_bundles>
// kernel: kernel.11.cloned.1.call-start
scs
__scs_entry_jumppad:
0x0: {  	(pc) =	sbr.rel $0x88, $3  }
0x1: {  	(tag) =	ssettag $0x0;
	lr =	simm.s32 $0x1  }
0x2: {  	[smem:$0x3F98] =	sst lr;
	_ =	strace $0xD0000000  }
0x3: {  	_ = 	snop  }
0x4: {  	_ = 	snop  }
0x5: {  	_ = 	snop  }
0x6: {  	_ = 	snop  }
0x7: {  	_ = 	snop  }
__scs_overlays_trampoline_lowered:
0x8: {  	[smem:$0x3FA7] =	sst s0  }
0x9: {  	[smem:$0x3FA8] =	sst s1  }
0xa: {  	[smem:$0x3FA9] =	sst s2  }
0xb: {  	[smem:$0x3FAA] =	sst s3  }
0xc: {  	[smem:$0x3FAB] =	sst s4  }
0xd: {  	[smem:$0x3FAC] =	sst s5  }
0xe: {  	[smem:$0x3FAD] =	sst s6  }
0xf: {  	[smem:$0x3FAE] =	sst s7  }
0x10: {  	[smem:$0x3FAF] =	sst s8  }
0x11: {  	[smem:$0x3FB0] =	sst s9;
	s0 =	simm.s32 @!p0 $0x0  }
0x12: {  	s1 =	sld [smem:$0x3F96];
	s0 =	simm.s32 @p0 $0x1  }
0x13: {  	[smem:$0x3FB1] =	sst s0;
	s0 =	simm.s32 @!p1 $0x0  }
0x14: {  	s2 =	sld [smem:$0x3F95];
	s0 =	simm.s32 @p1 $0x1  }
0x15: {  	[smem:$0x3FB2] =	sst s0;
	s0 =	simm.s32 @!p2 $0x0  }
0x16: {  	s3 =	sld [smem:$0x3FDB];
	s0 =	simm.s32 @p2 $0x1  }
0x17: {  	s4 =	simm.s32 $0x1BF5;
	[smem:$0x3FB4] =	sst s0  }
0x18: {  	s0 =	sld [smem:$0x3F97];
	_ =	swait.ge [sflag:s4], $0x0  }
0x19: {  	s7 =	sld [smem:$0x3F98]  }
0x1a: {  	s8 =	sadd.s32 $0xFFFFE003, lr  }
0x1b: {  	s9 =	sadd.s32 $0xFFFFFEF7, lr;
	s5 =	simm.s32 $0xFFFFFFFF;
	p2 =	slt.u32 s8, $0xFFFFF086  }
0x1c: {  	p1 =	slt.u32 s9, $0xF7A;
	s5 =	simm.s32 @!p2 $0x0  }
0x1d: {  	s5 =	simm.s32 @p1 $0x1;
	p0 =	seq.s32 s7, s2  }
0x1e: {  	s7 =	smul.u32 @!p0 $0xF7A, s2;
	p2 =	seq.s32 @!p0 s5, $0x0  }
0x1f: {  	s9 =	smul.u32 $0xF7A, s1;
	s8 =	simm.s32 @!p0 $0x1BF5;
	p2 =	por !p2, p0  }
0x20: {  	[sflag:s8] =	ssyncset.s32 @!p0 $0xFFFFF086;
	s6 =	sadd.s32 @!p0 s3, s7;
	s7 =	simm.s32 @!p0 $0x108  }
0x21: {  	s3 =	sadd.s32 s3, s9;
	s6 =	sadd.s32 @!p0 $0x88, s6;
	s7 =	simm.s32 @p2 $0x1082  }
0x22: {  	[simem:s7], [sflag:s8] =	dma.local @!p0 [hbm:s6], $0xF7A  }
0x23: {  	s9 =	sor.u32 $0xD0000000, s2;
	s6 =	simm.s32 $0x108;
	_ =	swait.ge @!p0 [sflag:s8], $0x0  }
0x24: {  	s3 =	sadd.s32 $0x88, s3;
	s6 =	simm.s32 @!p1 $0x1082;
	[sflag:s4] =	ssyncset.s32 $0xFFFFF086  }
0x25: {  	[simem:s6], [sflag:s4] =	dma.local [hbm:s3], $0xF7A  }
0x26: {  	[smem:$0x3F98] =	sst s1;
	(tag) =	ssettag s2;
	_ =	strace s9  }
0x27: {  	s1 =	sld [smem:$0x3FA8]  }
0x28: {  	s2 =	sld [smem:$0x3FA9]  }
0x29: {  	s4 =	sld [smem:$0x3FAB]  }
0x2a: {  	p0 =	seq.s32 s5, $0x0;
	s5 =	sld [smem:$0x3FAC]  }
0x2b: {  	s6 =	sld [smem:$0x3FAD]  }
0x2c: {  	s7 =	sld [smem:$0x3FAE]  }
0x2d: {  	s3 =	simm.s32 $0x108;
	s8 =	sld [smem:$0x3FAF]  }
0x2e: {  	s3 =	simm.s32 @!p0 $0x1082;
	s9 =	sld [smem:$0x3FB0]  }
0x2f: {  	lr =	sadd.s32 s0, s3;
	s0 =	sld [smem:$0x3FA7]  }
0x30: {  	s3 =	sld [smem:$0x3FAA]  }
0x31: {  	[smem:$0x3FB3] =	sst s10  }
0x32: {  	s10 =	sld [smem:$0x3FB1];
	_ =	sdelay $0x3  }
0x33: {  	p0 =	seq.s32 s10, $0x1;
	s10 =	sld [smem:$0x3FB3];
	_ =	sdelay $0x3  }
0x34: {  	[smem:$0x3FB3] =	sst s10  }
0x35: {  	s10 =	sld [smem:$0x3FB2];
	_ =	sdelay $0x3  }
0x36: {  	p1 =	seq.s32 s10, $0x1;
	s10 =	sld [smem:$0x3FB3];
	_ =	sdelay $0x3  }
0x37: {  	[smem:$0x3FB3] =	sst s10  }
0x38: {  	s10 =	sld [smem:$0x3FB4]  }
0x39: {  	_ = 	snop;
	(pc) =	sbr.ind lr, $3  }
0x3a: {  	_ = 	snop  }
0x3b: {  	_ = 	snop  }
0x3c: {  	p2 =	seq.s32 s10, $0x1;
	s10 =	sld [smem:$0x3FB3]  }
0x3d: {  	_ =	shalt  }
0x3e: {  	_ =	shalt  }
0x3f: {  	_ =	shalt  }
0x40: {  	_ =	shalt  }
0x41: {  	_ =	shalt  }
0x42: {  	_ =	shalt  }
0x43: {  	_ =	shalt  }
0x44: {  	_ =	shalt  }
0x45: {  	_ =	shalt  }
0x46: {  	_ =	shalt  }
0x47: {  	_ =	shalt  }
0x48: {  	_ =	shalt  }
0x49: {  	_ =	shalt  }
0x4a: {  	_ =	shalt  }
0x4b: {  	_ =	shalt  }
0x4c: {  	_ =	shalt  }
0x4d: {  	_ =	shalt  }
0x4e: {  	_ =	shalt  }
0x4f: {  	_ =	shalt  }
0x50: {  	_ =	shalt  }
0x51: {  	_ =	shalt  }
0x52: {  	_ =	shalt  }
0x53: {  	_ =	shalt  }
0x54: {  	_ =	shalt  }
0x55: {  	_ =	shalt  }
0x56: {  	_ =	shalt  }
0x57: {  	_ =	shalt  }
0x58: {  	_ =	shalt  }
0x59: {  	_ =	shalt  }
0x5a: {  	_ =	shalt  }
0x5b: {  	_ =	shalt  }
0x5c: {  	_ =	shalt  }
0x5d: {  	_ =	shalt  }
0x5e: {  	_ =	shalt  }
0x5f: {  	_ =	shalt  }
0x60: {  	_ =	shalt  }
0x61: {  	_ =	shalt  }
0x62: {  	_ =	shalt  }
0x63: {  	_ =	shalt  }
0x64: {  	_ =	shalt  }
0x65: {  	_ =	shalt  }
0x66: {  	_ =	shalt  }
0x67: {  	_ =	shalt  }
0x68: {  	_ =	shalt  }
0x69: {  	_ =	shalt  }
0x6a: {  	_ =	shalt  }
0x6b: {  	_ =	shalt  }
0x6c: {  	_ =	shalt  }
0x6d: {  	_ =	shalt  }
0x6e: {  	_ =	shalt  }
0x6f: {  	_ =	shalt  }
0x70: {  	_ =	shalt  }
0x71: {  	_ =	shalt  }
0x72: {  	_ =	shalt  }
0x73: {  	_ =	shalt  }
0x74: {  	_ =	shalt  }
0x75: {  	_ =	shalt  }
0x76: {  	_ =	shalt  }
0x77: {  	_ =	shalt  }
0x78: {  	_ =	shalt  }
0x79: {  	_ =	shalt  }
0x7a: {  	_ =	shalt  }
0x7b: {  	_ =	shalt  }
0x7c: {  	_ =	shalt  }
0x7d: {  	_ =	shalt  }
0x7e: {  	_ =	shalt  }
0x7f: {  	_ =	shalt  }
0x80: {  	_ =	shalt  }
0x81: {  	_ =	shalt  }
0x82: {  	_ =	shalt  }
0x83: {  	_ =	shalt  }
0x84: {  	_ =	shalt  }
0x85: {  	_ =	shalt  }
0x86: {  	_ =	shalt  }
0x87: {  	_ =	shalt  }
.Lfunc_end0:
.L_simem_size_0:
called_computation.1_lowered:
.L_overlay_start_0:
0x88: {  	s2 =	sld [smem:$0x3FD9]  }
0x89: {  	s3 =	sld [smem:$0x3FFE];
	_ =	sdelay $0x1  }
0x8a: {  	s1 =	srdreg.scid  }
0x8b: {  	s0 =	sand.u32 $0x1, s1  }
0x8c: {  	s15 =	sshll.u32 s0, $0xA;
	s2 =	sadd.s32 s3, s2  }
0x8d: {  	s2 =	sadd.s32 s2, s15  }
0x8e: {  	[smem:$0x3FBF] =	sst s2  }
0x8f: {  	_ = 	snop  }
0x90: {  	s2 =	sld [smem:$0x3FD0];
	_ =	sdelay $0x2  }
0x91: {  	s16 =	simm.s32 $0xB;
	s4 =	simm.s32 $0x10  }
0x92: {  	[smem:s4], [sflag:s16] =	dma.local [hbm:s2], $0x1  }
0x93: {  	_ =	swait.eq [sflag:s16], $0x1  }
0x94: {  	[sflag:s16] =	ssyncset.done $0x0  }
0x95: {  	[sflag:s16] =	ssyncadd.s32 $0xFFFFFFFF  }
0x96: {  	s17 =	sld [smem:$0x10];
	(tm) =	ssettm $0x1  }
0x97: {  	s18 =	sld [smem:$0x3FFB];
	_ =	sdelay $0x3  }
0x98: {  	_ =	strace s18  }
0x99: {  	s2 =	sld [smem:$0x3FFC];
	_ =	sdelay $0x3  }
0x9a: {  	_ =	strace s2  }
0x9b: {  	s2 =	sld [smem:$0x3FFD];
	_ =	sdelay $0x3  }
0x9c: {  	_ =	strace s2  }
0x9d: {  	_ =	strace $0x8FFFFFFF  }
0x9e: {  	s19 =	sld [smem:$0x3FDB];
	_ =	sdelay $0x1  }
0x9f: {  	s20 =	simm.s32 $_scs_section_size  }
0xa0: {  	s5 =	simm.s32 $_size__tile_overlayer_lowered;
	s6 =	simm.s32 $_tile_overlayer_lowered  }
0xa1: {  	s7 =	simm.s32 $0x1BFF;
	s21 =	sshll.u32 s6, $0x1;
	s4 =	sadd.s32 s20, s19  }
0xa2: {  	s22 =	simm.s32 $0x0;
	s5 =	sshll.u32 s5, $0x1;
	s6 =	sadd.s32 s21, s4  }
0xa3: {  	[timem:s22], [sflag:s7] =	dma.local [hbm:s6], s5  }
0xa4: {  	_ =	swait.ge [sflag:s7], s5  }
0xa5: {  	s5 =	ssub.s32 $0x0, s5;
	[sflag:s7] =	ssyncset.done $0x0  }
0xa6: {  	[sflag:s7] =	ssyncadd.s32 s5;
	_ =	sdelay $0x1  }
0xa7: {  	s23 =	simm.s32 $0x1B8B  }
0xa8: {  	_ =	swait.ge [sflag:s23], $0x1  }
0xa9: {  	[sflag:s23] =	ssyncset.done $0x0  }
0xaa: {  	[sflag:s23] =	ssyncadd.s32 $0xFFFFFFFF  }
0xab: {  	s5 =	sld [smem:$0x0]  }
0xac: {  	s6 =	sand.u32 $0xFFFFFFFE, s1  }
0xad: {  	p0 =	sne.s32 s1, s6  }
0xae: {  	s6 =	sshll.u32 @p0 s6, $0xE  }
0xaf: {  	s6 =	sadd.s32 @p0 $0x11B8D, s6;
	s7 =	sshll.u32 @p0 s5, $0x11  }
0xb0: {  	s6 =	sor.u32 @p0 s7, s6  }
0xb1: {  	[sflag:s6] =	ssyncadd.remote.s32 @p0 $0x1;
	_ =	sdelay $0x1  }
0xb2: {  	s6 =	simm.s32 @p0 $0x1B8D  }
0xb3: {  	_ =	swait.eq @p0 [sflag:s6], $0x1  }
0xb4: {  	[sflag:s6] =	ssyncadd.s32 @p0 $0xFFFFFFFF  }
0xb5: {  	s7 =	sshll.u32 @!p0 s1, $0xE  }
0xb6: {  	s7 =	sor.u32 @!p0 $0x4000, s7;
	s6 =	simm.s32 @!p0 $0x1B8D  }
0xb7: {  	s5 =	sshll.u32 @!p0 s5, $0x11;
	s7 =	sadd.s32 @!p0 $0x11B8D, s7;
	_ =	swait.eq @!p0 [sflag:s6], $0x1  }
0xb8: {  	s5 =	sor.u32 @!p0 s5, s7;
	[sflag:s6] =	ssyncadd.s32 @!p0 $0xFFFFFFFF  }
0xb9: {  	s25 =	simm.s32 $0x1B8E;
	s24 =	sld [smem:$0x3FFE];
	[sflag:s5] =	ssyncadd.remote.s32 @!p0 $0x1  }
0xba: {  	s26 =	simm.s32 $execute0_lowered;
	[smem:$0x3FD2] =	sst s25  }
0xbb: {  	s6 =	sshll.u32 s26, $0x1;
	_ =	strace $0x80000049;
	[dreg:$0x1] =	wrdreg $0xFFFFFFFF  }
0xbc: {  	s28 =	simm.s32 $_size_execute0_lowered;
	s4 =	sadd.s32 s4, s6;
	[dreg:$0x0] =	wrdreg $0x0  }
0xbd: {  	s6 =	sshll.u32 s28, $0x1;
	[dreg:$0x2] =	wrdreg s4  }
0xbe: {  	[dreg:$0x3] =	wrdreg s6  }
0xbf: {  	[dreg:$0x4] =	wrdreg $0xC0  }
0xc0: {  	_ =	task [dreg:s22], $0x5FFFF  }
0xc1: {  	[dreg:$0x1] =	wrdreg $0xFFFFFFFF  }
0xc2: {  	[dreg:$0x0] =	wrdreg $0x60  }
0xc3: {  	[dreg:$0x2] =	wrdreg s24  }
0xc4: {  	[dreg:$0x3] =	wrdreg s17  }
0xc5: {  	[dreg:$0x4] =	wrdreg $0xA  }
0xc6: {  	_ =	task.clear_ibuf [dreg:s22], $0x5FFFF;
	_ =	strace $0x90000049  }
0xc7: {  	s29 =	simm.s32 $0xA;
	_ =	strace $0x8000004B  }
0xc8: {  	_ =	swait.ge [sflag:s29], $0x1  }
0xc9: {  	[sflag:s29] =	ssyncadd.s32 $0xFFFFFFFF  }
0xca: {  	_ =	strace $0x9000004B  }
0xcb: {  	_ =	sfence  }
0xcc: {  	s30 =	sld [smem:$0x0];
	_ =	sdelay $0x2  }
0xcd: {  	s31 =	sshll.u32 s1, $0xD;
	s1 =	sshrl.u32 s1, $0x2  }
0xce: {  	s4 =	sand.u32 $0x4000, s31;
	s1 =	sadd.s32 s1, s30  }
0xcf: {  	s0 =	sor.u32 s4, s0;
	s1 =	sshll.u32 s1, $0x11  }
0xd0: {  	s0 =	sor.u32 s1, s0  }
0xd1: {  	s0 =	sadd.s32 $0x8F2B, s0  }
0xd2: {  	[sflag:s0] =	ssyncadd.remote.s32 $0x1  }
0xd3: {  	_ =	sfence.sel $0xFFFF  }
0xd4: {  	[dreg:$0x0] =	wrdreg $0xFFFFFFFF;
	(pc) =	sbr.abs _section_cstart, $3  }
0xd5: {  	[dreg:$0x1] =	wrdreg $0xFFFFFFFF  }
0xd6: {  	_ =	task.clear_ibuf [dreg:s22], $0x2FFFF;
	_ =	strace $0x9FFFFFFF  }
0xd7: {  	(tm) =	ssettm $0x7FFFFFFF  }
tec
execute0_lowered:
.L_overlay_start_1:
0x0: {  	(tag) =	ssettag $0x1  }
0x1: {  	s5 =	rddreg [dreg:$0x0]  }
0x2: {  	s1 =	rddreg [dreg:$0x1];
	s2 =	srdreg.scid  }
0x3: {  	s0 =	rddreg [dreg:$0x2];
	s3 =	simm.s32 $0x0;
	s10 =	simm.s32 $0x4000  }
0x4: {  	s11 =	simm.s32 $0x10000;
	s12 =	simm.s32 $0x8000;
	s13 =	simm.s32 $0x0  }
0x5: {  	s6 =	sand.u32 $0x1, s2;
	[smem:$0x7FF] =	sst s3;
	s2 =	stileid.u32  }
0x6: {  	s4 =	sadd.s32 $0x4C200, s5;
	s7 =	ssub.s32 $0x2, s6;
	s8 =	sshll.u32 s2, $0xB  }
0x7: {  	_ =	strace $0x8000004A;
	s9 =	sshrl.u32 s7, $0x1;
	s8 =	sadd.s32 s8, s5  }
0x8: {  	s5 =	sshll.u32 s6, $0xF;
	s9 =	ssub.s32 s7, s9;
	s6 =	sadd.s32 $0x1A00, s8  }
0x9: {  	s7 =	sshll.u32 s2, $0x11;
	s8 =	smax.u32 s9, $0x1;
	s9 =	simm.s32 $0x1  }
.LBB2_1:
0xa: {  	[tilespmem:s3], [sflag:$0x1] =	stream.linear.gather [hbm4b:s6+s3], $0x4000, $0x38;
	[tilespmem:$0x10000] =	vst v63  }
0xb: {  	_ =	swait.ge [sflag:s9], $0x4000  }
0xc: {  	[sflag:s9] =	ssyncset.done $0x0  }
0xd: {  	p1 =	por $0x1, $0x1;
	s14 =	simm.s32 $0x0;
	[sflag:s9] =	ssyncadd.s32 $0xFFFFC000  }
.LBB2_2:
0xe: {  	s14 =	sor.u32 s5, s14  }
0xf: {  	s15 =	sshrl.u32 s14, $0x3  }
0x10: {  	s16 =	simm.s32 $0x0;
	s15 =	sadd.s32 s4, s15  }
0x11: {  	[tilespmem:s10], [sflag:$0x1] =	stream.linear.gather [hbm4b:s15+s16], $0x4000, $0x38;
	[tilespmem:$0x10000] =	vst v63  }
0x12: {  	_ =	swait.ge [sflag:s9], $0x4000  }
0x13: {  	s26 =	sand.u32 $0x70, s16;
	s17 =	sand.u32 $0x3C00, s16;
	[sflag:s9] =	ssyncset.done $0x0  }
0x14: {  	s15 =	sor.u32 s26, s17;
	[sflag:s9] =	ssyncadd.s32 $0xFFFFC000  }
0x15: {  	v7 =	vld [tilespmem:s15+$0x4000]  }
0x16: {  	v6 =	vld [tilespmem:s15+$0x4080];
	_ =	sdelay $0x1  }
0x17: {  	v5 =	vld [tilespmem:s15+$0x4100];
	_ =	sdelay $0x1  }
0x18: {  	v3 =	vld [tilespmem:s15+$0x4180]  }
0x19: {  	v0 =	vld [tilespmem:s15+$0x4280]  }
0x1a: {  	v4 =	vld [tilespmem:s15+$0x4200]  }
0x1b: {  	s16 =	sand.u32 $0x7, s16;
	v8 =	vld.idx.msk [tilespmem:v7+s3+$0x0], $0xffff  }
0x1c: {  	s16 =	sshll.u32 s16, $0x4;
	v9 =	vld.idx.msk [tilespmem:v6+s3+$0x0], $0xffff  }
0x1d: {  	s16 =	sadd.s32 $0x0, s16;
	v1 =	vld [tilespmem:s15+$0x4300]  }
0x1e: {  	s28 =	sor.u32 $0x380, s16;
	v10 =	vld.idx.msk [tilespmem:v5+s3+$0x0], $0xffff  }
0x1f: {  	v2 =	vld [tilespmem:s28+$0x4000]  }
0x20: {  	v11 =	vld.idx.msk [tilespmem:v3+s3+$0x0], $0xffff  }
0x21: {  	v8 =	vadd.f32 v9, v8  }
0x22: {  	v9 =	vld.idx.msk [tilespmem:v4+s3+$0x0], $0xffff  }
0x23: {  	v8 =	vadd.f32 v10, v8  }
0x24: {  	v10 =	vld.idx.msk [tilespmem:v0+s3+$0x0], $0xffff  }
0x25: {  	v8 =	vadd.f32 v11, v8  }
0x26: {  	v11 =	vld.idx.msk [tilespmem:v1+s3+$0x0], $0xffff  }
0x27: {  	v8 =	vadd.f32 v9, v8  }
0x28: {  	v9 =	vld.idx.msk [tilespmem:v2+s3+$0x0], $0xffff  }
0x29: {  	v8 =	vadd.f32 v10, v8;
	_ =	sdelay $0x1  }
0x2a: {  	v10 =	vadd.s32 $0x400, v7;
	v8 =	vadd.f32 v11, v8  }
0x2b: {  	v11 =	vadd.s32 $0x400, v6  }
0x2c: {  	v8 =	vadd.f32 v9, v8  }
0x2d: {  	v9 =	vadd.s32 $0x400, v5  }
0x2e: {  	[tilespmem:s15+$0x8000] =	vst v8  }
0x2f: {  	v8 =	vadd.s32 $0x400, v3;
	v10 =	vld.idx.msk [tilespmem:v10+s3+$0x0], $0xffff  }
0x30: {  	v11 =	vld.idx.msk [tilespmem:v11+s3+$0x0], $0xffff  }
0x31: {  	v12 =	vadd.s32 $0x400, v4  }
0x32: {  	v9 =	vld.idx.msk [tilespmem:v9+s3+$0x0], $0xffff  }
0x33: {  	v13 =	vadd.s32 $0x400, v0  }
0x34: {  	v8 =	vld.idx.msk [tilespmem:v8+s3+$0x0], $0xffff  }
0x35: {  	v14 =	vadd.s32 $0x400, v1;
	v10 =	vadd.f32 v11, v10  }
0x36: {  	v11 =	vld.idx.msk [tilespmem:v12+s3+$0x0], $0xffff  }
0x37: {  	v12 =	vadd.s32 $0x400, v2;
	v9 =	vadd.f32 v9, v10  }
0x38: {  	v10 =	vld.idx.msk [tilespmem:v13+s3+$0x0], $0xffff  }
0x39: {  	v8 =	vadd.f32 v8, v9  }
0x3a: {  	v9 =	vld.idx.msk [tilespmem:v14+s3+$0x0], $0xffff  }
0x3b: {  	v8 =	vadd.f32 v11, v8  }
0x3c: {  	v11 =	vld.idx.msk [tilespmem:v12+s3+$0x0], $0xffff  }
0x3d: {  	v8 =	vadd.f32 v10, v8;
	_ =	sdelay $0x1  }
0x3e: {  	v8 =	vadd.f32 v9, v8;
	v9 =	vadd.s32 $0x800, v7  }
0x3f: {  	v10 =	vadd.s32 $0x800, v6  }
0x40: {  	v8 =	vadd.f32 v11, v8  }
0x41: {  	v11 =	vadd.s32 $0x800, v5  }
0x42: {  	[tilespmem:s15+$0x8080] =	vst v8  }
0x43: {  	v8 =	vld.idx.msk [tilespmem:v9+s3+$0x0], $0xffff;
	v9 =	vadd.s32 $0x800, v3  }
0x44: {  	v10 =	vld.idx.msk [tilespmem:v10+s3+$0x0], $0xffff  }
0x45: {  	v12 =	vadd.s32 $0x800, v4  }
0x46: {  	v11 =	vld.idx.msk [tilespmem:v11+s3+$0x0], $0xffff  }
0x47: {  	v13 =	vadd.s32 $0x800, v0  }
0x48: {  	v9 =	vld.idx.msk [tilespmem:v9+s3+$0x0], $0xffff  }
0x49: {  	v14 =	vadd.s32 $0x800, v1;
	v8 =	vadd.f32 v10, v8  }
0x4a: {  	v10 =	vld.idx.msk [tilespmem:v12+s3+$0x0], $0xffff  }
0x4b: {  	v12 =	vadd.s32 $0x800, v2;
	v8 =	vadd.f32 v11, v8  }
0x4c: {  	v11 =	vld.idx.msk [tilespmem:v13+s3+$0x0], $0xffff  }
0x4d: {  	v8 =	vadd.f32 v9, v8  }
0x4e: {  	v9 =	vld.idx.msk [tilespmem:v14+s3+$0x0], $0xffff  }
0x4f: {  	v8 =	vadd.f32 v10, v8  }
0x50: {  	v10 =	vld.idx.msk [tilespmem:v12+s3+$0x0], $0xffff  }
0x51: {  	v8 =	vadd.f32 v11, v8;
	_ =	sdelay $0x1  }
0x52: {  	v8 =	vadd.f32 v9, v8;
	v9 =	vadd.s32 $0xC00, v7  }
0x53: {  	v11 =	vadd.s32 $0xC00, v6  }
0x54: {  	v8 =	vadd.f32 v10, v8  }
0x55: {  	v10 =	vadd.s32 $0xC00, v5  }
0x56: {  	[tilespmem:s15+$0x8100] =	vst v8  }
0x57: {  	v8 =	vadd.s32 $0xC00, v3;
	v9 =	vld.idx.msk [tilespmem:v9+s3+$0x0], $0xffff  }
0x58: {  	v11 =	vld.idx.msk [tilespmem:v11+s3+$0x0], $0xffff  }
0x59: {  	v12 =	vadd.s32 $0xC00, v4  }
0x5a: {  	v10 =	vld.idx.msk [tilespmem:v10+s3+$0x0], $0xffff  }
0x5b: {  	v13 =	vadd.s32 $0xC00, v0  }
0x5c: {  	v8 =	vld.idx.msk [tilespmem:v8+s3+$0x0], $0xffff  }
0x5d: {  	v14 =	vadd.s32 $0xC00, v1;
	v9 =	vadd.f32 v11, v9  }
0x5e: {  	v11 =	vld.idx.msk [tilespmem:v12+s3+$0x0], $0xffff  }
0x5f: {  	v12 =	vadd.s32 $0xC00, v2;
	v9 =	vadd.f32 v10, v9  }
0x60: {  	v10 =	vld.idx.msk [tilespmem:v13+s3+$0x0], $0xffff  }
0x61: {  	v8 =	vadd.f32 v8, v9  }
0x62: {  	v9 =	vld.idx.msk [tilespmem:v14+s3+$0x0], $0xffff  }
0x63: {  	v8 =	vadd.f32 v11, v8  }
0x64: {  	v11 =	vld.idx.msk [tilespmem:v12+s3+$0x0], $0xffff  }
0x65: {  	v8 =	vadd.f32 v10, v8;
	_ =	sdelay $0x1  }
0x66: {  	v8 =	vadd.f32 v9, v8;
	v9 =	vadd.s32 $0x1000, v7  }
0x67: {  	v10 =	vadd.s32 $0x1000, v6  }
0x68: {  	v8 =	vadd.f32 v11, v8  }
0x69: {  	v11 =	vadd.s32 $0x1000, v5  }
0x6a: {  	[tilespmem:s15+$0x8180] =	vst v8  }
0x6b: {  	v8 =	vld.idx.msk [tilespmem:v9+s3+$0x0], $0xffff;
	v9 =	vadd.s32 $0x1000, v3  }
0x6c: {  	v10 =	vld.idx.msk [tilespmem:v10+s3+$0x0], $0xffff  }
0x6d: {  	v12 =	vadd.s32 $0x1000, v4  }
0x6e: {  	v11 =	vld.idx.msk [tilespmem:v11+s3+$0x0], $0xffff  }
0x6f: {  	v13 =	vadd.s32 $0x1000, v0  }
0x70: {  	v9 =	vld.idx.msk [tilespmem:v9+s3+$0x0], $0xffff  }
0x71: {  	v14 =	vadd.s32 $0x1000, v1;
	v8 =	vadd.f32 v10, v8  }
0x72: {  	v10 =	vld.idx.msk [tilespmem:v12+s3+$0x0], $0xffff  }
0x73: {  	v12 =	vadd.s32 $0x1000, v2;
	v8 =	vadd.f32 v11, v8  }
0x74: {  	v11 =	vld.idx.msk [tilespmem:v13+s3+$0x0], $0xffff  }
0x75: {  	v8 =	vadd.f32 v9, v8  }
0x76: {  	v9 =	vld.idx.msk [tilespmem:v14+s3+$0x0], $0xffff  }
0x77: {  	v8 =	vadd.f32 v10, v8  }
0x78: {  	v10 =	vld.idx.msk [tilespmem:v12+s3+$0x0], $0xffff  }
0x79: {  	v8 =	vadd.f32 v11, v8;
	_ =	sdelay $0x1  }
0x7a: {  	s29 =	simm.s32 $0x10;
	s18 =	simm.s32 $0x80;
	v8 =	vadd.f32 v9, v8;
	v9 =	vadd.s32 $0x1400, v7  }
0x7b: {  	s18 =	sand.u32 $0x3C00, s18;
	s16 =	sand.u32 $0x70, s29;
	v11 =	vadd.s32 $0x1400, v6  }
0x7c: {  	s16 =	sor.u32 s16, s18;
	v8 =	vadd.f32 v10, v8  }
0x7d: {  	v14 =	vld [tilespmem:s16+$0x4000];
	v10 =	vadd.s32 $0x1400, v5  }
0x7e: {  	[tilespmem:s15+$0x8200] =	vst v8  }
0x7f: {  	v12 =	vadd.s32 $0x1400, v3;
	v9 =	vld.idx.msk [tilespmem:v9+s3+$0x0], $0xffff  }
0x80: {  	v11 =	vld.idx.msk [tilespmem:v11+s3+$0x0], $0xffff  }
0x81: {  	v13 =	vadd.s32 $0x1400, v4  }
0x82: {  	v15 =	vadd.s32 $0x1400, v0;
	v10 =	vld.idx.msk [tilespmem:v10+s3+$0x0], $0xffff;
	_ =	sdelay $0x1  }
0x83: {  	v16 =	vadd.s32 $0x1400, v1;
	v12 =	vld.idx.msk [tilespmem:v12+s3+$0x0], $0xffff  }
0x84: {  	v19 =	vld.idx.msk [tilespmem:v14+s3+$0x0], $0xffff;
	v9 =	vadd.f32 v11, v9  }
0x85: {  	v13 =	vld.idx.msk [tilespmem:v13+s3+$0x0], $0xffff  }
0x86: {  	v17 =	vadd.s32 $0x1400, v2;
	v18 =	vld.idx.msk [tilespmem:v15+s3+$0x0], $0xffff;
	v9 =	vadd.f32 v10, v9  }
0x87: {  	v15 =	vld [tilespmem:s16+$0x4080]  }
0x88: {  	v16 =	vld.idx.msk [tilespmem:v16+s3+$0x0], $0xffff;
	v9 =	vadd.f32 v12, v9  }
0x89: {  	v11 =	vld [tilespmem:s16+$0x4100]  }
0x8a: {  	v12 =	vld [tilespmem:s16+$0x4180];
	v9 =	vadd.f32 v13, v9  }
0x8b: {  	s30 =	simm.s32 $0x1;
	v17 =	vld.idx.msk [tilespmem:v17+s3+$0x0], $0xffff  }
0x8c: {  	s18 =	sand.u32 $0x7, s30;
	v8 =	vld [tilespmem:s16+$0x4300];
	v18 =	vadd.f32 v18, v9  }
0x8d: {  	s18 =	sshll.u32 s18, $0x4;
	v13 =	vld [tilespmem:s16+$0x4200]  }
0x8e: {  	s18 =	sadd.s32 $0x80, s18;
	v10 =	vld [tilespmem:s16+$0x4280];
	v16 =	vadd.f32 v16, v18;
	v18 =	vadd.s32 $0x1800, v7  }
0x8f: {  	s18 =	sor.u32 $0x380, s18;
	v20 =	vadd.s32 $0x1800, v6;
	v21 =	vld.idx.msk [tilespmem:v15+s3+$0x0], $0xffff  }
0x90: {  	v9 =	vld [tilespmem:s18+$0x4000];
	v16 =	vadd.f32 v17, v16  }
0x91: {  	v22 =	vadd.s32 $0x1800, v5;
	v17 =	vld.idx.msk [tilespmem:v11+s3+$0x0], $0xffff  }
0x92: {  	v23 =	vld.idx.msk [tilespmem:v12+s3+$0x0], $0xffff;
	[tilespmem:s15+$0x8280] =	vst v16  }
0x93: {  	v16 =	vld.idx.msk [tilespmem:v18+s3+$0x0], $0xffff;
	v18 =	vadd.s32 $0x1800, v3  }
0x94: {  	v20 =	vld.idx.msk [tilespmem:v20+s3+$0x0], $0xffff  }
0x95: {  	v19 =	vadd.f32 v21, v19;
	v21 =	vadd.s32 $0x1800, v4;
	v24 =	vld.idx.msk [tilespmem:v13+s3+$0x0], $0xffff  }
0x96: {  	v22 =	vld.idx.msk [tilespmem:v22+s3+$0x0], $0xffff  }
0x97: {  	v25 =	vld.idx.msk [tilespmem:v10+s3+$0x0], $0xffff;
	v17 =	vadd.f32 v17, v19;
	v19 =	vadd.s32 $0x1800, v0  }
0x98: {  	v18 =	vld.idx.msk [tilespmem:v18+s3+$0x0], $0xffff  }
0x99: {  	v26 =	vld.idx.msk [tilespmem:v8+s3+$0x0], $0xffff;
	v17 =	vadd.f32 v23, v17;
	v23 =	vadd.s32 $0x1800, v1;
	v16 =	vadd.f32 v20, v16  }
0x9a: {  	v20 =	vld.idx.msk [tilespmem:v21+s3+$0x0], $0xffff  }
0x9b: {  	v21 =	vld.idx.msk [tilespmem:v9+s3+$0x0], $0xffff;
	v17 =	vadd.f32 v24, v17;
	v24 =	vadd.s32 $0x1800, v2;
	v16 =	vadd.f32 v22, v16  }
0x9c: {  	v19 =	vld.idx.msk [tilespmem:v19+s3+$0x0], $0xffff  }
0x9d: {  	v17 =	vadd.f32 v25, v17;
	v16 =	vadd.f32 v18, v16  }
0x9e: {  	v18 =	vld.idx.msk [tilespmem:v23+s3+$0x0], $0xffff  }
0x9f: {  	v22 =	vadd.s32 $0x400, v14;
	v17 =	vadd.f32 v26, v17;
	v16 =	vadd.f32 v20, v16  }
0xa0: {  	v23 =	vld.idx.msk [tilespmem:v24+s3+$0x0], $0xffff;
	v20 =	vadd.s32 $0x400, v15  }
0xa1: {  	v17 =	vadd.f32 v21, v17;
	v21 =	vadd.s32 $0x400, v12;
	v16 =	vadd.f32 v19, v16  }
0xa2: {  	v19 =	vadd.s32 $0x400, v11  }
0xa3: {  	[tilespmem:s16+$0x8000] =	vst v17;
	v17 =	vadd.s32 $0x1C00, v7;
	v16 =	vadd.f32 v18, v16  }
0xa4: {  	v18 =	vld.idx.msk [tilespmem:v22+s3+$0x0], $0xffff;
	v22 =	vadd.s32 $0x1C00, v6  }
0xa5: {  	v24 =	vadd.s32 $0x400, v13;
	v20 =	vld.idx.msk [tilespmem:v20+s3+$0x0], $0xffff;
	v16 =	vadd.f32 v23, v16  }
0xa6: {  	v21 =	vld.idx.msk [tilespmem:v21+s3+$0x0], $0xffff;
	v23 =	vadd.s32 $0x1C00, v5  }
0xa7: {  	v25 =	vadd.s32 $0x400, v10;
	v19 =	vld.idx.msk [tilespmem:v19+s3+$0x0], $0xffff;
	[tilespmem:s15+$0x8300] =	vst v16  }
0xa8: {  	v16 =	vld.idx.msk [tilespmem:v17+s3+$0x0], $0xffff;
	v17 =	vadd.s32 $0x1C00, v3  }
0xa9: {  	v26 =	vadd.s32 $0x400, v8;
	v22 =	vld.idx.msk [tilespmem:v22+s3+$0x0], $0xffff  }
0xaa: {  	v24 =	vld.idx.msk [tilespmem:v24+s3+$0x0], $0xffff;
	v18 =	vadd.f32 v20, v18;
	v20 =	vadd.s32 $0x1C00, v4  }
0xab: {  	v27 =	vadd.s32 $0x400, v9;
	v23 =	vld.idx.msk [tilespmem:v23+s3+$0x0], $0xffff  }
0xac: {  	v25 =	vld.idx.msk [tilespmem:v25+s3+$0x0], $0xffff;
	v18 =	vadd.f32 v19, v18;
	v19 =	vadd.s32 $0x1C00, v0  }
0xad: {  	v17 =	vld.idx.msk [tilespmem:v17+s3+$0x0], $0xffff  }
0xae: {  	v26 =	vld.idx.msk [tilespmem:v26+s3+$0x0], $0xffff;
	v18 =	vadd.f32 v21, v18;
	v21 =	vadd.s32 $0x1C00, v1;
	v16 =	vadd.f32 v22, v16  }
0xaf: {  	v20 =	vld.idx.msk [tilespmem:v20+s3+$0x0], $0xffff  }
0xb0: {  	v22 =	vld.idx.msk [tilespmem:v27+s3+$0x0], $0xffff;
	v18 =	vadd.f32 v24, v18;
	v24 =	vadd.s32 $0x1C00, v2;
	v16 =	vadd.f32 v23, v16  }
0xb1: {  	v19 =	vld.idx.msk [tilespmem:v19+s3+$0x0], $0xffff  }
0xb2: {  	v18 =	vadd.f32 v25, v18;
	v16 =	vadd.f32 v17, v16  }
0xb3: {  	v17 =	vld.idx.msk [tilespmem:v21+s3+$0x0], $0xffff  }
0xb4: {  	v21 =	vadd.s32 $0x800, v14;
	v18 =	vadd.f32 v26, v18;
	v16 =	vadd.f32 v20, v16  }
0xb5: {  	v20 =	vadd.s32 $0x800, v15;
	v23 =	vld.idx.msk [tilespmem:v24+s3+$0x0], $0xffff  }
0xb6: {  	v18 =	vadd.f32 v22, v18;
	v22 =	vadd.s32 $0x800, v11;
	v16 =	vadd.f32 v19, v16  }
0xb7: {  	v19 =	vadd.s32 $0x800, v12  }
0xb8: {  	[tilespmem:s16+$0x8080] =	vst v18;
	v16 =	vadd.f32 v17, v16;
	v17 =	vadd.s32 $0x2000, v7  }
0xb9: {  	v18 =	vld.idx.msk [tilespmem:v21+s3+$0x0], $0xffff;
	v21 =	vadd.s32 $0x2000, v6  }
0xba: {  	v24 =	vadd.s32 $0x800, v13;
	v20 =	vld.idx.msk [tilespmem:v20+s3+$0x0], $0xffff;
	v16 =	vadd.f32 v23, v16  }
0xbb: {  	v22 =	vld.idx.msk [tilespmem:v22+s3+$0x0], $0xffff;
	v23 =	vadd.s32 $0x2000, v5  }
0xbc: {  	v25 =	vadd.s32 $0x800, v10;
	v19 =	vld.idx.msk [tilespmem:v19+s3+$0x0], $0xffff;
	[tilespmem:s28+$0x8000] =	vst v16  }
0xbd: {  	v16 =	vld.idx.msk [tilespmem:v17+s3+$0x0], $0xffff;
	v17 =	vadd.s32 $0x2000, v3  }
0xbe: {  	v26 =	vadd.s32 $0x800, v8;
	v21 =	vld.idx.msk [tilespmem:v21+s3+$0x0], $0xffff  }
0xbf: {  	v18 =	vadd.f32 v20, v18;
	v20 =	vld.idx.msk [tilespmem:v24+s3+$0x0], $0xffff;
	v24 =	vadd.s32 $0x2000, v4  }
0xc0: {  	v27 =	vadd.s32 $0x800, v9;
	v23 =	vld.idx.msk [tilespmem:v23+s3+$0x0], $0xffff  }
0xc1: {  	v18 =	vadd.f32 v22, v18;
	v22 =	vld.idx.msk [tilespmem:v25+s3+$0x0], $0xffff;
	v25 =	vadd.s32 $0x2000, v0  }
0xc2: {  	v17 =	vld.idx.msk [tilespmem:v17+s3+$0x0], $0xffff  }
0xc3: {  	v26 =	vld.idx.msk [tilespmem:v26+s3+$0x0], $0xffff;
	v18 =	vadd.f32 v19, v18;
	v19 =	vadd.s32 $0x2000, v1;
	v16 =	vadd.f32 v21, v16  }
0xc4: {  	v21 =	vld.idx.msk [tilespmem:v24+s3+$0x0], $0xffff  }
0xc5: {  	v24 =	vld.idx.msk [tilespmem:v27+s3+$0x0], $0xffff;
	v18 =	vadd.f32 v20, v18;
	v20 =	vadd.s32 $0x2000, v2;
	v16 =	vadd.f32 v23, v16  }
0xc6: {  	v23 =	vld.idx.msk [tilespmem:v25+s3+$0x0], $0xffff  }
0xc7: {  	v18 =	vadd.f32 v22, v18;
	v16 =	vadd.f32 v17, v16  }
0xc8: {  	v19 =	vld.idx.msk [tilespmem:v19+s3+$0x0], $0xffff  }
0xc9: {  	s31 =	simm.s32 $0x20;
	s19 =	simm.s32 $0x100;
	v17 =	vadd.f32 v26, v18;
	v18 =	vadd.s32 $0xC00, v13;
	v16 =	vadd.f32 v21, v16  }
0xca: {  	s20 =	sand.u32 $0x3C00, s19;
	s17 =	sand.u32 $0x70, s31;
	v25 =	vadd.s32 $0xC00, v15;
	v20 =	vld.idx.msk [tilespmem:v20+s3+$0x0], $0xffff  }
0xcb: {  	s17 =	sor.u32 s17, s20;
	v21 =	vadd.s32 $0xC00, v11;
	v22 =	vadd.f32 v24, v17;
	v23 =	vadd.f32 v23, v16  }
0xcc: {  	v24 =	vadd.s32 $0xC00, v14;
	v17 =	vld [tilespmem:s17+$0x4000]  }
0xcd: {  	v16 =	vld [tilespmem:s17+$0x4300];
	[tilespmem:s16+$0x8100] =	vst v22;
	v22 =	vadd.s32 $0x2400, v7;
	v19 =	vadd.f32 v19, v23  }
0xce: {  	v18 =	vld.idx.msk [tilespmem:v18+s3+$0x0], $0xffff;
	v23 =	vadd.s32 $0x2400, v6  }
0xcf: {  	v26 =	vadd.s32 $0xC00, v12;
	v25 =	vld.idx.msk [tilespmem:v25+s3+$0x0], $0xffff;
	v19 =	vadd.f32 v20, v19  }
0xd0: {  	v27 =	vadd.s32 $0xC00, v10;
	v21 =	vld.idx.msk [tilespmem:v21+s3+$0x0], $0xffff  }
0xd1: {  	v20 =	vld.idx.msk [tilespmem:v24+s3+$0x0], $0xffff;
	v24 =	vadd.s32 $0x2400, v5;
	[tilespmem:s15+$0xC000] =	vst v19  }
0xd2: {  	v19 =	vadd.s32 $0x2400, v3;
	v22 =	vld.idx.msk [tilespmem:v22+s3+$0x0], $0xffff  }
0xd3: {  	v28 =	vadd.s32 $0x2400, v4;
	v23 =	vld.idx.msk [tilespmem:v23+s3+$0x0], $0xffff  }
0xd4: {  	v29 =	vadd.s32 $0xC00, v8;
	v26 =	vld.idx.msk [tilespmem:v26+s3+$0x0], $0xffff  }
0xd5: {  	v31 =	vadd.s32 $0x2400, v1;
	v27 =	vld.idx.msk [tilespmem:v27+s3+$0x0], $0xffff  }
0xd6: {  	v24 =	vld.idx.msk [tilespmem:v24+s3+$0x0], $0xffff;
	v20 =	vadd.f32 v25, v20  }
0xd7: {  	v30 =	vadd.s32 $0x2400, v0;
	v19 =	vld.idx.msk [tilespmem:v19+s3+$0x0], $0xffff  }
0xd8: {  	v20 =	vadd.f32 v21, v20;
	v21 =	vadd.f32 v23, v22;
	v22 =	vld.idx.msk [tilespmem:v28+s3+$0x0], $0xffff  }
0xd9: {  	v25 =	vadd.s32 $0xC00, v9;
	v23 =	vld.idx.msk [tilespmem:v29+s3+$0x0], $0xffff  }
0xda: {  	v20 =	vadd.f32 v26, v20;
	v26 =	vld.idx.msk [tilespmem:v31+s3+$0x0], $0xffff  }
0xdb: {  	v28 =	vadd.s32 $0x2400, v2;
	v31 =	vld.idx.msk [tilespmem:v17+s3+$0x0], $0xffff;
	v21 =	vadd.f32 v24, v21  }
0xdc: {  	v24 =	vld.idx.msk [tilespmem:v30+s3+$0x0], $0xffff  }
0xdd: {  	v20 =	vadd.f32 v18, v20;
	v18 =	vld [tilespmem:s17+$0x4280];
	v19 =	vadd.f32 v19, v21  }
0xde: {  	v25 =	vld.idx.msk [tilespmem:v25+s3+$0x0], $0xffff  }
0xdf: {  	s20 =	simm.s32 $0x2;
	v21 =	vld [tilespmem:s17+$0x4180];
	v27 =	vadd.f32 v27, v20;
	v19 =	vadd.f32 v22, v19  }
0xe0: {  	s21 =	sand.u32 $0x7, s20;
	v28 =	vld.idx.msk [tilespmem:v28+s3+$0x0], $0xffff  }
0xe1: {  	s21 =	sshll.u32 s21, $0x4;
	v29 =	vadd.s32 $0x1000, v14;
	v20 =	vld [tilespmem:s17+$0x4200];
	v27 =	vadd.f32 v23, v27;
	v19 =	vadd.f32 v24, v19  }
0xe2: {  	s21 =	sadd.s32 $0x100, s21;
	v22 =	vld [tilespmem:s17+$0x4100];
	v24 =	vadd.s32 $0x1000, v15  }
0xe3: {  	s21 =	sor.u32 $0x380, s21;
	v23 =	vld [tilespmem:s17+$0x4080];
	v25 =	vadd.f32 v25, v27;
	v27 =	vadd.s32 $0x2800, v7;
	v26 =	vadd.f32 v26, v19  }
0xe4: {  	v30 =	vadd.s32 $0x2800, v6;
	v19 =	vld [tilespmem:s21+$0x4000]  }
0xe5: {  	[tilespmem:s16+$0x8180] =	vst v25;
	v25 =	vadd.s32 $0x1000, v11;
	v56 =	vld.idx.msk [tilespmem:v18+s3+$0x0], $0xffff;
	v26 =	vadd.f32 v28, v26  }
0xe6: {  	v32 =	vadd.s32 $0x1000, v12;
	v28 =	vld.idx.msk [tilespmem:v29+s3+$0x0], $0xffff  }
0xe7: {  	v29 =	vadd.s32 $0x2800, v5;
	v24 =	vld.idx.msk [tilespmem:v24+s3+$0x0], $0xffff;
	[tilespmem:s15+$0xC080] =	vst v26  }
0xe8: {  	v33 =	vadd.s32 $0x1000, v13;
	v26 =	vld.idx.msk [tilespmem:v27+s3+$0x0], $0xffff  }
0xe9: {  	v27 =	vadd.s32 $0x2800, v3;
	v30 =	vld.idx.msk [tilespmem:v30+s3+$0x0], $0xffff  }
0xea: {  	v34 =	vadd.s32 $0x2800, v4;
	v25 =	vld.idx.msk [tilespmem:v25+s3+$0x0], $0xffff  }
0xeb: {  	v35 =	vadd.s32 $0x1000, v10;
	v32 =	vld.idx.msk [tilespmem:v32+s3+$0x0], $0xffff  }
0xec: {  	v37 =	vadd.s32 $0x1000, v8;
	v29 =	vld.idx.msk [tilespmem:v29+s3+$0x0], $0xffff  }
0xed: {  	v36 =	vadd.s32 $0x2800, v0;
	v24 =	vadd.f32 v24, v28;
	v28 =	vld.idx.msk [tilespmem:v33+s3+$0x0], $0xffff  }
0xee: {  	v51 =	vadd.s32 $0x2800, v1;
	v27 =	vld.idx.msk [tilespmem:v27+s3+$0x0], $0xffff  }
0xef: {  	v38 =	vadd.s32 $0x1000, v9;
	v26 =	vadd.f32 v30, v26;
	v30 =	vld.idx.msk [tilespmem:v34+s3+$0x0], $0xffff;
	v24 =	vadd.f32 v25, v24  }
0xf0: {  	v25 =	vld.idx.msk [tilespmem:v35+s3+$0x0], $0xffff  }
0xf1: {  	v52 =	vadd.s32 $0x2800, v2;
	v53 =	vld.idx.msk [tilespmem:v37+s3+$0x0], $0xffff;
	v26 =	vadd.f32 v29, v26;
	v24 =	vadd.f32 v32, v24  }
0xf2: {  	v29 =	vld.idx.msk [tilespmem:v36+s3+$0x0], $0xffff  }
0xf3: {  	v26 =	vadd.f32 v27, v26;
	v27 =	vld.idx.msk [tilespmem:v51+s3+$0x0], $0xffff;
	v24 =	vadd.f32 v28, v24  }
0xf4: {  	v28 =	vld.idx.msk [tilespmem:v38+s3+$0x0], $0xffff  }
0xf5: {  	v57 =	vld.idx.msk [tilespmem:v21+s3+$0x0], $0xffff;
	v26 =	vadd.f32 v30, v26;
	v24 =	vadd.f32 v25, v24  }
0xf6: {  	v30 =	vld.idx.msk [tilespmem:v52+s3+$0x0], $0xffff  }
0xf7: {  	v55 =	vadd.s32 $0x1400, v14;
	v58 =	vld.idx.msk [tilespmem:v20+s3+$0x0], $0xffff;
	v26 =	vadd.f32 v29, v26;
	v24 =	vadd.f32 v53, v24  }
0xf8: {  	v59 =	vadd.s32 $0x1400, v15;
	v54 =	vld.idx.msk [tilespmem:v23+s3+$0x0], $0xffff  }
0xf9: {  	v25 =	vld.idx.msk [tilespmem:v16+s3+$0x0], $0xffff;
	v26 =	vadd.f32 v27, v26;
	v27 =	vadd.s32 $0x2C00, v7;
	v24 =	vadd.f32 v28, v24  }
0xfa: {  	v29 =	vld.idx.msk [tilespmem:v22+s3+$0x0], $0xffff;
	v28 =	vadd.s32 $0x2C00, v6  }
0xfb: {  	v60 =	vadd.s32 $0x1400, v11;
	v26 =	vadd.f32 v30, v26;
	v30 =	vld.idx.msk [tilespmem:v19+s3+$0x0], $0xffff;
	[tilespmem:s16+$0x8200] =	vst v24  }
0xfc: {  	v24 =	vadd.s32 $0x2C00, v5;
	v32 =	vld.idx.msk [tilespmem:v55+s3+$0x0], $0xffff  }
0xfd: {  	v62 =	vadd.s32 $0x1400, v13;
	v31 =	vadd.f32 v54, v31;
	v37 =	vld.idx.msk [tilespmem:v59+s3+$0x0], $0xffff;
	[tilespmem:s15+$0xC100] =	vst v26  }
0xfe: {  	v26 =	vld.idx.msk [tilespmem:v27+s3+$0x0], $0xffff;
	v27 =	vadd.s32 $0x2C00, v3  }
0xff: {  	v61 =	vadd.s32 $0x2C00, v4;
	v29 =	vadd.f32 v29, v31;
	v28 =	vld.idx.msk [tilespmem:v28+s3+$0x0], $0xffff  }
0x100: {  	v31 =	vadd.s32 $0x1400, v12;
	v33 =	vld.idx.msk [tilespmem:v60+s3+$0x0], $0xffff  }
0x101: {  	v63 =	vadd.s32 $0x1400, v10;
	v29 =	vadd.f32 v57, v29;
	v24 =	vld.idx.msk [tilespmem:v24+s3+$0x0], $0xffff  }
0x102: {  	v39 =	vadd.s32 $0x2C00, v0;
	v35 =	vld.idx.msk [tilespmem:v62+s3+$0x0], $0xffff  }
0x103: {  	v43 =	vadd.s32 $0x2C00, v2;
	v29 =	vadd.f32 v58, v29;
	v27 =	vld.idx.msk [tilespmem:v27+s3+$0x0], $0xffff  }
0x104: {  	v40 =	vadd.s32 $0x2C00, v1;
	v42 =	vld.idx.msk [tilespmem:v61+s3+$0x0], $0xffff;
	v26 =	vadd.f32 v28, v26  }
0x105: {  	v44 =	vadd.s32 $0x1400, v9;
	v31 =	vld.idx.msk [tilespmem:v31+s3+$0x0], $0xffff;
	v28 =	vadd.f32 v56, v29  }
0x106: {  	v36 =	vld.idx.msk [tilespmem:v63+s3+$0x0], $0xffff;
	v32 =	vadd.f32 v37, v32;
	v29 =	vadd.s32 $0x1400, v8;
	v24 =	vadd.f32 v24, v26  }
0x107: {  	v25 =	vadd.f32 v25, v28;
	v26 =	vadd.s32 $0x400, v16;
	v28 =	vld.idx.msk [tilespmem:v39+s3+$0x0], $0xffff  }
0x108: {  	v45 =	vadd.s32 $0x400, v20;
	v46 =	vld.idx.msk [tilespmem:v43+s3+$0x0], $0xffff;
	v32 =	vadd.f32 v33, v32;
	v24 =	vadd.f32 v27, v24  }
0x109: {  	v47 =	vadd.s32 $0x400, v22;
	v25 =	vadd.f32 v30, v25;
	v30 =	vld.idx.msk [tilespmem:v40+s3+$0x0], $0xffff  }
0x10a: {  	v49 =	vadd.s32 $0x400, v23;
	v37 =	vld.idx.msk [tilespmem:v44+s3+$0x0], $0xffff;
	v31 =	vadd.f32 v31, v32;
	v24 =	vadd.f32 v42, v24  }
0x10b: {  	v27 =	vadd.s32 $0x400, v18;
	v29 =	vld.idx.msk [tilespmem:v29+s3+$0x0], $0xffff;
	[tilespmem:s17+$0x8000] =	vst v25  }
0x10c: {  	v31 =	vadd.f32 v35, v31;
	v25 =	vadd.s32 $0x400, v21;
	v26 =	vld.idx.msk [tilespmem:v26+s3+$0x0], $0xffff;
	v24 =	vadd.f32 v28, v24  }
0x10d: {  	v33 =	vld.idx.msk [tilespmem:v45+s3+$0x0], $0xffff;
	v28 =	vadd.s32 $0x400, v17  }
0x10e: {  	v31 =	vadd.f32 v36, v31;
	v32 =	vld.idx.msk [tilespmem:v47+s3+$0x0], $0xffff;
	v24 =	vadd.f32 v30, v24;
	v30 =	vadd.s32 $0x3000, v7  }
0x10f: {  	v48 =	vadd.s32 $0x3000, v6;
	v52 =	vld.idx.msk [tilespmem:v49+s3+$0x0], $0xffff  }
0x110: {  	v27 =	vld.idx.msk [tilespmem:v27+s3+$0x0], $0xffff;
	v29 =	vadd.f32 v29, v31;
	v31 =	vadd.s32 $0x1800, v14;
	v24 =	vadd.f32 v46, v24  }
0x111: {  	v50 =	vadd.s32 $0x3000, v5;
	v25 =	vld.idx.msk [tilespmem:v25+s3+$0x0], $0xffff  }
0x112: {  	v51 =	vadd.s32 $0x1800, v15;
	v29 =	vadd.f32 v37, v29;
	v28 =	vld.idx.msk [tilespmem:v28+s3+$0x0], $0xffff;
	[tilespmem:s15+$0xC180] =	vst v24  }
0x113: {  	v24 =	vld.idx.msk [tilespmem:v30+s3+$0x0], $0xffff;
	v30 =	vadd.s32 $0x3000, v3  }
0x114: {  	v53 =	vadd.s32 $0x3000, v4;
	[tilespmem:s16+$0x8280] =	vst v29;
	v35 =	vld.idx.msk [tilespmem:v48+s3+$0x0], $0xffff  }
0x115: {  	v29 =	vadd.s32 $0x1800, v11;
	v31 =	vld.idx.msk [tilespmem:v31+s3+$0x0], $0xffff  }
0x116: {  	v55 =	vadd.s32 $0x1800, v12;
	v34 =	vld.idx.msk [tilespmem:v50+s3+$0x0], $0xffff  }
0x117: {  	v54 =	vadd.s32 $0x3000, v0;
	v36 =	vld.idx.msk [tilespmem:v51+s3+$0x0], $0xffff  }
0x118: {  	v41 =	vadd.s32 $0x3000, v1;
	v30 =	vld.idx.msk [tilespmem:v30+s3+$0x0], $0xffff  }
0x119: {  	v56 =	vadd.s32 $0x1800, v13;
	v38 =	vld.idx.msk [tilespmem:v53+s3+$0x0], $0xffff;
	v24 =	vadd.f32 v35, v24  }
0x11a: {  	v58 =	vadd.s32 $0x1800, v10;
	v29 =	vld.idx.msk [tilespmem:v29+s3+$0x0], $0xffff;
	v28 =	vadd.f32 v52, v28  }
0x11b: {  	v57 =	vadd.s32 $0x3000, v2;
	v40 =	vld.idx.msk [tilespmem:v55+s3+$0x0], $0xffff;
	v24 =	vadd.f32 v34, v24  }
0x11c: {  	v42 =	vadd.s32 $0x400, v19;
	v39 =	vld.idx.msk [tilespmem:v54+s3+$0x0], $0xffff;
	v28 =	vadd.f32 v32, v28  }
0x11d: {  	v59 =	vld.idx.msk [tilespmem:v41+s3+$0x0], $0xffff;
	v31 =	vadd.f32 v36, v31;
	v24 =	vadd.f32 v30, v24;
	v30 =	vadd.s32 $0x1800, v8  }
0x11e: {  	v35 =	vld.idx.msk [tilespmem:v56+s3+$0x0], $0xffff;
	v25 =	vadd.f32 v25, v28  }
0x11f: {  	v28 =	vadd.s32 $0x1800, v9;
	v34 =	vld.idx.msk [tilespmem:v58+s3+$0x0], $0xffff;
	v29 =	vadd.f32 v29, v31;
	v24 =	vadd.f32 v38, v24  }
0x120: {  	v31 =	vld.idx.msk [tilespmem:v57+s3+$0x0], $0xffff;
	v25 =	vadd.f32 v33, v25  }
0x121: {  	v60 =	vld.idx.msk [tilespmem:v42+s3+$0x0], $0xffff;
	v29 =	vadd.f32 v40, v29;
	v24 =	vadd.f32 v39, v24  }
0x122: {  	v25 =	vadd.f32 v27, v25;
	v30 =	vld.idx.msk [tilespmem:v30+s3+$0x0], $0xffff  }
0x123: {  	v27 =	vadd.s32 $0x3400, v7;
	v29 =	vadd.f32 v35, v29;
	v24 =	vadd.f32 v59, v24  }
0x124: {  	v61 =	vadd.s32 $0x3400, v6;
	v62 =	vld.idx.msk [tilespmem:v28+s3+$0x0], $0xffff;
	v25 =	vadd.f32 v26, v25  }
0x125: {  	v63 =	vadd.s32 $0x800, v19;
	v26 =	vadd.f32 v34, v29;
	v24 =	vadd.f32 v31, v24  }
0x126: {  	v28 =	vadd.s32 $0x3400, v5  }
0x127: {  	v25 =	vadd.f32 v60, v25;
	[tilespmem:s15+$0xC200] =	vst v24;
	v29 =	vadd.f32 v30, v26;
	v30 =	vadd.s32 $0x1C00, v14  }
0x128: {  	v26 =	vadd.s32 $0x3400, v3;
	v24 =	vld.idx.msk [tilespmem:v27+s3+$0x0], $0xffff  }
0x129: {  	[tilespmem:s17+$0x8080] =	vst v25;
	v31 =	vadd.s32 $0x1C00, v15;
	v25 =	vld.idx.msk [tilespmem:v61+s3+$0x0], $0xffff;
	v32 =	vadd.f32 v62, v29  }
0x12a: {  	p0 =	por p1, p1;
	s22 =	simm.s32 $0x30;
	v27 =	vadd.s32 $0x3400, v4;
	v29 =	vld.idx.msk [tilespmem:v63+s3+$0x0], $0xffff  }
.LBB2_3:
0x12b: {  	p1 =	sne.s32 s22, $0x7F0;
	[tilespmem:s16+$0x8300] =	vst v32;
	v32 =	vadd.s32 $0x1C00, v11;
	v28 =	vld.idx.msk [tilespmem:v28+s3+$0x0], $0xffff  }
0x12c: {  	v33 =	vadd.s32 $0x3400, v0;
	v30 =	vld.idx.msk [tilespmem:v30+s3+$0x0], $0xffff  }
0x12d: {  	v34 =	vadd.s32 $0x1C00, v12;
	v26 =	vld.idx.msk [tilespmem:v26+s3+$0x0], $0xffff  }
0x12e: {  	v35 =	vadd.s32 $0x3400, v1;
	v31 =	vld.idx.msk [tilespmem:v31+s3+$0x0], $0xffff  }
0x12f: {  	v36 =	vadd.s32 $0x1C00, v13;
	v24 =	vadd.f32 v25, v24;
	v25 =	vld.idx.msk [tilespmem:v27+s3+$0x0], $0xffff  }
0x130: {  	v27 =	vld.idx.msk [tilespmem:v32+s3+$0x0], $0xffff;
	v32 =	vadd.s32 $0x3400, v2  }
0x131: {  	v37 =	vadd.s32 $0x800, v16;
	v24 =	vadd.f32 v28, v24;
	v28 =	vld.idx.msk [tilespmem:v33+s3+$0x0], $0xffff  }
0x132: {  	v33 =	vld.idx.msk [tilespmem:v34+s3+$0x0], $0xffff;
	v34 =	vadd.s32 $0x1C00, v10  }
0x133: {  	v38 =	vadd.s32 $0x800, v17;
	v24 =	vadd.f32 v26, v24;
	v26 =	vld.idx.msk [tilespmem:v35+s3+$0x0], $0xffff  }
0x134: {  	v35 =	vld.idx.msk [tilespmem:v36+s3+$0x0], $0xffff;
	v36 =	vadd.s32 $0x1C00, v8  }
0x135: {  	v39 =	vadd.s32 $0x800, v23;
	v30 =	vadd.f32 v31, v30;
	v24 =	vadd.f32 v25, v24;
	v25 =	vld.idx.msk [tilespmem:v32+s3+$0x0], $0xffff  }
0x136: {  	v32 =	vadd.s32 $0x1C00, v9;
	v31 =	vld.idx.msk [tilespmem:v37+s3+$0x0], $0xffff  }
0x137: {  	v27 =	vadd.f32 v27, v30;
	v37 =	vadd.s32 $0x800, v22;
	v24 =	vadd.f32 v28, v24;
	v30 =	vld.idx.msk [tilespmem:v34+s3+$0x0], $0xffff  }
0x138: {  	v34 =	vadd.s32 $0x800, v21;
	v28 =	vld.idx.msk [tilespmem:v38+s3+$0x0], $0xffff  }
0x139: {  	v27 =	vadd.f32 v33, v27;
	v24 =	vadd.f32 v26, v24;
	v26 =	vadd.s32 $0x3800, v7;
	v33 =	vld.idx.msk [tilespmem:v36+s3+$0x0], $0xffff  }
0x13a: {  	v38 =	vadd.s32 $0x3800, v6;
	v36 =	vld.idx.msk [tilespmem:v39+s3+$0x0], $0xffff  }
0x13b: {  	v27 =	vadd.f32 v35, v27;
	v39 =	vadd.s32 $0x800, v20;
	v24 =	vadd.f32 v25, v24;
	v32 =	vld.idx.msk [tilespmem:v32+s3+$0x0], $0xffff  }
0x13c: {  	v35 =	vadd.s32 $0x3800, v5;
	v25 =	vld.idx.msk [tilespmem:v37+s3+$0x0], $0xffff  }
0x13d: {  	v37 =	vadd.s32 $0x800, v18;
	v27 =	vadd.f32 v30, v27;
	v34 =	vld.idx.msk [tilespmem:v34+s3+$0x0], $0xffff;
	[tilespmem:s15+$0xC280] =	vst v24  }
0x13e: {  	v24 =	vld.idx.msk [tilespmem:v26+s3+$0x0], $0xffff;
	v26 =	vadd.s32 $0x3800, v3  }
0x13f: {  	v30 =	vadd.s32 $0x2000, v14;
	v27 =	vadd.f32 v33, v27;
	v33 =	vld.idx.msk [tilespmem:v38+s3+$0x0], $0xffff  }
0x140: {  	v28 =	vadd.f32 v36, v28;
	v38 =	vadd.s32 $0x3800, v4;
	v36 =	vld.idx.msk [tilespmem:v39+s3+$0x0], $0xffff  }
0x141: {  	v27 =	vadd.f32 v32, v27;
	v32 =	vadd.s32 $0x2000, v15;
	v35 =	vld.idx.msk [tilespmem:v35+s3+$0x0], $0xffff  }
0x142: {  	v25 =	vadd.f32 v25, v28;
	v28 =	vld.idx.msk [tilespmem:v37+s3+$0x0], $0xffff;
	v37 =	vadd.s32 $0x3800, v0  }
0x143: {  	[tilespmem:s18+$0x8000] =	vst v27;
	v27 =	vadd.s32 $0x2000, v11;
	v26 =	vld.idx.msk [tilespmem:v26+s3+$0x0], $0xffff;
	s18 =	smov.u32 s21  }
0x144: {  	v25 =	vadd.f32 v34, v25;
	v34 =	vadd.s32 $0x3800, v1;
	v30 =	vld.idx.msk [tilespmem:v30+s3+$0x0], $0xffff  }
0x145: {  	v39 =	vadd.s32 $0x2000, v12;
	v24 =	vadd.f32 v33, v24;
	v33 =	vld.idx.msk [tilespmem:v38+s3+$0x0], $0xffff  }
0x146: {  	v25 =	vadd.f32 v36, v25;
	v36 =	vadd.s32 $0x3800, v2;
	v32 =	vld.idx.msk [tilespmem:v32+s3+$0x0], $0xffff  }
0x147: {  	v24 =	vadd.f32 v35, v24;
	v35 =	vld.idx.msk [tilespmem:v37+s3+$0x0], $0xffff  }
0x148: {  	v25 =	vadd.f32 v28, v25;
	v28 =	vadd.s32 $0x2000, v13;
	v27 =	vld.idx.msk [tilespmem:v27+s3+$0x0], $0xffff  }
0x149: {  	s19 =	sadd.s32 $0x80, s19;
	v24 =	vadd.f32 v26, v24;
	v26 =	vld.idx.msk [tilespmem:v34+s3+$0x0], $0xffff  }
0x14a: {  	s23 =	sand.u32 $0x3C00, s19;
	s21 =	sand.u32 $0x70, s22;
	v25 =	vadd.f32 v31, v25;
	v34 =	vadd.s32 $0x2000, v10;
	v31 =	vld.idx.msk [tilespmem:v39+s3+$0x0], $0xffff  }
0x14b: {  	s21 =	sor.u32 s21, s23;
	v37 =	vadd.s32 $0xC00, v20;
	v24 =	vadd.f32 v33, v24;
	v33 =	vld.idx.msk [tilespmem:v36+s3+$0x0], $0xffff  }
0x14c: {  	v25 =	vadd.f32 v29, v25;
	v29 =	vadd.s32 $0x2000, v8;
	v36 =	vld [tilespmem:s21+$0x4300]  }
0x14d: {  	v38 =	vadd.s32 $0xC00, v21;
	v30 =	vadd.f32 v32, v30;
	v24 =	vadd.f32 v35, v24;
	v28 =	vld.idx.msk [tilespmem:v28+s3+$0x0], $0xffff  }
0x14e: {  	v35 =	vadd.s32 $0x2000, v9;
	v32 =	vld [tilespmem:s21+$0x4000]  }
0x14f: {  	v24 =	vadd.f32 v26, v24;
	v26 =	vadd.s32 $0x3C00, v7;
	[tilespmem:s17+$0x8100] =	vst v25;
	v25 =	vadd.f32 v27, v30;
	v27 =	vld.idx.msk [tilespmem:v34+s3+$0x0], $0xffff  }
0x150: {  	v7 =	vmovc v14;
	v14 =	vmovc v17;
	v34 =	vadd.s32 $0x3C00, v6;
	v6 =	vmov v15;
	v15 =	vmov v23;
	v30 =	vld.idx.msk [tilespmem:v37+s3+$0x0], $0xffff  }
0x151: {  	v23 =	vadd.s32 $0xC00, v22;
	v24 =	vadd.f32 v33, v24;
	v37 =	vadd.f32 v31, v25;
	v25 =	vld.idx.msk [tilespmem:v29+s3+$0x0], $0xffff  }
0x152: {  	v31 =	vadd.s32 $0x3C00, v5;
	v5 =	vmov v11;
	v11 =	vmov v22;
	v29 =	vld.idx.msk [tilespmem:v38+s3+$0x0], $0xffff  }
0x153: {  	v22 =	vadd.s32 $0xC00, v14;
	v28 =	vadd.f32 v28, v37;
	v33 =	vld.idx.msk [tilespmem:v35+s3+$0x0], $0xffff;
	[tilespmem:s15+$0xC300] =	vst v24;
	v17 =	vmov v32  }
0x154: {  	v24 =	vld.idx.msk [tilespmem:v26+s3+$0x0], $0xffff;
	v26 =	vadd.s32 $0x3C00, v3;
	v3 =	vmov v12;
	v12 =	vmov v21  }
0x155: {  	v21 =	vadd.s32 $0xC00, v15;
	v27 =	vadd.f32 v27, v28;
	v28 =	vld.idx.msk [tilespmem:v34+s3+$0x0], $0xffff  }
0x156: {  	v32 =	vadd.s32 $0x3C00, v4;
	v4 =	vmov v13;
	v13 =	vmov v20;
	v23 =	vld.idx.msk [tilespmem:v23+s3+$0x0], $0xffff  }
0x157: {  	v20 =	vadd.f32 v25, v27;
	v25 =	vadd.s32 $0x2400, v7;
	v27 =	vld.idx.msk [tilespmem:v31+s3+$0x0], $0xffff  }
0x158: {  	v31 =	vadd.s32 $0x3C00, v0;
	v0 =	vmov v10;
	v10 =	vmov v18;
	v22 =	vld.idx.msk [tilespmem:v22+s3+$0x0], $0xffff  }
0x159: {  	v18 =	vadd.f32 v33, v20;
	v20 =	vadd.s32 $0x2400, v6;
	v26 =	vld.idx.msk [tilespmem:v26+s3+$0x0], $0xffff  }
0x15a: {  	v33 =	vadd.s32 $0x3C00, v1;
	v1 =	vmovc v8;
	v8 =	vmov v16;
	v16 =	vmov v36;
	v21 =	vld.idx.msk [tilespmem:v21+s3+$0x0], $0xffff  }
0x15b: {  	v24 =	vadd.f32 v28, v24;
	[tilespmem:s16+$0xC000] =	vst v18;
	v18 =	vadd.s32 $0x2400, v5;
	v28 =	vld.idx.msk [tilespmem:v32+s3+$0x0], $0xffff  }
0x15c: {  	v32 =	vadd.s32 $0x3C00, v2;
	v2 =	vmov v9;
	v9 =	vmov v19;
	v25 =	vld.idx.msk [tilespmem:v25+s3+$0x0], $0xffff  }
0x15d: {  	v19 =	vadd.s32 $0x2400, v3;
	v24 =	vadd.f32 v27, v24;
	v27 =	vld.idx.msk [tilespmem:v31+s3+$0x0], $0xffff  }
0x15e: {  	v31 =	vadd.s32 $0xC00, v10;
	v20 =	vld.idx.msk [tilespmem:v20+s3+$0x0], $0xffff  }
0x15f: {  	v34 =	vadd.s32 $0x2400, v4;
	v24 =	vadd.f32 v26, v24;
	v26 =	vld.idx.msk [tilespmem:v33+s3+$0x0], $0xffff  }
0x160: {  	v33 =	vadd.s32 $0xC00, v8;
	v18 =	vld.idx.msk [tilespmem:v18+s3+$0x0], $0xffff  }
0x161: {  	v35 =	vadd.s32 $0x2400, v0;
	v24 =	vadd.f32 v28, v24;
	v28 =	vld.idx.msk [tilespmem:v32+s3+$0x0], $0xffff  }
0x162: {  	v21 =	vadd.f32 v21, v22;
	v22 =	vadd.s32 $0xC00, v9;
	v19 =	vld.idx.msk [tilespmem:v19+s3+$0x0], $0xffff  }
0x163: {  	v32 =	vadd.s32 $0x2400, v1;
	v24 =	vadd.f32 v27, v24;
	v31 =	vld.idx.msk [tilespmem:v31+s3+$0x0], $0xffff  }
0x164: {  	v21 =	vadd.f32 v23, v21;
	v20 =	vadd.f32 v20, v25;
	v23 =	vld.idx.msk [tilespmem:v34+s3+$0x0], $0xffff  }
0x165: {  	v27 =	vadd.s32 $0x2400, v2;
	v24 =	vadd.f32 v26, v24;
	v25 =	vld.idx.msk [tilespmem:v33+s3+$0x0], $0xffff  }
0x166: {  	v21 =	vadd.f32 v29, v21;
	v18 =	vadd.f32 v18, v20;
	v26 =	vld.idx.msk [tilespmem:v35+s3+$0x0], $0xffff  }
0x167: {  	v20 =	vadd.f32 v28, v24;
	v29 =	vld.idx.msk [tilespmem:v22+s3+$0x0], $0xffff  }
0x168: {  	v21 =	vadd.f32 v30, v21;
	v19 =	vadd.f32 v19, v18;
	v24 =	vld.idx.msk [tilespmem:v32+s3+$0x0], $0xffff  }
0x169: {  	v18 =	vld [tilespmem:s21+$0x4280];
	[tilespmem:s15+$0xC380] =	vst v20;
	s15 =	smov.u32 s16;
	s16 =	smov.u32 s17;
	s17 =	smov.u32 s21  }
0x16a: {  	s20 =	sadd.s32 $0x1, s20;
	v22 =	vadd.f32 v31, v21;
	v19 =	vadd.f32 v23, v19;
	v27 =	vld.idx.msk [tilespmem:v27+s3+$0x0], $0xffff  }
0x16b: {  	s21 =	sand.u32 $0x7, s20;
	v20 =	vld [tilespmem:s17+$0x4200]  }
0x16c: {  	v28 =	vadd.s32 $0x1000, v14;
	s21 =	sshll.u32 s21, $0x4;
	v25 =	vadd.f32 v25, v22;
	v19 =	vadd.f32 v26, v19;
	v21 =	vld [tilespmem:s17+$0x4180]  }
0x16d: {  	s21 =	sadd.s32 s21, s19;
	v26 =	vadd.s32 $0x1000, v15;
	v22 =	vld [tilespmem:s17+$0x4100]  }
0x16e: {  	s21 =	sor.u32 $0x380, s21;
	v25 =	vadd.f32 v29, v25;
	v29 =	vadd.s32 $0x2800, v7;
	v24 =	vadd.f32 v24, v19;
	v23 =	vld [tilespmem:s17+$0x4080]  }
0x16f: {  	v30 =	vadd.s32 $0x2800, v6;
	v19 =	vld [tilespmem:s21+$0x4000]  }
0x170: {  	v24 =	vadd.f32 v27, v24;
	v31 =	vld.idx.msk [tilespmem:v17+s3+$0x0], $0xffff;
	[tilespmem:s16+$0x8180] =	vst v25;
	v25 =	vadd.s32 $0x1000, v11  }
0x171: {  	v27 =	vld.idx.msk [tilespmem:v28+s3+$0x0], $0xffff;
	v28 =	vadd.s32 $0x2800, v5  }
0x172: {  	v32 =	vadd.s32 $0x1000, v12;
	v26 =	vld.idx.msk [tilespmem:v26+s3+$0x0], $0xffff;
	[tilespmem:s15+$0xC080] =	vst v24  }
0x173: {  	v24 =	vld.idx.msk [tilespmem:v29+s3+$0x0], $0xffff;
	v29 =	vadd.s32 $0x2800, v3  }
0x174: {  	v33 =	vadd.s32 $0x1000, v13;
	v30 =	vld.idx.msk [tilespmem:v30+s3+$0x0], $0xffff  }
0x175: {  	v34 =	vadd.s32 $0x2800, v4;
	v25 =	vld.idx.msk [tilespmem:v25+s3+$0x0], $0xffff  }
0x176: {  	v35 =	vadd.s32 $0x1000, v10;
	v28 =	vld.idx.msk [tilespmem:v28+s3+$0x0], $0xffff  }
0x177: {  	v36 =	vadd.s32 $0x2800, v0;
	v32 =	vld.idx.msk [tilespmem:v32+s3+$0x0], $0xffff  }
0x178: {  	v37 =	vadd.s32 $0x1000, v8;
	v29 =	vld.idx.msk [tilespmem:v29+s3+$0x0], $0xffff  }
0x179: {  	v26 =	vadd.f32 v26, v27;
	v27 =	vld.idx.msk [tilespmem:v33+s3+$0x0], $0xffff;
	v33 =	vadd.s32 $0x2800, v1  }
0x17a: {  	v38 =	vadd.s32 $0x1000, v9;
	v24 =	vadd.f32 v30, v24;
	v30 =	vld.idx.msk [tilespmem:v34+s3+$0x0], $0xffff  }
0x17b: {  	v25 =	vadd.f32 v25, v26;
	v34 =	vadd.s32 $0x2800, v2;
	v26 =	vld.idx.msk [tilespmem:v35+s3+$0x0], $0xffff  }
0x17c: {  	v24 =	vadd.f32 v28, v24;
	v28 =	vld.idx.msk [tilespmem:v36+s3+$0x0], $0xffff  }
0x17d: {  	v25 =	vadd.f32 v32, v25;
	v32 =	vld.idx.msk [tilespmem:v37+s3+$0x0], $0xffff  }
0x17e: {  	v24 =	vadd.f32 v29, v24;
	v29 =	vld.idx.msk [tilespmem:v33+s3+$0x0], $0xffff  }
0x17f: {  	v25 =	vadd.f32 v27, v25;
	v27 =	vld.idx.msk [tilespmem:v38+s3+$0x0], $0xffff  }
0x180: {  	v24 =	vadd.f32 v30, v24;
	v30 =	vld.idx.msk [tilespmem:v34+s3+$0x0], $0xffff  }
0x181: {  	v25 =	vadd.f32 v26, v25;
	v33 =	vld.idx.msk [tilespmem:v23+s3+$0x0], $0xffff  }
0x182: {  	v24 =	vadd.f32 v28, v24;
	v26 =	vld.idx.msk [tilespmem:v16+s3+$0x0], $0xffff  }
0x183: {  	v25 =	vadd.f32 v32, v25;
	v32 =	vadd.s32 $0x1400, v14;
	v28 =	vld.idx.msk [tilespmem:v22+s3+$0x0], $0xffff  }
0x184: {  	v24 =	vadd.f32 v29, v24;
	v29 =	vadd.s32 $0x2C00, v7;
	v34 =	vld.idx.msk [tilespmem:v18+s3+$0x0], $0xffff  }
0x185: {  	v25 =	vadd.f32 v27, v25;
	v27 =	vadd.s32 $0x2C00, v6;
	v35 =	vld.idx.msk [tilespmem:v21+s3+$0x0], $0xffff  }
0x186: {  	v37 =	vadd.s32 $0x1400, v15;
	v24 =	vadd.f32 v30, v24;
	v36 =	vld.idx.msk [tilespmem:v20+s3+$0x0], $0xffff  }
0x187: {  	v30 =	vadd.f32 v33, v31;
	v31 =	vld.idx.msk [tilespmem:v19+s3+$0x0], $0xffff;
	[tilespmem:s16+$0x8200] =	vst v25;
	v25 =	vadd.s32 $0x2C00, v5  }
0x188: {  	v33 =	vadd.s32 $0x1400, v11;
	v32 =	vld.idx.msk [tilespmem:v32+s3+$0x0], $0xffff;
	[tilespmem:s15+$0xC100] =	vst v24  }
0x189: {  	v24 =	vadd.f32 v28, v30;
	v28 =	vld.idx.msk [tilespmem:v29+s3+$0x0], $0xffff;
	v29 =	vadd.s32 $0x2C00, v3  }
0x18a: {  	v30 =	vadd.s32 $0x1400, v12;
	v27 =	vld.idx.msk [tilespmem:v27+s3+$0x0], $0xffff  }
0x18b: {  	v24 =	vadd.f32 v35, v24;
	v35 =	vld.idx.msk [tilespmem:v37+s3+$0x0], $0xffff;
	v37 =	vadd.s32 $0x2C00, v4  }
0x18c: {  	v38 =	vadd.s32 $0x1400, v13;
	v25 =	vld.idx.msk [tilespmem:v25+s3+$0x0], $0xffff  }
0x18d: {  	v24 =	vadd.f32 v36, v24;
	v36 =	vadd.s32 $0x2C00, v0;
	v33 =	vld.idx.msk [tilespmem:v33+s3+$0x0], $0xffff  }
0x18e: {  	v39 =	vadd.s32 $0x1400, v10;
	v29 =	vld.idx.msk [tilespmem:v29+s3+$0x0], $0xffff  }
0x18f: {  	v24 =	vadd.f32 v34, v24;
	v34 =	vadd.s32 $0x2C00, v1;
	v30 =	vld.idx.msk [tilespmem:v30+s3+$0x0], $0xffff  }
0x190: {  	v40 =	vadd.s32 $0x1400, v8;
	v27 =	vadd.f32 v27, v28;
	v28 =	vld.idx.msk [tilespmem:v37+s3+$0x0], $0xffff  }
0x191: {  	v24 =	vadd.f32 v26, v24;
	v37 =	vadd.s32 $0x2C00, v2;
	v26 =	vld.idx.msk [tilespmem:v38+s3+$0x0], $0xffff  }
0x192: {  	v32 =	vadd.f32 v35, v32;
	v38 =	vadd.s32 $0x400, v16;
	v25 =	vadd.f32 v25, v27;
	v27 =	vld.idx.msk [tilespmem:v36+s3+$0x0], $0xffff  }
0x193: {  	v35 =	vadd.s32 $0x1400, v9;
	v24 =	vadd.f32 v31, v24;
	v31 =	vld.idx.msk [tilespmem:v39+s3+$0x0], $0xffff  }
0x194: {  	v36 =	vadd.s32 $0x400, v18;
	v32 =	vadd.f32 v33, v32;
	v25 =	vadd.f32 v29, v25;
	v29 =	vld.idx.msk [tilespmem:v34+s3+$0x0], $0xffff  }
0x195: {  	v33 =	vadd.s32 $0x400, v20;
	v34 =	vld.idx.msk [tilespmem:v40+s3+$0x0], $0xffff  }
0x196: {  	v30 =	vadd.f32 v30, v32;
	v25 =	vadd.f32 v28, v25;
	[tilespmem:s17+$0x8000] =	vst v24;
	v24 =	vadd.s32 $0x400, v21;
	v28 =	vld.idx.msk [tilespmem:v37+s3+$0x0], $0xffff  }
0x197: {  	v32 =	vadd.s32 $0x400, v22;
	v37 =	vld.idx.msk [tilespmem:v38+s3+$0x0], $0xffff  }
0x198: {  	v26 =	vadd.f32 v26, v30;
	v38 =	vadd.s32 $0x400, v17;
	v25 =	vadd.f32 v27, v25;
	v30 =	vld.idx.msk [tilespmem:v35+s3+$0x0], $0xffff  }
0x199: {  	v27 =	vadd.s32 $0x400, v23;
	v35 =	vld.idx.msk [tilespmem:v36+s3+$0x0], $0xffff  }
0x19a: {  	v26 =	vadd.f32 v31, v26;
	v25 =	vadd.f32 v29, v25;
	v29 =	vadd.s32 $0x3000, v7;
	v33 =	vld.idx.msk [tilespmem:v33+s3+$0x0], $0xffff  }
0x19b: {  	v31 =	vadd.s32 $0x3000, v6;
	v24 =	vld.idx.msk [tilespmem:v24+s3+$0x0], $0xffff  }
0x19c: {  	v26 =	vadd.f32 v34, v26;
	v34 =	vadd.s32 $0x1800, v14;
	v25 =	vadd.f32 v28, v25;
	v32 =	vld.idx.msk [tilespmem:v32+s3+$0x0], $0xffff  }
0x19d: {  	v36 =	vadd.s32 $0x3000, v5;
	v28 =	vld.idx.msk [tilespmem:v38+s3+$0x0], $0xffff  }
0x19e: {  	v26 =	vadd.f32 v30, v26;
	v30 =	vadd.s32 $0x1800, v15;
	v27 =	vld.idx.msk [tilespmem:v27+s3+$0x0], $0xffff;
	[tilespmem:s15+$0xC180] =	vst v25  }
0x19f: {  	v25 =	vld.idx.msk [tilespmem:v29+s3+$0x0], $0xffff;
	v29 =	vadd.s32 $0x3000, v3  }
0x1a0: {  	[tilespmem:s16+$0x8280] =	vst v26;
	v26 =	vadd.s32 $0x1800, v11;
	v31 =	vld.idx.msk [tilespmem:v31+s3+$0x0], $0xffff  }
0x1a1: {  	v38 =	vadd.s32 $0x3000, v4;
	v34 =	vld.idx.msk [tilespmem:v34+s3+$0x0], $0xffff  }
0x1a2: {  	v39 =	vadd.s32 $0x1800, v12;
	v36 =	vld.idx.msk [tilespmem:v36+s3+$0x0], $0xffff  }
0x1a3: {  	v40 =	vadd.s32 $0x3000, v0;
	v30 =	vld.idx.msk [tilespmem:v30+s3+$0x0], $0xffff  }
0x1a4: {  	v41 =	vadd.s32 $0x1800, v13;
	v29 =	vld.idx.msk [tilespmem:v29+s3+$0x0], $0xffff  }
0x1a5: {  	v42 =	vadd.s32 $0x3000, v1;
	v26 =	vld.idx.msk [tilespmem:v26+s3+$0x0], $0xffff  }
0x1a6: {  	v43 =	vadd.s32 $0x1800, v10;
	v25 =	vadd.f32 v31, v25;
	v31 =	vld.idx.msk [tilespmem:v38+s3+$0x0], $0xffff  }
0x1a7: {  	v27 =	vadd.f32 v27, v28;
	v38 =	vadd.s32 $0x3000, v2;
	v28 =	vld.idx.msk [tilespmem:v39+s3+$0x0], $0xffff  }
0x1a8: {  	v39 =	vadd.s32 $0x400, v19;
	v25 =	vadd.f32 v36, v25;
	v36 =	vld.idx.msk [tilespmem:v40+s3+$0x0], $0xffff  }
0x1a9: {  	v27 =	vadd.f32 v32, v27;
	v40 =	vadd.s32 $0x1800, v8;
	v32 =	vld.idx.msk [tilespmem:v41+s3+$0x0], $0xffff  }
0x1aa: {  	v30 =	vadd.f32 v30, v34;
	v25 =	vadd.f32 v29, v25;
	v29 =	vld.idx.msk [tilespmem:v42+s3+$0x0], $0xffff  }
0x1ab: {  	v24 =	vadd.f32 v24, v27;
	v34 =	vadd.s32 $0x1800, v9;
	v27 =	vld.idx.msk [tilespmem:v43+s3+$0x0], $0xffff  }
0x1ac: {  	v26 =	vadd.f32 v26, v30;
	v25 =	vadd.f32 v31, v25;
	v30 =	vld.idx.msk [tilespmem:v38+s3+$0x0], $0xffff  }
0x1ad: {  	v24 =	vadd.f32 v33, v24;
	v31 =	vld.idx.msk [tilespmem:v39+s3+$0x0], $0xffff  }
0x1ae: {  	v26 =	vadd.f32 v28, v26;
	v25 =	vadd.f32 v36, v25;
	v33 =	vld.idx.msk [tilespmem:v40+s3+$0x0], $0xffff  }
0x1af: {  	v24 =	vadd.f32 v35, v24  }
0x1b0: {  	v26 =	vadd.f32 v32, v26;
	v25 =	vadd.f32 v29, v25;
	v29 =	vadd.s32 $0x3400, v7;
	v32 =	vld.idx.msk [tilespmem:v34+s3+$0x0], $0xffff  }
0x1b1: {  	v24 =	vadd.f32 v37, v24;
	v34 =	vadd.s32 $0x3400, v6  }
0x1b2: {  	v35 =	vadd.s32 $0x800, v19;
	v26 =	vadd.f32 v27, v26;
	v25 =	vadd.f32 v30, v25  }
.Ltmp0:
0x1b3: {  	v28 =	vadd.s32 $0x3400, v5;
	(pc) =	sbr.rel @p1 .LBB2_3-.Ltmp0, $4  }
0x1b4: {  	v30 =	vadd.s32 $0x1C00, v14;
	v27 =	vadd.f32 v31, v24;
	v31 =	vadd.f32 v33, v26;
	[tilespmem:s15+$0xC200] =	vst v25  }
0x1b5: {  	v26 =	vadd.s32 $0x3400, v3;
	v24 =	vld.idx.msk [tilespmem:v29+s3+$0x0], $0xffff  }
0x1b6: {  	v32 =	vadd.f32 v32, v31;
	v31 =	vadd.s32 $0x1C00, v15;
	[tilespmem:s17+$0x8080] =	vst v27;
	v25 =	vld.idx.msk [tilespmem:v34+s3+$0x0], $0xffff  }
0x1b7: {  	s22 =	sadd.s32 $0x10, s22;
	v27 =	vadd.s32 $0x3400, v4;
	v29 =	vld.idx.msk [tilespmem:v35+s3+$0x0], $0xffff  }
0x1b8: {  	v33 =	vadd.s32 $0x800, v17  }
0x1b9: {  	v34 =	vadd.s32 $0x800, v23;
	_ =	sdelay $0x1  }
0x1ba: {  	v35 =	vadd.s32 $0x800, v22;
	_ =	sdelay $0x1  }
0x1bb: {  	v36 =	vadd.s32 $0x800, v21;
	v33 =	vld.idx.msk [tilespmem:v33+s3+$0x0], $0xffff  }
0x1bc: {  	v34 =	vld.idx.msk [tilespmem:v34+s3+$0x0], $0xffff  }
0x1bd: {  	v37 =	vadd.s32 $0x800, v20  }
0x1be: {  	v35 =	vld.idx.msk [tilespmem:v35+s3+$0x0], $0xffff  }
0x1bf: {  	v38 =	vadd.s32 $0x800, v18  }
0x1c0: {  	v36 =	vld.idx.msk [tilespmem:v36+s3+$0x0], $0xffff  }
0x1c1: {  	v39 =	vadd.s32 $0x800, v16;
	v33 =	vadd.f32 v34, v33  }
0x1c2: {  	v41 =	vld.idx.msk [tilespmem:v37+s3+$0x0], $0xffff  }
0x1c3: {  	v33 =	vadd.f32 v35, v33  }
0x1c4: {  	v42 =	vld.idx.msk [tilespmem:v38+s3+$0x0], $0xffff  }
0x1c5: {  	v33 =	vadd.f32 v36, v33  }
0x1c6: {  	v43 =	vld.idx.msk [tilespmem:v39+s3+$0x0], $0xffff  }
0x1c7: {  	v33 =	vadd.f32 v41, v33;
	_ =	sdelay $0x1  }
0x1c8: {  	v33 =	vadd.f32 v42, v33;
	_ =	sdelay $0x1  }
0x1c9: {  	v44 =	vadd.s32 $0xC00, v17;
	v33 =	vadd.f32 v43, v33  }
0x1ca: {  	v45 =	vadd.s32 $0xC00, v23  }
0x1cb: {  	v29 =	vadd.f32 v29, v33  }
0x1cc: {  	v46 =	vadd.s32 $0xC00, v22  }
0x1cd: {  	[tilespmem:s17+$0x8100] =	vst v29  }
0x1ce: {  	v47 =	vadd.s32 $0xC00, v21;
	v34 =	vld.idx.msk [tilespmem:v44+s3+$0x0], $0xffff  }
0x1cf: {  	v35 =	vld.idx.msk [tilespmem:v45+s3+$0x0], $0xffff  }
0x1d0: {  	v48 =	vadd.s32 $0xC00, v20  }
0x1d1: {  	v33 =	vld.idx.msk [tilespmem:v46+s3+$0x0], $0xffff  }
0x1d2: {  	v49 =	vadd.s32 $0xC00, v18  }
0x1d3: {  	v29 =	vld.idx.msk [tilespmem:v47+s3+$0x0], $0xffff  }
0x1d4: {  	v50 =	vadd.s32 $0xC00, v16;
	v34 =	vadd.f32 v35, v34  }
0x1d5: {  	v51 =	vld.idx.msk [tilespmem:v48+s3+$0x0], $0xffff  }
0x1d6: {  	v52 =	vadd.s32 $0xC00, v19;
	v33 =	vadd.f32 v33, v34  }
0x1d7: {  	v53 =	vld.idx.msk [tilespmem:v49+s3+$0x0], $0xffff  }
0x1d8: {  	v29 =	vadd.f32 v29, v33  }
0x1d9: {  	v54 =	vld.idx.msk [tilespmem:v50+s3+$0x0], $0xffff  }
0x1da: {  	v29 =	vadd.f32 v51, v29  }
0x1db: {  	v55 =	vld.idx.msk [tilespmem:v52+s3+$0x0], $0xffff  }
0x1dc: {  	v29 =	vadd.f32 v53, v29;
	_ =	sdelay $0x1  }
0x1dd: {  	v56 =	vadd.s32 $0x1000, v17;
	v29 =	vadd.f32 v54, v29  }
0x1de: {  	v57 =	vadd.s32 $0x1000, v23  }
0x1df: {  	v29 =	vadd.f32 v55, v29  }
0x1e0: {  	v58 =	vadd.s32 $0x1000, v22  }
0x1e1: {  	[tilespmem:s17+$0x8180] =	vst v29  }
0x1e2: {  	v59 =	vadd.s32 $0x1000, v21;
	v29 =	vld.idx.msk [tilespmem:v56+s3+$0x0], $0xffff  }
0x1e3: {  	v34 =	vld.idx.msk [tilespmem:v57+s3+$0x0], $0xffff  }
0x1e4: {  	v60 =	vadd.s32 $0x1000, v20  }
0x1e5: {  	v35 =	vld.idx.msk [tilespmem:v58+s3+$0x0], $0xffff  }
0x1e6: {  	v61 =	vadd.s32 $0x1000, v18  }
0x1e7: {  	v33 =	vld.idx.msk [tilespmem:v59+s3+$0x0], $0xffff  }
0x1e8: {  	v62 =	vadd.s32 $0x1000, v16;
	v29 =	vadd.f32 v34, v29  }
0x1e9: {  	v63 =	vld.idx.msk [tilespmem:v60+s3+$0x0], $0xffff  }
0x1ea: {  	v40 =	vadd.s32 $0x1000, v19;
	v29 =	vadd.f32 v35, v29  }
0x1eb: {  	v41 =	vld.idx.msk [tilespmem:v61+s3+$0x0], $0xffff  }
0x1ec: {  	v29 =	vadd.f32 v33, v29  }
0x1ed: {  	v42 =	vld.idx.msk [tilespmem:v62+s3+$0x0], $0xffff  }
0x1ee: {  	v29 =	vadd.f32 v63, v29  }
0x1ef: {  	v43 =	vld.idx.msk [tilespmem:v40+s3+$0x0], $0xffff  }
0x1f0: {  	v29 =	vadd.f32 v41, v29;
	_ =	sdelay $0x1  }
0x1f1: {  	v44 =	vadd.s32 $0x1400, v17;
	v29 =	vadd.f32 v42, v29  }
0x1f2: {  	v45 =	vadd.s32 $0x1400, v23  }
0x1f3: {  	v29 =	vadd.f32 v43, v29  }
0x1f4: {  	v46 =	vadd.s32 $0x1400, v22  }
0x1f5: {  	[tilespmem:s17+$0x8200] =	vst v29  }
0x1f6: {  	v47 =	vadd.s32 $0x1400, v21;
	v29 =	vld.idx.msk [tilespmem:v44+s3+$0x0], $0xffff  }
0x1f7: {  	v35 =	vld.idx.msk [tilespmem:v45+s3+$0x0], $0xffff  }
0x1f8: {  	v48 =	vadd.s32 $0x1400, v20  }
0x1f9: {  	v34 =	vld.idx.msk [tilespmem:v46+s3+$0x0], $0xffff  }
0x1fa: {  	v49 =	vadd.s32 $0x1400, v18  }
0x1fb: {  	v33 =	vld.idx.msk [tilespmem:v47+s3+$0x0], $0xffff  }
0x1fc: {  	v50 =	vadd.s32 $0x1400, v16;
	v29 =	vadd.f32 v35, v29  }
0x1fd: {  	v51 =	vld.idx.msk [tilespmem:v48+s3+$0x0], $0xffff  }
0x1fe: {  	v52 =	vadd.s32 $0x1400, v19;
	v29 =	vadd.f32 v34, v29  }
0x1ff: {  	v53 =	vld.idx.msk [tilespmem:v49+s3+$0x0], $0xffff  }
0x200: {  	v29 =	vadd.f32 v33, v29  }
0x201: {  	v54 =	vld.idx.msk [tilespmem:v50+s3+$0x0], $0xffff  }
0x202: {  	v29 =	vadd.f32 v51, v29  }
0x203: {  	v55 =	vld.idx.msk [tilespmem:v52+s3+$0x0], $0xffff  }
0x204: {  	v29 =	vadd.f32 v53, v29;
	_ =	sdelay $0x1  }
0x205: {  	v56 =	vadd.s32 $0x1800, v17;
	v29 =	vadd.f32 v54, v29  }
0x206: {  	v57 =	vadd.s32 $0x1800, v23  }
0x207: {  	v29 =	vadd.f32 v55, v29  }
0x208: {  	v58 =	vadd.s32 $0x1800, v22  }
0x209: {  	[tilespmem:s17+$0x8280] =	vst v29  }
0x20a: {  	v59 =	vadd.s32 $0x1800, v21;
	v29 =	vld.idx.msk [tilespmem:v56+s3+$0x0], $0xffff  }
0x20b: {  	v34 =	vld.idx.msk [tilespmem:v57+s3+$0x0], $0xffff  }
0x20c: {  	v60 =	vadd.s32 $0x1800, v20  }
0x20d: {  	v35 =	vld.idx.msk [tilespmem:v58+s3+$0x0], $0xffff  }
0x20e: {  	v61 =	vadd.s32 $0x1800, v18  }
0x20f: {  	v33 =	vld.idx.msk [tilespmem:v59+s3+$0x0], $0xffff  }
0x210: {  	v62 =	vadd.s32 $0x1800, v16;
	v29 =	vadd.f32 v34, v29  }
0x211: {  	v63 =	vld.idx.msk [tilespmem:v60+s3+$0x0], $0xffff  }
0x212: {  	v40 =	vadd.s32 $0x1800, v19;
	v29 =	vadd.f32 v35, v29  }
0x213: {  	v41 =	vld.idx.msk [tilespmem:v61+s3+$0x0], $0xffff  }
0x214: {  	v29 =	vadd.f32 v33, v29  }
0x215: {  	v42 =	vld.idx.msk [tilespmem:v62+s3+$0x0], $0xffff  }
0x216: {  	v29 =	vadd.f32 v63, v29  }
0x217: {  	v43 =	vld.idx.msk [tilespmem:v40+s3+$0x0], $0xffff  }
0x218: {  	v29 =	vadd.f32 v41, v29  }
0x219: {  	v44 =	vadd.s32 $0x1C00, v11  }
0x21a: {  	v45 =	vadd.s32 $0x1C00, v17;
	v29 =	vadd.f32 v42, v29  }
0x21b: {  	[tilespmem:s16+$0x8300] =	vst v32;
	v46 =	vadd.s32 $0x1C00, v23  }
0x21c: {  	v30 =	vld.idx.msk [tilespmem:v30+s3+$0x0], $0xffff;
	v47 =	vadd.s32 $0x1C00, v12;
	v29 =	vadd.f32 v43, v29  }
0x21d: {  	v31 =	vld.idx.msk [tilespmem:v31+s3+$0x0], $0xffff;
	v48 =	vadd.s32 $0x1C00, v22  }
0x21e: {  	v49 =	vadd.s32 $0x1C00, v13;
	v35 =	vld.idx.msk [tilespmem:v44+s3+$0x0], $0xffff;
	[tilespmem:s17+$0x8300] =	vst v29  }
0x21f: {  	v50 =	vadd.s32 $0x1C00, v21;
	v29 =	vld.idx.msk [tilespmem:v45+s3+$0x0], $0xffff  }
0x220: {  	v51 =	vadd.s32 $0x1C00, v10;
	v32 =	vld.idx.msk [tilespmem:v46+s3+$0x0], $0xffff  }
0x221: {  	v52 =	vadd.s32 $0x1C00, v20;
	v36 =	vld.idx.msk [tilespmem:v47+s3+$0x0], $0xffff  }
0x222: {  	v30 =	vadd.f32 v31, v30;
	v40 =	vadd.s32 $0x1C00, v8;
	v53 =	vld.idx.msk [tilespmem:v48+s3+$0x0], $0xffff  }
0x223: {  	v54 =	vld.idx.msk [tilespmem:v49+s3+$0x0], $0xffff;
	v55 =	vadd.s32 $0x1C00, v18  }
0x224: {  	v30 =	vadd.f32 v35, v30;
	v41 =	vadd.s32 $0x1C00, v9;
	v33 =	vld.idx.msk [tilespmem:v50+s3+$0x0], $0xffff  }
0x225: {  	v56 =	vld.idx.msk [tilespmem:v51+s3+$0x0], $0xffff;
	v57 =	vadd.s32 $0x1C00, v16;
	v29 =	vadd.f32 v32, v29  }
0x226: {  	v30 =	vadd.f32 v36, v30;
	v58 =	vld.idx.msk [tilespmem:v52+s3+$0x0], $0xffff  }
0x227: {  	v60 =	vadd.s32 $0x1C00, v19;
	v59 =	vld.idx.msk [tilespmem:v40+s3+$0x0], $0xffff;
	v29 =	vadd.f32 v53, v29  }
0x228: {  	v30 =	vadd.f32 v54, v30;
	v61 =	vld.idx.msk [tilespmem:v55+s3+$0x0], $0xffff  }
0x229: {  	v62 =	vld.idx.msk [tilespmem:v41+s3+$0x0], $0xffff;
	v29 =	vadd.f32 v33, v29  }
0x22a: {  	v30 =	vadd.f32 v56, v30;
	v63 =	vld.idx.msk [tilespmem:v57+s3+$0x0], $0xffff  }
0x22b: {  	v29 =	vadd.f32 v58, v29  }
0x22c: {  	v40 =	vadd.s32 $0x2000, v14;
	v30 =	vadd.f32 v59, v30;
	v41 =	vld.idx.msk [tilespmem:v60+s3+$0x0], $0xffff  }
0x22d: {  	v42 =	vadd.s32 $0x2000, v15;
	v29 =	vadd.f32 v61, v29  }
0x22e: {  	v43 =	vadd.s32 $0x2000, v11;
	v30 =	vadd.f32 v62, v30  }
0x22f: {  	v44 =	vadd.s32 $0x2000, v17;
	v29 =	vadd.f32 v63, v29  }
0x230: {  	v45 =	vadd.s32 $0x2000, v23;
	[tilespmem:s18+$0x8000] =	vst v30  }
0x231: {  	v46 =	vadd.s32 $0x2000, v12;
	v32 =	vld.idx.msk [tilespmem:v40+s3+$0x0], $0xffff;
	v29 =	vadd.f32 v41, v29  }
0x232: {  	v48 =	vadd.s32 $0x2000, v22;
	v47 =	vld.idx.msk [tilespmem:v42+s3+$0x0], $0xffff  }
0x233: {  	v49 =	vadd.s32 $0x2000, v13;
	v31 =	vld.idx.msk [tilespmem:v43+s3+$0x0], $0xffff;
	[tilespmem:s21+$0x8000] =	vst v29  }
0x234: {  	v50 =	vadd.s32 $0x2000, v21;
	v29 =	vld.idx.msk [tilespmem:v44+s3+$0x0], $0xffff  }
0x235: {  	v51 =	vadd.s32 $0x2000, v10;
	v30 =	vld.idx.msk [tilespmem:v45+s3+$0x0], $0xffff  }
0x236: {  	v52 =	vadd.s32 $0x2000, v20;
	v34 =	vld.idx.msk [tilespmem:v46+s3+$0x0], $0xffff  }
0x237: {  	v53 =	vadd.s32 $0x2000, v8;
	v32 =	vadd.f32 v47, v32;
	v54 =	vld.idx.msk [tilespmem:v48+s3+$0x0], $0xffff  }
0x238: {  	v56 =	vadd.s32 $0x2000, v18;
	v55 =	vld.idx.msk [tilespmem:v49+s3+$0x0], $0xffff  }
0x239: {  	v57 =	vadd.s32 $0x2000, v9;
	v31 =	vadd.f32 v31, v32;
	v58 =	vld.idx.msk [tilespmem:v50+s3+$0x0], $0xffff  }
0x23a: {  	v60 =	vadd.s32 $0x2000, v16;
	v59 =	vld.idx.msk [tilespmem:v51+s3+$0x0], $0xffff;
	v29 =	vadd.f32 v30, v29  }
0x23b: {  	v61 =	vadd.f32 v34, v31;
	v62 =	vld.idx.msk [tilespmem:v52+s3+$0x0], $0xffff  }
0x23c: {  	v42 =	vadd.s32 $0x2000, v19;
	v63 =	vld.idx.msk [tilespmem:v53+s3+$0x0], $0xffff;
	v29 =	vadd.f32 v54, v29  }
0x23d: {  	v43 =	vld.idx.msk [tilespmem:v56+s3+$0x0], $0xffff;
	v30 =	vadd.f32 v55, v61  }
0x23e: {  	v44 =	vld.idx.msk [tilespmem:v57+s3+$0x0], $0xffff;
	v29 =	vadd.f32 v58, v29  }
0x23f: {  	v45 =	vld.idx.msk [tilespmem:v60+s3+$0x0], $0xffff;
	v30 =	vadd.f32 v59, v30  }
0x240: {  	v29 =	vadd.f32 v62, v29  }
0x241: {  	v46 =	vadd.s32 $0x2400, v14;
	v47 =	vld.idx.msk [tilespmem:v42+s3+$0x0], $0xffff;
	v30 =	vadd.f32 v63, v30  }
0x242: {  	v48 =	vadd.s32 $0x2400, v15;
	v29 =	vadd.f32 v43, v29  }
0x243: {  	v49 =	vadd.s32 $0x2400, v11;
	v30 =	vadd.f32 v44, v30  }
0x244: {  	v50 =	vadd.s32 $0x2400, v17;
	v29 =	vadd.f32 v45, v29  }
0x245: {  	v51 =	vadd.s32 $0x2400, v23;
	[tilespmem:s16+$0xC000] =	vst v30  }
0x246: {  	v52 =	vadd.s32 $0x2400, v12;
	v31 =	vld.idx.msk [tilespmem:v46+s3+$0x0], $0xffff;
	v29 =	vadd.f32 v47, v29  }
0x247: {  	v54 =	vadd.s32 $0x2400, v22;
	v53 =	vld.idx.msk [tilespmem:v48+s3+$0x0], $0xffff  }
0x248: {  	v55 =	vadd.s32 $0x2400, v13;
	v35 =	vld.idx.msk [tilespmem:v49+s3+$0x0], $0xffff;
	[tilespmem:s17+$0xC000] =	vst v29  }
0x249: {  	v56 =	vadd.s32 $0x2400, v21;
	v29 =	vld.idx.msk [tilespmem:v50+s3+$0x0], $0xffff  }
0x24a: {  	v57 =	vadd.s32 $0x2400, v10;
	v30 =	vld.idx.msk [tilespmem:v51+s3+$0x0], $0xffff  }
0x24b: {  	v58 =	vadd.s32 $0x2400, v20;
	v36 =	vld.idx.msk [tilespmem:v52+s3+$0x0], $0xffff  }
0x24c: {  	v59 =	vadd.s32 $0x2400, v8;
	v31 =	vadd.f32 v53, v31;
	v60 =	vld.idx.msk [tilespmem:v54+s3+$0x0], $0xffff  }
0x24d: {  	v62 =	vadd.s32 $0x2400, v18;
	v61 =	vld.idx.msk [tilespmem:v55+s3+$0x0], $0xffff  }
0x24e: {  	v63 =	vadd.s32 $0x2400, v9;
	v32 =	vld.idx.msk [tilespmem:v56+s3+$0x0], $0xffff;
	v31 =	vadd.f32 v35, v31  }
0x24f: {  	v44 =	vld.idx.msk [tilespmem:v57+s3+$0x0], $0xffff;
	v45 =	vadd.s32 $0x2400, v16;
	v29 =	vadd.f32 v30, v29  }
0x250: {  	v47 =	vld.idx.msk [tilespmem:v58+s3+$0x0], $0xffff;
	v46 =	vadd.f32 v36, v31  }
0x251: {  	v48 =	vld.idx.msk [tilespmem:v59+s3+$0x0], $0xffff;
	v49 =	vadd.s32 $0x2400, v19;
	v29 =	vadd.f32 v60, v29  }
0x252: {  	v50 =	vld.idx.msk [tilespmem:v62+s3+$0x0], $0xffff;
	v30 =	vadd.f32 v61, v46  }
0x253: {  	v51 =	vld.idx.msk [tilespmem:v63+s3+$0x0], $0xffff;
	v29 =	vadd.f32 v32, v29  }
0x254: {  	v52 =	vld.idx.msk [tilespmem:v45+s3+$0x0], $0xffff;
	v30 =	vadd.f32 v44, v30  }
0x255: {  	v29 =	vadd.f32 v47, v29  }
0x256: {  	v53 =	vadd.s32 $0x2800, v14;
	v54 =	vld.idx.msk [tilespmem:v49+s3+$0x0], $0xffff;
	v30 =	vadd.f32 v48, v30  }
0x257: {  	v55 =	vadd.s32 $0x2800, v15;
	v29 =	vadd.f32 v50, v29  }
0x258: {  	v56 =	vadd.s32 $0x2800, v11;
	v30 =	vadd.f32 v51, v30  }
0x259: {  	v57 =	vadd.s32 $0x2800, v17;
	v29 =	vadd.f32 v52, v29  }
0x25a: {  	v28 =	vld.idx.msk [tilespmem:v28+s3+$0x0], $0xffff;
	v58 =	vadd.s32 $0x2800, v23;
	[tilespmem:s16+$0xC080] =	vst v30  }
0x25b: {  	v59 =	vadd.s32 $0x2800, v12;
	v31 =	vld.idx.msk [tilespmem:v53+s3+$0x0], $0xffff;
	v29 =	vadd.f32 v54, v29  }
0x25c: {  	v61 =	vadd.s32 $0x2800, v22;
	v60 =	vld.idx.msk [tilespmem:v55+s3+$0x0], $0xffff  }
0x25d: {  	v62 =	vadd.s32 $0x2800, v13;
	v33 =	vld.idx.msk [tilespmem:v56+s3+$0x0], $0xffff;
	[tilespmem:s17+$0xC080] =	vst v29  }
0x25e: {  	v63 =	vadd.s32 $0x2800, v21;
	v29 =	vld.idx.msk [tilespmem:v57+s3+$0x0], $0xffff  }
0x25f: {  	v44 =	vadd.s32 $0x2800, v10;
	v30 =	vld.idx.msk [tilespmem:v58+s3+$0x0], $0xffff  }
0x260: {  	v45 =	vadd.s32 $0x2800, v20;
	v34 =	vld.idx.msk [tilespmem:v59+s3+$0x0], $0xffff  }
0x261: {  	v46 =	vadd.s32 $0x2800, v8;
	v31 =	vadd.f32 v60, v31;
	v47 =	vld.idx.msk [tilespmem:v61+s3+$0x0], $0xffff  }
0x262: {  	v49 =	vadd.s32 $0x2800, v18;
	v48 =	vld.idx.msk [tilespmem:v62+s3+$0x0], $0xffff  }
0x263: {  	v50 =	vadd.s32 $0x2800, v9;
	v32 =	vld.idx.msk [tilespmem:v63+s3+$0x0], $0xffff;
	v31 =	vadd.f32 v33, v31  }
0x264: {  	v51 =	vld.idx.msk [tilespmem:v44+s3+$0x0], $0xffff;
	v52 =	vadd.s32 $0x2800, v16;
	v29 =	vadd.f32 v30, v29  }
0x265: {  	v54 =	vld.idx.msk [tilespmem:v45+s3+$0x0], $0xffff;
	v53 =	vadd.f32 v34, v31  }
0x266: {  	v55 =	vld.idx.msk [tilespmem:v46+s3+$0x0], $0xffff;
	v56 =	vadd.s32 $0x2800, v19;
	v29 =	vadd.f32 v47, v29  }
0x267: {  	v57 =	vld.idx.msk [tilespmem:v49+s3+$0x0], $0xffff;
	v30 =	vadd.f32 v48, v53  }
0x268: {  	v62 =	vadd.s32 $0x3400, v2;
	v59 =	vld.idx.msk [tilespmem:v50+s3+$0x0], $0xffff;
	v29 =	vadd.f32 v32, v29  }
0x269: {  	v58 =	vadd.s32 $0x3400, v0;
	v61 =	vld.idx.msk [tilespmem:v52+s3+$0x0], $0xffff;
	v30 =	vadd.f32 v51, v30  }
0x26a: {  	v26 =	vld.idx.msk [tilespmem:v26+s3+$0x0], $0xffff;
	v60 =	vadd.s32 $0x3400, v1;
	v29 =	vadd.f32 v54, v29  }
0x26b: {  	v63 =	vadd.s32 $0x2C00, v14;
	v42 =	vld.idx.msk [tilespmem:v56+s3+$0x0], $0xffff;
	v30 =	vadd.f32 v55, v30  }
0x26c: {  	v27 =	vld.idx.msk [tilespmem:v27+s3+$0x0], $0xffff;
	v43 =	vadd.s32 $0x2C00, v15;
	v29 =	vadd.f32 v57, v29  }
0x26d: {  	v37 =	vld.idx.msk [tilespmem:v62+s3+$0x0], $0xffff;
	v45 =	vadd.s32 $0x2C00, v11;
	v30 =	vadd.f32 v59, v30  }
0x26e: {  	v46 =	vadd.s32 $0x2C00, v17;
	v44 =	vld.idx.msk [tilespmem:v58+s3+$0x0], $0xffff;
	v29 =	vadd.f32 v61, v29  }
0x26f: {  	v47 =	vadd.s32 $0x2C00, v23;
	v32 =	vld.idx.msk [tilespmem:v60+s3+$0x0], $0xffff;
	[tilespmem:s16+$0xC100] =	vst v30  }
0x270: {  	v48 =	vadd.s32 $0x2C00, v12;
	v31 =	vld.idx.msk [tilespmem:v63+s3+$0x0], $0xffff;
	v29 =	vadd.f32 v42, v29  }
0x271: {  	v50 =	vadd.s32 $0x2C00, v22;
	v49 =	vld.idx.msk [tilespmem:v43+s3+$0x0], $0xffff  }
0x272: {  	v51 =	vadd.s32 $0x2C00, v13;
	v36 =	vld.idx.msk [tilespmem:v45+s3+$0x0], $0xffff;
	[tilespmem:s17+$0xC100] =	vst v29  }
0x273: {  	v24 =	vadd.f32 v25, v24;
	v53 =	vadd.s32 $0x2C00, v21;
	v52 =	vld.idx.msk [tilespmem:v46+s3+$0x0], $0xffff  }
0x274: {  	v54 =	vadd.s32 $0x2C00, v10;
	v30 =	vld.idx.msk [tilespmem:v47+s3+$0x0], $0xffff  }
0x275: {  	v24 =	vadd.f32 v28, v24;
	v56 =	vadd.s32 $0x2C00, v20;
	v55 =	vld.idx.msk [tilespmem:v48+s3+$0x0], $0xffff  }
0x276: {  	v57 =	vadd.s32 $0x2C00, v8;
	v31 =	vadd.f32 v49, v31;
	v58 =	vld.idx.msk [tilespmem:v50+s3+$0x0], $0xffff  }
0x277: {  	v24 =	vadd.f32 v26, v24;
	v60 =	vadd.s32 $0x2C00, v18;
	v59 =	vld.idx.msk [tilespmem:v51+s3+$0x0], $0xffff  }
0x278: {  	v61 =	vadd.s32 $0x2C00, v9;
	v29 =	vld.idx.msk [tilespmem:v53+s3+$0x0], $0xffff;
	v31 =	vadd.f32 v36, v31  }
0x279: {  	v24 =	vadd.f32 v27, v24;
	v63 =	vadd.s32 $0x2C00, v16;
	v62 =	vld.idx.msk [tilespmem:v54+s3+$0x0], $0xffff;
	v25 =	vadd.f32 v30, v52  }
0x27a: {  	v36 =	vld.idx.msk [tilespmem:v56+s3+$0x0], $0xffff;
	v28 =	vadd.f32 v55, v31  }
0x27b: {  	v41 =	vadd.s32 $0x2C00, v19;
	v24 =	vadd.f32 v44, v24;
	v38 =	vld.idx.msk [tilespmem:v57+s3+$0x0], $0xffff;
	v25 =	vadd.f32 v58, v25  }
0x27c: {  	v42 =	vld.idx.msk [tilespmem:v60+s3+$0x0], $0xffff;
	v26 =	vadd.f32 v59, v28  }
0x27d: {  	v24 =	vadd.f32 v32, v24;
	v43 =	vadd.s32 $0x3800, v7;
	v44 =	vld.idx.msk [tilespmem:v61+s3+$0x0], $0xffff;
	v25 =	vadd.f32 v29, v25  }
0x27e: {  	v46 =	vld.idx.msk [tilespmem:v63+s3+$0x0], $0xffff;
	v47 =	vadd.s32 $0x3800, v5;
	v26 =	vadd.f32 v62, v26  }
0x27f: {  	v45 =	vadd.s32 $0x3800, v6;
	v24 =	vadd.f32 v37, v24;
	v25 =	vadd.f32 v36, v25  }
0x280: {  	v48 =	vadd.s32 $0x3000, v14;
	v49 =	vld.idx.msk [tilespmem:v41+s3+$0x0], $0xffff;
	v26 =	vadd.f32 v38, v26  }
0x281: {  	[tilespmem:s15+$0xC280] =	vst v24;
	v50 =	vadd.s32 $0x3000, v15;
	v25 =	vadd.f32 v42, v25  }
0x282: {  	v51 =	vadd.s32 $0x3000, v11;
	v28 =	vld.idx.msk [tilespmem:v43+s3+$0x0], $0xffff;
	v26 =	vadd.f32 v44, v26  }
0x283: {  	v52 =	vadd.s32 $0x3000, v17;
	v33 =	vld.idx.msk [tilespmem:v47+s3+$0x0], $0xffff;
	v25 =	vadd.f32 v46, v25  }
0x284: {  	v53 =	vadd.s32 $0x3000, v23;
	v29 =	vld.idx.msk [tilespmem:v45+s3+$0x0], $0xffff;
	[tilespmem:s16+$0xC180] =	vst v26  }
0x285: {  	v54 =	vadd.s32 $0x3000, v12;
	v30 =	vld.idx.msk [tilespmem:v48+s3+$0x0], $0xffff;
	v25 =	vadd.f32 v49, v25  }
0x286: {  	v55 =	vadd.s32 $0x3000, v22;
	v24 =	vld.idx.msk [tilespmem:v50+s3+$0x0], $0xffff  }
0x287: {  	v56 =	vadd.s32 $0x3000, v13;
	v32 =	vld.idx.msk [tilespmem:v51+s3+$0x0], $0xffff;
	[tilespmem:s17+$0xC180] =	vst v25  }
0x288: {  	v57 =	vadd.s32 $0x3000, v21;
	v25 =	vld.idx.msk [tilespmem:v52+s3+$0x0], $0xffff  }
0x289: {  	v58 =	vadd.s32 $0x3000, v10;
	v26 =	vld.idx.msk [tilespmem:v53+s3+$0x0], $0xffff  }
0x28a: {  	v59 =	vadd.s32 $0x3000, v20;
	v34 =	vld.idx.msk [tilespmem:v54+s3+$0x0], $0xffff  }
0x28b: {  	v60 =	vadd.s32 $0x3000, v8;
	v24 =	vadd.f32 v24, v30;
	v61 =	vld.idx.msk [tilespmem:v55+s3+$0x0], $0xffff  }
0x28c: {  	v63 =	vadd.s32 $0x3000, v18;
	v62 =	vld.idx.msk [tilespmem:v56+s3+$0x0], $0xffff  }
0x28d: {  	v42 =	vadd.s32 $0x3000, v9;
	v27 =	vld.idx.msk [tilespmem:v57+s3+$0x0], $0xffff;
	v24 =	vadd.f32 v32, v24  }
0x28e: {  	v44 =	vadd.s32 $0x3000, v16;
	v43 =	vld.idx.msk [tilespmem:v58+s3+$0x0], $0xffff;
	v25 =	vadd.f32 v26, v25  }
0x28f: {  	v51 =	vadd.s32 $0x3800, v0;
	v46 =	vld.idx.msk [tilespmem:v59+s3+$0x0], $0xffff;
	v24 =	vadd.f32 v34, v24  }
0x290: {  	v47 =	vld.idx.msk [tilespmem:v60+s3+$0x0], $0xffff;
	v48 =	vadd.s32 $0x3000, v19;
	v25 =	vadd.f32 v61, v25  }
0x291: {  	v54 =	vadd.s32 $0x3800, v2;
	v50 =	vld.idx.msk [tilespmem:v63+s3+$0x0], $0xffff;
	v24 =	vadd.f32 v62, v24  }
0x292: {  	v49 =	vadd.s32 $0x3800, v4;
	v39 =	vld.idx.msk [tilespmem:v42+s3+$0x0], $0xffff;
	v25 =	vadd.f32 v27, v25  }
0x293: {  	v45 =	vadd.s32 $0x3800, v3;
	v53 =	vld.idx.msk [tilespmem:v44+s3+$0x0], $0xffff;
	v24 =	vadd.f32 v43, v24  }
0x294: {  	v58 =	vld.idx.msk [tilespmem:v51+s3+$0x0], $0xffff;
	v52 =	vadd.s32 $0x3800, v1;
	v25 =	vadd.f32 v46, v25  }
0x295: {  	v55 =	vadd.s32 $0x3400, v14;
	v56 =	vld.idx.msk [tilespmem:v48+s3+$0x0], $0xffff;
	v24 =	vadd.f32 v47, v24  }
0x296: {  	v36 =	vld.idx.msk [tilespmem:v54+s3+$0x0], $0xffff;
	v57 =	vadd.s32 $0x3400, v15;
	v25 =	vadd.f32 v50, v25  }
0x297: {  	v59 =	vadd.s32 $0x3400, v11;
	v30 =	vld.idx.msk [tilespmem:v49+s3+$0x0], $0xffff;
	v24 =	vadd.f32 v39, v24  }
0x298: {  	v60 =	vadd.s32 $0x3400, v17;
	v26 =	vld.idx.msk [tilespmem:v45+s3+$0x0], $0xffff;
	v25 =	vadd.f32 v53, v25  }
0x299: {  	v61 =	vadd.s32 $0x3400, v23;
	v27 =	vld.idx.msk [tilespmem:v52+s3+$0x0], $0xffff;
	[tilespmem:s16+$0xC200] =	vst v24  }
0x29a: {  	v62 =	vadd.s32 $0x3400, v12;
	v34 =	vld.idx.msk [tilespmem:v55+s3+$0x0], $0xffff;
	v25 =	vadd.f32 v56, v25  }
0x29b: {  	v44 =	vadd.s32 $0x3400, v22;
	v63 =	vld.idx.msk [tilespmem:v57+s3+$0x0], $0xffff  }
0x29c: {  	v45 =	vadd.s32 $0x3400, v13;
	v35 =	vld.idx.msk [tilespmem:v59+s3+$0x0], $0xffff;
	[tilespmem:s17+$0xC200] =	vst v25  }
0x29d: {  	v46 =	vadd.s32 $0x3400, v21;
	v25 =	vld.idx.msk [tilespmem:v60+s3+$0x0], $0xffff  }
0x29e: {  	v28 =	vadd.f32 v29, v28;
	v47 =	vadd.s32 $0x3400, v10;
	v24 =	vld.idx.msk [tilespmem:v61+s3+$0x0], $0xffff  }
0x29f: {  	v48 =	vadd.s32 $0x3400, v20;
	v39 =	vld.idx.msk [tilespmem:v62+s3+$0x0], $0xffff  }
0x2a0: {  	v28 =	vadd.f32 v33, v28;
	v49 =	vadd.s32 $0x3400, v8;
	v34 =	vadd.f32 v63, v34;
	v50 =	vld.idx.msk [tilespmem:v44+s3+$0x0], $0xffff  }
0x2a1: {  	v52 =	vadd.s32 $0x3400, v18;
	v51 =	vld.idx.msk [tilespmem:v45+s3+$0x0], $0xffff  }
0x2a2: {  	v54 =	vadd.s32 $0x3400, v9;
	v26 =	vadd.f32 v26, v28;
	v32 =	vld.idx.msk [tilespmem:v46+s3+$0x0], $0xffff;
	v53 =	vadd.f32 v35, v34  }
0x2a3: {  	v29 =	vld.idx.msk [tilespmem:v47+s3+$0x0], $0xffff;
	v55 =	vadd.s32 $0x3400, v16;
	v24 =	vadd.f32 v24, v25  }
0x2a4: {  	v26 =	vadd.f32 v30, v26;
	v56 =	vld.idx.msk [tilespmem:v48+s3+$0x0], $0xffff;
	v28 =	vadd.f32 v39, v53  }
0x2a5: {  	v33 =	vld.idx.msk [tilespmem:v49+s3+$0x0], $0xffff;
	v57 =	vadd.s32 $0x3400, v19;
	v24 =	vadd.f32 v50, v24  }
0x2a6: {  	v26 =	vadd.f32 v58, v26;
	v58 =	vld.idx.msk [tilespmem:v52+s3+$0x0], $0xffff;
	v28 =	vadd.f32 v51, v28  }
0x2a7: {  	v34 =	vld.idx.msk [tilespmem:v54+s3+$0x0], $0xffff;
	v24 =	vadd.f32 v32, v24  }
0x2a8: {  	v59 =	vadd.s32 $0x3C00, v7;
	v26 =	vadd.f32 v27, v26;
	v25 =	vld.idx.msk [tilespmem:v55+s3+$0x0], $0xffff;
	v60 =	vadd.f32 v29, v28  }
0x2a9: {  	v61 =	vadd.s32 $0x3C00, v6;
	v24 =	vadd.f32 v56, v24  }
0x2aa: {  	v62 =	vadd.s32 $0x3800, v14;
	v26 =	vadd.f32 v36, v26;
	v63 =	vld.idx.msk [tilespmem:v57+s3+$0x0], $0xffff;
	v27 =	vadd.f32 v33, v60  }
0x2ab: {  	v33 =	vadd.s32 $0x3800, v15;
	v24 =	vadd.f32 v58, v24  }
0x2ac: {  	v36 =	vadd.s32 $0x3800, v11;
	[tilespmem:s15+$0xC300] =	vst v26;
	v35 =	vadd.f32 v34, v27  }
0x2ad: {  	v37 =	vadd.s32 $0x3800, v17;
	v7 =	vld.idx.msk [tilespmem:v59+s3+$0x0], $0xffff;
	v24 =	vadd.f32 v25, v24  }
0x2ae: {  	v38 =	vadd.s32 $0x3800, v23;
	v6 =	vld.idx.msk [tilespmem:v61+s3+$0x0], $0xffff;
	[tilespmem:s16+$0xC280] =	vst v35  }
0x2af: {  	v39 =	vadd.s32 $0x3800, v12;
	v28 =	vld.idx.msk [tilespmem:v62+s3+$0x0], $0xffff;
	v24 =	vadd.f32 v63, v24  }
0x2b0: {  	v41 =	vadd.s32 $0x3800, v22;
	v40 =	vld.idx.msk [tilespmem:v33+s3+$0x0], $0xffff  }
0x2b1: {  	v42 =	vadd.s32 $0x3800, v13;
	v27 =	vld.idx.msk [tilespmem:v36+s3+$0x0], $0xffff;
	[tilespmem:s17+$0xC280] =	vst v24  }
0x2b2: {  	v43 =	vadd.s32 $0x3800, v21;
	v24 =	vld.idx.msk [tilespmem:v37+s3+$0x0], $0xffff  }
0x2b3: {  	v44 =	vadd.s32 $0x3800, v10;
	v26 =	vld.idx.msk [tilespmem:v38+s3+$0x0], $0xffff  }
0x2b4: {  	v45 =	vadd.s32 $0x3800, v20;
	v31 =	vld.idx.msk [tilespmem:v39+s3+$0x0], $0xffff  }
0x2b5: {  	v46 =	vadd.s32 $0x3800, v8;
	v30 =	vld.idx.msk [tilespmem:v41+s3+$0x0], $0xffff  }
0x2b6: {  	v48 =	vadd.s32 $0x3800, v18;
	v47 =	vld.idx.msk [tilespmem:v42+s3+$0x0], $0xffff;
	v28 =	vadd.f32 v40, v28  }
0x2b7: {  	v49 =	vadd.s32 $0x3800, v9;
	v25 =	vld.idx.msk [tilespmem:v43+s3+$0x0], $0xffff  }
0x2b8: {  	v51 =	vadd.s32 $0x3800, v16;
	v50 =	vld.idx.msk [tilespmem:v44+s3+$0x0], $0xffff;
	v27 =	vadd.f32 v27, v28;
	v24 =	vadd.f32 v26, v24  }
0x2b9: {  	v52 =	vadd.s32 $0x3C00, v5;
	v53 =	vld.idx.msk [tilespmem:v45+s3+$0x0], $0xffff  }
0x2ba: {  	v55 =	vadd.s32 $0x3800, v19;
	v54 =	vld.idx.msk [tilespmem:v46+s3+$0x0], $0xffff;
	v27 =	vadd.f32 v31, v27;
	v24 =	vadd.f32 v30, v24  }
0x2bb: {  	v60 =	vadd.s32 $0x3C00, v0;
	v57 =	vld.idx.msk [tilespmem:v48+s3+$0x0], $0xffff  }
0x2bc: {  	v56 =	vadd.s32 $0x3C00, v3;
	v59 =	vld.idx.msk [tilespmem:v49+s3+$0x0], $0xffff;
	v27 =	vadd.f32 v47, v27;
	v24 =	vadd.f32 v25, v24  }
0x2bd: {  	v58 =	vadd.s32 $0x3C00, v4;
	v61 =	vld.idx.msk [tilespmem:v51+s3+$0x0], $0xffff  }
0x2be: {  	v5 =	vld.idx.msk [tilespmem:v52+s3+$0x0], $0xffff;
	v62 =	vadd.s32 $0x3C00, v1;
	v27 =	vadd.f32 v50, v27;
	v24 =	vadd.f32 v53, v24  }
0x2bf: {  	v63 =	vadd.s32 $0x3C00, v2;
	v32 =	vld.idx.msk [tilespmem:v55+s3+$0x0], $0xffff  }
0x2c0: {  	v33 =	vadd.s32 $0x3C00, v14;
	v0 =	vld.idx.msk [tilespmem:v60+s3+$0x0], $0xffff;
	v27 =	vadd.f32 v54, v27;
	v24 =	vadd.f32 v57, v24  }
0x2c1: {  	v34 =	vadd.s32 $0x3C00, v15;
	v3 =	vld.idx.msk [tilespmem:v56+s3+$0x0], $0xffff  }
0x2c2: {  	v35 =	vadd.s32 $0x3C00, v17;
	v4 =	vld.idx.msk [tilespmem:v58+s3+$0x0], $0xffff;
	v27 =	vadd.f32 v59, v27;
	v24 =	vadd.f32 v61, v24  }
0x2c3: {  	v36 =	vadd.s32 $0x3C00, v23;
	v1 =	vld.idx.msk [tilespmem:v62+s3+$0x0], $0xffff  }
0x2c4: {  	v37 =	vadd.s32 $0x3C00, v11;
	v2 =	vld.idx.msk [tilespmem:v63+s3+$0x0], $0xffff;
	[tilespmem:s16+$0xC300] =	vst v27;
	v24 =	vadd.f32 v32, v24  }
0x2c5: {  	v38 =	vadd.s32 $0x3C00, v22;
	v14 =	vld.idx.msk [tilespmem:v33+s3+$0x0], $0xffff  }
0x2c6: {  	v39 =	vadd.s32 $0x3C00, v12;
	v15 =	vld.idx.msk [tilespmem:v34+s3+$0x0], $0xffff;
	[tilespmem:s17+$0xC300] =	vst v24  }
0x2c7: {  	v40 =	vadd.s32 $0x3C00, v21;
	v17 =	vld.idx.msk [tilespmem:v35+s3+$0x0], $0xffff  }
0x2c8: {  	v41 =	vadd.s32 $0x3C00, v13;
	v23 =	vld.idx.msk [tilespmem:v36+s3+$0x0], $0xffff  }
0x2c9: {  	v42 =	vadd.s32 $0x3C00, v20;
	v11 =	vld.idx.msk [tilespmem:v37+s3+$0x0], $0xffff  }
0x2ca: {  	v43 =	vadd.s32 $0x3C00, v10;
	v22 =	vld.idx.msk [tilespmem:v38+s3+$0x0], $0xffff  }
0x2cb: {  	v6 =	vadd.f32 v6, v7;
	v45 =	vadd.s32 $0x3C00, v18;
	v44 =	vld.idx.msk [tilespmem:v39+s3+$0x0], $0xffff  }
0x2cc: {  	v46 =	vadd.s32 $0x3C00, v8;
	v14 =	vadd.f32 v15, v14;
	v47 =	vld.idx.msk [tilespmem:v40+s3+$0x0], $0xffff  }
0x2cd: {  	v5 =	vadd.f32 v5, v6;
	v49 =	vadd.s32 $0x3C00, v16;
	v48 =	vld.idx.msk [tilespmem:v41+s3+$0x0], $0xffff;
	v50 =	vadd.f32 v23, v17  }
0x2ce: {  	v51 =	vadd.s32 $0x3C00, v9;
	v52 =	vld.idx.msk [tilespmem:v42+s3+$0x0], $0xffff;
	v11 =	vadd.f32 v11, v14  }
0x2cf: {  	v3 =	vadd.f32 v3, v5;
	v54 =	vadd.s32 $0x3C00, v19;
	v53 =	vld.idx.msk [tilespmem:v43+s3+$0x0], $0xffff;
	v16 =	vadd.f32 v22, v50  }
0x2d0: {  	v55 =	vld.idx.msk [tilespmem:v45+s3+$0x0], $0xffff;
	v7 =	vadd.f32 v44, v11  }
0x2d1: {  	v3 =	vadd.f32 v4, v3;
	v56 =	vld.idx.msk [tilespmem:v46+s3+$0x0], $0xffff;
	v57 =	vadd.f32 v47, v16  }
0x2d2: {  	v58 =	vld.idx.msk [tilespmem:v49+s3+$0x0], $0xffff;
	v6 =	vadd.f32 v48, v7  }
0x2d3: {  	v0 =	vadd.f32 v0, v3;
	v59 =	vld.idx.msk [tilespmem:v51+s3+$0x0], $0xffff;
	v8 =	vadd.f32 v52, v57  }
0x2d4: {  	v60 =	vld.idx.msk [tilespmem:v54+s3+$0x0], $0xffff;
	v5 =	vadd.f32 v53, v6  }
0x2d5: {  	v0 =	vadd.f32 v1, v0;
	v61 =	vadd.f32 v55, v8  }
0x2d6: {  	v4 =	vadd.f32 v56, v5  }
0x2d7: {  	v0 =	vadd.f32 v2, v0;
	v1 =	vadd.f32 v58, v61  }
0x2d8: {  	v62 =	vadd.f32 v59, v4  }
0x2d9: {  	s14 =	sor.u32 s7, s14;
	[tilespmem:s15+$0xC380] =	vst v0;
	v63 =	vadd.f32 v60, v1  }
0x2da: {  	s14 =	sshrl.u32 s14, $0x3;
	[tilespmem:s16+$0xC380] =	vst v62  }
.Ltmp1:
0x2db: {  	s31 =	sadd.s32 s1, s14;
	s14 =	simm.s32 $0x4000;
	[tilespmem:s17+$0xC380] =	vst v63;
	(pc) =	sbr.rel @p0 .LBB2_2-.Ltmp1, $4  }
0x2dc: {  	[hbm4b:s31+s14] =	stream.strided.scatter [tilespmem:s12], [sflag:$0x1], $0x8000, s11, s14, $0x38;
	[tilespmem:$0x10000] =	vst v63  }
0x2dd: {  	_ =	swait.ge [sflag:s9], $0x8000  }
0x2de: {  	[sflag:s9] =	ssyncset.done $0x0  }
0x2df: {  	p1 =	por $0x0, $0x0;
	[sflag:s9] =	ssyncadd.s32 $0xFFFF8000  }
0x2e0: {  	s13 =	sadd.s32 $0x1, s13  }
0x2e1: {  	p0 =	sne.s32 s13, s8  }
.Ltmp2:
0x2e2: {  	_ = 	snop;
	(pc) =	sbr.rel @p0 .LBB2_1-.Ltmp2, $1  }
0x2e3: {  	_ =	sdelay $0x3  }
0x2e4: {  	_ =	sfence.sel $0x180000  }
0x2e5: {  	[bflag:$0x0] =	sbarrier.arrive $0xFFFF  }
0x2e6: {  	p0 =	sne.s32 s2, $0x0;
	_ =	strace $0x9000004A  }
0x2e7: {  	s0 =	sadd.s32 @!p0 $0x100000, s0;
	[bflag:$0x2] =	sbarrier.arrive $0xFFFF  }
0x2e8: {  	[sflag:s0] =	ssyncadd.tile.s32 @!p0 $0x1;
	_ =	shalt  }
.Lfunc_end2:
_tile_overlayer_lowered:
.L_overlay_start_2:
0x2e9: {  	(tag) =	ssettag $0x2  }
0x2ea: {  	s0 =	rddreg [dreg:$0x0];
	s2 =	stileid.u32  }
0x2eb: {  	s1 =	rddreg [dreg:$0x1];
	p0 =	sne.s32 s2, $0x0  }
0x2ec: {  	s3 =	rddreg [dreg:$0x2];
	[bflag:$0x3] =	sbarrier.arrive $0xFFFF;
	s2 =	simm.s32 @!p0 $0x1C01  }
0x2ed: {  	[timem:s3], [sflag:s2] =	dma.local @!p0 [hbm:s0], s1  }
0x2ee: {  	s0 =	simm.s32 @!p0 $0x1  }
0x2ef: {  	_ =	swait.ge @!p0 [sflag:s0], s1  }
0x2f0: {  	s1 =	ssub.s32 @!p0 $0x0, s1;
	[sflag:s0] =	ssyncset.done @!p0 $0x0  }
0x2f1: {  	[sflag:s0] =	ssyncadd.s32 @!p0 s1  }
0x2f2: {  	[bflag:$0x3] =	sbarrier.arrive $0xFFFF  }
0x2f3: {  	_ =	shalt  }

// kernel: kernel.8.cloned.1.call-start
scs
__scs_entry_jumppad:
0x0: {  	(pc) =	sbr.rel $0x88, $3  }
0x1: {  	(tag) =	ssettag $0x0;
	lr =	simm.s32 $0x1  }
0x2: {  	[smem:$0x3F98] =	sst lr;
	_ =	strace $0xD0000000  }
0x3: {  	_ = 	snop  }
0x4: {  	_ = 	snop  }
0x5: {  	_ = 	snop  }
0x6: {  	_ = 	snop  }
0x7: {  	_ = 	snop  }
__scs_overlays_trampoline_lowered:
0x8: {  	[smem:$0x3FA7] =	sst s0  }
0x9: {  	[smem:$0x3FA8] =	sst s1  }
0xa: {  	[smem:$0x3FA9] =	sst s2  }
0xb: {  	[smem:$0x3FAA] =	sst s3  }
0xc: {  	[smem:$0x3FAB] =	sst s4  }
0xd: {  	[smem:$0x3FAC] =	sst s5  }
0xe: {  	[smem:$0x3FAD] =	sst s6  }
0xf: {  	[smem:$0x3FAE] =	sst s7  }
0x10: {  	[smem:$0x3FAF] =	sst s8  }
0x11: {  	[smem:$0x3FB0] =	sst s9;
	s0 =	simm.s32 @!p0 $0x0  }
0x12: {  	s1 =	sld [smem:$0x3F96];
	s0 =	simm.s32 @p0 $0x1  }
0x13: {  	[smem:$0x3FB1] =	sst s0;
	s0 =	simm.s32 @!p1 $0x0  }
0x14: {  	s2 =	sld [smem:$0x3F95];
	s0 =	simm.s32 @p1 $0x1  }
0x15: {  	[smem:$0x3FB2] =	sst s0;
	s0 =	simm.s32 @!p2 $0x0  }
0x16: {  	s3 =	sld [smem:$0x3FDB];
	s0 =	simm.s32 @p2 $0x1  }
0x17: {  	s4 =	simm.s32 $0x1BF5;
	[smem:$0x3FB4] =	sst s0  }
0x18: {  	s0 =	sld [smem:$0x3F97];
	_ =	swait.ge [sflag:s4], $0x0  }
0x19: {  	s7 =	sld [smem:$0x3F98]  }
0x1a: {  	s8 =	sadd.s32 $0xFFFFE003, lr  }
0x1b: {  	s9 =	sadd.s32 $0xFFFFFEF7, lr;
	s5 =	simm.s32 $0xFFFFFFFF;
	p2 =	slt.u32 s8, $0xFFFFF086  }
0x1c: {  	p1 =	slt.u32 s9, $0xF7A;
	s5 =	simm.s32 @!p2 $0x0  }
0x1d: {  	s5 =	simm.s32 @p1 $0x1;
	p0 =	seq.s32 s7, s2  }
0x1e: {  	s7 =	smul.u32 @!p0 $0xF7A, s2;
	p2 =	seq.s32 @!p0 s5, $0x0  }
0x1f: {  	s9 =	smul.u32 $0xF7A, s1;
	s8 =	simm.s32 @!p0 $0x1BF5;
	p2 =	por !p2, p0  }
0x20: {  	[sflag:s8] =	ssyncset.s32 @!p0 $0xFFFFF086;
	s6 =	sadd.s32 @!p0 s3, s7;
	s7 =	simm.s32 @!p0 $0x108  }
0x21: {  	s3 =	sadd.s32 s3, s9;
	s6 =	sadd.s32 @!p0 $0x88, s6;
	s7 =	simm.s32 @p2 $0x1082  }
0x22: {  	[simem:s7], [sflag:s8] =	dma.local @!p0 [hbm:s6], $0xF7A  }
0x23: {  	s9 =	sor.u32 $0xD0000000, s2;
	s6 =	simm.s32 $0x108;
	_ =	swait.ge @!p0 [sflag:s8], $0x0  }
0x24: {  	s3 =	sadd.s32 $0x88, s3;
	s6 =	simm.s32 @!p1 $0x1082;
	[sflag:s4] =	ssyncset.s32 $0xFFFFF086  }
0x25: {  	[simem:s6], [sflag:s4] =	dma.local [hbm:s3], $0xF7A  }
0x26: {  	[smem:$0x3F98] =	sst s1;
	(tag) =	ssettag s2;
	_ =	strace s9  }
0x27: {  	s1 =	sld [smem:$0x3FA8]  }
0x28: {  	s2 =	sld [smem:$0x3FA9]  }
0x29: {  	s4 =	sld [smem:$0x3FAB]  }
0x2a: {  	p0 =	seq.s32 s5, $0x0;
	s5 =	sld [smem:$0x3FAC]  }
0x2b: {  	s6 =	sld [smem:$0x3FAD]  }
0x2c: {  	s7 =	sld [smem:$0x3FAE]  }
0x2d: {  	s3 =	simm.s32 $0x108;
	s8 =	sld [smem:$0x3FAF]  }
0x2e: {  	s3 =	simm.s32 @!p0 $0x1082;
	s9 =	sld [smem:$0x3FB0]  }
0x2f: {  	lr =	sadd.s32 s0, s3;
	s0 =	sld [smem:$0x3FA7]  }
0x30: {  	s3 =	sld [smem:$0x3FAA]  }
0x31: {  	[smem:$0x3FB3] =	sst s10  }
0x32: {  	s10 =	sld [smem:$0x3FB1];
	_ =	sdelay $0x3  }
0x33: {  	p0 =	seq.s32 s10, $0x1;
	s10 =	sld [smem:$0x3FB3];
	_ =	sdelay $0x3  }
0x34: {  	[smem:$0x3FB3] =	sst s10  }
0x35: {  	s10 =	sld [smem:$0x3FB2];
	_ =	sdelay $0x3  }
0x36: {  	p1 =	seq.s32 s10, $0x1;
	s10 =	sld [smem:$0x3FB3];
	_ =	sdelay $0x3  }
0x37: {  	[smem:$0x3FB3] =	sst s10  }
0x38: {  	s10 =	sld [smem:$0x3FB4]  }
0x39: {  	_ = 	snop;
	(pc) =	sbr.ind lr, $3  }
0x3a: {  	_ = 	snop  }
0x3b: {  	_ = 	snop  }
0x3c: {  	p2 =	seq.s32 s10, $0x1;
	s10 =	sld [smem:$0x3FB3]  }
0x3d: {  	_ =	shalt  }
0x3e: {  	_ =	shalt  }
0x3f: {  	_ =	shalt  }
0x40: {  	_ =	shalt  }
0x41: {  	_ =	shalt  }
0x42: {  	_ =	shalt  }
0x43: {  	_ =	shalt  }
0x44: {  	_ =	shalt  }
0x45: {  	_ =	shalt  }
0x46: {  	_ =	shalt  }
0x47: {  	_ =	shalt  }
0x48: {  	_ =	shalt  }
0x49: {  	_ =	shalt  }
0x4a: {  	_ =	shalt  }
0x4b: {  	_ =	shalt  }
0x4c: {  	_ =	shalt  }
0x4d: {  	_ =	shalt  }
0x4e: {  	_ =	shalt  }
0x4f: {  	_ =	shalt  }
0x50: {  	_ =	shalt  }
0x51: {  	_ =	shalt  }
0x52: {  	_ =	shalt  }
0x53: {  	_ =	shalt  }
0x54: {  	_ =	shalt  }
0x55: {  	_ =	shalt  }
0x56: {  	_ =	shalt  }
0x57: {  	_ =	shalt  }
0x58: {  	_ =	shalt  }
0x59: {  	_ =	shalt  }
0x5a: {  	_ =	shalt  }
0x5b: {  	_ =	shalt  }
0x5c: {  	_ =	shalt  }
0x5d: {  	_ =	shalt  }
0x5e: {  	_ =	shalt  }
0x5f: {  	_ =	shalt  }
0x60: {  	_ =	shalt  }
0x61: {  	_ =	shalt  }
0x62: {  	_ =	shalt  }
0x63: {  	_ =	shalt  }
0x64: {  	_ =	shalt  }
0x65: {  	_ =	shalt  }
0x66: {  	_ =	shalt  }
0x67: {  	_ =	shalt  }
0x68: {  	_ =	shalt  }
0x69: {  	_ =	shalt  }
0x6a: {  	_ =	shalt  }
0x6b: {  	_ =	shalt  }
0x6c: {  	_ =	shalt  }
0x6d: {  	_ =	shalt  }
0x6e: {  	_ =	shalt  }
0x6f: {  	_ =	shalt  }
0x70: {  	_ =	shalt  }
0x71: {  	_ =	shalt  }
0x72: {  	_ =	shalt  }
0x73: {  	_ =	shalt  }
0x74: {  	_ =	shalt  }
0x75: {  	_ =	shalt  }
0x76: {  	_ =	shalt  }
0x77: {  	_ =	shalt  }
0x78: {  	_ =	shalt  }
0x79: {  	_ =	shalt  }
0x7a: {  	_ =	shalt  }
0x7b: {  	_ =	shalt  }
0x7c: {  	_ =	shalt  }
0x7d: {  	_ =	shalt  }
0x7e: {  	_ =	shalt  }
0x7f: {  	_ =	shalt  }
0x80: {  	_ =	shalt  }
0x81: {  	_ =	shalt  }
0x82: {  	_ =	shalt  }
0x83: {  	_ =	shalt  }
0x84: {  	_ =	shalt  }
0x85: {  	_ =	shalt  }
0x86: {  	_ =	shalt  }
0x87: {  	_ =	shalt  }
.Lfunc_end0:
.L_simem_size_0:
called_computation_lowered:
.L_overlay_start_0:
0x88: {  	s2 =	sld [smem:$0x3FD9]  }
0x89: {  	s3 =	sld [smem:$0x3FFE];
	_ =	sdelay $0x1  }
0x8a: {  	s1 =	srdreg.scid  }
0x8b: {  	s0 =	sand.u32 $0x1, s1  }
0x8c: {  	s16 =	sshll.u32 s0, $0xA;
	s2 =	sadd.s32 s3, s2  }
0x8d: {  	s2 =	sadd.s32 s2, s16  }
0x8e: {  	[smem:$0x3FBF] =	sst s2  }
0x8f: {  	_ = 	snop  }
0x90: {  	(tm) =	ssettm $0x1  }
0x91: {  	s17 =	sld [smem:$0x3FFB];
	_ =	sdelay $0x3  }
0x92: {  	_ =	strace s17  }
0x93: {  	s2 =	sld [smem:$0x3FFC];
	_ =	sdelay $0x3  }
0x94: {  	_ =	strace s2  }
0x95: {  	s2 =	sld [smem:$0x3FFD];
	_ =	sdelay $0x3  }
0x96: {  	_ =	strace s2  }
0x97: {  	_ =	strace $0x8FFFFFFF  }
0x98: {  	s18 =	sld [smem:$0x3FDB];
	_ =	sdelay $0x1  }
0x99: {  	s19 =	simm.s32 $_scs_section_size  }
0x9a: {  	s4 =	simm.s32 $_size__tile_overlayer_lowered;
	s5 =	simm.s32 $_tile_overlayer_lowered  }
0x9b: {  	s22 =	simm.s32 $0x1BFF;
	s21 =	sshll.u32 s5, $0x1;
	s2 =	sadd.s32 s19, s18  }
0x9c: {  	s6 =	simm.s32 $0x0;
	s20 =	sshll.u32 s4, $0x1;
	s4 =	sadd.s32 s21, s2  }
0x9d: {  	[timem:s6], [sflag:s22] =	dma.local [hbm:s4], s20  }
0x9e: {  	_ =	swait.ge [sflag:s22], s20  }
0x9f: {  	s3 =	ssub.s32 $0x0, s20;
	[sflag:s22] =	ssyncset.done $0x0  }
0xa0: {  	[sflag:s22] =	ssyncadd.s32 s3;
	_ =	sdelay $0x1  }
0xa1: {  	s23 =	simm.s32 $0x1B8B  }
0xa2: {  	_ =	swait.ge [sflag:s23], $0x1  }
0xa3: {  	[sflag:s23] =	ssyncset.done $0x0  }
0xa4: {  	s25 =	simm.s32 $0x1B8E;
	s24 =	sld [smem:$0x3FFE];
	[sflag:s23] =	ssyncadd.s32 $0xFFFFFFFF  }
0xa5: {  	s26 =	simm.s32 $execute0_lowered;
	[smem:$0x3FD2] =	sst s25  }
0xa6: {  	s4 =	sshll.u32 s26, $0x1;
	_ =	strace $0x80000046;
	[dreg:$0x1] =	wrdreg $0xFFFFFFFF  }
0xa7: {  	s28 =	simm.s32 $_size_execute0_lowered;
	s2 =	sadd.s32 s2, s4;
	[dreg:$0x0] =	wrdreg $0x0  }
0xa8: {  	s4 =	sshll.u32 s28, $0x1;
	[dreg:$0x2] =	wrdreg s2  }
0xa9: {  	[dreg:$0x3] =	wrdreg s4  }
0xaa: {  	[dreg:$0x4] =	wrdreg $0xC0  }
0xab: {  	_ =	task [dreg:s6], $0x5FFFF  }
0xac: {  	[dreg:$0x1] =	wrdreg $0xFFFFFFFF  }
0xad: {  	[dreg:$0x0] =	wrdreg $0x60  }
0xae: {  	[dreg:$0x2] =	wrdreg s24  }
0xaf: {  	[dreg:$0x3] =	wrdreg $0x9  }
0xb0: {  	_ =	task.clear_ibuf [dreg:s6], $0x4FFFF;
	_ =	strace $0x90000046  }
0xb1: {  	s29 =	simm.s32 $0x9;
	_ =	strace $0x80000048  }
0xb2: {  	_ =	swait.ge [sflag:s29], $0x1  }
0xb3: {  	[sflag:s29] =	ssyncadd.s32 $0xFFFFFFFF  }
0xb4: {  	_ =	strace $0x90000048  }
0xb5: {  	_ =	sfence  }
0xb6: {  	s30 =	sld [smem:$0x0];
	_ =	sdelay $0x2  }
0xb7: {  	s31 =	sshll.u32 s1, $0xD;
	s1 =	sshrl.u32 s1, $0x2  }
0xb8: {  	s3 =	sand.u32 $0x4000, s31;
	s1 =	sadd.s32 s1, s30  }
0xb9: {  	s0 =	sor.u32 s3, s0;
	s1 =	sshll.u32 s1, $0x11  }
0xba: {  	s0 =	sor.u32 s1, s0  }
0xbb: {  	s0 =	sadd.s32 $0x8F2B, s0  }
0xbc: {  	[sflag:s0] =	ssyncadd.remote.s32 $0x1  }
0xbd: {  	_ =	sfence.sel $0xFFFF  }
0xbe: {  	[dreg:$0x0] =	wrdreg $0xFFFFFFFF;
	(pc) =	sbr.abs _section_cstart, $3  }
0xbf: {  	[dreg:$0x1] =	wrdreg $0xFFFFFFFF  }
0xc0: {  	_ =	task.clear_ibuf [dreg:s6], $0x2FFFF;
	_ =	strace $0x9FFFFFFF  }
0xc1: {  	(tm) =	ssettm $0x7FFFFFFF  }
tec
execute0_lowered:
.L_overlay_start_1:
0x0: {  	(tag) =	ssettag $0x1  }
0x1: {  	s4 =	rddreg [dreg:$0x0]  }
0x2: {  	s0 =	rddreg [dreg:$0x1];
	s1 =	simm.s32 $0x0  }
0x3: {  	s2 =	srdreg.scid;
	s9 =	simm.s32 $0x1;
	s10 =	simm.s32 $0x4000  }
0x4: {  	s11 =	simm.s32 $0x10000;
	s12 =	simm.s32 $0x8000;
	s13 =	simm.s32 $0x0  }
0x5: {  	[smem:$0x7FF] =	sst s1;
	s5 =	sand.u32 $0x1, s2;
	s2 =	stileid.u32  }
0x6: {  	s3 =	sadd.s32 $0x9E00, s4;
	_ =	strace $0x80000047;
	s6 =	ssub.s32 $0x2, s5  }
0x7: {  	s7 =	sshll.u32 s2, $0xB;
	s5 =	sshll.u32 s5, $0xF;
	s8 =	sshrl.u32 s6, $0x1  }
0x8: {  	s7 =	sadd.s32 s7, s4;
	s4 =	sadd.s32 $0xBE00, s4;
	s8 =	ssub.s32 s6, s8  }
0x9: {  	s6 =	sadd.s32 $0x1A00, s7;
	s7 =	sshll.u32 s2, $0x11;
	s8 =	smax.u32 s8, $0x1  }
.LBB2_1:
0xa: {  	[tilespmem:s1], [sflag:$0x1] =	stream.linear.gather [hbm4b:s6+s1], $0x4000, $0x38;
	[tilespmem:$0x10000] =	vst v63  }
0xb: {  	_ =	swait.ge [sflag:s9], $0x4000  }
0xc: {  	[sflag:s9] =	ssyncset.done $0x0  }
0xd: {  	p1 =	por $0x1, $0x1;
	s14 =	simm.s32 $0x0;
	[sflag:s9] =	ssyncadd.s32 $0xFFFFC000  }
.LBB2_2:
0xe: {  	s14 =	sor.u32 s5, s14  }
0xf: {  	s15 =	sshrl.u32 s14, $0x3  }
0x10: {  	s16 =	simm.s32 $0x0;
	s15 =	sadd.s32 s3, s15  }
0x11: {  	[tilespmem:s10], [sflag:$0x1] =	stream.linear.gather [hbm4b:s15+s16], $0x4000, $0x38;
	[tilespmem:$0x10000] =	vst v63  }
0x12: {  	_ =	swait.ge [sflag:s9], $0x4000  }
0x13: {  	s26 =	sand.u32 $0x70, s16;
	s17 =	sand.u32 $0x3C00, s16;
	[sflag:s9] =	ssyncset.done $0x0  }
0x14: {  	s15 =	sor.u32 s26, s17;
	[sflag:s9] =	ssyncadd.s32 $0xFFFFC000  }
0x15: {  	v7 =	vld [tilespmem:s15+$0x4000]  }
0x16: {  	v6 =	vld [tilespmem:s15+$0x4080];
	_ =	sdelay $0x1  }
0x17: {  	v5 =	vld [tilespmem:s15+$0x4100];
	_ =	sdelay $0x1  }
0x18: {  	v3 =	vld [tilespmem:s15+$0x4180]  }
0x19: {  	v0 =	vld [tilespmem:s15+$0x4280]  }
0x1a: {  	v4 =	vld [tilespmem:s15+$0x4200]  }
0x1b: {  	s16 =	sand.u32 $0x7, s16;
	v8 =	vld.idx.msk [tilespmem:v7+s1+$0x0], $0xffff  }
0x1c: {  	s16 =	sshll.u32 s16, $0x4;
	v9 =	vld.idx.msk [tilespmem:v6+s1+$0x0], $0xffff  }
0x1d: {  	s16 =	sadd.s32 $0x0, s16;
	v1 =	vld [tilespmem:s15+$0x4300]  }
0x1e: {  	s28 =	sor.u32 $0x380, s16;
	v10 =	vld.idx.msk [tilespmem:v5+s1+$0x0], $0xffff  }
0x1f: {  	v2 =	vld [tilespmem:s28+$0x4000]  }
0x20: {  	v11 =	vld.idx.msk [tilespmem:v3+s1+$0x0], $0xffff  }
0x21: {  	v8 =	vadd.f32 v9, v8  }
0x22: {  	v9 =	vld.idx.msk [tilespmem:v4+s1+$0x0], $0xffff  }
0x23: {  	v8 =	vadd.f32 v10, v8  }
0x24: {  	v10 =	vld.idx.msk [tilespmem:v0+s1+$0x0], $0xffff  }
0x25: {  	v8 =	vadd.f32 v11, v8  }
0x26: {  	v11 =	vld.idx.msk [tilespmem:v1+s1+$0x0], $0xffff  }
0x27: {  	v8 =	vadd.f32 v9, v8  }
0x28: {  	v9 =	vld.idx.msk [tilespmem:v2+s1+$0x0], $0xffff  }
0x29: {  	v8 =	vadd.f32 v10, v8;
	_ =	sdelay $0x1  }
0x2a: {  	v10 =	vadd.s32 $0x400, v7;
	v8 =	vadd.f32 v11, v8  }
0x2b: {  	v11 =	vadd.s32 $0x400, v6  }
0x2c: {  	v8 =	vadd.f32 v9, v8  }
0x2d: {  	v9 =	vadd.s32 $0x400, v5  }
0x2e: {  	[tilespmem:s15+$0x8000] =	vst v8  }
0x2f: {  	v8 =	vadd.s32 $0x400, v3;
	v10 =	vld.idx.msk [tilespmem:v10+s1+$0x0], $0xffff  }
0x30: {  	v11 =	vld.idx.msk [tilespmem:v11+s1+$0x0], $0xffff  }
0x31: {  	v12 =	vadd.s32 $0x400, v4  }
0x32: {  	v9 =	vld.idx.msk [tilespmem:v9+s1+$0x0], $0xffff  }
0x33: {  	v13 =	vadd.s32 $0x400, v0  }
0x34: {  	v8 =	vld.idx.msk [tilespmem:v8+s1+$0x0], $0xffff  }
0x35: {  	v14 =	vadd.s32 $0x400, v1;
	v10 =	vadd.f32 v11, v10  }
0x36: {  	v11 =	vld.idx.msk [tilespmem:v12+s1+$0x0], $0xffff  }
0x37: {  	v12 =	vadd.s32 $0x400, v2;
	v9 =	vadd.f32 v9, v10  }
0x38: {  	v10 =	vld.idx.msk [tilespmem:v13+s1+$0x0], $0xffff  }
0x39: {  	v8 =	vadd.f32 v8, v9  }
0x3a: {  	v9 =	vld.idx.msk [tilespmem:v14+s1+$0x0], $0xffff  }
0x3b: {  	v8 =	vadd.f32 v11, v8  }
0x3c: {  	v11 =	vld.idx.msk [tilespmem:v12+s1+$0x0], $0xffff  }
0x3d: {  	v8 =	vadd.f32 v10, v8;
	_ =	sdelay $0x1  }
0x3e: {  	v8 =	vadd.f32 v9, v8;
	v9 =	vadd.s32 $0x800, v7  }
0x3f: {  	v10 =	vadd.s32 $0x800, v6  }
0x40: {  	v8 =	vadd.f32 v11, v8  }
0x41: {  	v11 =	vadd.s32 $0x800, v5  }
0x42: {  	[tilespmem:s15+$0x8080] =	vst v8  }
0x43: {  	v8 =	vld.idx.msk [tilespmem:v9+s1+$0x0], $0xffff;
	v9 =	vadd.s32 $0x800, v3  }
0x44: {  	v10 =	vld.idx.msk [tilespmem:v10+s1+$0x0], $0xffff  }
0x45: {  	v12 =	vadd.s32 $0x800, v4  }
0x46: {  	v11 =	vld.idx.msk [tilespmem:v11+s1+$0x0], $0xffff  }
0x47: {  	v13 =	vadd.s32 $0x800, v0  }
0x48: {  	v9 =	vld.idx.msk [tilespmem:v9+s1+$0x0], $0xffff  }
0x49: {  	v14 =	vadd.s32 $0x800, v1;
	v8 =	vadd.f32 v10, v8  }
0x4a: {  	v10 =	vld.idx.msk [tilespmem:v12+s1+$0x0], $0xffff  }
0x4b: {  	v12 =	vadd.s32 $0x800, v2;
	v8 =	vadd.f32 v11, v8  }
0x4c: {  	v11 =	vld.idx.msk [tilespmem:v13+s1+$0x0], $0xffff  }
0x4d: {  	v8 =	vadd.f32 v9, v8  }
0x4e: {  	v9 =	vld.idx.msk [tilespmem:v14+s1+$0x0], $0xffff  }
0x4f: {  	v8 =	vadd.f32 v10, v8  }
0x50: {  	v10 =	vld.idx.msk [tilespmem:v12+s1+$0x0], $0xffff  }
0x51: {  	v8 =	vadd.f32 v11, v8;
	_ =	sdelay $0x1  }
0x52: {  	v8 =	vadd.f32 v9, v8;
	v9 =	vadd.s32 $0xC00, v7  }
0x53: {  	v11 =	vadd.s32 $0xC00, v6  }
0x54: {  	v8 =	vadd.f32 v10, v8  }
0x55: {  	v10 =	vadd.s32 $0xC00, v5  }
0x56: {  	[tilespmem:s15+$0x8100] =	vst v8  }
0x57: {  	v8 =	vadd.s32 $0xC00, v3;
	v9 =	vld.idx.msk [tilespmem:v9+s1+$0x0], $0xffff  }
0x58: {  	v11 =	vld.idx.msk [tilespmem:v11+s1+$0x0], $0xffff  }
0x59: {  	v12 =	vadd.s32 $0xC00, v4  }
0x5a: {  	v10 =	vld.idx.msk [tilespmem:v10+s1+$0x0], $0xffff  }
0x5b: {  	v13 =	vadd.s32 $0xC00, v0  }
0x5c: {  	v8 =	vld.idx.msk [tilespmem:v8+s1+$0x0], $0xffff  }
0x5d: {  	v14 =	vadd.s32 $0xC00, v1;
	v9 =	vadd.f32 v11, v9  }
0x5e: {  	v11 =	vld.idx.msk [tilespmem:v12+s1+$0x0], $0xffff  }
0x5f: {  	v12 =	vadd.s32 $0xC00, v2;
	v9 =	vadd.f32 v10, v9  }
0x60: {  	v10 =	vld.idx.msk [tilespmem:v13+s1+$0x0], $0xffff  }
0x61: {  	v8 =	vadd.f32 v8, v9  }
0x62: {  	v9 =	vld.idx.msk [tilespmem:v14+s1+$0x0], $0xffff  }
0x63: {  	v8 =	vadd.f32 v11, v8  }
0x64: {  	v11 =	vld.idx.msk [tilespmem:v12+s1+$0x0], $0xffff  }
0x65: {  	v8 =	vadd.f32 v10, v8;
	_ =	sdelay $0x1  }
0x66: {  	v8 =	vadd.f32 v9, v8;
	v9 =	vadd.s32 $0x1000, v7  }
0x67: {  	v10 =	vadd.s32 $0x1000, v6  }
0x68: {  	v8 =	vadd.f32 v11, v8  }
0x69: {  	v11 =	vadd.s32 $0x1000, v5  }
0x6a: {  	[tilespmem:s15+$0x8180] =	vst v8  }
0x6b: {  	v8 =	vld.idx.msk [tilespmem:v9+s1+$0x0], $0xffff;
	v9 =	vadd.s32 $0x1000, v3  }
0x6c: {  	v10 =	vld.idx.msk [tilespmem:v10+s1+$0x0], $0xffff  }
0x6d: {  	v12 =	vadd.s32 $0x1000, v4  }
0x6e: {  	v11 =	vld.idx.msk [tilespmem:v11+s1+$0x0], $0xffff  }
0x6f: {  	v13 =	vadd.s32 $0x1000, v0  }
0x70: {  	v9 =	vld.idx.msk [tilespmem:v9+s1+$0x0], $0xffff  }
0x71: {  	v14 =	vadd.s32 $0x1000, v1;
	v8 =	vadd.f32 v10, v8  }
0x72: {  	v10 =	vld.idx.msk [tilespmem:v12+s1+$0x0], $0xffff  }
0x73: {  	v12 =	vadd.s32 $0x1000, v2;
	v8 =	vadd.f32 v11, v8  }
0x74: {  	v11 =	vld.idx.msk [tilespmem:v13+s1+$0x0], $0xffff  }
0x75: {  	v8 =	vadd.f32 v9, v8  }
0x76: {  	v9 =	vld.idx.msk [tilespmem:v14+s1+$0x0], $0xffff  }
0x77: {  	v8 =	vadd.f32 v10, v8  }
0x78: {  	v10 =	vld.idx.msk [tilespmem:v12+s1+$0x0], $0xffff  }
0x79: {  	v8 =	vadd.f32 v11, v8;
	_ =	sdelay $0x1  }
0x7a: {  	s29 =	simm.s32 $0x10;
	s18 =	simm.s32 $0x80;
	v8 =	vadd.f32 v9, v8;
	v9 =	vadd.s32 $0x1400, v7  }
0x7b: {  	s18 =	sand.u32 $0x3C00, s18;
	s16 =	sand.u32 $0x70, s29;
	v11 =	vadd.s32 $0x1400, v6  }
0x7c: {  	s16 =	sor.u32 s16, s18;
	v8 =	vadd.f32 v10, v8  }
0x7d: {  	v14 =	vld [tilespmem:s16+$0x4000];
	v10 =	vadd.s32 $0x1400, v5  }
0x7e: {  	[tilespmem:s15+$0x8200] =	vst v8  }
0x7f: {  	v12 =	vadd.s32 $0x1400, v3;
	v9 =	vld.idx.msk [tilespmem:v9+s1+$0x0], $0xffff  }
0x80: {  	v11 =	vld.idx.msk [tilespmem:v11+s1+$0x0], $0xffff  }
0x81: {  	v13 =	vadd.s32 $0x1400, v4  }
0x82: {  	v15 =	vadd.s32 $0x1400, v0;
	v10 =	vld.idx.msk [tilespmem:v10+s1+$0x0], $0xffff;
	_ =	sdelay $0x1  }
0x83: {  	v16 =	vadd.s32 $0x1400, v1;
	v12 =	vld.idx.msk [tilespmem:v12+s1+$0x0], $0xffff  }
0x84: {  	v19 =	vld.idx.msk [tilespmem:v14+s1+$0x0], $0xffff;
	v9 =	vadd.f32 v11, v9  }
0x85: {  	v13 =	vld.idx.msk [tilespmem:v13+s1+$0x0], $0xffff  }
0x86: {  	v17 =	vadd.s32 $0x1400, v2;
	v18 =	vld.idx.msk [tilespmem:v15+s1+$0x0], $0xffff;
	v9 =	vadd.f32 v10, v9  }
0x87: {  	v15 =	vld [tilespmem:s16+$0x4080]  }
0x88: {  	v16 =	vld.idx.msk [tilespmem:v16+s1+$0x0], $0xffff;
	v9 =	vadd.f32 v12, v9  }
0x89: {  	v11 =	vld [tilespmem:s16+$0x4100]  }
0x8a: {  	v12 =	vld [tilespmem:s16+$0x4180];
	v9 =	vadd.f32 v13, v9  }
0x8b: {  	s30 =	simm.s32 $0x1;
	v17 =	vld.idx.msk [tilespmem:v17+s1+$0x0], $0xffff  }
0x8c: {  	s18 =	sand.u32 $0x7, s30;
	v8 =	vld [tilespmem:s16+$0x4300];
	v18 =	vadd.f32 v18, v9  }
0x8d: {  	s18 =	sshll.u32 s18, $0x4;
	v13 =	vld [tilespmem:s16+$0x4200]  }
0x8e: {  	s18 =	sadd.s32 $0x80, s18;
	v10 =	vld [tilespmem:s16+$0x4280];
	v16 =	vadd.f32 v16, v18;
	v18 =	vadd.s32 $0x1800, v7  }
0x8f: {  	s18 =	sor.u32 $0x380, s18;
	v20 =	vadd.s32 $0x1800, v6;
	v21 =	vld.idx.msk [tilespmem:v15+s1+$0x0], $0xffff  }
0x90: {  	v9 =	vld [tilespmem:s18+$0x4000];
	v16 =	vadd.f32 v17, v16  }
0x91: {  	v22 =	vadd.s32 $0x1800, v5;
	v17 =	vld.idx.msk [tilespmem:v11+s1+$0x0], $0xffff  }
0x92: {  	v23 =	vld.idx.msk [tilespmem:v12+s1+$0x0], $0xffff;
	[tilespmem:s15+$0x8280] =	vst v16  }
0x93: {  	v16 =	vld.idx.msk [tilespmem:v18+s1+$0x0], $0xffff;
	v18 =	vadd.s32 $0x1800, v3  }
0x94: {  	v20 =	vld.idx.msk [tilespmem:v20+s1+$0x0], $0xffff  }
0x95: {  	v19 =	vadd.f32 v21, v19;
	v21 =	vadd.s32 $0x1800, v4;
	v24 =	vld.idx.msk [tilespmem:v13+s1+$0x0], $0xffff  }
0x96: {  	v22 =	vld.idx.msk [tilespmem:v22+s1+$0x0], $0xffff  }
0x97: {  	v25 =	vld.idx.msk [tilespmem:v10+s1+$0x0], $0xffff;
	v17 =	vadd.f32 v17, v19;
	v19 =	vadd.s32 $0x1800, v0  }
0x98: {  	v18 =	vld.idx.msk [tilespmem:v18+s1+$0x0], $0xffff  }
0x99: {  	v26 =	vld.idx.msk [tilespmem:v8+s1+$0x0], $0xffff;
	v17 =	vadd.f32 v23, v17;
	v23 =	vadd.s32 $0x1800, v1;
	v16 =	vadd.f32 v20, v16  }
0x9a: {  	v20 =	vld.idx.msk [tilespmem:v21+s1+$0x0], $0xffff  }
0x9b: {  	v21 =	vld.idx.msk [tilespmem:v9+s1+$0x0], $0xffff;
	v17 =	vadd.f32 v24, v17;
	v24 =	vadd.s32 $0x1800, v2;
	v16 =	vadd.f32 v22, v16  }
0x9c: {  	v19 =	vld.idx.msk [tilespmem:v19+s1+$0x0], $0xffff  }
0x9d: {  	v17 =	vadd.f32 v25, v17;
	v16 =	vadd.f32 v18, v16  }
0x9e: {  	v18 =	vld.idx.msk [tilespmem:v23+s1+$0x0], $0xffff  }
0x9f: {  	v22 =	vadd.s32 $0x400, v14;
	v17 =	vadd.f32 v26, v17;
	v16 =	vadd.f32 v20, v16  }
0xa0: {  	v23 =	vld.idx.msk [tilespmem:v24+s1+$0x0], $0xffff;
	v20 =	vadd.s32 $0x400, v15  }
0xa1: {  	v17 =	vadd.f32 v21, v17;
	v21 =	vadd.s32 $0x400, v12;
	v16 =	vadd.f32 v19, v16  }
0xa2: {  	v19 =	vadd.s32 $0x400, v11  }
0xa3: {  	[tilespmem:s16+$0x8000] =	vst v17;
	v17 =	vadd.s32 $0x1C00, v7;
	v16 =	vadd.f32 v18, v16  }
0xa4: {  	v18 =	vld.idx.msk [tilespmem:v22+s1+$0x0], $0xffff;
	v22 =	vadd.s32 $0x1C00, v6  }
0xa5: {  	v24 =	vadd.s32 $0x400, v13;
	v20 =	vld.idx.msk [tilespmem:v20+s1+$0x0], $0xffff;
	v16 =	vadd.f32 v23, v16  }
0xa6: {  	v21 =	vld.idx.msk [tilespmem:v21+s1+$0x0], $0xffff;
	v23 =	vadd.s32 $0x1C00, v5  }
0xa7: {  	v25 =	vadd.s32 $0x400, v10;
	v19 =	vld.idx.msk [tilespmem:v19+s1+$0x0], $0xffff;
	[tilespmem:s15+$0x8300] =	vst v16  }
0xa8: {  	v16 =	vld.idx.msk [tilespmem:v17+s1+$0x0], $0xffff;
	v17 =	vadd.s32 $0x1C00, v3  }
0xa9: {  	v26 =	vadd.s32 $0x400, v8;
	v22 =	vld.idx.msk [tilespmem:v22+s1+$0x0], $0xffff  }
0xaa: {  	v24 =	vld.idx.msk [tilespmem:v24+s1+$0x0], $0xffff;
	v18 =	vadd.f32 v20, v18;
	v20 =	vadd.s32 $0x1C00, v4  }
0xab: {  	v27 =	vadd.s32 $0x400, v9;
	v23 =	vld.idx.msk [tilespmem:v23+s1+$0x0], $0xffff  }
0xac: {  	v25 =	vld.idx.msk [tilespmem:v25+s1+$0x0], $0xffff;
	v18 =	vadd.f32 v19, v18;
	v19 =	vadd.s32 $0x1C00, v0  }
0xad: {  	v17 =	vld.idx.msk [tilespmem:v17+s1+$0x0], $0xffff  }
0xae: {  	v26 =	vld.idx.msk [tilespmem:v26+s1+$0x0], $0xffff;
	v18 =	vadd.f32 v21, v18;
	v21 =	vadd.s32 $0x1C00, v1;
	v16 =	vadd.f32 v22, v16  }
0xaf: {  	v20 =	vld.idx.msk [tilespmem:v20+s1+$0x0], $0xffff  }
0xb0: {  	v22 =	vld.idx.msk [tilespmem:v27+s1+$0x0], $0xffff;
	v18 =	vadd.f32 v24, v18;
	v24 =	vadd.s32 $0x1C00, v2;
	v16 =	vadd.f32 v23, v16  }
0xb1: {  	v19 =	vld.idx.msk [tilespmem:v19+s1+$0x0], $0xffff  }
0xb2: {  	v18 =	vadd.f32 v25, v18;
	v16 =	vadd.f32 v17, v16  }
0xb3: {  	v17 =	vld.idx.msk [tilespmem:v21+s1+$0x0], $0xffff  }
0xb4: {  	v21 =	vadd.s32 $0x800, v14;
	v18 =	vadd.f32 v26, v18;
	v16 =	vadd.f32 v20, v16  }
0xb5: {  	v20 =	vadd.s32 $0x800, v15;
	v23 =	vld.idx.msk [tilespmem:v24+s1+$0x0], $0xffff  }
0xb6: {  	v18 =	vadd.f32 v22, v18;
	v22 =	vadd.s32 $0x800, v11;
	v16 =	vadd.f32 v19, v16  }
0xb7: {  	v19 =	vadd.s32 $0x800, v12  }
0xb8: {  	[tilespmem:s16+$0x8080] =	vst v18;
	v16 =	vadd.f32 v17, v16;
	v17 =	vadd.s32 $0x2000, v7  }
0xb9: {  	v18 =	vld.idx.msk [tilespmem:v21+s1+$0x0], $0xffff;
	v21 =	vadd.s32 $0x2000, v6  }
0xba: {  	v24 =	vadd.s32 $0x800, v13;
	v20 =	vld.idx.msk [tilespmem:v20+s1+$0x0], $0xffff;
	v16 =	vadd.f32 v23, v16  }
0xbb: {  	v22 =	vld.idx.msk [tilespmem:v22+s1+$0x0], $0xffff;
	v23 =	vadd.s32 $0x2000, v5  }
0xbc: {  	v25 =	vadd.s32 $0x800, v10;
	v19 =	vld.idx.msk [tilespmem:v19+s1+$0x0], $0xffff;
	[tilespmem:s28+$0x8000] =	vst v16  }
0xbd: {  	v16 =	vld.idx.msk [tilespmem:v17+s1+$0x0], $0xffff;
	v17 =	vadd.s32 $0x2000, v3  }
0xbe: {  	v26 =	vadd.s32 $0x800, v8;
	v21 =	vld.idx.msk [tilespmem:v21+s1+$0x0], $0xffff  }
0xbf: {  	v18 =	vadd.f32 v20, v18;
	v20 =	vld.idx.msk [tilespmem:v24+s1+$0x0], $0xffff;
	v24 =	vadd.s32 $0x2000, v4  }
0xc0: {  	v27 =	vadd.s32 $0x800, v9;
	v23 =	vld.idx.msk [tilespmem:v23+s1+$0x0], $0xffff  }
0xc1: {  	v18 =	vadd.f32 v22, v18;
	v22 =	vld.idx.msk [tilespmem:v25+s1+$0x0], $0xffff;
	v25 =	vadd.s32 $0x2000, v0  }
0xc2: {  	v17 =	vld.idx.msk [tilespmem:v17+s1+$0x0], $0xffff  }
0xc3: {  	v26 =	vld.idx.msk [tilespmem:v26+s1+$0x0], $0xffff;
	v18 =	vadd.f32 v19, v18;
	v19 =	vadd.s32 $0x2000, v1;
	v16 =	vadd.f32 v21, v16  }
0xc4: {  	v21 =	vld.idx.msk [tilespmem:v24+s1+$0x0], $0xffff  }
0xc5: {  	v24 =	vld.idx.msk [tilespmem:v27+s1+$0x0], $0xffff;
	v18 =	vadd.f32 v20, v18;
	v20 =	vadd.s32 $0x2000, v2;
	v16 =	vadd.f32 v23, v16  }
0xc6: {  	v23 =	vld.idx.msk [tilespmem:v25+s1+$0x0], $0xffff  }
0xc7: {  	v18 =	vadd.f32 v22, v18;
	v16 =	vadd.f32 v17, v16  }
0xc8: {  	v19 =	vld.idx.msk [tilespmem:v19+s1+$0x0], $0xffff  }
0xc9: {  	s31 =	simm.s32 $0x20;
	s19 =	simm.s32 $0x100;
	v17 =	vadd.f32 v26, v18;
	v18 =	vadd.s32 $0xC00, v13;
	v16 =	vadd.f32 v21, v16  }
0xca: {  	s20 =	sand.u32 $0x3C00, s19;
	s17 =	sand.u32 $0x70, s31;
	v25 =	vadd.s32 $0xC00, v15;
	v20 =	vld.idx.msk [tilespmem:v20+s1+$0x0], $0xffff  }
0xcb: {  	s17 =	sor.u32 s17, s20;
	v21 =	vadd.s32 $0xC00, v11;
	v22 =	vadd.f32 v24, v17;
	v23 =	vadd.f32 v23, v16  }
0xcc: {  	v24 =	vadd.s32 $0xC00, v14;
	v17 =	vld [tilespmem:s17+$0x4000]  }
0xcd: {  	v16 =	vld [tilespmem:s17+$0x4300];
	[tilespmem:s16+$0x8100] =	vst v22;
	v22 =	vadd.s32 $0x2400, v7;
	v19 =	vadd.f32 v19, v23  }
0xce: {  	v18 =	vld.idx.msk [tilespmem:v18+s1+$0x0], $0xffff;
	v23 =	vadd.s32 $0x2400, v6  }
0xcf: {  	v26 =	vadd.s32 $0xC00, v12;
	v25 =	vld.idx.msk [tilespmem:v25+s1+$0x0], $0xffff;
	v19 =	vadd.f32 v20, v19  }
0xd0: {  	v27 =	vadd.s32 $0xC00, v10;
	v21 =	vld.idx.msk [tilespmem:v21+s1+$0x0], $0xffff  }
0xd1: {  	v20 =	vld.idx.msk [tilespmem:v24+s1+$0x0], $0xffff;
	v24 =	vadd.s32 $0x2400, v5;
	[tilespmem:s15+$0xC000] =	vst v19  }
0xd2: {  	v19 =	vadd.s32 $0x2400, v3;
	v22 =	vld.idx.msk [tilespmem:v22+s1+$0x0], $0xffff  }
0xd3: {  	v28 =	vadd.s32 $0x2400, v4;
	v23 =	vld.idx.msk [tilespmem:v23+s1+$0x0], $0xffff  }
0xd4: {  	v29 =	vadd.s32 $0xC00, v8;
	v26 =	vld.idx.msk [tilespmem:v26+s1+$0x0], $0xffff  }
0xd5: {  	v31 =	vadd.s32 $0x2400, v1;
	v27 =	vld.idx.msk [tilespmem:v27+s1+$0x0], $0xffff  }
0xd6: {  	v24 =	vld.idx.msk [tilespmem:v24+s1+$0x0], $0xffff;
	v20 =	vadd.f32 v25, v20  }
0xd7: {  	v30 =	vadd.s32 $0x2400, v0;
	v19 =	vld.idx.msk [tilespmem:v19+s1+$0x0], $0xffff  }
0xd8: {  	v20 =	vadd.f32 v21, v20;
	v21 =	vadd.f32 v23, v22;
	v22 =	vld.idx.msk [tilespmem:v28+s1+$0x0], $0xffff  }
0xd9: {  	v25 =	vadd.s32 $0xC00, v9;
	v23 =	vld.idx.msk [tilespmem:v29+s1+$0x0], $0xffff  }
0xda: {  	v20 =	vadd.f32 v26, v20;
	v26 =	vld.idx.msk [tilespmem:v31+s1+$0x0], $0xffff  }
0xdb: {  	v28 =	vadd.s32 $0x2400, v2;
	v31 =	vld.idx.msk [tilespmem:v17+s1+$0x0], $0xffff;
	v21 =	vadd.f32 v24, v21  }
0xdc: {  	v24 =	vld.idx.msk [tilespmem:v30+s1+$0x0], $0xffff  }
0xdd: {  	v20 =	vadd.f32 v18, v20;
	v18 =	vld [tilespmem:s17+$0x4280];
	v19 =	vadd.f32 v19, v21  }
0xde: {  	v25 =	vld.idx.msk [tilespmem:v25+s1+$0x0], $0xffff  }
0xdf: {  	s20 =	simm.s32 $0x2;
	v21 =	vld [tilespmem:s17+$0x4180];
	v27 =	vadd.f32 v27, v20;
	v19 =	vadd.f32 v22, v19  }
0xe0: {  	s21 =	sand.u32 $0x7, s20;
	v28 =	vld.idx.msk [tilespmem:v28+s1+$0x0], $0xffff  }
0xe1: {  	s21 =	sshll.u32 s21, $0x4;
	v29 =	vadd.s32 $0x1000, v14;
	v20 =	vld [tilespmem:s17+$0x4200];
	v27 =	vadd.f32 v23, v27;
	v19 =	vadd.f32 v24, v19  }
0xe2: {  	s21 =	sadd.s32 $0x100, s21;
	v22 =	vld [tilespmem:s17+$0x4100];
	v24 =	vadd.s32 $0x1000, v15  }
0xe3: {  	s21 =	sor.u32 $0x380, s21;
	v23 =	vld [tilespmem:s17+$0x4080];
	v25 =	vadd.f32 v25, v27;
	v27 =	vadd.s32 $0x2800, v7;
	v26 =	vadd.f32 v26, v19  }
0xe4: {  	v30 =	vadd.s32 $0x2800, v6;
	v19 =	vld [tilespmem:s21+$0x4000]  }
0xe5: {  	[tilespmem:s16+$0x8180] =	vst v25;
	v25 =	vadd.s32 $0x1000, v11;
	v56 =	vld.idx.msk [tilespmem:v18+s1+$0x0], $0xffff;
	v26 =	vadd.f32 v28, v26  }
0xe6: {  	v32 =	vadd.s32 $0x1000, v12;
	v28 =	vld.idx.msk [tilespmem:v29+s1+$0x0], $0xffff  }
0xe7: {  	v29 =	vadd.s32 $0x2800, v5;
	v24 =	vld.idx.msk [tilespmem:v24+s1+$0x0], $0xffff;
	[tilespmem:s15+$0xC080] =	vst v26  }
0xe8: {  	v33 =	vadd.s32 $0x1000, v13;
	v26 =	vld.idx.msk [tilespmem:v27+s1+$0x0], $0xffff  }
0xe9: {  	v27 =	vadd.s32 $0x2800, v3;
	v30 =	vld.idx.msk [tilespmem:v30+s1+$0x0], $0xffff  }
0xea: {  	v34 =	vadd.s32 $0x2800, v4;
	v25 =	vld.idx.msk [tilespmem:v25+s1+$0x0], $0xffff  }
0xeb: {  	v35 =	vadd.s32 $0x1000, v10;
	v32 =	vld.idx.msk [tilespmem:v32+s1+$0x0], $0xffff  }
0xec: {  	v37 =	vadd.s32 $0x1000, v8;
	v29 =	vld.idx.msk [tilespmem:v29+s1+$0x0], $0xffff  }
0xed: {  	v36 =	vadd.s32 $0x2800, v0;
	v24 =	vadd.f32 v24, v28;
	v28 =	vld.idx.msk [tilespmem:v33+s1+$0x0], $0xffff  }
0xee: {  	v51 =	vadd.s32 $0x2800, v1;
	v27 =	vld.idx.msk [tilespmem:v27+s1+$0x0], $0xffff  }
0xef: {  	v38 =	vadd.s32 $0x1000, v9;
	v26 =	vadd.f32 v30, v26;
	v30 =	vld.idx.msk [tilespmem:v34+s1+$0x0], $0xffff;
	v24 =	vadd.f32 v25, v24  }
0xf0: {  	v25 =	vld.idx.msk [tilespmem:v35+s1+$0x0], $0xffff  }
0xf1: {  	v52 =	vadd.s32 $0x2800, v2;
	v53 =	vld.idx.msk [tilespmem:v37+s1+$0x0], $0xffff;
	v26 =	vadd.f32 v29, v26;
	v24 =	vadd.f32 v32, v24  }
0xf2: {  	v29 =	vld.idx.msk [tilespmem:v36+s1+$0x0], $0xffff  }
0xf3: {  	v26 =	vadd.f32 v27, v26;
	v27 =	vld.idx.msk [tilespmem:v51+s1+$0x0], $0xffff;
	v24 =	vadd.f32 v28, v24  }
0xf4: {  	v28 =	vld.idx.msk [tilespmem:v38+s1+$0x0], $0xffff  }
0xf5: {  	v57 =	vld.idx.msk [tilespmem:v21+s1+$0x0], $0xffff;
	v26 =	vadd.f32 v30, v26;
	v24 =	vadd.f32 v25, v24  }
0xf6: {  	v30 =	vld.idx.msk [tilespmem:v52+s1+$0x0], $0xffff  }
0xf7: {  	v55 =	vadd.s32 $0x1400, v14;
	v58 =	vld.idx.msk [tilespmem:v20+s1+$0x0], $0xffff;
	v26 =	vadd.f32 v29, v26;
	v24 =	vadd.f32 v53, v24  }
0xf8: {  	v59 =	vadd.s32 $0x1400, v15;
	v54 =	vld.idx.msk [tilespmem:v23+s1+$0x0], $0xffff  }
0xf9: {  	v25 =	vld.idx.msk [tilespmem:v16+s1+$0x0], $0xffff;
	v26 =	vadd.f32 v27, v26;
	v27 =	vadd.s32 $0x2C00, v7;
	v24 =	vadd.f32 v28, v24  }
0xfa: {  	v29 =	vld.idx.msk [tilespmem:v22+s1+$0x0], $0xffff;
	v28 =	vadd.s32 $0x2C00, v6  }
0xfb: {  	v60 =	vadd.s32 $0x1400, v11;
	v26 =	vadd.f32 v30, v26;
	v30 =	vld.idx.msk [tilespmem:v19+s1+$0x0], $0xffff;
	[tilespmem:s16+$0x8200] =	vst v24  }
0xfc: {  	v24 =	vadd.s32 $0x2C00, v5;
	v32 =	vld.idx.msk [tilespmem:v55+s1+$0x0], $0xffff  }
0xfd: {  	v62 =	vadd.s32 $0x1400, v13;
	v31 =	vadd.f32 v54, v31;
	v37 =	vld.idx.msk [tilespmem:v59+s1+$0x0], $0xffff;
	[tilespmem:s15+$0xC100] =	vst v26  }
0xfe: {  	v26 =	vld.idx.msk [tilespmem:v27+s1+$0x0], $0xffff;
	v27 =	vadd.s32 $0x2C00, v3  }
0xff: {  	v61 =	vadd.s32 $0x2C00, v4;
	v29 =	vadd.f32 v29, v31;
	v28 =	vld.idx.msk [tilespmem:v28+s1+$0x0], $0xffff  }
0x100: {  	v31 =	vadd.s32 $0x1400, v12;
	v33 =	vld.idx.msk [tilespmem:v60+s1+$0x0], $0xffff  }
0x101: {  	v63 =	vadd.s32 $0x1400, v10;
	v29 =	vadd.f32 v57, v29;
	v24 =	vld.idx.msk [tilespmem:v24+s1+$0x0], $0xffff  }
0x102: {  	v39 =	vadd.s32 $0x2C00, v0;
	v35 =	vld.idx.msk [tilespmem:v62+s1+$0x0], $0xffff  }
0x103: {  	v43 =	vadd.s32 $0x2C00, v2;
	v29 =	vadd.f32 v58, v29;
	v27 =	vld.idx.msk [tilespmem:v27+s1+$0x0], $0xffff  }
0x104: {  	v40 =	vadd.s32 $0x2C00, v1;
	v42 =	vld.idx.msk [tilespmem:v61+s1+$0x0], $0xffff;
	v26 =	vadd.f32 v28, v26  }
0x105: {  	v44 =	vadd.s32 $0x1400, v9;
	v31 =	vld.idx.msk [tilespmem:v31+s1+$0x0], $0xffff;
	v28 =	vadd.f32 v56, v29  }
0x106: {  	v36 =	vld.idx.msk [tilespmem:v63+s1+$0x0], $0xffff;
	v32 =	vadd.f32 v37, v32;
	v29 =	vadd.s32 $0x1400, v8;
	v24 =	vadd.f32 v24, v26  }
0x107: {  	v25 =	vadd.f32 v25, v28;
	v26 =	vadd.s32 $0x400, v16;
	v28 =	vld.idx.msk [tilespmem:v39+s1+$0x0], $0xffff  }
0x108: {  	v45 =	vadd.s32 $0x400, v20;
	v46 =	vld.idx.msk [tilespmem:v43+s1+$0x0], $0xffff;
	v32 =	vadd.f32 v33, v32;
	v24 =	vadd.f32 v27, v24  }
0x109: {  	v47 =	vadd.s32 $0x400, v22;
	v25 =	vadd.f32 v30, v25;
	v30 =	vld.idx.msk [tilespmem:v40+s1+$0x0], $0xffff  }
0x10a: {  	v49 =	vadd.s32 $0x400, v23;
	v37 =	vld.idx.msk [tilespmem:v44+s1+$0x0], $0xffff;
	v31 =	vadd.f32 v31, v32;
	v24 =	vadd.f32 v42, v24  }
0x10b: {  	v27 =	vadd.s32 $0x400, v18;
	v29 =	vld.idx.msk [tilespmem:v29+s1+$0x0], $0xffff;
	[tilespmem:s17+$0x8000] =	vst v25  }
0x10c: {  	v31 =	vadd.f32 v35, v31;
	v25 =	vadd.s32 $0x400, v21;
	v26 =	vld.idx.msk [tilespmem:v26+s1+$0x0], $0xffff;
	v24 =	vadd.f32 v28, v24  }
0x10d: {  	v33 =	vld.idx.msk [tilespmem:v45+s1+$0x0], $0xffff;
	v28 =	vadd.s32 $0x400, v17  }
0x10e: {  	v31 =	vadd.f32 v36, v31;
	v32 =	vld.idx.msk [tilespmem:v47+s1+$0x0], $0xffff;
	v24 =	vadd.f32 v30, v24;
	v30 =	vadd.s32 $0x3000, v7  }
0x10f: {  	v48 =	vadd.s32 $0x3000, v6;
	v52 =	vld.idx.msk [tilespmem:v49+s1+$0x0], $0xffff  }
0x110: {  	v27 =	vld.idx.msk [tilespmem:v27+s1+$0x0], $0xffff;
	v29 =	vadd.f32 v29, v31;
	v31 =	vadd.s32 $0x1800, v14;
	v24 =	vadd.f32 v46, v24  }
0x111: {  	v50 =	vadd.s32 $0x3000, v5;
	v25 =	vld.idx.msk [tilespmem:v25+s1+$0x0], $0xffff  }
0x112: {  	v51 =	vadd.s32 $0x1800, v15;
	v29 =	vadd.f32 v37, v29;
	v28 =	vld.idx.msk [tilespmem:v28+s1+$0x0], $0xffff;
	[tilespmem:s15+$0xC180] =	vst v24  }
0x113: {  	v24 =	vld.idx.msk [tilespmem:v30+s1+$0x0], $0xffff;
	v30 =	vadd.s32 $0x3000, v3  }
0x114: {  	v53 =	vadd.s32 $0x3000, v4;
	[tilespmem:s16+$0x8280] =	vst v29;
	v35 =	vld.idx.msk [tilespmem:v48+s1+$0x0], $0xffff  }
0x115: {  	v29 =	vadd.s32 $0x1800, v11;
	v31 =	vld.idx.msk [tilespmem:v31+s1+$0x0], $0xffff  }
0x116: {  	v55 =	vadd.s32 $0x1800, v12;
	v34 =	vld.idx.msk [tilespmem:v50+s1+$0x0], $0xffff  }
0x117: {  	v54 =	vadd.s32 $0x3000, v0;
	v36 =	vld.idx.msk [tilespmem:v51+s1+$0x0], $0xffff  }
0x118: {  	v41 =	vadd.s32 $0x3000, v1;
	v30 =	vld.idx.msk [tilespmem:v30+s1+$0x0], $0xffff  }
0x119: {  	v56 =	vadd.s32 $0x1800, v13;
	v38 =	vld.idx.msk [tilespmem:v53+s1+$0x0], $0xffff;
	v24 =	vadd.f32 v35, v24  }
0x11a: {  	v58 =	vadd.s32 $0x1800, v10;
	v29 =	vld.idx.msk [tilespmem:v29+s1+$0x0], $0xffff;
	v28 =	vadd.f32 v52, v28  }
0x11b: {  	v57 =	vadd.s32 $0x3000, v2;
	v40 =	vld.idx.msk [tilespmem:v55+s1+$0x0], $0xffff;
	v24 =	vadd.f32 v34, v24  }
0x11c: {  	v42 =	vadd.s32 $0x400, v19;
	v39 =	vld.idx.msk [tilespmem:v54+s1+$0x0], $0xffff;
	v28 =	vadd.f32 v32, v28  }
0x11d: {  	v59 =	vld.idx.msk [tilespmem:v41+s1+$0x0], $0xffff;
	v31 =	vadd.f32 v36, v31;
	v24 =	vadd.f32 v30, v24;
	v30 =	vadd.s32 $0x1800, v8  }
0x11e: {  	v35 =	vld.idx.msk [tilespmem:v56+s1+$0x0], $0xffff;
	v25 =	vadd.f32 v25, v28  }
0x11f: {  	v28 =	vadd.s32 $0x1800, v9;
	v34 =	vld.idx.msk [tilespmem:v58+s1+$0x0], $0xffff;
	v29 =	vadd.f32 v29, v31;
	v24 =	vadd.f32 v38, v24  }
0x120: {  	v31 =	vld.idx.msk [tilespmem:v57+s1+$0x0], $0xffff;
	v25 =	vadd.f32 v33, v25  }
0x121: {  	v60 =	vld.idx.msk [tilespmem:v42+s1+$0x0], $0xffff;
	v29 =	vadd.f32 v40, v29;
	v24 =	vadd.f32 v39, v24  }
0x122: {  	v25 =	vadd.f32 v27, v25;
	v30 =	vld.idx.msk [tilespmem:v30+s1+$0x0], $0xffff  }
0x123: {  	v27 =	vadd.s32 $0x3400, v7;
	v29 =	vadd.f32 v35, v29;
	v24 =	vadd.f32 v59, v24  }
0x124: {  	v61 =	vadd.s32 $0x3400, v6;
	v62 =	vld.idx.msk [tilespmem:v28+s1+$0x0], $0xffff;
	v25 =	vadd.f32 v26, v25  }
0x125: {  	v63 =	vadd.s32 $0x800, v19;
	v26 =	vadd.f32 v34, v29;
	v24 =	vadd.f32 v31, v24  }
0x126: {  	v28 =	vadd.s32 $0x3400, v5  }
0x127: {  	v25 =	vadd.f32 v60, v25;
	[tilespmem:s15+$0xC200] =	vst v24;
	v29 =	vadd.f32 v30, v26;
	v30 =	vadd.s32 $0x1C00, v14  }
0x128: {  	v26 =	vadd.s32 $0x3400, v3;
	v24 =	vld.idx.msk [tilespmem:v27+s1+$0x0], $0xffff  }
0x129: {  	[tilespmem:s17+$0x8080] =	vst v25;
	v31 =	vadd.s32 $0x1C00, v15;
	v25 =	vld.idx.msk [tilespmem:v61+s1+$0x0], $0xffff;
	v32 =	vadd.f32 v62, v29  }
0x12a: {  	p0 =	por p1, p1;
	s22 =	simm.s32 $0x30;
	v27 =	vadd.s32 $0x3400, v4;
	v29 =	vld.idx.msk [tilespmem:v63+s1+$0x0], $0xffff  }
.LBB2_3:
0x12b: {  	p1 =	sne.s32 s22, $0x7F0;
	[tilespmem:s16+$0x8300] =	vst v32;
	v32 =	vadd.s32 $0x1C00, v11;
	v28 =	vld.idx.msk [tilespmem:v28+s1+$0x0], $0xffff  }
0x12c: {  	v33 =	vadd.s32 $0x3400, v0;
	v30 =	vld.idx.msk [tilespmem:v30+s1+$0x0], $0xffff  }
0x12d: {  	v34 =	vadd.s32 $0x1C00, v12;
	v26 =	vld.idx.msk [tilespmem:v26+s1+$0x0], $0xffff  }
0x12e: {  	v35 =	vadd.s32 $0x3400, v1;
	v31 =	vld.idx.msk [tilespmem:v31+s1+$0x0], $0xffff  }
0x12f: {  	v36 =	vadd.s32 $0x1C00, v13;
	v24 =	vadd.f32 v25, v24;
	v25 =	vld.idx.msk [tilespmem:v27+s1+$0x0], $0xffff  }
0x130: {  	v27 =	vld.idx.msk [tilespmem:v32+s1+$0x0], $0xffff;
	v32 =	vadd.s32 $0x3400, v2  }
0x131: {  	v37 =	vadd.s32 $0x800, v16;
	v24 =	vadd.f32 v28, v24;
	v28 =	vld.idx.msk [tilespmem:v33+s1+$0x0], $0xffff  }
0x132: {  	v33 =	vld.idx.msk [tilespmem:v34+s1+$0x0], $0xffff;
	v34 =	vadd.s32 $0x1C00, v10  }
0x133: {  	v38 =	vadd.s32 $0x800, v17;
	v24 =	vadd.f32 v26, v24;
	v26 =	vld.idx.msk [tilespmem:v35+s1+$0x0], $0xffff  }
0x134: {  	v35 =	vld.idx.msk [tilespmem:v36+s1+$0x0], $0xffff;
	v36 =	vadd.s32 $0x1C00, v8  }
0x135: {  	v39 =	vadd.s32 $0x800, v23;
	v30 =	vadd.f32 v31, v30;
	v24 =	vadd.f32 v25, v24;
	v25 =	vld.idx.msk [tilespmem:v32+s1+$0x0], $0xffff  }
0x136: {  	v32 =	vadd.s32 $0x1C00, v9;
	v31 =	vld.idx.msk [tilespmem:v37+s1+$0x0], $0xffff  }
0x137: {  	v27 =	vadd.f32 v27, v30;
	v37 =	vadd.s32 $0x800, v22;
	v24 =	vadd.f32 v28, v24;
	v30 =	vld.idx.msk [tilespmem:v34+s1+$0x0], $0xffff  }
0x138: {  	v34 =	vadd.s32 $0x800, v21;
	v28 =	vld.idx.msk [tilespmem:v38+s1+$0x0], $0xffff  }
0x139: {  	v27 =	vadd.f32 v33, v27;
	v24 =	vadd.f32 v26, v24;
	v26 =	vadd.s32 $0x3800, v7;
	v33 =	vld.idx.msk [tilespmem:v36+s1+$0x0], $0xffff  }
0x13a: {  	v38 =	vadd.s32 $0x3800, v6;
	v36 =	vld.idx.msk [tilespmem:v39+s1+$0x0], $0xffff  }
0x13b: {  	v27 =	vadd.f32 v35, v27;
	v39 =	vadd.s32 $0x800, v20;
	v24 =	vadd.f32 v25, v24;
	v32 =	vld.idx.msk [tilespmem:v32+s1+$0x0], $0xffff  }
0x13c: {  	v35 =	vadd.s32 $0x3800, v5;
	v25 =	vld.idx.msk [tilespmem:v37+s1+$0x0], $0xffff  }
0x13d: {  	v37 =	vadd.s32 $0x800, v18;
	v27 =	vadd.f32 v30, v27;
	v34 =	vld.idx.msk [tilespmem:v34+s1+$0x0], $0xffff;
	[tilespmem:s15+$0xC280] =	vst v24  }
0x13e: {  	v24 =	vld.idx.msk [tilespmem:v26+s1+$0x0], $0xffff;
	v26 =	vadd.s32 $0x3800, v3  }
0x13f: {  	v30 =	vadd.s32 $0x2000, v14;
	v27 =	vadd.f32 v33, v27;
	v33 =	vld.idx.msk [tilespmem:v38+s1+$0x0], $0xffff  }
0x140: {  	v28 =	vadd.f32 v36, v28;
	v38 =	vadd.s32 $0x3800, v4;
	v36 =	vld.idx.msk [tilespmem:v39+s1+$0x0], $0xffff  }
0x141: {  	v27 =	vadd.f32 v32, v27;
	v32 =	vadd.s32 $0x2000, v15;
	v35 =	vld.idx.msk [tilespmem:v35+s1+$0x0], $0xffff  }
0x142: {  	v25 =	vadd.f32 v25, v28;
	v28 =	vld.idx.msk [tilespmem:v37+s1+$0x0], $0xffff;
	v37 =	vadd.s32 $0x3800, v0  }
0x143: {  	[tilespmem:s18+$0x8000] =	vst v27;
	v27 =	vadd.s32 $0x2000, v11;
	v26 =	vld.idx.msk [tilespmem:v26+s1+$0x0], $0xffff;
	s18 =	smov.u32 s21  }
0x144: {  	v25 =	vadd.f32 v34, v25;
	v34 =	vadd.s32 $0x3800, v1;
	v30 =	vld.idx.msk [tilespmem:v30+s1+$0x0], $0xffff  }
0x145: {  	v39 =	vadd.s32 $0x2000, v12;
	v24 =	vadd.f32 v33, v24;
	v33 =	vld.idx.msk [tilespmem:v38+s1+$0x0], $0xffff  }
0x146: {  	v25 =	vadd.f32 v36, v25;
	v36 =	vadd.s32 $0x3800, v2;
	v32 =	vld.idx.msk [tilespmem:v32+s1+$0x0], $0xffff  }
0x147: {  	v24 =	vadd.f32 v35, v24;
	v35 =	vld.idx.msk [tilespmem:v37+s1+$0x0], $0xffff  }
0x148: {  	v25 =	vadd.f32 v28, v25;
	v28 =	vadd.s32 $0x2000, v13;
	v27 =	vld.idx.msk [tilespmem:v27+s1+$0x0], $0xffff  }
0x149: {  	s19 =	sadd.s32 $0x80, s19;
	v24 =	vadd.f32 v26, v24;
	v26 =	vld.idx.msk [tilespmem:v34+s1+$0x0], $0xffff  }
0x14a: {  	s23 =	sand.u32 $0x3C00, s19;
	s21 =	sand.u32 $0x70, s22;
	v25 =	vadd.f32 v31, v25;
	v34 =	vadd.s32 $0x2000, v10;
	v31 =	vld.idx.msk [tilespmem:v39+s1+$0x0], $0xffff  }
0x14b: {  	s21 =	sor.u32 s21, s23;
	v37 =	vadd.s32 $0xC00, v20;
	v24 =	vadd.f32 v33, v24;
	v33 =	vld.idx.msk [tilespmem:v36+s1+$0x0], $0xffff  }
0x14c: {  	v25 =	vadd.f32 v29, v25;
	v29 =	vadd.s32 $0x2000, v8;
	v36 =	vld [tilespmem:s21+$0x4300]  }
0x14d: {  	v38 =	vadd.s32 $0xC00, v21;
	v30 =	vadd.f32 v32, v30;
	v24 =	vadd.f32 v35, v24;
	v28 =	vld.idx.msk [tilespmem:v28+s1+$0x0], $0xffff  }
0x14e: {  	v35 =	vadd.s32 $0x2000, v9;
	v32 =	vld [tilespmem:s21+$0x4000]  }
0x14f: {  	v24 =	vadd.f32 v26, v24;
	v26 =	vadd.s32 $0x3C00, v7;
	[tilespmem:s17+$0x8100] =	vst v25;
	v25 =	vadd.f32 v27, v30;
	v27 =	vld.idx.msk [tilespmem:v34+s1+$0x0], $0xffff  }
0x150: {  	v7 =	vmovc v14;
	v14 =	vmovc v17;
	v34 =	vadd.s32 $0x3C00, v6;
	v6 =	vmov v15;
	v15 =	vmov v23;
	v30 =	vld.idx.msk [tilespmem:v37+s1+$0x0], $0xffff  }
0x151: {  	v23 =	vadd.s32 $0xC00, v22;
	v24 =	vadd.f32 v33, v24;
	v37 =	vadd.f32 v31, v25;
	v25 =	vld.idx.msk [tilespmem:v29+s1+$0x0], $0xffff  }
0x152: {  	v31 =	vadd.s32 $0x3C00, v5;
	v5 =	vmov v11;
	v11 =	vmov v22;
	v29 =	vld.idx.msk [tilespmem:v38+s1+$0x0], $0xffff  }
0x153: {  	v22 =	vadd.s32 $0xC00, v14;
	v28 =	vadd.f32 v28, v37;
	v33 =	vld.idx.msk [tilespmem:v35+s1+$0x0], $0xffff;
	[tilespmem:s15+$0xC300] =	vst v24;
	v17 =	vmov v32  }
0x154: {  	v24 =	vld.idx.msk [tilespmem:v26+s1+$0x0], $0xffff;
	v26 =	vadd.s32 $0x3C00, v3;
	v3 =	vmov v12;
	v12 =	vmov v21  }
0x155: {  	v21 =	vadd.s32 $0xC00, v15;
	v27 =	vadd.f32 v27, v28;
	v28 =	vld.idx.msk [tilespmem:v34+s1+$0x0], $0xffff  }
0x156: {  	v32 =	vadd.s32 $0x3C00, v4;
	v4 =	vmov v13;
	v13 =	vmov v20;
	v23 =	vld.idx.msk [tilespmem:v23+s1+$0x0], $0xffff  }
0x157: {  	v20 =	vadd.f32 v25, v27;
	v25 =	vadd.s32 $0x2400, v7;
	v27 =	vld.idx.msk [tilespmem:v31+s1+$0x0], $0xffff  }
0x158: {  	v31 =	vadd.s32 $0x3C00, v0;
	v0 =	vmov v10;
	v10 =	vmov v18;
	v22 =	vld.idx.msk [tilespmem:v22+s1+$0x0], $0xffff  }
0x159: {  	v18 =	vadd.f32 v33, v20;
	v20 =	vadd.s32 $0x2400, v6;
	v26 =	vld.idx.msk [tilespmem:v26+s1+$0x0], $0xffff  }
0x15a: {  	v33 =	vadd.s32 $0x3C00, v1;
	v1 =	vmovc v8;
	v8 =	vmov v16;
	v16 =	vmov v36;
	v21 =	vld.idx.msk [tilespmem:v21+s1+$0x0], $0xffff  }
0x15b: {  	v24 =	vadd.f32 v28, v24;
	[tilespmem:s16+$0xC000] =	vst v18;
	v18 =	vadd.s32 $0x2400, v5;
	v28 =	vld.idx.msk [tilespmem:v32+s1+$0x0], $0xffff  }
0x15c: {  	v32 =	vadd.s32 $0x3C00, v2;
	v2 =	vmov v9;
	v9 =	vmov v19;
	v25 =	vld.idx.msk [tilespmem:v25+s1+$0x0], $0xffff  }
0x15d: {  	v19 =	vadd.s32 $0x2400, v3;
	v24 =	vadd.f32 v27, v24;
	v27 =	vld.idx.msk [tilespmem:v31+s1+$0x0], $0xffff  }
0x15e: {  	v31 =	vadd.s32 $0xC00, v10;
	v20 =	vld.idx.msk [tilespmem:v20+s1+$0x0], $0xffff  }
0x15f: {  	v34 =	vadd.s32 $0x2400, v4;
	v24 =	vadd.f32 v26, v24;
	v26 =	vld.idx.msk [tilespmem:v33+s1+$0x0], $0xffff  }
0x160: {  	v33 =	vadd.s32 $0xC00, v8;
	v18 =	vld.idx.msk [tilespmem:v18+s1+$0x0], $0xffff  }
0x161: {  	v35 =	vadd.s32 $0x2400, v0;
	v24 =	vadd.f32 v28, v24;
	v28 =	vld.idx.msk [tilespmem:v32+s1+$0x0], $0xffff  }
0x162: {  	v21 =	vadd.f32 v21, v22;
	v22 =	vadd.s32 $0xC00, v9;
	v19 =	vld.idx.msk [tilespmem:v19+s1+$0x0], $0xffff  }
0x163: {  	v32 =	vadd.s32 $0x2400, v1;
	v24 =	vadd.f32 v27, v24;
	v31 =	vld.idx.msk [tilespmem:v31+s1+$0x0], $0xffff  }
0x164: {  	v21 =	vadd.f32 v23, v21;
	v20 =	vadd.f32 v20, v25;
	v23 =	vld.idx.msk [tilespmem:v34+s1+$0x0], $0xffff  }
0x165: {  	v27 =	vadd.s32 $0x2400, v2;
	v24 =	vadd.f32 v26, v24;
	v25 =	vld.idx.msk [tilespmem:v33+s1+$0x0], $0xffff  }
0x166: {  	v21 =	vadd.f32 v29, v21;
	v18 =	vadd.f32 v18, v20;
	v26 =	vld.idx.msk [tilespmem:v35+s1+$0x0], $0xffff  }
0x167: {  	v20 =	vadd.f32 v28, v24;
	v29 =	vld.idx.msk [tilespmem:v22+s1+$0x0], $0xffff  }
0x168: {  	v21 =	vadd.f32 v30, v21;
	v19 =	vadd.f32 v19, v18;
	v24 =	vld.idx.msk [tilespmem:v32+s1+$0x0], $0xffff  }
0x169: {  	v18 =	vld [tilespmem:s21+$0x4280];
	[tilespmem:s15+$0xC380] =	vst v20;
	s15 =	smov.u32 s16;
	s16 =	smov.u32 s17;
	s17 =	smov.u32 s21  }
0x16a: {  	s20 =	sadd.s32 $0x1, s20;
	v22 =	vadd.f32 v31, v21;
	v19 =	vadd.f32 v23, v19;
	v27 =	vld.idx.msk [tilespmem:v27+s1+$0x0], $0xffff  }
0x16b: {  	s21 =	sand.u32 $0x7, s20;
	v20 =	vld [tilespmem:s17+$0x4200]  }
0x16c: {  	v28 =	vadd.s32 $0x1000, v14;
	s21 =	sshll.u32 s21, $0x4;
	v25 =	vadd.f32 v25, v22;
	v19 =	vadd.f32 v26, v19;
	v21 =	vld [tilespmem:s17+$0x4180]  }
0x16d: {  	s21 =	sadd.s32 s21, s19;
	v26 =	vadd.s32 $0x1000, v15;
	v22 =	vld [tilespmem:s17+$0x4100]  }
0x16e: {  	s21 =	sor.u32 $0x380, s21;
	v25 =	vadd.f32 v29, v25;
	v29 =	vadd.s32 $0x2800, v7;
	v24 =	vadd.f32 v24, v19;
	v23 =	vld [tilespmem:s17+$0x4080]  }
0x16f: {  	v30 =	vadd.s32 $0x2800, v6;
	v19 =	vld [tilespmem:s21+$0x4000]  }
0x170: {  	v24 =	vadd.f32 v27, v24;
	v31 =	vld.idx.msk [tilespmem:v17+s1+$0x0], $0xffff;
	[tilespmem:s16+$0x8180] =	vst v25;
	v25 =	vadd.s32 $0x1000, v11  }
0x171: {  	v27 =	vld.idx.msk [tilespmem:v28+s1+$0x0], $0xffff;
	v28 =	vadd.s32 $0x2800, v5  }
0x172: {  	v32 =	vadd.s32 $0x1000, v12;
	v26 =	vld.idx.msk [tilespmem:v26+s1+$0x0], $0xffff;
	[tilespmem:s15+$0xC080] =	vst v24  }
0x173: {  	v24 =	vld.idx.msk [tilespmem:v29+s1+$0x0], $0xffff;
	v29 =	vadd.s32 $0x2800, v3  }
0x174: {  	v33 =	vadd.s32 $0x1000, v13;
	v30 =	vld.idx.msk [tilespmem:v30+s1+$0x0], $0xffff  }
0x175: {  	v34 =	vadd.s32 $0x2800, v4;
	v25 =	vld.idx.msk [tilespmem:v25+s1+$0x0], $0xffff  }
0x176: {  	v35 =	vadd.s32 $0x1000, v10;
	v28 =	vld.idx.msk [tilespmem:v28+s1+$0x0], $0xffff  }
0x177: {  	v36 =	vadd.s32 $0x2800, v0;
	v32 =	vld.idx.msk [tilespmem:v32+s1+$0x0], $0xffff  }
0x178: {  	v37 =	vadd.s32 $0x1000, v8;
	v29 =	vld.idx.msk [tilespmem:v29+s1+$0x0], $0xffff  }
0x179: {  	v26 =	vadd.f32 v26, v27;
	v27 =	vld.idx.msk [tilespmem:v33+s1+$0x0], $0xffff;
	v33 =	vadd.s32 $0x2800, v1  }
0x17a: {  	v38 =	vadd.s32 $0x1000, v9;
	v24 =	vadd.f32 v30, v24;
	v30 =	vld.idx.msk [tilespmem:v34+s1+$0x0], $0xffff  }
0x17b: {  	v25 =	vadd.f32 v25, v26;
	v34 =	vadd.s32 $0x2800, v2;
	v26 =	vld.idx.msk [tilespmem:v35+s1+$0x0], $0xffff  }
0x17c: {  	v24 =	vadd.f32 v28, v24;
	v28 =	vld.idx.msk [tilespmem:v36+s1+$0x0], $0xffff  }
0x17d: {  	v25 =	vadd.f32 v32, v25;
	v32 =	vld.idx.msk [tilespmem:v37+s1+$0x0], $0xffff  }
0x17e: {  	v24 =	vadd.f32 v29, v24;
	v29 =	vld.idx.msk [tilespmem:v33+s1+$0x0], $0xffff  }
0x17f: {  	v25 =	vadd.f32 v27, v25;
	v27 =	vld.idx.msk [tilespmem:v38+s1+$0x0], $0xffff  }
0x180: {  	v24 =	vadd.f32 v30, v24;
	v30 =	vld.idx.msk [tilespmem:v34+s1+$0x0], $0xffff  }
0x181: {  	v25 =	vadd.f32 v26, v25;
	v33 =	vld.idx.msk [tilespmem:v23+s1+$0x0], $0xffff  }
0x182: {  	v24 =	vadd.f32 v28, v24;
	v26 =	vld.idx.msk [tilespmem:v16+s1+$0x0], $0xffff  }
0x183: {  	v25 =	vadd.f32 v32, v25;
	v32 =	vadd.s32 $0x1400, v14;
	v28 =	vld.idx.msk [tilespmem:v22+s1+$0x0], $0xffff  }
0x184: {  	v24 =	vadd.f32 v29, v24;
	v29 =	vadd.s32 $0x2C00, v7;
	v34 =	vld.idx.msk [tilespmem:v18+s1+$0x0], $0xffff  }
0x185: {  	v25 =	vadd.f32 v27, v25;
	v27 =	vadd.s32 $0x2C00, v6;
	v35 =	vld.idx.msk [tilespmem:v21+s1+$0x0], $0xffff  }
0x186: {  	v37 =	vadd.s32 $0x1400, v15;
	v24 =	vadd.f32 v30, v24;
	v36 =	vld.idx.msk [tilespmem:v20+s1+$0x0], $0xffff  }
0x187: {  	v30 =	vadd.f32 v33, v31;
	v31 =	vld.idx.msk [tilespmem:v19+s1+$0x0], $0xffff;
	[tilespmem:s16+$0x8200] =	vst v25;
	v25 =	vadd.s32 $0x2C00, v5  }
0x188: {  	v33 =	vadd.s32 $0x1400, v11;
	v32 =	vld.idx.msk [tilespmem:v32+s1+$0x0], $0xffff;
	[tilespmem:s15+$0xC100] =	vst v24  }
0x189: {  	v24 =	vadd.f32 v28, v30;
	v28 =	vld.idx.msk [tilespmem:v29+s1+$0x0], $0xffff;
	v29 =	vadd.s32 $0x2C00, v3  }
0x18a: {  	v30 =	vadd.s32 $0x1400, v12;
	v27 =	vld.idx.msk [tilespmem:v27+s1+$0x0], $0xffff  }
0x18b: {  	v24 =	vadd.f32 v35, v24;
	v35 =	vld.idx.msk [tilespmem:v37+s1+$0x0], $0xffff;
	v37 =	vadd.s32 $0x2C00, v4  }
0x18c: {  	v38 =	vadd.s32 $0x1400, v13;
	v25 =	vld.idx.msk [tilespmem:v25+s1+$0x0], $0xffff  }
0x18d: {  	v24 =	vadd.f32 v36, v24;
	v36 =	vadd.s32 $0x2C00, v0;
	v33 =	vld.idx.msk [tilespmem:v33+s1+$0x0], $0xffff  }
0x18e: {  	v39 =	vadd.s32 $0x1400, v10;
	v29 =	vld.idx.msk [tilespmem:v29+s1+$0x0], $0xffff  }
0x18f: {  	v24 =	vadd.f32 v34, v24;
	v34 =	vadd.s32 $0x2C00, v1;
	v30 =	vld.idx.msk [tilespmem:v30+s1+$0x0], $0xffff  }
0x190: {  	v40 =	vadd.s32 $0x1400, v8;
	v27 =	vadd.f32 v27, v28;
	v28 =	vld.idx.msk [tilespmem:v37+s1+$0x0], $0xffff  }
0x191: {  	v24 =	vadd.f32 v26, v24;
	v37 =	vadd.s32 $0x2C00, v2;
	v26 =	vld.idx.msk [tilespmem:v38+s1+$0x0], $0xffff  }
0x192: {  	v32 =	vadd.f32 v35, v32;
	v38 =	vadd.s32 $0x400, v16;
	v25 =	vadd.f32 v25, v27;
	v27 =	vld.idx.msk [tilespmem:v36+s1+$0x0], $0xffff  }
0x193: {  	v35 =	vadd.s32 $0x1400, v9;
	v24 =	vadd.f32 v31, v24;
	v31 =	vld.idx.msk [tilespmem:v39+s1+$0x0], $0xffff  }
0x194: {  	v36 =	vadd.s32 $0x400, v18;
	v32 =	vadd.f32 v33, v32;
	v25 =	vadd.f32 v29, v25;
	v29 =	vld.idx.msk [tilespmem:v34+s1+$0x0], $0xffff  }
0x195: {  	v33 =	vadd.s32 $0x400, v20;
	v34 =	vld.idx.msk [tilespmem:v40+s1+$0x0], $0xffff  }
0x196: {  	v30 =	vadd.f32 v30, v32;
	v25 =	vadd.f32 v28, v25;
	[tilespmem:s17+$0x8000] =	vst v24;
	v24 =	vadd.s32 $0x400, v21;
	v28 =	vld.idx.msk [tilespmem:v37+s1+$0x0], $0xffff  }
0x197: {  	v32 =	vadd.s32 $0x400, v22;
	v37 =	vld.idx.msk [tilespmem:v38+s1+$0x0], $0xffff  }
0x198: {  	v26 =	vadd.f32 v26, v30;
	v38 =	vadd.s32 $0x400, v17;
	v25 =	vadd.f32 v27, v25;
	v30 =	vld.idx.msk [tilespmem:v35+s1+$0x0], $0xffff  }
0x199: {  	v27 =	vadd.s32 $0x400, v23;
	v35 =	vld.idx.msk [tilespmem:v36+s1+$0x0], $0xffff  }
0x19a: {  	v26 =	vadd.f32 v31, v26;
	v25 =	vadd.f32 v29, v25;
	v29 =	vadd.s32 $0x3000, v7;
	v33 =	vld.idx.msk [tilespmem:v33+s1+$0x0], $0xffff  }
0x19b: {  	v31 =	vadd.s32 $0x3000, v6;
	v24 =	vld.idx.msk [tilespmem:v24+s1+$0x0], $0xffff  }
0x19c: {  	v26 =	vadd.f32 v34, v26;
	v34 =	vadd.s32 $0x1800, v14;
	v25 =	vadd.f32 v28, v25;
	v32 =	vld.idx.msk [tilespmem:v32+s1+$0x0], $0xffff  }
0x19d: {  	v36 =	vadd.s32 $0x3000, v5;
	v28 =	vld.idx.msk [tilespmem:v38+s1+$0x0], $0xffff  }
0x19e: {  	v26 =	vadd.f32 v30, v26;
	v30 =	vadd.s32 $0x1800, v15;
	v27 =	vld.idx.msk [tilespmem:v27+s1+$0x0], $0xffff;
	[tilespmem:s15+$0xC180] =	vst v25  }
0x19f: {  	v25 =	vld.idx.msk [tilespmem:v29+s1+$0x0], $0xffff;
	v29 =	vadd.s32 $0x3000, v3  }
0x1a0: {  	[tilespmem:s16+$0x8280] =	vst v26;
	v26 =	vadd.s32 $0x1800, v11;
	v31 =	vld.idx.msk [tilespmem:v31+s1+$0x0], $0xffff  }
0x1a1: {  	v38 =	vadd.s32 $0x3000, v4;
	v34 =	vld.idx.msk [tilespmem:v34+s1+$0x0], $0xffff  }
0x1a2: {  	v39 =	vadd.s32 $0x1800, v12;
	v36 =	vld.idx.msk [tilespmem:v36+s1+$0x0], $0xffff  }
0x1a3: {  	v40 =	vadd.s32 $0x3000, v0;
	v30 =	vld.idx.msk [tilespmem:v30+s1+$0x0], $0xffff  }
0x1a4: {  	v41 =	vadd.s32 $0x1800, v13;
	v29 =	vld.idx.msk [tilespmem:v29+s1+$0x0], $0xffff  }
0x1a5: {  	v42 =	vadd.s32 $0x3000, v1;
	v26 =	vld.idx.msk [tilespmem:v26+s1+$0x0], $0xffff  }
0x1a6: {  	v43 =	vadd.s32 $0x1800, v10;
	v25 =	vadd.f32 v31, v25;
	v31 =	vld.idx.msk [tilespmem:v38+s1+$0x0], $0xffff  }
0x1a7: {  	v27 =	vadd.f32 v27, v28;
	v38 =	vadd.s32 $0x3000, v2;
	v28 =	vld.idx.msk [tilespmem:v39+s1+$0x0], $0xffff  }
0x1a8: {  	v39 =	vadd.s32 $0x400, v19;
	v25 =	vadd.f32 v36, v25;
	v36 =	vld.idx.msk [tilespmem:v40+s1+$0x0], $0xffff  }
0x1a9: {  	v27 =	vadd.f32 v32, v27;
	v40 =	vadd.s32 $0x1800, v8;
	v32 =	vld.idx.msk [tilespmem:v41+s1+$0x0], $0xffff  }
0x1aa: {  	v30 =	vadd.f32 v30, v34;
	v25 =	vadd.f32 v29, v25;
	v29 =	vld.idx.msk [tilespmem:v42+s1+$0x0], $0xffff  }
0x1ab: {  	v24 =	vadd.f32 v24, v27;
	v34 =	vadd.s32 $0x1800, v9;
	v27 =	vld.idx.msk [tilespmem:v43+s1+$0x0], $0xffff  }
0x1ac: {  	v26 =	vadd.f32 v26, v30;
	v25 =	vadd.f32 v31, v25;
	v30 =	vld.idx.msk [tilespmem:v38+s1+$0x0], $0xffff  }
0x1ad: {  	v24 =	vadd.f32 v33, v24;
	v31 =	vld.idx.msk [tilespmem:v39+s1+$0x0], $0xffff  }
0x1ae: {  	v26 =	vadd.f32 v28, v26;
	v25 =	vadd.f32 v36, v25;
	v33 =	vld.idx.msk [tilespmem:v40+s1+$0x0], $0xffff  }
0x1af: {  	v24 =	vadd.f32 v35, v24  }
0x1b0: {  	v26 =	vadd.f32 v32, v26;
	v25 =	vadd.f32 v29, v25;
	v29 =	vadd.s32 $0x3400, v7;
	v32 =	vld.idx.msk [tilespmem:v34+s1+$0x0], $0xffff  }
0x1b1: {  	v24 =	vadd.f32 v37, v24;
	v34 =	vadd.s32 $0x3400, v6  }
0x1b2: {  	v35 =	vadd.s32 $0x800, v19;
	v26 =	vadd.f32 v27, v26;
	v25 =	vadd.f32 v30, v25  }
.Ltmp0:
0x1b3: {  	v28 =	vadd.s32 $0x3400, v5;
	(pc) =	sbr.rel @p1 .LBB2_3-.Ltmp0, $4  }
0x1b4: {  	v30 =	vadd.s32 $0x1C00, v14;
	v27 =	vadd.f32 v31, v24;
	v31 =	vadd.f32 v33, v26;
	[tilespmem:s15+$0xC200] =	vst v25  }
0x1b5: {  	v26 =	vadd.s32 $0x3400, v3;
	v24 =	vld.idx.msk [tilespmem:v29+s1+$0x0], $0xffff  }
0x1b6: {  	v32 =	vadd.f32 v32, v31;
	v31 =	vadd.s32 $0x1C00, v15;
	[tilespmem:s17+$0x8080] =	vst v27;
	v25 =	vld.idx.msk [tilespmem:v34+s1+$0x0], $0xffff  }
0x1b7: {  	s22 =	sadd.s32 $0x10, s22;
	v27 =	vadd.s32 $0x3400, v4;
	v29 =	vld.idx.msk [tilespmem:v35+s1+$0x0], $0xffff  }
0x1b8: {  	v33 =	vadd.s32 $0x800, v17  }
0x1b9: {  	v34 =	vadd.s32 $0x800, v23;
	_ =	sdelay $0x1  }
0x1ba: {  	v35 =	vadd.s32 $0x800, v22;
	_ =	sdelay $0x1  }
0x1bb: {  	v36 =	vadd.s32 $0x800, v21;
	v33 =	vld.idx.msk [tilespmem:v33+s1+$0x0], $0xffff  }
0x1bc: {  	v34 =	vld.idx.msk [tilespmem:v34+s1+$0x0], $0xffff  }
0x1bd: {  	v37 =	vadd.s32 $0x800, v20  }
0x1be: {  	v35 =	vld.idx.msk [tilespmem:v35+s1+$0x0], $0xffff  }
0x1bf: {  	v38 =	vadd.s32 $0x800, v18  }
0x1c0: {  	v36 =	vld.idx.msk [tilespmem:v36+s1+$0x0], $0xffff  }
0x1c1: {  	v39 =	vadd.s32 $0x800, v16;
	v33 =	vadd.f32 v34, v33  }
0x1c2: {  	v41 =	vld.idx.msk [tilespmem:v37+s1+$0x0], $0xffff  }
0x1c3: {  	v33 =	vadd.f32 v35, v33  }
0x1c4: {  	v42 =	vld.idx.msk [tilespmem:v38+s1+$0x0], $0xffff  }
0x1c5: {  	v33 =	vadd.f32 v36, v33  }
0x1c6: {  	v43 =	vld.idx.msk [tilespmem:v39+s1+$0x0], $0xffff  }
0x1c7: {  	v33 =	vadd.f32 v41, v33;
	_ =	sdelay $0x1  }
0x1c8: {  	v33 =	vadd.f32 v42, v33;
	_ =	sdelay $0x1  }
0x1c9: {  	v44 =	vadd.s32 $0xC00, v17;
	v33 =	vadd.f32 v43, v33  }
0x1ca: {  	v45 =	vadd.s32 $0xC00, v23  }
0x1cb: {  	v29 =	vadd.f32 v29, v33  }
0x1cc: {  	v46 =	vadd.s32 $0xC00, v22  }
0x1cd: {  	[tilespmem:s17+$0x8100] =	vst v29  }
0x1ce: {  	v47 =	vadd.s32 $0xC00, v21;
	v34 =	vld.idx.msk [tilespmem:v44+s1+$0x0], $0xffff  }
0x1cf: {  	v35 =	vld.idx.msk [tilespmem:v45+s1+$0x0], $0xffff  }
0x1d0: {  	v48 =	vadd.s32 $0xC00, v20  }
0x1d1: {  	v33 =	vld.idx.msk [tilespmem:v46+s1+$0x0], $0xffff  }
0x1d2: {  	v49 =	vadd.s32 $0xC00, v18  }
0x1d3: {  	v29 =	vld.idx.msk [tilespmem:v47+s1+$0x0], $0xffff  }
0x1d4: {  	v50 =	vadd.s32 $0xC00, v16;
	v34 =	vadd.f32 v35, v34  }
0x1d5: {  	v51 =	vld.idx.msk [tilespmem:v48+s1+$0x0], $0xffff  }
0x1d6: {  	v52 =	vadd.s32 $0xC00, v19;
	v33 =	vadd.f32 v33, v34  }
0x1d7: {  	v53 =	vld.idx.msk [tilespmem:v49+s1+$0x0], $0xffff  }
0x1d8: {  	v29 =	vadd.f32 v29, v33  }
0x1d9: {  	v54 =	vld.idx.msk [tilespmem:v50+s1+$0x0], $0xffff  }
0x1da: {  	v29 =	vadd.f32 v51, v29  }
0x1db: {  	v55 =	vld.idx.msk [tilespmem:v52+s1+$0x0], $0xffff  }
0x1dc: {  	v29 =	vadd.f32 v53, v29;
	_ =	sdelay $0x1  }
0x1dd: {  	v56 =	vadd.s32 $0x1000, v17;
	v29 =	vadd.f32 v54, v29  }
0x1de: {  	v57 =	vadd.s32 $0x1000, v23  }
0x1df: {  	v29 =	vadd.f32 v55, v29  }
0x1e0: {  	v58 =	vadd.s32 $0x1000, v22  }
0x1e1: {  	[tilespmem:s17+$0x8180] =	vst v29  }
0x1e2: {  	v59 =	vadd.s32 $0x1000, v21;
	v29 =	vld.idx.msk [tilespmem:v56+s1+$0x0], $0xffff  }
0x1e3: {  	v34 =	vld.idx.msk [tilespmem:v57+s1+$0x0], $0xffff  }
0x1e4: {  	v60 =	vadd.s32 $0x1000, v20  }
0x1e5: {  	v35 =	vld.idx.msk [tilespmem:v58+s1+$0x0], $0xffff  }
0x1e6: {  	v61 =	vadd.s32 $0x1000, v18  }
0x1e7: {  	v33 =	vld.idx.msk [tilespmem:v59+s1+$0x0], $0xffff  }
0x1e8: {  	v62 =	vadd.s32 $0x1000, v16;
	v29 =	vadd.f32 v34, v29  }
0x1e9: {  	v63 =	vld.idx.msk [tilespmem:v60+s1+$0x0], $0xffff  }
0x1ea: {  	v40 =	vadd.s32 $0x1000, v19;
	v29 =	vadd.f32 v35, v29  }
0x1eb: {  	v41 =	vld.idx.msk [tilespmem:v61+s1+$0x0], $0xffff  }
0x1ec: {  	v29 =	vadd.f32 v33, v29  }
0x1ed: {  	v42 =	vld.idx.msk [tilespmem:v62+s1+$0x0], $0xffff  }
0x1ee: {  	v29 =	vadd.f32 v63, v29  }
0x1ef: {  	v43 =	vld.idx.msk [tilespmem:v40+s1+$0x0], $0xffff  }
0x1f0: {  	v29 =	vadd.f32 v41, v29;
	_ =	sdelay $0x1  }
0x1f1: {  	v44 =	vadd.s32 $0x1400, v17;
	v29 =	vadd.f32 v42, v29  }
0x1f2: {  	v45 =	vadd.s32 $0x1400, v23  }
0x1f3: {  	v29 =	vadd.f32 v43, v29  }
0x1f4: {  	v46 =	vadd.s32 $0x1400, v22  }
0x1f5: {  	[tilespmem:s17+$0x8200] =	vst v29  }
0x1f6: {  	v47 =	vadd.s32 $0x1400, v21;
	v29 =	vld.idx.msk [tilespmem:v44+s1+$0x0], $0xffff  }
0x1f7: {  	v35 =	vld.idx.msk [tilespmem:v45+s1+$0x0], $0xffff  }
0x1f8: {  	v48 =	vadd.s32 $0x1400, v20  }
0x1f9: {  	v34 =	vld.idx.msk [tilespmem:v46+s1+$0x0], $0xffff  }
0x1fa: {  	v49 =	vadd.s32 $0x1400, v18  }
0x1fb: {  	v33 =	vld.idx.msk [tilespmem:v47+s1+$0x0], $0xffff  }
0x1fc: {  	v50 =	vadd.s32 $0x1400, v16;
	v29 =	vadd.f32 v35, v29  }
0x1fd: {  	v51 =	vld.idx.msk [tilespmem:v48+s1+$0x0], $0xffff  }
0x1fe: {  	v52 =	vadd.s32 $0x1400, v19;
	v29 =	vadd.f32 v34, v29  }
0x1ff: {  	v53 =	vld.idx.msk [tilespmem:v49+s1+$0x0], $0xffff  }
0x200: {  	v29 =	vadd.f32 v33, v29  }
0x201: {  	v54 =	vld.idx.msk [tilespmem:v50+s1+$0x0], $0xffff  }
0x202: {  	v29 =	vadd.f32 v51, v29  }
0x203: {  	v55 =	vld.idx.msk [tilespmem:v52+s1+$0x0], $0xffff  }
0x204: {  	v29 =	vadd.f32 v53, v29;
	_ =	sdelay $0x1  }
0x205: {  	v56 =	vadd.s32 $0x1800, v17;
	v29 =	vadd.f32 v54, v29  }
0x206: {  	v57 =	vadd.s32 $0x1800, v23  }
0x207: {  	v29 =	vadd.f32 v55, v29  }
0x208: {  	v58 =	vadd.s32 $0x1800, v22  }
0x209: {  	[tilespmem:s17+$0x8280] =	vst v29  }
0x20a: {  	v59 =	vadd.s32 $0x1800, v21;
	v29 =	vld.idx.msk [tilespmem:v56+s1+$0x0], $0xffff  }
0x20b: {  	v34 =	vld.idx.msk [tilespmem:v57+s1+$0x0], $0xffff  }
0x20c: {  	v60 =	vadd.s32 $0x1800, v20  }
0x20d: {  	v35 =	vld.idx.msk [tilespmem:v58+s1+$0x0], $0xffff  }
0x20e: {  	v61 =	vadd.s32 $0x1800, v18  }
0x20f: {  	v33 =	vld.idx.msk [tilespmem:v59+s1+$0x0], $0xffff  }
0x210: {  	v62 =	vadd.s32 $0x1800, v16;
	v29 =	vadd.f32 v34, v29  }
0x211: {  	v63 =	vld.idx.msk [tilespmem:v60+s1+$0x0], $0xffff  }
0x212: {  	v40 =	vadd.s32 $0x1800, v19;
	v29 =	vadd.f32 v35, v29  }
0x213: {  	v41 =	vld.idx.msk [tilespmem:v61+s1+$0x0], $0xffff  }
0x214: {  	v29 =	vadd.f32 v33, v29  }
0x215: {  	v42 =	vld.idx.msk [tilespmem:v62+s1+$0x0], $0xffff  }
0x216: {  	v29 =	vadd.f32 v63, v29  }
0x217: {  	v43 =	vld.idx.msk [tilespmem:v40+s1+$0x0], $0xffff  }
0x218: {  	v29 =	vadd.f32 v41, v29  }
0x219: {  	v44 =	vadd.s32 $0x1C00, v11  }
0x21a: {  	v45 =	vadd.s32 $0x1C00, v17;
	v29 =	vadd.f32 v42, v29  }
0x21b: {  	[tilespmem:s16+$0x8300] =	vst v32;
	v46 =	vadd.s32 $0x1C00, v23  }
0x21c: {  	v30 =	vld.idx.msk [tilespmem:v30+s1+$0x0], $0xffff;
	v47 =	vadd.s32 $0x1C00, v12;
	v29 =	vadd.f32 v43, v29  }
0x21d: {  	v31 =	vld.idx.msk [tilespmem:v31+s1+$0x0], $0xffff;
	v48 =	vadd.s32 $0x1C00, v22  }
0x21e: {  	v49 =	vadd.s32 $0x1C00, v13;
	v35 =	vld.idx.msk [tilespmem:v44+s1+$0x0], $0xffff;
	[tilespmem:s17+$0x8300] =	vst v29  }
0x21f: {  	v50 =	vadd.s32 $0x1C00, v21;
	v29 =	vld.idx.msk [tilespmem:v45+s1+$0x0], $0xffff  }
0x220: {  	v51 =	vadd.s32 $0x1C00, v10;
	v32 =	vld.idx.msk [tilespmem:v46+s1+$0x0], $0xffff  }
0x221: {  	v52 =	vadd.s32 $0x1C00, v20;
	v36 =	vld.idx.msk [tilespmem:v47+s1+$0x0], $0xffff  }
0x222: {  	v30 =	vadd.f32 v31, v30;
	v40 =	vadd.s32 $0x1C00, v8;
	v53 =	vld.idx.msk [tilespmem:v48+s1+$0x0], $0xffff  }
0x223: {  	v54 =	vld.idx.msk [tilespmem:v49+s1+$0x0], $0xffff;
	v55 =	vadd.s32 $0x1C00, v18  }
0x224: {  	v30 =	vadd.f32 v35, v30;
	v41 =	vadd.s32 $0x1C00, v9;
	v33 =	vld.idx.msk [tilespmem:v50+s1+$0x0], $0xffff  }
0x225: {  	v56 =	vld.idx.msk [tilespmem:v51+s1+$0x0], $0xffff;
	v57 =	vadd.s32 $0x1C00, v16;
	v29 =	vadd.f32 v32, v29  }
0x226: {  	v30 =	vadd.f32 v36, v30;
	v58 =	vld.idx.msk [tilespmem:v52+s1+$0x0], $0xffff  }
0x227: {  	v60 =	vadd.s32 $0x1C00, v19;
	v59 =	vld.idx.msk [tilespmem:v40+s1+$0x0], $0xffff;
	v29 =	vadd.f32 v53, v29  }
0x228: {  	v30 =	vadd.f32 v54, v30;
	v61 =	vld.idx.msk [tilespmem:v55+s1+$0x0], $0xffff  }
0x229: {  	v62 =	vld.idx.msk [tilespmem:v41+s1+$0x0], $0xffff;
	v29 =	vadd.f32 v33, v29  }
0x22a: {  	v30 =	vadd.f32 v56, v30;
	v63 =	vld.idx.msk [tilespmem:v57+s1+$0x0], $0xffff  }
0x22b: {  	v29 =	vadd.f32 v58, v29  }
0x22c: {  	v40 =	vadd.s32 $0x2000, v14;
	v30 =	vadd.f32 v59, v30;
	v41 =	vld.idx.msk [tilespmem:v60+s1+$0x0], $0xffff  }
0x22d: {  	v42 =	vadd.s32 $0x2000, v15;
	v29 =	vadd.f32 v61, v29  }
0x22e: {  	v43 =	vadd.s32 $0x2000, v11;
	v30 =	vadd.f32 v62, v30  }
0x22f: {  	v44 =	vadd.s32 $0x2000, v17;
	v29 =	vadd.f32 v63, v29  }
0x230: {  	v45 =	vadd.s32 $0x2000, v23;
	[tilespmem:s18+$0x8000] =	vst v30  }
0x231: {  	v46 =	vadd.s32 $0x2000, v12;
	v32 =	vld.idx.msk [tilespmem:v40+s1+$0x0], $0xffff;
	v29 =	vadd.f32 v41, v29  }
0x232: {  	v48 =	vadd.s32 $0x2000, v22;
	v47 =	vld.idx.msk [tilespmem:v42+s1+$0x0], $0xffff  }
0x233: {  	v49 =	vadd.s32 $0x2000, v13;
	v31 =	vld.idx.msk [tilespmem:v43+s1+$0x0], $0xffff;
	[tilespmem:s21+$0x8000] =	vst v29  }
0x234: {  	v50 =	vadd.s32 $0x2000, v21;
	v29 =	vld.idx.msk [tilespmem:v44+s1+$0x0], $0xffff  }
0x235: {  	v51 =	vadd.s32 $0x2000, v10;
	v30 =	vld.idx.msk [tilespmem:v45+s1+$0x0], $0xffff  }
0x236: {  	v52 =	vadd.s32 $0x2000, v20;
	v34 =	vld.idx.msk [tilespmem:v46+s1+$0x0], $0xffff  }
0x237: {  	v53 =	vadd.s32 $0x2000, v8;
	v32 =	vadd.f32 v47, v32;
	v54 =	vld.idx.msk [tilespmem:v48+s1+$0x0], $0xffff  }
0x238: {  	v56 =	vadd.s32 $0x2000, v18;
	v55 =	vld.idx.msk [tilespmem:v49+s1+$0x0], $0xffff  }
0x239: {  	v57 =	vadd.s32 $0x2000, v9;
	v31 =	vadd.f32 v31, v32;
	v58 =	vld.idx.msk [tilespmem:v50+s1+$0x0], $0xffff  }
0x23a: {  	v60 =	vadd.s32 $0x2000, v16;
	v59 =	vld.idx.msk [tilespmem:v51+s1+$0x0], $0xffff;
	v29 =	vadd.f32 v30, v29  }
0x23b: {  	v61 =	vadd.f32 v34, v31;
	v62 =	vld.idx.msk [tilespmem:v52+s1+$0x0], $0xffff  }
0x23c: {  	v42 =	vadd.s32 $0x2000, v19;
	v63 =	vld.idx.msk [tilespmem:v53+s1+$0x0], $0xffff;
	v29 =	vadd.f32 v54, v29  }
0x23d: {  	v43 =	vld.idx.msk [tilespmem:v56+s1+$0x0], $0xffff;
	v30 =	vadd.f32 v55, v61  }
0x23e: {  	v44 =	vld.idx.msk [tilespmem:v57+s1+$0x0], $0xffff;
	v29 =	vadd.f32 v58, v29  }
0x23f: {  	v45 =	vld.idx.msk [tilespmem:v60+s1+$0x0], $0xffff;
	v30 =	vadd.f32 v59, v30  }
0x240: {  	v29 =	vadd.f32 v62, v29  }
0x241: {  	v46 =	vadd.s32 $0x2400, v14;
	v47 =	vld.idx.msk [tilespmem:v42+s1+$0x0], $0xffff;
	v30 =	vadd.f32 v63, v30  }
0x242: {  	v48 =	vadd.s32 $0x2400, v15;
	v29 =	vadd.f32 v43, v29  }
0x243: {  	v49 =	vadd.s32 $0x2400, v11;
	v30 =	vadd.f32 v44, v30  }
0x244: {  	v50 =	vadd.s32 $0x2400, v17;
	v29 =	vadd.f32 v45, v29  }
0x245: {  	v51 =	vadd.s32 $0x2400, v23;
	[tilespmem:s16+$0xC000] =	vst v30  }
0x246: {  	v52 =	vadd.s32 $0x2400, v12;
	v31 =	vld.idx.msk [tilespmem:v46+s1+$0x0], $0xffff;
	v29 =	vadd.f32 v47, v29  }
0x247: {  	v54 =	vadd.s32 $0x2400, v22;
	v53 =	vld.idx.msk [tilespmem:v48+s1+$0x0], $0xffff  }
0x248: {  	v55 =	vadd.s32 $0x2400, v13;
	v35 =	vld.idx.msk [tilespmem:v49+s1+$0x0], $0xffff;
	[tilespmem:s17+$0xC000] =	vst v29  }
0x249: {  	v56 =	vadd.s32 $0x2400, v21;
	v29 =	vld.idx.msk [tilespmem:v50+s1+$0x0], $0xffff  }
0x24a: {  	v57 =	vadd.s32 $0x2400, v10;
	v30 =	vld.idx.msk [tilespmem:v51+s1+$0x0], $0xffff  }
0x24b: {  	v58 =	vadd.s32 $0x2400, v20;
	v36 =	vld.idx.msk [tilespmem:v52+s1+$0x0], $0xffff  }
0x24c: {  	v59 =	vadd.s32 $0x2400, v8;
	v31 =	vadd.f32 v53, v31;
	v60 =	vld.idx.msk [tilespmem:v54+s1+$0x0], $0xffff  }
0x24d: {  	v62 =	vadd.s32 $0x2400, v18;
	v61 =	vld.idx.msk [tilespmem:v55+s1+$0x0], $0xffff  }
0x24e: {  	v63 =	vadd.s32 $0x2400, v9;
	v32 =	vld.idx.msk [tilespmem:v56+s1+$0x0], $0xffff;
	v31 =	vadd.f32 v35, v31  }
0x24f: {  	v44 =	vld.idx.msk [tilespmem:v57+s1+$0x0], $0xffff;
	v45 =	vadd.s32 $0x2400, v16;
	v29 =	vadd.f32 v30, v29  }
0x250: {  	v47 =	vld.idx.msk [tilespmem:v58+s1+$0x0], $0xffff;
	v46 =	vadd.f32 v36, v31  }
0x251: {  	v48 =	vld.idx.msk [tilespmem:v59+s1+$0x0], $0xffff;
	v49 =	vadd.s32 $0x2400, v19;
	v29 =	vadd.f32 v60, v29  }
0x252: {  	v50 =	vld.idx.msk [tilespmem:v62+s1+$0x0], $0xffff;
	v30 =	vadd.f32 v61, v46  }
0x253: {  	v51 =	vld.idx.msk [tilespmem:v63+s1+$0x0], $0xffff;
	v29 =	vadd.f32 v32, v29  }
0x254: {  	v52 =	vld.idx.msk [tilespmem:v45+s1+$0x0], $0xffff;
	v30 =	vadd.f32 v44, v30  }
0x255: {  	v29 =	vadd.f32 v47, v29  }
0x256: {  	v53 =	vadd.s32 $0x2800, v14;
	v54 =	vld.idx.msk [tilespmem:v49+s1+$0x0], $0xffff;
	v30 =	vadd.f32 v48, v30  }
0x257: {  	v55 =	vadd.s32 $0x2800, v15;
	v29 =	vadd.f32 v50, v29  }
0x258: {  	v56 =	vadd.s32 $0x2800, v11;
	v30 =	vadd.f32 v51, v30  }
0x259: {  	v57 =	vadd.s32 $0x2800, v17;
	v29 =	vadd.f32 v52, v29  }
0x25a: {  	v28 =	vld.idx.msk [tilespmem:v28+s1+$0x0], $0xffff;
	v58 =	vadd.s32 $0x2800, v23;
	[tilespmem:s16+$0xC080] =	vst v30  }
0x25b: {  	v59 =	vadd.s32 $0x2800, v12;
	v31 =	vld.idx.msk [tilespmem:v53+s1+$0x0], $0xffff;
	v29 =	vadd.f32 v54, v29  }
0x25c: {  	v61 =	vadd.s32 $0x2800, v22;
	v60 =	vld.idx.msk [tilespmem:v55+s1+$0x0], $0xffff  }
0x25d: {  	v62 =	vadd.s32 $0x2800, v13;
	v33 =	vld.idx.msk [tilespmem:v56+s1+$0x0], $0xffff;
	[tilespmem:s17+$0xC080] =	vst v29  }
0x25e: {  	v63 =	vadd.s32 $0x2800, v21;
	v29 =	vld.idx.msk [tilespmem:v57+s1+$0x0], $0xffff  }
0x25f: {  	v44 =	vadd.s32 $0x2800, v10;
	v30 =	vld.idx.msk [tilespmem:v58+s1+$0x0], $0xffff  }
0x260: {  	v45 =	vadd.s32 $0x2800, v20;
	v34 =	vld.idx.msk [tilespmem:v59+s1+$0x0], $0xffff  }
0x261: {  	v46 =	vadd.s32 $0x2800, v8;
	v31 =	vadd.f32 v60, v31;
	v47 =	vld.idx.msk [tilespmem:v61+s1+$0x0], $0xffff  }
0x262: {  	v49 =	vadd.s32 $0x2800, v18;
	v48 =	vld.idx.msk [tilespmem:v62+s1+$0x0], $0xffff  }
0x263: {  	v50 =	vadd.s32 $0x2800, v9;
	v32 =	vld.idx.msk [tilespmem:v63+s1+$0x0], $0xffff;
	v31 =	vadd.f32 v33, v31  }
0x264: {  	v51 =	vld.idx.msk [tilespmem:v44+s1+$0x0], $0xffff;
	v52 =	vadd.s32 $0x2800, v16;
	v29 =	vadd.f32 v30, v29  }
0x265: {  	v54 =	vld.idx.msk [tilespmem:v45+s1+$0x0], $0xffff;
	v53 =	vadd.f32 v34, v31  }
0x266: {  	v55 =	vld.idx.msk [tilespmem:v46+s1+$0x0], $0xffff;
	v56 =	vadd.s32 $0x2800, v19;
	v29 =	vadd.f32 v47, v29  }
0x267: {  	v57 =	vld.idx.msk [tilespmem:v49+s1+$0x0], $0xffff;
	v30 =	vadd.f32 v48, v53  }
0x268: {  	v62 =	vadd.s32 $0x3400, v2;
	v59 =	vld.idx.msk [tilespmem:v50+s1+$0x0], $0xffff;
	v29 =	vadd.f32 v32, v29  }
0x269: {  	v58 =	vadd.s32 $0x3400, v0;
	v61 =	vld.idx.msk [tilespmem:v52+s1+$0x0], $0xffff;
	v30 =	vadd.f32 v51, v30  }
0x26a: {  	v26 =	vld.idx.msk [tilespmem:v26+s1+$0x0], $0xffff;
	v60 =	vadd.s32 $0x3400, v1;
	v29 =	vadd.f32 v54, v29  }
0x26b: {  	v63 =	vadd.s32 $0x2C00, v14;
	v42 =	vld.idx.msk [tilespmem:v56+s1+$0x0], $0xffff;
	v30 =	vadd.f32 v55, v30  }
0x26c: {  	v27 =	vld.idx.msk [tilespmem:v27+s1+$0x0], $0xffff;
	v43 =	vadd.s32 $0x2C00, v15;
	v29 =	vadd.f32 v57, v29  }
0x26d: {  	v37 =	vld.idx.msk [tilespmem:v62+s1+$0x0], $0xffff;
	v45 =	vadd.s32 $0x2C00, v11;
	v30 =	vadd.f32 v59, v30  }
0x26e: {  	v46 =	vadd.s32 $0x2C00, v17;
	v44 =	vld.idx.msk [tilespmem:v58+s1+$0x0], $0xffff;
	v29 =	vadd.f32 v61, v29  }
0x26f: {  	v47 =	vadd.s32 $0x2C00, v23;
	v32 =	vld.idx.msk [tilespmem:v60+s1+$0x0], $0xffff;
	[tilespmem:s16+$0xC100] =	vst v30  }
0x270: {  	v48 =	vadd.s32 $0x2C00, v12;
	v31 =	vld.idx.msk [tilespmem:v63+s1+$0x0], $0xffff;
	v29 =	vadd.f32 v42, v29  }
0x271: {  	v50 =	vadd.s32 $0x2C00, v22;
	v49 =	vld.idx.msk [tilespmem:v43+s1+$0x0], $0xffff  }
0x272: {  	v51 =	vadd.s32 $0x2C00, v13;
	v36 =	vld.idx.msk [tilespmem:v45+s1+$0x0], $0xffff;
	[tilespmem:s17+$0xC100] =	vst v29  }
0x273: {  	v24 =	vadd.f32 v25, v24;
	v53 =	vadd.s32 $0x2C00, v21;
	v52 =	vld.idx.msk [tilespmem:v46+s1+$0x0], $0xffff  }
0x274: {  	v54 =	vadd.s32 $0x2C00, v10;
	v30 =	vld.idx.msk [tilespmem:v47+s1+$0x0], $0xffff  }
0x275: {  	v24 =	vadd.f32 v28, v24;
	v56 =	vadd.s32 $0x2C00, v20;
	v55 =	vld.idx.msk [tilespmem:v48+s1+$0x0], $0xffff  }
0x276: {  	v57 =	vadd.s32 $0x2C00, v8;
	v31 =	vadd.f32 v49, v31;
	v58 =	vld.idx.msk [tilespmem:v50+s1+$0x0], $0xffff  }
0x277: {  	v24 =	vadd.f32 v26, v24;
	v60 =	vadd.s32 $0x2C00, v18;
	v59 =	vld.idx.msk [tilespmem:v51+s1+$0x0], $0xffff  }
0x278: {  	v61 =	vadd.s32 $0x2C00, v9;
	v29 =	vld.idx.msk [tilespmem:v53+s1+$0x0], $0xffff;
	v31 =	vadd.f32 v36, v31  }
0x279: {  	v24 =	vadd.f32 v27, v24;
	v63 =	vadd.s32 $0x2C00, v16;
	v62 =	vld.idx.msk [tilespmem:v54+s1+$0x0], $0xffff;
	v25 =	vadd.f32 v30, v52  }
0x27a: {  	v36 =	vld.idx.msk [tilespmem:v56+s1+$0x0], $0xffff;
	v28 =	vadd.f32 v55, v31  }
0x27b: {  	v41 =	vadd.s32 $0x2C00, v19;
	v24 =	vadd.f32 v44, v24;
	v38 =	vld.idx.msk [tilespmem:v57+s1+$0x0], $0xffff;
	v25 =	vadd.f32 v58, v25  }
0x27c: {  	v42 =	vld.idx.msk [tilespmem:v60+s1+$0x0], $0xffff;
	v26 =	vadd.f32 v59, v28  }
0x27d: {  	v24 =	vadd.f32 v32, v24;
	v43 =	vadd.s32 $0x3800, v7;
	v44 =	vld.idx.msk [tilespmem:v61+s1+$0x0], $0xffff;
	v25 =	vadd.f32 v29, v25  }
0x27e: {  	v46 =	vld.idx.msk [tilespmem:v63+s1+$0x0], $0xffff;
	v47 =	vadd.s32 $0x3800, v5;
	v26 =	vadd.f32 v62, v26  }
0x27f: {  	v45 =	vadd.s32 $0x3800, v6;
	v24 =	vadd.f32 v37, v24;
	v25 =	vadd.f32 v36, v25  }
0x280: {  	v48 =	vadd.s32 $0x3000, v14;
	v49 =	vld.idx.msk [tilespmem:v41+s1+$0x0], $0xffff;
	v26 =	vadd.f32 v38, v26  }
0x281: {  	[tilespmem:s15+$0xC280] =	vst v24;
	v50 =	vadd.s32 $0x3000, v15;
	v25 =	vadd.f32 v42, v25  }
0x282: {  	v51 =	vadd.s32 $0x3000, v11;
	v28 =	vld.idx.msk [tilespmem:v43+s1+$0x0], $0xffff;
	v26 =	vadd.f32 v44, v26  }
0x283: {  	v52 =	vadd.s32 $0x3000, v17;
	v33 =	vld.idx.msk [tilespmem:v47+s1+$0x0], $0xffff;
	v25 =	vadd.f32 v46, v25  }
0x284: {  	v53 =	vadd.s32 $0x3000, v23;
	v29 =	vld.idx.msk [tilespmem:v45+s1+$0x0], $0xffff;
	[tilespmem:s16+$0xC180] =	vst v26  }
0x285: {  	v54 =	vadd.s32 $0x3000, v12;
	v30 =	vld.idx.msk [tilespmem:v48+s1+$0x0], $0xffff;
	v25 =	vadd.f32 v49, v25  }
0x286: {  	v55 =	vadd.s32 $0x3000, v22;
	v24 =	vld.idx.msk [tilespmem:v50+s1+$0x0], $0xffff  }
0x287: {  	v56 =	vadd.s32 $0x3000, v13;
	v32 =	vld.idx.msk [tilespmem:v51+s1+$0x0], $0xffff;
	[tilespmem:s17+$0xC180] =	vst v25  }
0x288: {  	v57 =	vadd.s32 $0x3000, v21;
	v25 =	vld.idx.msk [tilespmem:v52+s1+$0x0], $0xffff  }
0x289: {  	v58 =	vadd.s32 $0x3000, v10;
	v26 =	vld.idx.msk [tilespmem:v53+s1+$0x0], $0xffff  }
0x28a: {  	v59 =	vadd.s32 $0x3000, v20;
	v34 =	vld.idx.msk [tilespmem:v54+s1+$0x0], $0xffff  }
0x28b: {  	v60 =	vadd.s32 $0x3000, v8;
	v24 =	vadd.f32 v24, v30;
	v61 =	vld.idx.msk [tilespmem:v55+s1+$0x0], $0xffff  }
0x28c: {  	v63 =	vadd.s32 $0x3000, v18;
	v62 =	vld.idx.msk [tilespmem:v56+s1+$0x0], $0xffff  }
0x28d: {  	v42 =	vadd.s32 $0x3000, v9;
	v27 =	vld.idx.msk [tilespmem:v57+s1+$0x0], $0xffff;
	v24 =	vadd.f32 v32, v24  }
0x28e: {  	v44 =	vadd.s32 $0x3000, v16;
	v43 =	vld.idx.msk [tilespmem:v58+s1+$0x0], $0xffff;
	v25 =	vadd.f32 v26, v25  }
0x28f: {  	v51 =	vadd.s32 $0x3800, v0;
	v46 =	vld.idx.msk [tilespmem:v59+s1+$0x0], $0xffff;
	v24 =	vadd.f32 v34, v24  }
0x290: {  	v47 =	vld.idx.msk [tilespmem:v60+s1+$0x0], $0xffff;
	v48 =	vadd.s32 $0x3000, v19;
	v25 =	vadd.f32 v61, v25  }
0x291: {  	v54 =	vadd.s32 $0x3800, v2;
	v50 =	vld.idx.msk [tilespmem:v63+s1+$0x0], $0xffff;
	v24 =	vadd.f32 v62, v24  }
0x292: {  	v49 =	vadd.s32 $0x3800, v4;
	v39 =	vld.idx.msk [tilespmem:v42+s1+$0x0], $0xffff;
	v25 =	vadd.f32 v27, v25  }
0x293: {  	v45 =	vadd.s32 $0x3800, v3;
	v53 =	vld.idx.msk [tilespmem:v44+s1+$0x0], $0xffff;
	v24 =	vadd.f32 v43, v24  }
0x294: {  	v58 =	vld.idx.msk [tilespmem:v51+s1+$0x0], $0xffff;
	v52 =	vadd.s32 $0x3800, v1;
	v25 =	vadd.f32 v46, v25  }
0x295: {  	v55 =	vadd.s32 $0x3400, v14;
	v56 =	vld.idx.msk [tilespmem:v48+s1+$0x0], $0xffff;
	v24 =	vadd.f32 v47, v24  }
0x296: {  	v36 =	vld.idx.msk [tilespmem:v54+s1+$0x0], $0xffff;
	v57 =	vadd.s32 $0x3400, v15;
	v25 =	vadd.f32 v50, v25  }
0x297: {  	v59 =	vadd.s32 $0x3400, v11;
	v30 =	vld.idx.msk [tilespmem:v49+s1+$0x0], $0xffff;
	v24 =	vadd.f32 v39, v24  }
0x298: {  	v60 =	vadd.s32 $0x3400, v17;
	v26 =	vld.idx.msk [tilespmem:v45+s1+$0x0], $0xffff;
	v25 =	vadd.f32 v53, v25  }
0x299: {  	v61 =	vadd.s32 $0x3400, v23;
	v27 =	vld.idx.msk [tilespmem:v52+s1+$0x0], $0xffff;
	[tilespmem:s16+$0xC200] =	vst v24  }
0x29a: {  	v62 =	vadd.s32 $0x3400, v12;
	v34 =	vld.idx.msk [tilespmem:v55+s1+$0x0], $0xffff;
	v25 =	vadd.f32 v56, v25  }
0x29b: {  	v44 =	vadd.s32 $0x3400, v22;
	v63 =	vld.idx.msk [tilespmem:v57+s1+$0x0], $0xffff  }
0x29c: {  	v45 =	vadd.s32 $0x3400, v13;
	v35 =	vld.idx.msk [tilespmem:v59+s1+$0x0], $0xffff;
	[tilespmem:s17+$0xC200] =	vst v25  }
0x29d: {  	v46 =	vadd.s32 $0x3400, v21;
	v25 =	vld.idx.msk [tilespmem:v60+s1+$0x0], $0xffff  }
0x29e: {  	v28 =	vadd.f32 v29, v28;
	v47 =	vadd.s32 $0x3400, v10;
	v24 =	vld.idx.msk [tilespmem:v61+s1+$0x0], $0xffff  }
0x29f: {  	v48 =	vadd.s32 $0x3400, v20;
	v39 =	vld.idx.msk [tilespmem:v62+s1+$0x0], $0xffff  }
0x2a0: {  	v28 =	vadd.f32 v33, v28;
	v49 =	vadd.s32 $0x3400, v8;
	v34 =	vadd.f32 v63, v34;
	v50 =	vld.idx.msk [tilespmem:v44+s1+$0x0], $0xffff  }
0x2a1: {  	v52 =	vadd.s32 $0x3400, v18;
	v51 =	vld.idx.msk [tilespmem:v45+s1+$0x0], $0xffff  }
0x2a2: {  	v54 =	vadd.s32 $0x3400, v9;
	v26 =	vadd.f32 v26, v28;
	v32 =	vld.idx.msk [tilespmem:v46+s1+$0x0], $0xffff;
	v53 =	vadd.f32 v35, v34  }
0x2a3: {  	v29 =	vld.idx.msk [tilespmem:v47+s1+$0x0], $0xffff;
	v55 =	vadd.s32 $0x3400, v16;
	v24 =	vadd.f32 v24, v25  }
0x2a4: {  	v26 =	vadd.f32 v30, v26;
	v56 =	vld.idx.msk [tilespmem:v48+s1+$0x0], $0xffff;
	v28 =	vadd.f32 v39, v53  }
0x2a5: {  	v33 =	vld.idx.msk [tilespmem:v49+s1+$0x0], $0xffff;
	v57 =	vadd.s32 $0x3400, v19;
	v24 =	vadd.f32 v50, v24  }
0x2a6: {  	v26 =	vadd.f32 v58, v26;
	v58 =	vld.idx.msk [tilespmem:v52+s1+$0x0], $0xffff;
	v28 =	vadd.f32 v51, v28  }
0x2a7: {  	v34 =	vld.idx.msk [tilespmem:v54+s1+$0x0], $0xffff;
	v24 =	vadd.f32 v32, v24  }
0x2a8: {  	v59 =	vadd.s32 $0x3C00, v7;
	v26 =	vadd.f32 v27, v26;
	v25 =	vld.idx.msk [tilespmem:v55+s1+$0x0], $0xffff;
	v60 =	vadd.f32 v29, v28  }
0x2a9: {  	v61 =	vadd.s32 $0x3C00, v6;
	v24 =	vadd.f32 v56, v24  }
0x2aa: {  	v62 =	vadd.s32 $0x3800, v14;
	v26 =	vadd.f32 v36, v26;
	v63 =	vld.idx.msk [tilespmem:v57+s1+$0x0], $0xffff;
	v27 =	vadd.f32 v33, v60  }
0x2ab: {  	v33 =	vadd.s32 $0x3800, v15;
	v24 =	vadd.f32 v58, v24  }
0x2ac: {  	v36 =	vadd.s32 $0x3800, v11;
	[tilespmem:s15+$0xC300] =	vst v26;
	v35 =	vadd.f32 v34, v27  }
0x2ad: {  	v37 =	vadd.s32 $0x3800, v17;
	v7 =	vld.idx.msk [tilespmem:v59+s1+$0x0], $0xffff;
	v24 =	vadd.f32 v25, v24  }
0x2ae: {  	v38 =	vadd.s32 $0x3800, v23;
	v6 =	vld.idx.msk [tilespmem:v61+s1+$0x0], $0xffff;
	[tilespmem:s16+$0xC280] =	vst v35  }
0x2af: {  	v39 =	vadd.s32 $0x3800, v12;
	v28 =	vld.idx.msk [tilespmem:v62+s1+$0x0], $0xffff;
	v24 =	vadd.f32 v63, v24  }
0x2b0: {  	v41 =	vadd.s32 $0x3800, v22;
	v40 =	vld.idx.msk [tilespmem:v33+s1+$0x0], $0xffff  }
0x2b1: {  	v42 =	vadd.s32 $0x3800, v13;
	v27 =	vld.idx.msk [tilespmem:v36+s1+$0x0], $0xffff;
	[tilespmem:s17+$0xC280] =	vst v24  }
0x2b2: {  	v43 =	vadd.s32 $0x3800, v21;
	v24 =	vld.idx.msk [tilespmem:v37+s1+$0x0], $0xffff  }
0x2b3: {  	v44 =	vadd.s32 $0x3800, v10;
	v26 =	vld.idx.msk [tilespmem:v38+s1+$0x0], $0xffff  }
0x2b4: {  	v45 =	vadd.s32 $0x3800, v20;
	v31 =	vld.idx.msk [tilespmem:v39+s1+$0x0], $0xffff  }
0x2b5: {  	v46 =	vadd.s32 $0x3800, v8;
	v30 =	vld.idx.msk [tilespmem:v41+s1+$0x0], $0xffff  }
0x2b6: {  	v48 =	vadd.s32 $0x3800, v18;
	v47 =	vld.idx.msk [tilespmem:v42+s1+$0x0], $0xffff;
	v28 =	vadd.f32 v40, v28  }
0x2b7: {  	v49 =	vadd.s32 $0x3800, v9;
	v25 =	vld.idx.msk [tilespmem:v43+s1+$0x0], $0xffff  }
0x2b8: {  	v51 =	vadd.s32 $0x3800, v16;
	v50 =	vld.idx.msk [tilespmem:v44+s1+$0x0], $0xffff;
	v27 =	vadd.f32 v27, v28;
	v24 =	vadd.f32 v26, v24  }
0x2b9: {  	v52 =	vadd.s32 $0x3C00, v5;
	v53 =	vld.idx.msk [tilespmem:v45+s1+$0x0], $0xffff  }
0x2ba: {  	v55 =	vadd.s32 $0x3800, v19;
	v54 =	vld.idx.msk [tilespmem:v46+s1+$0x0], $0xffff;
	v27 =	vadd.f32 v31, v27;
	v24 =	vadd.f32 v30, v24  }
0x2bb: {  	v60 =	vadd.s32 $0x3C00, v0;
	v57 =	vld.idx.msk [tilespmem:v48+s1+$0x0], $0xffff  }
0x2bc: {  	v56 =	vadd.s32 $0x3C00, v3;
	v59 =	vld.idx.msk [tilespmem:v49+s1+$0x0], $0xffff;
	v27 =	vadd.f32 v47, v27;
	v24 =	vadd.f32 v25, v24  }
0x2bd: {  	v58 =	vadd.s32 $0x3C00, v4;
	v61 =	vld.idx.msk [tilespmem:v51+s1+$0x0], $0xffff  }
0x2be: {  	v5 =	vld.idx.msk [tilespmem:v52+s1+$0x0], $0xffff;
	v62 =	vadd.s32 $0x3C00, v1;
	v27 =	vadd.f32 v50, v27;
	v24 =	vadd.f32 v53, v24  }
0x2bf: {  	v63 =	vadd.s32 $0x3C00, v2;
	v32 =	vld.idx.msk [tilespmem:v55+s1+$0x0], $0xffff  }
0x2c0: {  	v33 =	vadd.s32 $0x3C00, v14;
	v0 =	vld.idx.msk [tilespmem:v60+s1+$0x0], $0xffff;
	v27 =	vadd.f32 v54, v27;
	v24 =	vadd.f32 v57, v24  }
0x2c1: {  	v34 =	vadd.s32 $0x3C00, v15;
	v3 =	vld.idx.msk [tilespmem:v56+s1+$0x0], $0xffff  }
0x2c2: {  	v35 =	vadd.s32 $0x3C00, v17;
	v4 =	vld.idx.msk [tilespmem:v58+s1+$0x0], $0xffff;
	v27 =	vadd.f32 v59, v27;
	v24 =	vadd.f32 v61, v24  }
0x2c3: {  	v36 =	vadd.s32 $0x3C00, v23;
	v1 =	vld.idx.msk [tilespmem:v62+s1+$0x0], $0xffff  }
0x2c4: {  	v37 =	vadd.s32 $0x3C00, v11;
	v2 =	vld.idx.msk [tilespmem:v63+s1+$0x0], $0xffff;
	[tilespmem:s16+$0xC300] =	vst v27;
	v24 =	vadd.f32 v32, v24  }
0x2c5: {  	v38 =	vadd.s32 $0x3C00, v22;
	v14 =	vld.idx.msk [tilespmem:v33+s1+$0x0], $0xffff  }
0x2c6: {  	v39 =	vadd.s32 $0x3C00, v12;
	v15 =	vld.idx.msk [tilespmem:v34+s1+$0x0], $0xffff;
	[tilespmem:s17+$0xC300] =	vst v24  }
0x2c7: {  	v40 =	vadd.s32 $0x3C00, v21;
	v17 =	vld.idx.msk [tilespmem:v35+s1+$0x0], $0xffff  }
0x2c8: {  	v41 =	vadd.s32 $0x3C00, v13;
	v23 =	vld.idx.msk [tilespmem:v36+s1+$0x0], $0xffff  }
0x2c9: {  	v42 =	vadd.s32 $0x3C00, v20;
	v11 =	vld.idx.msk [tilespmem:v37+s1+$0x0], $0xffff  }
0x2ca: {  	v43 =	vadd.s32 $0x3C00, v10;
	v22 =	vld.idx.msk [tilespmem:v38+s1+$0x0], $0xffff  }
0x2cb: {  	v6 =	vadd.f32 v6, v7;
	v45 =	vadd.s32 $0x3C00, v18;
	v44 =	vld.idx.msk [tilespmem:v39+s1+$0x0], $0xffff  }
0x2cc: {  	v46 =	vadd.s32 $0x3C00, v8;
	v14 =	vadd.f32 v15, v14;
	v47 =	vld.idx.msk [tilespmem:v40+s1+$0x0], $0xffff  }
0x2cd: {  	v5 =	vadd.f32 v5, v6;
	v49 =	vadd.s32 $0x3C00, v16;
	v48 =	vld.idx.msk [tilespmem:v41+s1+$0x0], $0xffff;
	v50 =	vadd.f32 v23, v17  }
0x2ce: {  	v51 =	vadd.s32 $0x3C00, v9;
	v52 =	vld.idx.msk [tilespmem:v42+s1+$0x0], $0xffff;
	v11 =	vadd.f32 v11, v14  }
0x2cf: {  	v3 =	vadd.f32 v3, v5;
	v54 =	vadd.s32 $0x3C00, v19;
	v53 =	vld.idx.msk [tilespmem:v43+s1+$0x0], $0xffff;
	v16 =	vadd.f32 v22, v50  }
0x2d0: {  	v55 =	vld.idx.msk [tilespmem:v45+s1+$0x0], $0xffff;
	v7 =	vadd.f32 v44, v11  }
0x2d1: {  	v3 =	vadd.f32 v4, v3;
	v56 =	vld.idx.msk [tilespmem:v46+s1+$0x0], $0xffff;
	v57 =	vadd.f32 v47, v16  }
0x2d2: {  	v58 =	vld.idx.msk [tilespmem:v49+s1+$0x0], $0xffff;
	v6 =	vadd.f32 v48, v7  }
0x2d3: {  	v0 =	vadd.f32 v0, v3;
	v59 =	vld.idx.msk [tilespmem:v51+s1+$0x0], $0xffff;
	v8 =	vadd.f32 v52, v57  }
0x2d4: {  	v60 =	vld.idx.msk [tilespmem:v54+s1+$0x0], $0xffff;
	v5 =	vadd.f32 v53, v6  }
0x2d5: {  	v0 =	vadd.f32 v1, v0;
	v61 =	vadd.f32 v55, v8  }
0x2d6: {  	v4 =	vadd.f32 v56, v5  }
0x2d7: {  	v0 =	vadd.f32 v2, v0;
	v1 =	vadd.f32 v58, v61  }
0x2d8: {  	v62 =	vadd.f32 v59, v4  }
0x2d9: {  	s14 =	sor.u32 s7, s14;
	[tilespmem:s15+$0xC380] =	vst v0;
	v63 =	vadd.f32 v60, v1  }
0x2da: {  	s14 =	sshrl.u32 s14, $0x3;
	[tilespmem:s16+$0xC380] =	vst v62  }
.Ltmp1:
0x2db: {  	s31 =	sadd.s32 s4, s14;
	s14 =	simm.s32 $0x4000;
	[tilespmem:s17+$0xC380] =	vst v63;
	(pc) =	sbr.rel @p0 .LBB2_2-.Ltmp1, $4  }
0x2dc: {  	[hbm4b:s31+s14] =	stream.strided.scatter [tilespmem:s12], [sflag:$0x1], $0x8000, s11, s14, $0x38;
	[tilespmem:$0x10000] =	vst v63  }
0x2dd: {  	_ =	swait.ge [sflag:s9], $0x8000  }
0x2de: {  	[sflag:s9] =	ssyncset.done $0x0  }
0x2df: {  	p1 =	por $0x0, $0x0;
	[sflag:s9] =	ssyncadd.s32 $0xFFFF8000  }
0x2e0: {  	s13 =	sadd.s32 $0x1, s13  }
0x2e1: {  	p0 =	sne.s32 s13, s8  }
.Ltmp2:
0x2e2: {  	_ = 	snop;
	(pc) =	sbr.rel @p0 .LBB2_1-.Ltmp2, $1  }
0x2e3: {  	_ =	sdelay $0x3  }
0x2e4: {  	_ =	sfence.sel $0x180000  }
0x2e5: {  	[bflag:$0x0] =	sbarrier.arrive $0xFFFF  }
0x2e6: {  	p0 =	sne.s32 s2, $0x0;
	_ =	strace $0x90000047  }
0x2e7: {  	s0 =	sadd.s32 @!p0 $0x100000, s0;
	[bflag:$0x2] =	sbarrier.arrive $0xFFFF  }
0x2e8: {  	[sflag:s0] =	ssyncadd.tile.s32 @!p0 $0x1;
	_ =	shalt  }
.Lfunc_end2:
_tile_overlayer_lowered:
.L_overlay_start_2:
0x2e9: {  	(tag) =	ssettag $0x2  }
0x2ea: {  	s0 =	rddreg [dreg:$0x0];
	s2 =	stileid.u32  }
0x2eb: {  	s1 =	rddreg [dreg:$0x1];
	p0 =	sne.s32 s2, $0x0  }
0x2ec: {  	s3 =	rddreg [dreg:$0x2];
	[bflag:$0x3] =	sbarrier.arrive $0xFFFF;
	s2 =	simm.s32 @!p0 $0x1C01  }
0x2ed: {  	[timem:s3], [sflag:s2] =	dma.local @!p0 [hbm:s0], s1  }
0x2ee: {  	s0 =	simm.s32 @!p0 $0x1  }
0x2ef: {  	_ =	swait.ge @!p0 [sflag:s0], s1  }
0x2f0: {  	s1 =	ssub.s32 @!p0 $0x0, s1;
	[sflag:s0] =	ssyncset.done @!p0 $0x0  }
0x2f1: {  	[sflag:s0] =	ssyncadd.s32 @!p0 s1  }
0x2f2: {  	[bflag:$0x3] =	sbarrier.arrive $0xFFFF  }
0x2f3: {  	_ =	shalt  }

</sc_bundles>
